<compile_context>
chip_gen: v7x
topology: tpu7x:2x2x1
jax: 0.10.2.dev20260603
libtpu: 0.0.44.dev20260713+nightly
codegen_flags: <defaults>
</compile_context>

<pallas_src>
import dataclasses
import functools

import jax
import jax.numpy as jnp
from jax import lax
from jax.experimental import pallas as pl
from jax.experimental.pallas import tpu as pltpu
from jax.experimental.pallas import tpu_sc as plsc

N = 10000
E = 320000
D_IN = 128
D_H = 128
D_OUT = 64

NC = 2
NS = 16
L = 16
NW = NC * NS

CHUNK = 128
NCHUNKS = E // CHUNK
NPAD = 10240
ROWS_PER_TILE = NPAD // NS

_vector_mesh = plsc.VectorSubcoreMesh(core_axis_name="c", subcore_axis_name="s")

_sc_params = pltpu.CompilerParams()
if "needs_layout_passes" in pltpu.CompilerParams.__dataclass_fields__:
    _sc_params = dataclasses.replace(_sc_params, needs_layout_passes=False)
_sc_agg_params = dataclasses.replace(_sc_params, use_tc_tiling_on_sc=False,
                                     internal_scratch_in_bytes=262144)


NPAD_DEG = 10240
DCPT = NCHUNKS // NW
DREM = (NCHUNKS % NW) // 2


@functools.partial(
    pl.kernel,
    out_type=(
        jax.ShapeDtypeStruct((NW, NPAD_DEG), jnp.float32),
        jax.ShapeDtypeStruct((NW, NPAD_DEG), jnp.float32),
    ),
    mesh=_vector_mesh,
    scratch_types=[
        pltpu.VMEM((NPAD_DEG,), jnp.float32),
        pltpu.VMEM((NPAD_DEG,), jnp.float32),
        pltpu.VMEM((DCPT + 2, CHUNK), jnp.int32),
        pltpu.SemaphoreType.DMA,
    ],
    compiler_params=_sc_agg_params,
)
def _sc_degrees(ei_hbm, dego_hbm, degi_hbm, ho, hi, idxb, sem):
    cid = lax.axis_index("c")
    sid = lax.axis_index("s")
    wid = cid * NS + sid

    zeros16 = jnp.zeros((L,), jnp.float32)
    ones16 = jnp.ones((L,), jnp.float32)

    @pl.loop(0, NPAD_DEG // L, unroll=8)
    def _(i):
        ho[pl.ds(i * L, L)] = zeros16
        hi[pl.ds(i * L, L)] = zeros16

    start = DCPT * wid + 2 * jnp.minimum(wid, DREM)
    ncw = DCPT + jnp.where(wid < DREM, 2, 0)

    for e, hist in ((0, ho), (1, hi)):
        pltpu.sync_copy(ei_hbm.at[e, pl.ds(start, DCPT)],
                        idxb.at[pl.ds(0, DCPT)])

        @pl.when(ncw > DCPT)
        def _():
            pltpu.sync_copy(ei_hbm.at[e, pl.ds(start + DCPT, 2)],
                            idxb.at[pl.ds(DCPT, 2)])

        @pl.loop(0, ncw)
        def _(r):
            @pl.loop(0, CHUNK // L, unroll=8)
            def _(i):
                plsc.addupdate_scatter(hist, [idxb[r, pl.ds(i * L, L)]], ones16)

    pltpu.sync_copy(ho, dego_hbm.at[wid])
    pltpu.sync_copy(hi, degi_hbm.at[wid])


def _make_sc_aggregate(D, col_split):
    nsplit = NS if col_split else NW
    cpt = NCHUNKS // nsplit
    rem = NCHUNKS % nsplit
    assert cpt % 2 == 0 and rem % 2 == 0
    nxt = rem // 2

    @functools.partial(
        pl.kernel,
        out_type=jax.ShapeDtypeStruct((NC, NPAD, D), jnp.float32),
        mesh=_vector_mesh,
        scratch_types=[
            pltpu.VMEM((CHUNK, D), jnp.float32),
            pltpu.VMEM((CHUNK, D), jnp.float32),
            pltpu.VMEM((CHUNK, D), jnp.float32),
            pltpu.VMEM((CHUNK, D), jnp.float32),
            pltpu.VMEM((CHUNK, D), jnp.float32),
            pltpu.VMEM((CHUNK, D), jnp.float32),
            pltpu.VMEM((cpt + 2, CHUNK), jnp.int32),
            pltpu.VMEM((cpt + 2, CHUNK), jnp.int32),
            pltpu.VMEM_SHARED((NPAD, D), jnp.float32),
            pltpu.SemaphoreType.DMA,
            pltpu.SemaphoreType.DMA,
            pltpu.SemaphoreType.DMA,
            pltpu.SemaphoreType.DMA,
            pltpu.SemaphoreType.DMA,
            pltpu.SemaphoreType.DMA,
        ],
        compiler_params=_sc_agg_params,
    )
    def _sc_aggregate(table_hbm, ei_hbm, out_hbm,
                      r0, r1, r2, r3, r4, r5, idxs, idxd, acc,
                      s0, s1, s2, s3, s4, s5):
        cid = lax.axis_index("c")
        sid = lax.axis_index("s")
        w = sid if col_split else cid * NS + sid

        NB = 6
        bufs = (r0, r1, r2, r3, r4, r5)
        sems = (s0, s1, s2, s3, s4, s5)

        zeros16 = jnp.zeros((L,), jnp.float32)

        start = cpt * w + 2 * jnp.minimum(w, nxt)
        has_extra = w < nxt

        pltpu.sync_copy(ei_hbm.at[0, pl.ds(start, cpt)],
                        idxs.at[pl.ds(0, cpt)])
        pltpu.sync_copy(ei_hbm.at[1, pl.ds(start, cpt)],
                        idxd.at[pl.ds(0, cpt)])

        @pl.when(has_extra)
        def _():
            pltpu.sync_copy(ei_hbm.at[0, pl.ds(start + cpt, 2)],
                            idxs.at[pl.ds(cpt, 2)])
            pltpu.sync_copy(ei_hbm.at[1, pl.ds(start + cpt, 2)],
                            idxd.at[pl.ds(cpt, 2)])

        if col_split:
            off = jnp.full((L,), 1, jnp.int32) * cid

            @pl.loop(0, cpt + 2)
            def _(r):
                @pl.loop(0, CHUNK // L, unroll=8)
                def _(j):
                    s = pl.ds(j * L, L)
                    idxs[r, s] = idxs[r, s] + idxs[r, s] + off

        @pl.loop(0, CHUNK)
        def _(r):
            @pl.loop(0, D // L)
            def _(j):
                r0[r, pl.ds(j * L, L)] = zeros16

        base = sid * ROWS_PER_TILE
        for z in range(ROWS_PER_TILE // CHUNK):
            pltpu.sync_copy(r0, acc.at[pl.ds(base + z * CHUNK, CHUNK)])
        plsc.subcore_barrier()

        def gather(c, k, sem=None):
            return pltpu.async_copy(table_hbm.at[idxs.at[c]], bufs[k],
                                    sems[k] if sem is None else sem)

        def wait_gather(c, k):
            pltpu.make_async_copy(table_hbm.at[idxs.at[c]], bufs[k],
                                  sems[k]).wait()

        def scatter_add(c, k):
            pltpu.sync_copy(bufs[k], acc.at[idxd.at[c]], add=True)

        for k in range(NB - 1):
            gather(k, k)

        nloop = cpt // NB
        tail = cpt % NB

        @pl.loop(0, nloop)
        def _(p):
            c = NB * p
            for k in range(NB):
                wait_gather(c + k, k)
                scatter_add(c + k, k)

                @pl.when(c + k + NB - 1 < cpt)
                def _():
                    gather(c + k + NB - 1, (k + NB - 1) % NB)

        cbase = nloop * NB
        for t in range(tail):
            c = cbase + t
            wait_gather(c, t)
            scatter_add(c, t)

        @pl.when(has_extra)
        def _():
            da = gather(cpt, 0)
            db = gather(cpt + 1, 1)
            da.wait()
            scatter_add(cpt, 0)
            db.wait()
            scatter_add(cpt + 1, 1)

        plsc.subcore_barrier()
        pltpu.sync_copy(acc.at[pl.ds(base, ROWS_PER_TILE)],
                        out_hbm.at[cid, pl.ds(base, ROWS_PER_TILE)])

    return _sc_aggregate


_sc_aggregate_h = _make_sc_aggregate(D_H // 2, col_split=True)
_sc_aggregate_o = _make_sc_aggregate(D_OUT, col_split=False)


_BLK = 1000
_GRID = N // _BLK


def _dot(a, b):
    return lax.dot_general(a, b, (((1,), (0,)), ((), ())),
                           preferred_element_type=jnp.float32,
                           precision=lax.Precision.HIGHEST)


def _tc_matmul(x, w):
    k = w.shape[1]

    def body(x_ref, w_ref, o_ref):
        o_ref[...] = _dot(x_ref[...], w_ref[...])

    return pl.pallas_call(
        body,
        grid=(_GRID,),
        in_specs=[
            pl.BlockSpec((_BLK, x.shape[1]), lambda i: (i, 0)),
            pl.BlockSpec((x.shape[1], k), lambda i: (0, 0)),
        ],
        out_specs=pl.BlockSpec((_BLK, k), lambda i: (i, 0)),
        out_shape=jax.ShapeDtypeStruct((N, k), jnp.float32),
    )(x, w)


def _tc_norms(dego_raw, degi_raw):
    blk = 2048

    def body(do_ref, di_ref, no_ref, ni_ref):
        for d_ref, n_ref in ((do_ref, no_ref), (di_ref, ni_ref)):
            deg = jnp.sum(d_ref[...], axis=0, keepdims=True)
            norm = lax.rsqrt(jnp.maximum(deg, 1.0))
            n_ref[...] = jnp.transpose(norm, (1, 0))

    return pl.pallas_call(
        body,
        grid=(NPAD_DEG // blk,),
        in_specs=[
            pl.BlockSpec((NW, blk), lambda i: (0, i)),
            pl.BlockSpec((NW, blk), lambda i: (0, i)),
        ],
        out_specs=[
            pl.BlockSpec((blk, 1), lambda i: (i, 0)),
            pl.BlockSpec((blk, 1), lambda i: (i, 0)),
        ],
        out_shape=[
            jax.ShapeDtypeStruct((NPAD_DEG, 1), jnp.float32),
            jax.ShapeDtypeStruct((NPAD_DEG, 1), jnp.float32),
        ],
    )(dego_raw, degi_raw)


def _pair_expand(col):
    n2 = col.reshape(NPAD_DEG // 2, 2)
    return jnp.concatenate([jnp.repeat(n2[:, :1], 64, axis=1),
                            jnp.repeat(n2[:, 1:], 64, axis=1)], axis=1)


def _tc_scale(xw, nsrc):
    blk = 2000

    def body(x_ref, n_ref, o_ref):
        o_ref[...] = x_ref[...] * n_ref[...]

    return pl.pallas_call(
        body,
        grid=(N // blk,),
        in_specs=[
            pl.BlockSpec((blk, D_H), lambda i: (i, 0)),
            pl.BlockSpec((blk, 1), lambda i: (i, 0)),
        ],
        out_specs=pl.BlockSpec((blk, D_H), lambda i: (i, 0)),
        out_shape=jax.ShapeDtypeStruct((N, D_H), jnp.float32),
    )(xw, nsrc)


_PBLK = 1024


def _tc_mid(parts1p, nsp, ndp, b1p0, b1p1, w2da, w2db):

    def body(p_ref, nsp_ref, ndp_ref, b0_ref, b1_ref, da_ref, db_ref, o_ref):
        ndpv = ndp_ref[...]
        nspv = nsp_ref[...]
        hp0 = jnp.maximum(p_ref[0] * ndpv + b0_ref[...], 0.0) * nspv
        hp1 = jnp.maximum(p_ref[1] * ndpv + b1_ref[...], 0.0) * nspv
        o_ref[...] = _dot(hp0, da_ref[...]) + _dot(hp1, db_ref[...])

    return pl.pallas_call(
        body,
        grid=(NPAD // 2 // _PBLK,),
        in_specs=[
            pl.BlockSpec((NC, _PBLK, 128), lambda i: (0, i, 0)),
            pl.BlockSpec((_PBLK, 128), lambda i: (i, 0)),
            pl.BlockSpec((_PBLK, 128), lambda i: (i, 0)),
            pl.BlockSpec((1, 128), lambda i: (0, 0)),
            pl.BlockSpec((1, 128), lambda i: (0, 0)),
            pl.BlockSpec((128, 128), lambda i: (0, 0)),
            pl.BlockSpec((128, 128), lambda i: (0, 0)),
        ],
        out_specs=pl.BlockSpec((_PBLK, 128), lambda i: (i, 0)),
        out_shape=jax.ShapeDtypeStruct((NPAD // 2, 128), jnp.float32),
    )(parts1p, nsp, ndp, b1p0, b1p1, w2da, w2db)


def _tc_final(parts2p, ndp, b2p):

    def body(p_ref, nd_ref, b_ref, o_ref):
        agg = p_ref[0] + p_ref[1]
        o_ref[...] = agg * nd_ref[...] + b_ref[...]

    return pl.pallas_call(
        body,
        grid=(NPAD // 2 // _PBLK,),
        in_specs=[
            pl.BlockSpec((NC, _PBLK, 128), lambda i: (0, i, 0)),
            pl.BlockSpec((_PBLK, 128), lambda i: (i, 0)),
            pl.BlockSpec((1, 128), lambda i: (0, 0)),
        ],
        out_specs=pl.BlockSpec((_PBLK, 128), lambda i: (i, 0)),
        out_shape=jax.ShapeDtypeStruct((NPAD // 2, 128), jnp.float32),
    )(parts2p, ndp, b2p)


def kernel(features, edge_index, W1, b1, W2, b2):
    ei = edge_index.reshape(2, NCHUNKS, CHUNK)

    w2a, w2b = W2[:64], W2[64:]
    z64 = jnp.zeros((64, D_OUT), jnp.float32)
    w2da = jnp.concatenate(
        [jnp.concatenate([w2a, z64], 1), jnp.concatenate([z64, w2a], 1)], 0)
    w2db = jnp.concatenate(
        [jnp.concatenate([w2b, z64], 1), jnp.concatenate([z64, w2b], 1)], 0)
    b1p0 = jnp.concatenate([b1[:64], b1[:64]]).reshape(1, 128)
    b1p1 = jnp.concatenate([b1[64:], b1[64:]]).reshape(1, 128)
    b2p = jnp.concatenate([b2, b2]).reshape(1, 128)

    dego, degi = _sc_degrees(ei)
    xw1 = _tc_matmul(features, W1)
    nsrc, ndst = _tc_norms(dego, degi)
    nsp, ndp = _pair_expand(nsrc), _pair_expand(ndst)

    table1 = _tc_scale(xw1, nsrc)
    parts1 = _sc_aggregate_h(table1.reshape(2 * N, D_H // 2), ei)
    table2p = _tc_mid(parts1.reshape(NC, NPAD // 2, 128), nsp, ndp,
                      b1p0, b1p1, w2da, w2db)
    parts2 = _sc_aggregate_o(table2p.reshape(NPAD, D_OUT), ei)
    outp = _tc_final(parts2.reshape(NC, NPAD // 2, 128), ndp, b2p)
    return outp[:N // 2].reshape(N, D_OUT)

# --- scband reference (transcript-rebuilt; emitter-appended) ---
"""Pipeline reference for scband-gcn-86586540688099 (READ-ONLY COPY).

The authoritative reference and input builder live on the scoring server;
editing this copy changes nothing except your own understanding.
"""

import jax, jax.numpy as jnp
import numpy as np

N = 10000
E = 320000
D_IN = 128
D_H = 128
D_OUT = 64


def setup_inputs(seed: int = 0) -> dict:
    key = jax.random.key(seed)
    k1, k2, k3, k4, k5 = jax.random.split(key, 5)
    features = jax.random.normal(k1, (N, D_IN), dtype=jnp.float32)
    src = jax.random.randint(k2, (E,), 0, N, dtype=jnp.int32)
    dst = jax.random.randint(k3, (E,), 0, N, dtype=jnp.int32)
    edge_index = jnp.stack([src, dst], axis=0)
    # GraphConv weights (Glorot-ish init) and biases
    W1 = jax.random.normal(k4, (D_IN, D_H), dtype=jnp.float32) * (1.0 / np.sqrt(D_IN))
    b1 = jnp.zeros((D_H,), dtype=jnp.float32)
    W2 = jax.random.normal(k5, (D_H, D_OUT), dtype=jnp.float32) * (1.0 / np.sqrt(D_H))
    b2 = jnp.zeros((D_OUT,), dtype=jnp.float32)
    return {"features": features, "edge_index": edge_index, "W1": W1, "b1": b1, "W2": W2, "b2": b2}


def _graph_conv(h, src, dst, norm_src, norm_dst, W, b, act=None):
    # DGL GraphConv with norm='both': D_out^{-1/2} applied to src feats,
    # sum-aggregate over edges, D_in^{-1/2} applied to dst, then bias + activation.
    h = h * norm_src[:, None]
    h = h @ W  # mult W first (in_feats >= out_feats path); math-equivalent either way
    msgs = jnp.take(h, src, axis=0)
    agg = jax.ops.segment_sum(msgs, dst, num_segments=N)
    out = agg * norm_dst[:, None] + b
    if act is not None:
        out = act(out)
    return out


def reference(features, edge_index, W1, b1, W2, b2):
    src = edge_index[0]
    dst = edge_index[1]
    ones = jnp.ones((E,), dtype=jnp.float32)
    deg_out = jnp.maximum(jax.ops.segment_sum(ones, src, num_segments=N), 1.0)
    deg_in = jnp.maximum(jax.ops.segment_sum(ones, dst, num_segments=N), 1.0)
    norm_src = deg_out ** -0.5
    norm_dst = deg_in ** -0.5
    # Layer 0: in_feats -> n_hidden, relu activation. Dropout is identity in eval mode.
    h = _graph_conv(features, src, dst, norm_src, norm_dst, W1, b1, act=jax.nn.relu)
    # Layer 1 (output): n_hidden -> n_classes, no activation.
    h = _graph_conv(h, src, dst, norm_src, norm_dst, W2, b2, act=None)
    return h

if __name__ == "__main__":
    import jax
    _d = setup_inputs()
    print(jax.jit(kernel)(*tuple(_d.values())))

</pallas_src>

<mosaic_0001>
#map = affine_map<(d0, d1) -> (0, 0, 0)>
#map1 = affine_map<(d0, d1) -> (0, 0)>
module attributes {stable_mosaic.version = 14 : i64} {
  func.func @_sc_degrees(%arg0: i32, %arg1: i32, %arg2: memref<2x2500x128xi32, #tpu.memory_space<hbm>>, %arg3: memref<32x10240xf32, #tpu.memory_space<hbm>>, %arg4: memref<32x10240xf32, #tpu.memory_space<hbm>>, %arg5: memref<10240xf32, #tpu.memory_space<vmem>>, %arg6: memref<10240xf32, #tpu.memory_space<vmem>>, %arg7: memref<80x128xi32, #tpu.memory_space<vmem>>, %arg8: memref<!tpu.dma_semaphore, #tpu.memory_space<semaphore_mem>>) attributes {dimension_semantics = [#tpu.dimension_semantics<core_parallel>, #tpu.dimension_semantics<subcore_parallel>], iteration_bounds = array<i64: 2, 16>, scalar_prefetch = 0 : i64, scratch_operands = 4 : i64, tpu.core_type = #tpu.core_type<sc_vector_subcore>, window_params = [{transform_indices = #map}, {transform_indices = #map1}, {transform_indices = #map1}]} {
    %mul3A = arith.constant 16 : i32
    %mul3A_0 = arith.muli %arg0, %mul3A : i32
    %add3A = arith.addi %mul3A_0, %arg1 : i32
    %broadcast_in_dim3A = arith.constant 0.000000e+00 : f32
    %broadcast_in_dim3A_1 = vector.broadcast %broadcast_in_dim3A : f32 to vector<16xf32>
    %broadcast_in_dim3A_2 = arith.constant 1.000000e+00 : f32
    %broadcast_in_dim3A_3 = vector.broadcast %broadcast_in_dim3A_2 : f32 to vector<16xf32>
    %scan3A = arith.constant 0 : i32
    %scan3A_4 = arith.constant 640 : i32
    %scan3A_5 = arith.addi %scan3A, %scan3A_4 : i32
    %scan3A_6 = arith.constant 8 : i32
    scf.for %scan3A_61 = %scan3A to %scan3A_5 step %scan3A_6  : i32 {
      %mul3A_62 = arith.constant 1 : i32
      %mul3A_63 = arith.muli %scan3A_61, %mul3A_62 : i32
      %add3A_64 = arith.constant 0 : i32
      %add3A_65 = arith.addi %add3A_64, %mul3A_63 : i32
      %mul3A_66 = arith.constant 16 : i32
      %mul3A_67 = arith.muli %add3A_65, %mul3A_66 : i32
      %swap3A = arith.index_cast %mul3A_67 : i32 to index
      %swap3A_68 = tpu.vector_load %arg5[%swap3A] {strides = array<i32>} : memref<10240xf32, #tpu.memory_space<vmem>>, vector<16xf32>,
      tpu.vector_store %arg5[%swap3A], %broadcast_in_dim3A_1 {strides = array<i32>} : memref<10240xf32, #tpu.memory_space<vmem>>, vector<16xf32>,
      %mul3A_69 = arith.constant 16 : i32
      %mul3A_70 = arith.muli %add3A_65, %mul3A_69 : i32
      %swap3A_71 = arith.index_cast %mul3A_70 : i32 to index
      %swap3A_72 = tpu.vector_load %arg6[%swap3A_71] {strides = array<i32>} : memref<10240xf32, #tpu.memory_space<vmem>>, vector<16xf32>,
      tpu.vector_store %arg6[%swap3A_71], %broadcast_in_dim3A_1 {strides = array<i32>} : memref<10240xf32, #tpu.memory_space<vmem>>, vector<16xf32>,
      %scan3A_73 = arith.constant 1 : i32
      %scan3A_74 = arith.addi %scan3A_61, %scan3A_73 : i32
      %mul3A_75 = arith.constant 1 : i32
      %mul3A_76 = arith.muli %scan3A_74, %mul3A_75 : i32
      %add3A_77 = arith.constant 0 : i32
      %add3A_78 = arith.addi %add3A_77, %mul3A_76 : i32
      %mul3A_79 = arith.constant 16 : i32
      %mul3A_80 = arith.muli %add3A_78, %mul3A_79 : i32
      %swap3A_81 = arith.index_cast %mul3A_80 : i32 to index
      %swap3A_82 = tpu.vector_load %arg5[%swap3A_81] {strides = array<i32>} : memref<10240xf32, #tpu.memory_space<vmem>>, vector<16xf32>,
      tpu.vector_store %arg5[%swap3A_81], %broadcast_in_dim3A_1 {strides = array<i32>} : memref<10240xf32, #tpu.memory_space<vmem>>, vector<16xf32>,
      %mul3A_83 = arith.constant 16 : i32
      %mul3A_84 = arith.muli %add3A_78, %mul3A_83 : i32
      %swap3A_85 = arith.index_cast %mul3A_84 : i32 to index
      %swap3A_86 = tpu.vector_load %arg6[%swap3A_85] {strides = array<i32>} : memref<10240xf32, #tpu.memory_space<vmem>>, vector<16xf32>,
      tpu.vector_store %arg6[%swap3A_85], %broadcast_in_dim3A_1 {strides = array<i32>} : memref<10240xf32, #tpu.memory_space<vmem>>, vector<16xf32>,
      %scan3A_87 = arith.constant 2 : i32
      %scan3A_88 = arith.addi %scan3A_61, %scan3A_87 : i32
      %mul3A_89 = arith.constant 1 : i32
      %mul3A_90 = arith.muli %scan3A_88, %mul3A_89 : i32
      %add3A_91 = arith.constant 0 : i32
      %add3A_92 = arith.addi %add3A_91, %mul3A_90 : i32
      %mul3A_93 = arith.constant 16 : i32
      %mul3A_94 = arith.muli %add3A_92, %mul3A_93 : i32
      %swap3A_95 = arith.index_cast %mul3A_94 : i32 to index
      %swap3A_96 = tpu.vector_load %arg5[%swap3A_95] {strides = array<i32>} : memref<10240xf32, #tpu.memory_space<vmem>>, vector<16xf32>,
      tpu.vector_store %arg5[%swap3A_95], %broadcast_in_dim3A_1 {strides = array<i32>} : memref<10240xf32, #tpu.memory_space<vmem>>, vector<16xf32>,
      %mul3A_97 = arith.constant 16 : i32
      %mul3A_98 = arith.muli %add3A_92, %mul3A_97 : i32
      %swap3A_99 = arith.index_cast %mul3A_98 : i32 to index
      %swap3A_100 = tpu.vector_load %arg6[%swap3A_99] {strides = array<i32>} : memref<10240xf32, #tpu.memory_space<vmem>>, vector<16xf32>,
      tpu.vector_store %arg6[%swap3A_99], %broadcast_in_dim3A_1 {strides = array<i32>} : memref<10240xf32, #tpu.memory_space<vmem>>, vector<16xf32>,
      %scan3A_101 = arith.constant 3 : i32
      %scan3A_102 = arith.addi %scan3A_61, %scan3A_101 : i32
      %mul3A_103 = arith.constant 1 : i32
      %mul3A_104 = arith.muli %scan3A_102, %mul3A_103 : i32
      %add3A_105 = arith.constant 0 : i32
      %add3A_106 = arith.addi %add3A_105, %mul3A_104 : i32
      %mul3A_107 = arith.constant 16 : i32
      %mul3A_108 = arith.muli %add3A_106, %mul3A_107 : i32
      %swap3A_109 = arith.index_cast %mul3A_108 : i32 to index
      %swap3A_110 = tpu.vector_load %arg5[%swap3A_109] {strides = array<i32>} : memref<10240xf32, #tpu.memory_space<vmem>>, vector<16xf32>,
      tpu.vector_store %arg5[%swap3A_109], %broadcast_in_dim3A_1 {strides = array<i32>} : memref<10240xf32, #tpu.memory_space<vmem>>, vector<16xf32>,
      %mul3A_111 = arith.constant 16 : i32
      %mul3A_112 = arith.muli %add3A_106, %mul3A_111 : i32
      %swap3A_113 = arith.index_cast %mul3A_112 : i32 to index
      %swap3A_114 = tpu.vector_load %arg6[%swap3A_113] {strides = array<i32>} : memref<10240xf32, #tpu.memory_space<vmem>>, vector<16xf32>,
      tpu.vector_store %arg6[%swap3A_113], %broadcast_in_dim3A_1 {strides = array<i32>} : memref<10240xf32, #tpu.memory_space<vmem>>, vector<16xf32>,
      %scan3A_115 = arith.constant 4 : i32
      %scan3A_116 = arith.addi %scan3A_61, %scan3A_115 : i32
      %mul3A_117 = arith.constant 1 : i32
      %mul3A_118 = arith.muli %scan3A_116, %mul3A_117 : i32
      %add3A_119 = arith.constant 0 : i32
      %add3A_120 = arith.addi %add3A_119, %mul3A_118 : i32
      %mul3A_121 = arith.constant 16 : i32
      %mul3A_122 = arith.muli %add3A_120, %mul3A_121 : i32
      %swap3A_123 = arith.index_cast %mul3A_122 : i32 to index
      %swap3A_124 = tpu.vector_load %arg5[%swap3A_123] {strides = array<i32>} : memref<10240xf32, #tpu.memory_space<vmem>>, vector<16xf32>,
      tpu.vector_store %arg5[%swap3A_123], %broadcast_in_dim3A_1 {strides = array<i32>} : memref<10240xf32, #tpu.memory_space<vmem>>, vector<16xf32>,
      %mul3A_125 = arith.constant 16 : i32
      %mul3A_126 = arith.muli %add3A_120, %mul3A_125 : i32
      %swap3A_127 = arith.index_cast %mul3A_126 : i32 to index
      %swap3A_128 = tpu.vector_load %arg6[%swap3A_127] {strides = array<i32>} : memref<10240xf32, #tpu.memory_space<vmem>>, vector<16xf32>,
      tpu.vector_store %arg6[%swap3A_127], %broadcast_in_dim3A_1 {strides = array<i32>} : memref<10240xf32, #tpu.memory_space<vmem>>, vector<16xf32>,
      %scan3A_129 = arith.constant 5 : i32
      %scan3A_130 = arith.addi %scan3A_61, %scan3A_129 : i32
      %mul3A_131 = arith.constant 1 : i32
      %mul3A_132 = arith.muli %scan3A_130, %mul3A_131 : i32
      %add3A_133 = arith.constant 0 : i32
      %add3A_134 = arith.addi %add3A_133, %mul3A_132 : i32
      %mul3A_135 = arith.constant 16 : i32
      %mul3A_136 = arith.muli %add3A_134, %mul3A_135 : i32
      %swap3A_137 = arith.index_cast %mul3A_136 : i32 to index
      %swap3A_138 = tpu.vector_load %arg5[%swap3A_137] {strides = array<i32>} : memref<10240xf32, #tpu.memory_space<vmem>>, vector<16xf32>,
      tpu.vector_store %arg5[%swap3A_137], %broadcast_in_dim3A_1 {strides = array<i32>} : memref<10240xf32, #tpu.memory_space<vmem>>, vector<16xf32>,
      %mul3A_139 = arith.constant 16 : i32
      %mul3A_140 = arith.muli %add3A_134, %mul3A_139 : i32
      %swap3A_141 = arith.index_cast %mul3A_140 : i32 to index
      %swap3A_142 = tpu.vector_load %arg6[%swap3A_141] {strides = array<i32>} : memref<10240xf32, #tpu.memory_space<vmem>>, vector<16xf32>,
      tpu.vector_store %arg6[%swap3A_141], %broadcast_in_dim3A_1 {strides = array<i32>} : memref<10240xf32, #tpu.memory_space<vmem>>, vector<16xf32>,
      %scan3A_143 = arith.constant 6 : i32
      %scan3A_144 = arith.addi %scan3A_61, %scan3A_143 : i32
      %mul3A_145 = arith.constant 1 : i32
      %mul3A_146 = arith.muli %scan3A_144, %mul3A_145 : i32
      %add3A_147 = arith.constant 0 : i32
      %add3A_148 = arith.addi %add3A_147, %mul3A_146 : i32
      %mul3A_149 = arith.constant 16 : i32
      %mul3A_150 = arith.muli %add3A_148, %mul3A_149 : i32
      %swap3A_151 = arith.index_cast %mul3A_150 : i32 to index
      %swap3A_152 = tpu.vector_load %arg5[%swap3A_151] {strides = array<i32>} : memref<10240xf32, #tpu.memory_space<vmem>>, vector<16xf32>,
      tpu.vector_store %arg5[%swap3A_151], %broadcast_in_dim3A_1 {strides = array<i32>} : memref<10240xf32, #tpu.memory_space<vmem>>, vector<16xf32>,
      %mul3A_153 = arith.constant 16 : i32
      %mul3A_154 = arith.muli %add3A_148, %mul3A_153 : i32
      %swap3A_155 = arith.index_cast %mul3A_154 : i32 to index
      %swap3A_156 = tpu.vector_load %arg6[%swap3A_155] {strides = array<i32>} : memref<10240xf32, #tpu.memory_space<vmem>>, vector<16xf32>,
      tpu.vector_store %arg6[%swap3A_155], %broadcast_in_dim3A_1 {strides = array<i32>} : memref<10240xf32, #tpu.memory_space<vmem>>, vector<16xf32>,
      %scan3A_157 = arith.constant 7 : i32
      %scan3A_158 = arith.addi %scan3A_61, %scan3A_157 : i32
      %mul3A_159 = arith.constant 1 : i32
      %mul3A_160 = arith.muli %scan3A_158, %mul3A_159 : i32
      %add3A_161 = arith.constant 0 : i32
      %add3A_162 = arith.addi %add3A_161, %mul3A_160 : i32
      %mul3A_163 = arith.constant 16 : i32
      %mul3A_164 = arith.muli %add3A_162, %mul3A_163 : i32
      %swap3A_165 = arith.index_cast %mul3A_164 : i32 to index
      %swap3A_166 = tpu.vector_load %arg5[%swap3A_165] {strides = array<i32>} : memref<10240xf32, #tpu.memory_space<vmem>>, vector<16xf32>,
      tpu.vector_store %arg5[%swap3A_165], %broadcast_in_dim3A_1 {strides = array<i32>} : memref<10240xf32, #tpu.memory_space<vmem>>, vector<16xf32>,
      %mul3A_167 = arith.constant 16 : i32
      %mul3A_168 = arith.muli %add3A_162, %mul3A_167 : i32
      %swap3A_169 = arith.index_cast %mul3A_168 : i32 to index
      %swap3A_170 = tpu.vector_load %arg6[%swap3A_169] {strides = array<i32>} : memref<10240xf32, #tpu.memory_space<vmem>>, vector<16xf32>,
      tpu.vector_store %arg6[%swap3A_169], %broadcast_in_dim3A_1 {strides = array<i32>} : memref<10240xf32, #tpu.memory_space<vmem>>, vector<16xf32>,
    }
    %scan3A_7 = arith.constant 640 : i32
    %mul3A_8 = arith.constant 78 : i32
    %mul3A_9 = arith.muli %mul3A_8, %add3A : i32
    %min3A = arith.constant 2 : i32
    %min3A_10 = arith.minsi %add3A, %min3A : i32
    %mul3A_11 = arith.constant 2 : i32
    %mul3A_12 = arith.muli %mul3A_11, %min3A_10 : i32
    %add3A_13 = arith.addi %mul3A_9, %mul3A_12 : i32
    %lt3A = arith.constant 2 : i32
    %lt3A_14 = arith.cmpi slt, %add3A, %lt3A : i32
    %jit3A = arith.constant 2 : i32
    %jit3A_15 = arith.constant 0 : i32
    %select_n3A = arith.select %lt3A_14, %jit3A, %jit3A_15 : i32
    %add3A_16 = arith.constant 78 : i32
    %add3A_17 = arith.addi %add3A_16, %select_n3A : i32
    %run_scoped3A = arith.constant 0 : i32
    "tpu.region"() ({
      %run_scoped3A_61 = tpu.sem_alloc : memref<!tpu.dma_semaphore, #tpu.memory_space<semaphore_mem>>
      %dma_start3A = arith.constant 0 : i32
      %dma_start3A_62 = arith.constant 0 : i32
      %dma_start3A_63 = tpu.memref_slice %arg7[%dma_start3A, %dma_start3A_62] : memref<80x128xi32, #tpu.memory_space<vmem>> -> memref<78x128xi32, #tpu.memory_space<vmem>>
      %dma_start3A_64 = arith.constant 0 : i32
      %dma_start3A_65 = tpu.memref_slice %arg2[%run_scoped3A, %add3A_13, %dma_start3A_64] : memref<2x2500x128xi32, #tpu.memory_space<hbm>> -> memref<1x78x128xi32, #tpu.memory_space<hbm>>
      %dma_start3A_66 = tpu.memref_squeeze %dma_start3A_65 : memref<1x78x128xi32, #tpu.memory_space<hbm>> -> memref<78x128xi32, #tpu.memory_space<hbm>>
      %dma_start3A_67 = arith.constant 0 : i32
      %dma_start3A_68 = arith.constant 0 : i32
      %dma_start3A_69 = tpu.memref_slice %arg7[%dma_start3A_67, %dma_start3A_68] : memref<80x128xi32, #tpu.memory_space<vmem>> -> memref<78x128xi32, #tpu.memory_space<vmem>>
      %dma_start3A_70 = arith.constant 0 : i32
      %dma_start3A_71 = tpu.memref_slice %arg2[%run_scoped3A, %add3A_13, %dma_start3A_70] : memref<2x2500x128xi32, #tpu.memory_space<hbm>> -> memref<1x78x128xi32, #tpu.memory_space<hbm>>
      %dma_start3A_72 = tpu.memref_squeeze %dma_start3A_71 : memref<1x78x128xi32, #tpu.memory_space<hbm>> -> memref<78x128xi32, #tpu.memory_space<hbm>>
      tpu.enqueue_dma source(%dma_start3A_72 : memref<78x128xi32, #tpu.memory_space<hbm>>) target(%dma_start3A_69 : memref<78x128xi32, #tpu.memory_space<vmem>>) target_semaphore(%run_scoped3A_61 : memref<!tpu.dma_semaphore, #tpu.memory_space<semaphore_mem>>)
      %dma_wait3A = arith.constant 0 : i32
      %dma_wait3A_73 = arith.constant 0 : i32
      %dma_wait3A_74 = tpu.memref_slice %arg7[%dma_wait3A, %dma_wait3A_73] : memref<80x128xi32, #tpu.memory_space<vmem>> -> memref<78x128xi32, #tpu.memory_space<vmem>>
      %dma_wait3A_75 = arith.constant 0 : i32
      %dma_wait3A_76 = tpu.memref_slice %arg2[%run_scoped3A, %add3A_13, %dma_wait3A_75] : memref<2x2500x128xi32, #tpu.memory_space<hbm>> -> memref<1x78x128xi32, #tpu.memory_space<hbm>>
      %dma_wait3A_77 = tpu.memref_squeeze %dma_wait3A_76 : memref<1x78x128xi32, #tpu.memory_space<hbm>> -> memref<78x128xi32, #tpu.memory_space<hbm>>
      %dma_wait3A_78 = arith.constant 0 : i32
      %dma_wait3A_79 = arith.constant 0 : i32
      %dma_wait3A_80 = tpu.memref_slice %arg7[%dma_wait3A_78, %dma_wait3A_79] : memref<80x128xi32, #tpu.memory_space<vmem>> -> memref<78x128xi32, #tpu.memory_space<vmem>>
      %dma_wait3A_81 = arith.constant 0 : i32
      %dma_wait3A_82 = tpu.memref_slice %arg2[%run_scoped3A, %add3A_13, %dma_wait3A_81] : memref<2x2500x128xi32, #tpu.memory_space<hbm>> -> memref<1x78x128xi32, #tpu.memory_space<hbm>>
      %dma_wait3A_83 = tpu.memref_squeeze %dma_wait3A_82 : memref<1x78x128xi32, #tpu.memory_space<hbm>> -> memref<78x128xi32, #tpu.memory_space<hbm>>
      tpu.wait_dma2 semaphore(%run_scoped3A_61 : memref<!tpu.dma_semaphore, #tpu.memory_space<semaphore_mem>>) src(%dma_wait3A_83 : memref<78x128xi32, #tpu.memory_space<hbm>>) dst(%dma_wait3A_80 : memref<78x128xi32, #tpu.memory_space<vmem>>)
      tpu.yield
    }) : () -> ()
    %gt3A = arith.constant 78 : i32
    %gt3A_18 = arith.cmpi sgt, %add3A_17, %gt3A : i32
    %convert_element_type3A = arith.extui %gt3A_18 : i1 to i32
    %cond3A = arith.constant 0 : i32
    %cond3A_19 = arith.cmpi ne, %convert_element_type3A, %cond3A : i32
    scf.if %cond3A_19 {
      %add3A_61 = arith.constant 78 : i32
      %add3A_62 = arith.addi %add3A_13, %add3A_61 : i32
      %run_scoped3A_63 = arith.constant 0 : i32
      "tpu.region"() ({
        %run_scoped3A_64 = tpu.sem_alloc : memref<!tpu.dma_semaphore, #tpu.memory_space<semaphore_mem>>
        %dma_start3A = arith.constant 78 : i32
        %dma_start3A_65 = arith.constant 0 : i32
        %dma_start3A_66 = tpu.memref_slice %arg7[%dma_start3A, %dma_start3A_65] : memref<80x128xi32, #tpu.memory_space<vmem>> -> memref<2x128xi32, #tpu.memory_space<vmem>>
        %dma_start3A_67 = arith.constant 0 : i32
        %dma_start3A_68 = tpu.memref_slice %arg2[%run_scoped3A_63, %add3A_62, %dma_start3A_67] : memref<2x2500x128xi32, #tpu.memory_space<hbm>> -> memref<1x2x128xi32, #tpu.memory_space<hbm>>
        %dma_start3A_69 = tpu.memref_squeeze %dma_start3A_68 : memref<1x2x128xi32, #tpu.memory_space<hbm>> -> memref<2x128xi32, #tpu.memory_space<hbm>>
        %dma_start3A_70 = arith.constant 78 : i32
        %dma_start3A_71 = arith.constant 0 : i32
        %dma_start3A_72 = tpu.memref_slice %arg7[%dma_start3A_70, %dma_start3A_71] : memref<80x128xi32, #tpu.memory_space<vmem>> -> memref<2x128xi32, #tpu.memory_space<vmem>>
        %dma_start3A_73 = arith.constant 0 : i32
        %dma_start3A_74 = tpu.memref_slice %arg2[%run_scoped3A_63, %add3A_62, %dma_start3A_73] : memref<2x2500x128xi32, #tpu.memory_space<hbm>> -> memref<1x2x128xi32, #tpu.memory_space<hbm>>
        %dma_start3A_75 = tpu.memref_squeeze %dma_start3A_74 : memref<1x2x128xi32, #tpu.memory_space<hbm>> -> memref<2x128xi32, #tpu.memory_space<hbm>>
        tpu.enqueue_dma source(%dma_start3A_75 : memref<2x128xi32, #tpu.memory_space<hbm>>) target(%dma_start3A_72 : memref<2x128xi32, #tpu.memory_space<vmem>>) target_semaphore(%run_scoped3A_64 : memref<!tpu.dma_semaphore, #tpu.memory_space<semaphore_mem>>)
        %dma_wait3A = arith.constant 78 : i32
        %dma_wait3A_76 = arith.constant 0 : i32
        %dma_wait3A_77 = tpu.memref_slice %arg7[%dma_wait3A, %dma_wait3A_76] : memref<80x128xi32, #tpu.memory_space<vmem>> -> memref<2x128xi32, #tpu.memory_space<vmem>>
        %dma_wait3A_78 = arith.constant 0 : i32
        %dma_wait3A_79 = tpu.memref_slice %arg2[%run_scoped3A_63, %add3A_62, %dma_wait3A_78] : memref<2x2500x128xi32, #tpu.memory_space<hbm>> -> memref<1x2x128xi32, #tpu.memory_space<hbm>>
        %dma_wait3A_80 = tpu.memref_squeeze %dma_wait3A_79 : memref<1x2x128xi32, #tpu.memory_space<hbm>> -> memref<2x128xi32, #tpu.memory_space<hbm>>
        %dma_wait3A_81 = arith.constant 78 : i32
        %dma_wait3A_82 = arith.constant 0 : i32
        %dma_wait3A_83 = tpu.memref_slice %arg7[%dma_wait3A_81, %dma_wait3A_82] : memref<80x128xi32, #tpu.memory_space<vmem>> -> memref<2x128xi32, #tpu.memory_space<vmem>>
        %dma_wait3A_84 = arith.constant 0 : i32
        %dma_wait3A_85 = tpu.memref_slice %arg2[%run_scoped3A_63, %add3A_62, %dma_wait3A_84] : memref<2x2500x128xi32, #tpu.memory_space<hbm>> -> memref<1x2x128xi32, #tpu.memory_space<hbm>>
        %dma_wait3A_86 = tpu.memref_squeeze %dma_wait3A_85 : memref<1x2x128xi32, #tpu.memory_space<hbm>> -> memref<2x128xi32, #tpu.memory_space<hbm>>
        tpu.wait_dma2 semaphore(%run_scoped3A_64 : memref<!tpu.dma_semaphore, #tpu.memory_space<semaphore_mem>>) src(%dma_wait3A_86 : memref<2x128xi32, #tpu.memory_space<hbm>>) dst(%dma_wait3A_83 : memref<2x128xi32, #tpu.memory_space<vmem>>)
        tpu.yield
      }) : () -> ()
    } else {
    }
    %sub3A = arith.constant 0 : i32
    %sub3A_20 = arith.subi %add3A_17, %sub3A : i32
    %sub3A_21 = arith.constant 1 : i32
    %sub3A_22 = arith.constant 1 : i32
    %sub3A_23 = arith.subi %sub3A_21, %sub3A_22 : i32
    %add3A_24 = arith.addi %sub3A_20, %sub3A_23 : i32
    %div3A = arith.constant 1 : i32
    %div3A_25 = arith.divsi %add3A_24, %div3A : i32
    %while3A = arith.constant 1 : i32
    %while3A_26 = arith.constant 0 : i32
    %while3A_27 = arith.constant 0 : i32
    %while3A_28 = arith.subi %div3A_25, %while3A_27 : i32
    %while3A_29 = arith.addi %while3A_27, %while3A_28 : i32
    %while3A_30 = arith.constant 1 : i32
    %while3A_31 = arith.divsi %while3A_28, %while3A_30 : i32
    %while3A_32 = arith.muli %while3A_31, %while3A_30 : i32
    %while3A_33 = arith.addi %while3A_27, %while3A_32 : i32
    %while3A_34 = arith.constant 1 : i32
    scf.for %while3A_61 = %while3A_27 to %while3A_33 step %while3A_34  : i32 {
      %mul3A_62 = arith.muli %while3A_61, %while3A : i32
      %add3A_63 = arith.addi %while3A_26, %mul3A_62 : i32
      %scan3A_64 = arith.constant 0 : i32
      %mul3A_65 = arith.constant 1 : i32
      %mul3A_66 = arith.muli %scan3A_64, %mul3A_65 : i32
      %add3A_67 = arith.constant 0 : i32
      %add3A_68 = arith.addi %add3A_67, %mul3A_66 : i32
      %mul3A_69 = arith.constant 16 : i32
      %mul3A_70 = arith.muli %add3A_68, %mul3A_69 : i32
      %get3A = arith.index_cast %add3A_63 : i32 to index
      %get3A_71 = arith.index_cast %mul3A_70 : i32 to index
      %get3A_72 = tpu.vector_load %arg7[%get3A, %get3A_71] {strides = array<i32>} : memref<80x128xi32, #tpu.memory_space<vmem>>, vector<16xi32>,
      tpu.vector_store_idx %arg5[%get3A_72], %broadcast_in_dim3A_3 {add = true} : memref<10240xf32, #tpu.memory_space<vmem>>[vector<16xi32>], vector<16xf32>,
      %scan3A_73 = arith.constant 1 : i32
      %mul3A_74 = arith.constant 1 : i32
      %mul3A_75 = arith.muli %scan3A_73, %mul3A_74 : i32
      %add3A_76 = arith.constant 0 : i32
      %add3A_77 = arith.addi %add3A_76, %mul3A_75 : i32
      %mul3A_78 = arith.constant 16 : i32
      %mul3A_79 = arith.muli %add3A_77, %mul3A_78 : i32
      %get3A_80 = arith.index_cast %add3A_63 : i32 to index
      %get3A_81 = arith.index_cast %mul3A_79 : i32 to index
      %get3A_82 = tpu.vector_load %arg7[%get3A_80, %get3A_81] {strides = array<i32>} : memref<80x128xi32, #tpu.memory_space<vmem>>, vector<16xi32>,
      tpu.vector_store_idx %arg5[%get3A_82], %broadcast_in_dim3A_3 {add = true} : memref<10240xf32, #tpu.memory_space<vmem>>[vector<16xi32>], vector<16xf32>,
      %scan3A_83 = arith.constant 2 : i32
      %mul3A_84 = arith.constant 1 : i32
      %mul3A_85 = arith.muli %scan3A_83, %mul3A_84 : i32
      %add3A_86 = arith.constant 0 : i32
      %add3A_87 = arith.addi %add3A_86, %mul3A_85 : i32
      %mul3A_88 = arith.constant 16 : i32
      %mul3A_89 = arith.muli %add3A_87, %mul3A_88 : i32
      %get3A_90 = arith.index_cast %add3A_63 : i32 to index
      %get3A_91 = arith.index_cast %mul3A_89 : i32 to index
      %get3A_92 = tpu.vector_load %arg7[%get3A_90, %get3A_91] {strides = array<i32>} : memref<80x128xi32, #tpu.memory_space<vmem>>, vector<16xi32>,
      tpu.vector_store_idx %arg5[%get3A_92], %broadcast_in_dim3A_3 {add = true} : memref<10240xf32, #tpu.memory_space<vmem>>[vector<16xi32>], vector<16xf32>,
      %scan3A_93 = arith.constant 3 : i32
      %mul3A_94 = arith.constant 1 : i32
      %mul3A_95 = arith.muli %scan3A_93, %mul3A_94 : i32
      %add3A_96 = arith.constant 0 : i32
      %add3A_97 = arith.addi %add3A_96, %mul3A_95 : i32
      %mul3A_98 = arith.constant 16 : i32
      %mul3A_99 = arith.muli %add3A_97, %mul3A_98 : i32
      %get3A_100 = arith.index_cast %add3A_63 : i32 to index
      %get3A_101 = arith.index_cast %mul3A_99 : i32 to index
      %get3A_102 = tpu.vector_load %arg7[%get3A_100, %get3A_101] {strides = array<i32>} : memref<80x128xi32, #tpu.memory_space<vmem>>, vector<16xi32>,
      tpu.vector_store_idx %arg5[%get3A_102], %broadcast_in_dim3A_3 {add = true} : memref<10240xf32, #tpu.memory_space<vmem>>[vector<16xi32>], vector<16xf32>,
      %scan3A_103 = arith.constant 4 : i32
      %mul3A_104 = arith.constant 1 : i32
      %mul3A_105 = arith.muli %scan3A_103, %mul3A_104 : i32
      %add3A_106 = arith.constant 0 : i32
      %add3A_107 = arith.addi %add3A_106, %mul3A_105 : i32
      %mul3A_108 = arith.constant 16 : i32
      %mul3A_109 = arith.muli %add3A_107, %mul3A_108 : i32
      %get3A_110 = arith.index_cast %add3A_63 : i32 to index
      %get3A_111 = arith.index_cast %mul3A_109 : i32 to index
      %get3A_112 = tpu.vector_load %arg7[%get3A_110, %get3A_111] {strides = array<i32>} : memref<80x128xi32, #tpu.memory_space<vmem>>, vector<16xi32>,
      tpu.vector_store_idx %arg5[%get3A_112], %broadcast_in_dim3A_3 {add = true} : memref<10240xf32, #tpu.memory_space<vmem>>[vector<16xi32>], vector<16xf32>,
      %scan3A_113 = arith.constant 5 : i32
      %mul3A_114 = arith.constant 1 : i32
      %mul3A_115 = arith.muli %scan3A_113, %mul3A_114 : i32
      %add3A_116 = arith.constant 0 : i32
      %add3A_117 = arith.addi %add3A_116, %mul3A_115 : i32
      %mul3A_118 = arith.constant 16 : i32
      %mul3A_119 = arith.muli %add3A_117, %mul3A_118 : i32
      %get3A_120 = arith.index_cast %add3A_63 : i32 to index
      %get3A_121 = arith.index_cast %mul3A_119 : i32 to index
      %get3A_122 = tpu.vector_load %arg7[%get3A_120, %get3A_121] {strides = array<i32>} : memref<80x128xi32, #tpu.memory_space<vmem>>, vector<16xi32>,
      tpu.vector_store_idx %arg5[%get3A_122], %broadcast_in_dim3A_3 {add = true} : memref<10240xf32, #tpu.memory_space<vmem>>[vector<16xi32>], vector<16xf32>,
      %scan3A_123 = arith.constant 6 : i32
      %mul3A_124 = arith.constant 1 : i32
      %mul3A_125 = arith.muli %scan3A_123, %mul3A_124 : i32
      %add3A_126 = arith.constant 0 : i32
      %add3A_127 = arith.addi %add3A_126, %mul3A_125 : i32
      %mul3A_128 = arith.constant 16 : i32
      %mul3A_129 = arith.muli %add3A_127, %mul3A_128 : i32
      %get3A_130 = arith.index_cast %add3A_63 : i32 to index
      %get3A_131 = arith.index_cast %mul3A_129 : i32 to index
      %get3A_132 = tpu.vector_load %arg7[%get3A_130, %get3A_131] {strides = array<i32>} : memref<80x128xi32, #tpu.memory_space<vmem>>, vector<16xi32>,
      tpu.vector_store_idx %arg5[%get3A_132], %broadcast_in_dim3A_3 {add = true} : memref<10240xf32, #tpu.memory_space<vmem>>[vector<16xi32>], vector<16xf32>,
      %scan3A_133 = arith.constant 7 : i32
      %mul3A_134 = arith.constant 1 : i32
      %mul3A_135 = arith.muli %scan3A_133, %mul3A_134 : i32
      %add3A_136 = arith.constant 0 : i32
      %add3A_137 = arith.addi %add3A_136, %mul3A_135 : i32
      %mul3A_138 = arith.constant 16 : i32
      %mul3A_139 = arith.muli %add3A_137, %mul3A_138 : i32
      %get3A_140 = arith.index_cast %add3A_63 : i32 to index
      %get3A_141 = arith.index_cast %mul3A_139 : i32 to index
      %get3A_142 = tpu.vector_load %arg7[%get3A_140, %get3A_141] {strides = array<i32>} : memref<80x128xi32, #tpu.memory_space<vmem>>, vector<16xi32>,
      tpu.vector_store_idx %arg5[%get3A_142], %broadcast_in_dim3A_3 {add = true} : memref<10240xf32, #tpu.memory_space<vmem>>[vector<16xi32>], vector<16xf32>,
      %scan3A_143 = arith.constant 8 : i32
    }
    %while3A_35 = arith.constant 1 : i32
    scf.for %while3A_61 = %while3A_33 to %while3A_29 step %while3A_35  : i32 {
      %mul3A_62 = arith.muli %while3A_61, %while3A : i32
      %add3A_63 = arith.addi %while3A_26, %mul3A_62 : i32
      %scan3A_64 = arith.constant 0 : i32
      %mul3A_65 = arith.constant 1 : i32
      %mul3A_66 = arith.muli %scan3A_64, %mul3A_65 : i32
      %add3A_67 = arith.constant 0 : i32
      %add3A_68 = arith.addi %add3A_67, %mul3A_66 : i32
      %mul3A_69 = arith.constant 16 : i32
      %mul3A_70 = arith.muli %add3A_68, %mul3A_69 : i32
      %get3A = arith.index_cast %add3A_63 : i32 to index
      %get3A_71 = arith.index_cast %mul3A_70 : i32 to index
      %get3A_72 = tpu.vector_load %arg7[%get3A, %get3A_71] {strides = array<i32>} : memref<80x128xi32, #tpu.memory_space<vmem>>, vector<16xi32>,
      tpu.vector_store_idx %arg5[%get3A_72], %broadcast_in_dim3A_3 {add = true} : memref<10240xf32, #tpu.memory_space<vmem>>[vector<16xi32>], vector<16xf32>,
      %scan3A_73 = arith.constant 1 : i32
      %mul3A_74 = arith.constant 1 : i32
      %mul3A_75 = arith.muli %scan3A_73, %mul3A_74 : i32
      %add3A_76 = arith.constant 0 : i32
      %add3A_77 = arith.addi %add3A_76, %mul3A_75 : i32
      %mul3A_78 = arith.constant 16 : i32
      %mul3A_79 = arith.muli %add3A_77, %mul3A_78 : i32
      %get3A_80 = arith.index_cast %add3A_63 : i32 to index
      %get3A_81 = arith.index_cast %mul3A_79 : i32 to index
      %get3A_82 = tpu.vector_load %arg7[%get3A_80, %get3A_81] {strides = array<i32>} : memref<80x128xi32, #tpu.memory_space<vmem>>, vector<16xi32>,
      tpu.vector_store_idx %arg5[%get3A_82], %broadcast_in_dim3A_3 {add = true} : memref<10240xf32, #tpu.memory_space<vmem>>[vector<16xi32>], vector<16xf32>,
      %scan3A_83 = arith.constant 2 : i32
      %mul3A_84 = arith.constant 1 : i32
      %mul3A_85 = arith.muli %scan3A_83, %mul3A_84 : i32
      %add3A_86 = arith.constant 0 : i32
      %add3A_87 = arith.addi %add3A_86, %mul3A_85 : i32
      %mul3A_88 = arith.constant 16 : i32
      %mul3A_89 = arith.muli %add3A_87, %mul3A_88 : i32
      %get3A_90 = arith.index_cast %add3A_63 : i32 to index
      %get3A_91 = arith.index_cast %mul3A_89 : i32 to index
      %get3A_92 = tpu.vector_load %arg7[%get3A_90, %get3A_91] {strides = array<i32>} : memref<80x128xi32, #tpu.memory_space<vmem>>, vector<16xi32>,
      tpu.vector_store_idx %arg5[%get3A_92], %broadcast_in_dim3A_3 {add = true} : memref<10240xf32, #tpu.memory_space<vmem>>[vector<16xi32>], vector<16xf32>,
      %scan3A_93 = arith.constant 3 : i32
      %mul3A_94 = arith.constant 1 : i32
      %mul3A_95 = arith.muli %scan3A_93, %mul3A_94 : i32
      %add3A_96 = arith.constant 0 : i32
      %add3A_97 = arith.addi %add3A_96, %mul3A_95 : i32
      %mul3A_98 = arith.constant 16 : i32
      %mul3A_99 = arith.muli %add3A_97, %mul3A_98 : i32
      %get3A_100 = arith.index_cast %add3A_63 : i32 to index
      %get3A_101 = arith.index_cast %mul3A_99 : i32 to index
      %get3A_102 = tpu.vector_load %arg7[%get3A_100, %get3A_101] {strides = array<i32>} : memref<80x128xi32, #tpu.memory_space<vmem>>, vector<16xi32>,
      tpu.vector_store_idx %arg5[%get3A_102], %broadcast_in_dim3A_3 {add = true} : memref<10240xf32, #tpu.memory_space<vmem>>[vector<16xi32>], vector<16xf32>,
      %scan3A_103 = arith.constant 4 : i32
      %mul3A_104 = arith.constant 1 : i32
      %mul3A_105 = arith.muli %scan3A_103, %mul3A_104 : i32
      %add3A_106 = arith.constant 0 : i32
      %add3A_107 = arith.addi %add3A_106, %mul3A_105 : i32
      %mul3A_108 = arith.constant 16 : i32
      %mul3A_109 = arith.muli %add3A_107, %mul3A_108 : i32
      %get3A_110 = arith.index_cast %add3A_63 : i32 to index
      %get3A_111 = arith.index_cast %mul3A_109 : i32 to index
      %get3A_112 = tpu.vector_load %arg7[%get3A_110, %get3A_111] {strides = array<i32>} : memref<80x128xi32, #tpu.memory_space<vmem>>, vector<16xi32>,
      tpu.vector_store_idx %arg5[%get3A_112], %broadcast_in_dim3A_3 {add = true} : memref<10240xf32, #tpu.memory_space<vmem>>[vector<16xi32>], vector<16xf32>,
      %scan3A_113 = arith.constant 5 : i32
      %mul3A_114 = arith.constant 1 : i32
      %mul3A_115 = arith.muli %scan3A_113, %mul3A_114 : i32
      %add3A_116 = arith.constant 0 : i32
      %add3A_117 = arith.addi %add3A_116, %mul3A_115 : i32
      %mul3A_118 = arith.constant 16 : i32
      %mul3A_119 = arith.muli %add3A_117, %mul3A_118 : i32
      %get3A_120 = arith.index_cast %add3A_63 : i32 to index
      %get3A_121 = arith.index_cast %mul3A_119 : i32 to index
      %get3A_122 = tpu.vector_load %arg7[%get3A_120, %get3A_121] {strides = array<i32>} : memref<80x128xi32, #tpu.memory_space<vmem>>, vector<16xi32>,
      tpu.vector_store_idx %arg5[%get3A_122], %broadcast_in_dim3A_3 {add = true} : memref<10240xf32, #tpu.memory_space<vmem>>[vector<16xi32>], vector<16xf32>,
      %scan3A_123 = arith.constant 6 : i32
      %mul3A_124 = arith.constant 1 : i32
      %mul3A_125 = arith.muli %scan3A_123, %mul3A_124 : i32
      %add3A_126 = arith.constant 0 : i32
      %add3A_127 = arith.addi %add3A_126, %mul3A_125 : i32
      %mul3A_128 = arith.constant 16 : i32
      %mul3A_129 = arith.muli %add3A_127, %mul3A_128 : i32
      %get3A_130 = arith.index_cast %add3A_63 : i32 to index
      %get3A_131 = arith.index_cast %mul3A_129 : i32 to index
      %get3A_132 = tpu.vector_load %arg7[%get3A_130, %get3A_131] {strides = array<i32>} : memref<80x128xi32, #tpu.memory_space<vmem>>, vector<16xi32>,
      tpu.vector_store_idx %arg5[%get3A_132], %broadcast_in_dim3A_3 {add = true} : memref<10240xf32, #tpu.memory_space<vmem>>[vector<16xi32>], vector<16xf32>,
      %scan3A_133 = arith.constant 7 : i32
      %mul3A_134 = arith.constant 1 : i32
      %mul3A_135 = arith.muli %scan3A_133, %mul3A_134 : i32
      %add3A_136 = arith.constant 0 : i32
      %add3A_137 = arith.addi %add3A_136, %mul3A_135 : i32
      %mul3A_138 = arith.constant 16 : i32
      %mul3A_139 = arith.muli %add3A_137, %mul3A_138 : i32
      %get3A_140 = arith.index_cast %add3A_63 : i32 to index
      %get3A_141 = arith.index_cast %mul3A_139 : i32 to index
      %get3A_142 = tpu.vector_load %arg7[%get3A_140, %get3A_141] {strides = array<i32>} : memref<80x128xi32, #tpu.memory_space<vmem>>, vector<16xi32>,
      tpu.vector_store_idx %arg5[%get3A_142], %broadcast_in_dim3A_3 {add = true} : memref<10240xf32, #tpu.memory_space<vmem>>[vector<16xi32>], vector<16xf32>,
      %scan3A_143 = arith.constant 8 : i32
    }
    %run_scoped3A_36 = arith.constant 1 : i32
    "tpu.region"() ({
      %run_scoped3A_61 = tpu.sem_alloc : memref<!tpu.dma_semaphore, #tpu.memory_space<semaphore_mem>>
      %dma_start3A = arith.constant 0 : i32
      %dma_start3A_62 = arith.constant 0 : i32
      %dma_start3A_63 = tpu.memref_slice %arg7[%dma_start3A, %dma_start3A_62] : memref<80x128xi32, #tpu.memory_space<vmem>> -> memref<78x128xi32, #tpu.memory_space<vmem>>
      %dma_start3A_64 = arith.constant 0 : i32
      %dma_start3A_65 = tpu.memref_slice %arg2[%run_scoped3A_36, %add3A_13, %dma_start3A_64] : memref<2x2500x128xi32, #tpu.memory_space<hbm>> -> memref<1x78x128xi32, #tpu.memory_space<hbm>>
      %dma_start3A_66 = tpu.memref_squeeze %dma_start3A_65 : memref<1x78x128xi32, #tpu.memory_space<hbm>> -> memref<78x128xi32, #tpu.memory_space<hbm>>
      %dma_start3A_67 = arith.constant 0 : i32
      %dma_start3A_68 = arith.constant 0 : i32
      %dma_start3A_69 = tpu.memref_slice %arg7[%dma_start3A_67, %dma_start3A_68] : memref<80x128xi32, #tpu.memory_space<vmem>> -> memref<78x128xi32, #tpu.memory_space<vmem>>
      %dma_start3A_70 = arith.constant 0 : i32
      %dma_start3A_71 = tpu.memref_slice %arg2[%run_scoped3A_36, %add3A_13, %dma_start3A_70] : memref<2x2500x128xi32, #tpu.memory_space<hbm>> -> memref<1x78x128xi32, #tpu.memory_space<hbm>>
      %dma_start3A_72 = tpu.memref_squeeze %dma_start3A_71 : memref<1x78x128xi32, #tpu.memory_space<hbm>> -> memref<78x128xi32, #tpu.memory_space<hbm>>
      tpu.enqueue_dma source(%dma_start3A_72 : memref<78x128xi32, #tpu.memory_space<hbm>>) target(%dma_start3A_69 : memref<78x128xi32, #tpu.memory_space<vmem>>) target_semaphore(%run_scoped3A_61 : memref<!tpu.dma_semaphore, #tpu.memory_space<semaphore_mem>>)
      %dma_wait3A = arith.constant 0 : i32
      %dma_wait3A_73 = arith.constant 0 : i32
      %dma_wait3A_74 = tpu.memref_slice %arg7[%dma_wait3A, %dma_wait3A_73] : memref<80x128xi32, #tpu.memory_space<vmem>> -> memref<78x128xi32, #tpu.memory_space<vmem>>
      %dma_wait3A_75 = arith.constant 0 : i32
      %dma_wait3A_76 = tpu.memref_slice %arg2[%run_scoped3A_36, %add3A_13, %dma_wait3A_75] : memref<2x2500x128xi32, #tpu.memory_space<hbm>> -> memref<1x78x128xi32, #tpu.memory_space<hbm>>
      %dma_wait3A_77 = tpu.memref_squeeze %dma_wait3A_76 : memref<1x78x128xi32, #tpu.memory_space<hbm>> -> memref<78x128xi32, #tpu.memory_space<hbm>>
      %dma_wait3A_78 = arith.constant 0 : i32
      %dma_wait3A_79 = arith.constant 0 : i32
      %dma_wait3A_80 = tpu.memref_slice %arg7[%dma_wait3A_78, %dma_wait3A_79] : memref<80x128xi32, #tpu.memory_space<vmem>> -> memref<78x128xi32, #tpu.memory_space<vmem>>
      %dma_wait3A_81 = arith.constant 0 : i32
      %dma_wait3A_82 = tpu.memref_slice %arg2[%run_scoped3A_36, %add3A_13, %dma_wait3A_81] : memref<2x2500x128xi32, #tpu.memory_space<hbm>> -> memref<1x78x128xi32, #tpu.memory_space<hbm>>
      %dma_wait3A_83 = tpu.memref_squeeze %dma_wait3A_82 : memref<1x78x128xi32, #tpu.memory_space<hbm>> -> memref<78x128xi32, #tpu.memory_space<hbm>>
      tpu.wait_dma2 semaphore(%run_scoped3A_61 : memref<!tpu.dma_semaphore, #tpu.memory_space<semaphore_mem>>) src(%dma_wait3A_83 : memref<78x128xi32, #tpu.memory_space<hbm>>) dst(%dma_wait3A_80 : memref<78x128xi32, #tpu.memory_space<vmem>>)
      tpu.yield
    }) : () -> ()
    %gt3A_37 = arith.constant 78 : i32
    %gt3A_38 = arith.cmpi sgt, %add3A_17, %gt3A_37 : i32
    %convert_element_type3A_39 = arith.extui %gt3A_38 : i1 to i32
    %cond3A_40 = arith.constant 0 : i32
    %cond3A_41 = arith.cmpi ne, %convert_element_type3A_39, %cond3A_40 : i32
    scf.if %cond3A_41 {
      %add3A_61 = arith.constant 78 : i32
      %add3A_62 = arith.addi %add3A_13, %add3A_61 : i32
      %run_scoped3A_63 = arith.constant 1 : i32
      "tpu.region"() ({
        %run_scoped3A_64 = tpu.sem_alloc : memref<!tpu.dma_semaphore, #tpu.memory_space<semaphore_mem>>
        %dma_start3A = arith.constant 78 : i32
        %dma_start3A_65 = arith.constant 0 : i32
        %dma_start3A_66 = tpu.memref_slice %arg7[%dma_start3A, %dma_start3A_65] : memref<80x128xi32, #tpu.memory_space<vmem>> -> memref<2x128xi32, #tpu.memory_space<vmem>>
        %dma_start3A_67 = arith.constant 0 : i32
        %dma_start3A_68 = tpu.memref_slice %arg2[%run_scoped3A_63, %add3A_62, %dma_start3A_67] : memref<2x2500x128xi32, #tpu.memory_space<hbm>> -> memref<1x2x128xi32, #tpu.memory_space<hbm>>
        %dma_start3A_69 = tpu.memref_squeeze %dma_start3A_68 : memref<1x2x128xi32, #tpu.memory_space<hbm>> -> memref<2x128xi32, #tpu.memory_space<hbm>>
        %dma_start3A_70 = arith.constant 78 : i32
        %dma_start3A_71 = arith.constant 0 : i32
        %dma_start3A_72 = tpu.memref_slice %arg7[%dma_start3A_70, %dma_start3A_71] : memref<80x128xi32, #tpu.memory_space<vmem>> -> memref<2x128xi32, #tpu.memory_space<vmem>>
        %dma_start3A_73 = arith.constant 0 : i32
        %dma_start3A_74 = tpu.memref_slice %arg2[%run_scoped3A_63, %add3A_62, %dma_start3A_73] : memref<2x2500x128xi32, #tpu.memory_space<hbm>> -> memref<1x2x128xi32, #tpu.memory_space<hbm>>
        %dma_start3A_75 = tpu.memref_squeeze %dma_start3A_74 : memref<1x2x128xi32, #tpu.memory_space<hbm>> -> memref<2x128xi32, #tpu.memory_space<hbm>>
        tpu.enqueue_dma source(%dma_start3A_75 : memref<2x128xi32, #tpu.memory_space<hbm>>) target(%dma_start3A_72 : memref<2x128xi32, #tpu.memory_space<vmem>>) target_semaphore(%run_scoped3A_64 : memref<!tpu.dma_semaphore, #tpu.memory_space<semaphore_mem>>)
        %dma_wait3A = arith.constant 78 : i32
        %dma_wait3A_76 = arith.constant 0 : i32
        %dma_wait3A_77 = tpu.memref_slice %arg7[%dma_wait3A, %dma_wait3A_76] : memref<80x128xi32, #tpu.memory_space<vmem>> -> memref<2x128xi32, #tpu.memory_space<vmem>>
        %dma_wait3A_78 = arith.constant 0 : i32
        %dma_wait3A_79 = tpu.memref_slice %arg2[%run_scoped3A_63, %add3A_62, %dma_wait3A_78] : memref<2x2500x128xi32, #tpu.memory_space<hbm>> -> memref<1x2x128xi32, #tpu.memory_space<hbm>>
        %dma_wait3A_80 = tpu.memref_squeeze %dma_wait3A_79 : memref<1x2x128xi32, #tpu.memory_space<hbm>> -> memref<2x128xi32, #tpu.memory_space<hbm>>
        %dma_wait3A_81 = arith.constant 78 : i32
        %dma_wait3A_82 = arith.constant 0 : i32
        %dma_wait3A_83 = tpu.memref_slice %arg7[%dma_wait3A_81, %dma_wait3A_82] : memref<80x128xi32, #tpu.memory_space<vmem>> -> memref<2x128xi32, #tpu.memory_space<vmem>>
        %dma_wait3A_84 = arith.constant 0 : i32
        %dma_wait3A_85 = tpu.memref_slice %arg2[%run_scoped3A_63, %add3A_62, %dma_wait3A_84] : memref<2x2500x128xi32, #tpu.memory_space<hbm>> -> memref<1x2x128xi32, #tpu.memory_space<hbm>>
        %dma_wait3A_86 = tpu.memref_squeeze %dma_wait3A_85 : memref<1x2x128xi32, #tpu.memory_space<hbm>> -> memref<2x128xi32, #tpu.memory_space<hbm>>
        tpu.wait_dma2 semaphore(%run_scoped3A_64 : memref<!tpu.dma_semaphore, #tpu.memory_space<semaphore_mem>>) src(%dma_wait3A_86 : memref<2x128xi32, #tpu.memory_space<hbm>>) dst(%dma_wait3A_83 : memref<2x128xi32, #tpu.memory_space<vmem>>)
        tpu.yield
      }) : () -> ()
    } else {
    }
    %sub3A_42 = arith.constant 0 : i32
    %sub3A_43 = arith.subi %add3A_17, %sub3A_42 : i32
    %sub3A_44 = arith.constant 1 : i32
    %sub3A_45 = arith.constant 1 : i32
    %sub3A_46 = arith.subi %sub3A_44, %sub3A_45 : i32
    %add3A_47 = arith.addi %sub3A_43, %sub3A_46 : i32
    %div3A_48 = arith.constant 1 : i32
    %div3A_49 = arith.divsi %add3A_47, %div3A_48 : i32
    %while3A_50 = arith.constant 1 : i32
    %while3A_51 = arith.constant 0 : i32
    %while3A_52 = arith.constant 0 : i32
    %while3A_53 = arith.subi %div3A_49, %while3A_52 : i32
    %while3A_54 = arith.addi %while3A_52, %while3A_53 : i32
    %while3A_55 = arith.constant 1 : i32
    %while3A_56 = arith.divsi %while3A_53, %while3A_55 : i32
    %while3A_57 = arith.muli %while3A_56, %while3A_55 : i32
    %while3A_58 = arith.addi %while3A_52, %while3A_57 : i32
    %while3A_59 = arith.constant 1 : i32
    scf.for %while3A_61 = %while3A_52 to %while3A_58 step %while3A_59  : i32 {
      %mul3A_62 = arith.muli %while3A_61, %while3A_50 : i32
      %add3A_63 = arith.addi %while3A_51, %mul3A_62 : i32
      %scan3A_64 = arith.constant 0 : i32
      %mul3A_65 = arith.constant 1 : i32
      %mul3A_66 = arith.muli %scan3A_64, %mul3A_65 : i32
      %add3A_67 = arith.constant 0 : i32
      %add3A_68 = arith.addi %add3A_67, %mul3A_66 : i32
      %mul3A_69 = arith.constant 16 : i32
      %mul3A_70 = arith.muli %add3A_68, %mul3A_69 : i32
      %get3A = arith.index_cast %add3A_63 : i32 to index
      %get3A_71 = arith.index_cast %mul3A_70 : i32 to index
      %get3A_72 = tpu.vector_load %arg7[%get3A, %get3A_71] {strides = array<i32>} : memref<80x128xi32, #tpu.memory_space<vmem>>, vector<16xi32>,
      tpu.vector_store_idx %arg6[%get3A_72], %broadcast_in_dim3A_3 {add = true} : memref<10240xf32, #tpu.memory_space<vmem>>[vector<16xi32>], vector<16xf32>,
      %scan3A_73 = arith.constant 1 : i32
      %mul3A_74 = arith.constant 1 : i32
      %mul3A_75 = arith.muli %scan3A_73, %mul3A_74 : i32
      %add3A_76 = arith.constant 0 : i32
      %add3A_77 = arith.addi %add3A_76, %mul3A_75 : i32
      %mul3A_78 = arith.constant 16 : i32
      %mul3A_79 = arith.muli %add3A_77, %mul3A_78 : i32
      %get3A_80 = arith.index_cast %add3A_63 : i32 to index
      %get3A_81 = arith.index_cast %mul3A_79 : i32 to index
      %get3A_82 = tpu.vector_load %arg7[%get3A_80, %get3A_81] {strides = array<i32>} : memref<80x128xi32, #tpu.memory_space<vmem>>, vector<16xi32>,
      tpu.vector_store_idx %arg6[%get3A_82], %broadcast_in_dim3A_3 {add = true} : memref<10240xf32, #tpu.memory_space<vmem>>[vector<16xi32>], vector<16xf32>,
      %scan3A_83 = arith.constant 2 : i32
      %mul3A_84 = arith.constant 1 : i32
      %mul3A_85 = arith.muli %scan3A_83, %mul3A_84 : i32
      %add3A_86 = arith.constant 0 : i32
      %add3A_87 = arith.addi %add3A_86, %mul3A_85 : i32
      %mul3A_88 = arith.constant 16 : i32
      %mul3A_89 = arith.muli %add3A_87, %mul3A_88 : i32
      %get3A_90 = arith.index_cast %add3A_63 : i32 to index
      %get3A_91 = arith.index_cast %mul3A_89 : i32 to index
      %get3A_92 = tpu.vector_load %arg7[%get3A_90, %get3A_91] {strides = array<i32>} : memref<80x128xi32, #tpu.memory_space<vmem>>, vector<16xi32>,
      tpu.vector_store_idx %arg6[%get3A_92], %broadcast_in_dim3A_3 {add = true} : memref<10240xf32, #tpu.memory_space<vmem>>[vector<16xi32>], vector<16xf32>,
      %scan3A_93 = arith.constant 3 : i32
      %mul3A_94 = arith.constant 1 : i32
      %mul3A_95 = arith.muli %scan3A_93, %mul3A_94 : i32
      %add3A_96 = arith.constant 0 : i32
      %add3A_97 = arith.addi %add3A_96, %mul3A_95 : i32
      %mul3A_98 = arith.constant 16 : i32
      %mul3A_99 = arith.muli %add3A_97, %mul3A_98 : i32
      %get3A_100 = arith.index_cast %add3A_63 : i32 to index
      %get3A_101 = arith.index_cast %mul3A_99 : i32 to index
      %get3A_102 = tpu.vector_load %arg7[%get3A_100, %get3A_101] {strides = array<i32>} : memref<80x128xi32, #tpu.memory_space<vmem>>, vector<16xi32>,
      tpu.vector_store_idx %arg6[%get3A_102], %broadcast_in_dim3A_3 {add = true} : memref<10240xf32, #tpu.memory_space<vmem>>[vector<16xi32>], vector<16xf32>,
      %scan3A_103 = arith.constant 4 : i32
      %mul3A_104 = arith.constant 1 : i32
      %mul3A_105 = arith.muli %scan3A_103, %mul3A_104 : i32
      %add3A_106 = arith.constant 0 : i32
      %add3A_107 = arith.addi %add3A_106, %mul3A_105 : i32
      %mul3A_108 = arith.constant 16 : i32
      %mul3A_109 = arith.muli %add3A_107, %mul3A_108 : i32
      %get3A_110 = arith.index_cast %add3A_63 : i32 to index
      %get3A_111 = arith.index_cast %mul3A_109 : i32 to index
      %get3A_112 = tpu.vector_load %arg7[%get3A_110, %get3A_111] {strides = array<i32>} : memref<80x128xi32, #tpu.memory_space<vmem>>, vector<16xi32>,
      tpu.vector_store_idx %arg6[%get3A_112], %broadcast_in_dim3A_3 {add = true} : memref<10240xf32, #tpu.memory_space<vmem>>[vector<16xi32>], vector<16xf32>,
      %scan3A_113 = arith.constant 5 : i32
      %mul3A_114 = arith.constant 1 : i32
      %mul3A_115 = arith.muli %scan3A_113, %mul3A_114 : i32
      %add3A_116 = arith.constant 0 : i32
      %add3A_117 = arith.addi %add3A_116, %mul3A_115 : i32
      %mul3A_118 = arith.constant 16 : i32
      %mul3A_119 = arith.muli %add3A_117, %mul3A_118 : i32
      %get3A_120 = arith.index_cast %add3A_63 : i32 to index
      %get3A_121 = arith.index_cast %mul3A_119 : i32 to index
      %get3A_122 = tpu.vector_load %arg7[%get3A_120, %get3A_121] {strides = array<i32>} : memref<80x128xi32, #tpu.memory_space<vmem>>, vector<16xi32>,
      tpu.vector_store_idx %arg6[%get3A_122], %broadcast_in_dim3A_3 {add = true} : memref<10240xf32, #tpu.memory_space<vmem>>[vector<16xi32>], vector<16xf32>,
      %scan3A_123 = arith.constant 6 : i32
      %mul3A_124 = arith.constant 1 : i32
      %mul3A_125 = arith.muli %scan3A_123, %mul3A_124 : i32
      %add3A_126 = arith.constant 0 : i32
      %add3A_127 = arith.addi %add3A_126, %mul3A_125 : i32
      %mul3A_128 = arith.constant 16 : i32
      %mul3A_129 = arith.muli %add3A_127, %mul3A_128 : i32
      %get3A_130 = arith.index_cast %add3A_63 : i32 to index
      %get3A_131 = arith.index_cast %mul3A_129 : i32 to index
      %get3A_132 = tpu.vector_load %arg7[%get3A_130, %get3A_131] {strides = array<i32>} : memref<80x128xi32, #tpu.memory_space<vmem>>, vector<16xi32>,
      tpu.vector_store_idx %arg6[%get3A_132], %broadcast_in_dim3A_3 {add = true} : memref<10240xf32, #tpu.memory_space<vmem>>[vector<16xi32>], vector<16xf32>,
      %scan3A_133 = arith.constant 7 : i32
      %mul3A_134 = arith.constant 1 : i32
      %mul3A_135 = arith.muli %scan3A_133, %mul3A_134 : i32
      %add3A_136 = arith.constant 0 : i32
      %add3A_137 = arith.addi %add3A_136, %mul3A_135 : i32
      %mul3A_138 = arith.constant 16 : i32
      %mul3A_139 = arith.muli %add3A_137, %mul3A_138 : i32
      %get3A_140 = arith.index_cast %add3A_63 : i32 to index
      %get3A_141 = arith.index_cast %mul3A_139 : i32 to index
      %get3A_142 = tpu.vector_load %arg7[%get3A_140, %get3A_141] {strides = array<i32>} : memref<80x128xi32, #tpu.memory_space<vmem>>, vector<16xi32>,
      tpu.vector_store_idx %arg6[%get3A_142], %broadcast_in_dim3A_3 {add = true} : memref<10240xf32, #tpu.memory_space<vmem>>[vector<16xi32>], vector<16xf32>,
      %scan3A_143 = arith.constant 8 : i32
    }
    %while3A_60 = arith.constant 1 : i32
    scf.for %while3A_61 = %while3A_58 to %while3A_54 step %while3A_60  : i32 {
      %mul3A_62 = arith.muli %while3A_61, %while3A_50 : i32
      %add3A_63 = arith.addi %while3A_51, %mul3A_62 : i32
      %scan3A_64 = arith.constant 0 : i32
      %mul3A_65 = arith.constant 1 : i32
      %mul3A_66 = arith.muli %scan3A_64, %mul3A_65 : i32
      %add3A_67 = arith.constant 0 : i32
      %add3A_68 = arith.addi %add3A_67, %mul3A_66 : i32
      %mul3A_69 = arith.constant 16 : i32
      %mul3A_70 = arith.muli %add3A_68, %mul3A_69 : i32
      %get3A = arith.index_cast %add3A_63 : i32 to index
      %get3A_71 = arith.index_cast %mul3A_70 : i32 to index
      %get3A_72 = tpu.vector_load %arg7[%get3A, %get3A_71] {strides = array<i32>} : memref<80x128xi32, #tpu.memory_space<vmem>>, vector<16xi32>,
      tpu.vector_store_idx %arg6[%get3A_72], %broadcast_in_dim3A_3 {add = true} : memref<10240xf32, #tpu.memory_space<vmem>>[vector<16xi32>], vector<16xf32>,
      %scan3A_73 = arith.constant 1 : i32
      %mul3A_74 = arith.constant 1 : i32
      %mul3A_75 = arith.muli %scan3A_73, %mul3A_74 : i32
      %add3A_76 = arith.constant 0 : i32
      %add3A_77 = arith.addi %add3A_76, %mul3A_75 : i32
      %mul3A_78 = arith.constant 16 : i32
      %mul3A_79 = arith.muli %add3A_77, %mul3A_78 : i32
      %get3A_80 = arith.index_cast %add3A_63 : i32 to index
      %get3A_81 = arith.index_cast %mul3A_79 : i32 to index
      %get3A_82 = tpu.vector_load %arg7[%get3A_80, %get3A_81] {strides = array<i32>} : memref<80x128xi32, #tpu.memory_space<vmem>>, vector<16xi32>,
      tpu.vector_store_idx %arg6[%get3A_82], %broadcast_in_dim3A_3 {add = true} : memref<10240xf32, #tpu.memory_space<vmem>>[vector<16xi32>], vector<16xf32>,
      %scan3A_83 = arith.constant 2 : i32
      %mul3A_84 = arith.constant 1 : i32
      %mul3A_85 = arith.muli %scan3A_83, %mul3A_84 : i32
      %add3A_86 = arith.constant 0 : i32
      %add3A_87 = arith.addi %add3A_86, %mul3A_85 : i32
      %mul3A_88 = arith.constant 16 : i32
      %mul3A_89 = arith.muli %add3A_87, %mul3A_88 : i32
      %get3A_90 = arith.index_cast %add3A_63 : i32 to index
      %get3A_91 = arith.index_cast %mul3A_89 : i32 to index
      %get3A_92 = tpu.vector_load %arg7[%get3A_90, %get3A_91] {strides = array<i32>} : memref<80x128xi32, #tpu.memory_space<vmem>>, vector<16xi32>,
      tpu.vector_store_idx %arg6[%get3A_92], %broadcast_in_dim3A_3 {add = true} : memref<10240xf32, #tpu.memory_space<vmem>>[vector<16xi32>], vector<16xf32>,
      %scan3A_93 = arith.constant 3 : i32
      %mul3A_94 = arith.constant 1 : i32
      %mul3A_95 = arith.muli %scan3A_93, %mul3A_94 : i32
      %add3A_96 = arith.constant 0 : i32
      %add3A_97 = arith.addi %add3A_96, %mul3A_95 : i32
      %mul3A_98 = arith.constant 16 : i32
      %mul3A_99 = arith.muli %add3A_97, %mul3A_98 : i32
      %get3A_100 = arith.index_cast %add3A_63 : i32 to index
      %get3A_101 = arith.index_cast %mul3A_99 : i32 to index
      %get3A_102 = tpu.vector_load %arg7[%get3A_100, %get3A_101] {strides = array<i32>} : memref<80x128xi32, #tpu.memory_space<vmem>>, vector<16xi32>,
      tpu.vector_store_idx %arg6[%get3A_102], %broadcast_in_dim3A_3 {add = true} : memref<10240xf32, #tpu.memory_space<vmem>>[vector<16xi32>], vector<16xf32>,
      %scan3A_103 = arith.constant 4 : i32
      %mul3A_104 = arith.constant 1 : i32
      %mul3A_105 = arith.muli %scan3A_103, %mul3A_104 : i32
      %add3A_106 = arith.constant 0 : i32
      %add3A_107 = arith.addi %add3A_106, %mul3A_105 : i32
      %mul3A_108 = arith.constant 16 : i32
      %mul3A_109 = arith.muli %add3A_107, %mul3A_108 : i32
      %get3A_110 = arith.index_cast %add3A_63 : i32 to index
      %get3A_111 = arith.index_cast %mul3A_109 : i32 to index
      %get3A_112 = tpu.vector_load %arg7[%get3A_110, %get3A_111] {strides = array<i32>} : memref<80x128xi32, #tpu.memory_space<vmem>>, vector<16xi32>,
      tpu.vector_store_idx %arg6[%get3A_112], %broadcast_in_dim3A_3 {add = true} : memref<10240xf32, #tpu.memory_space<vmem>>[vector<16xi32>], vector<16xf32>,
      %scan3A_113 = arith.constant 5 : i32
      %mul3A_114 = arith.constant 1 : i32
      %mul3A_115 = arith.muli %scan3A_113, %mul3A_114 : i32
      %add3A_116 = arith.constant 0 : i32
      %add3A_117 = arith.addi %add3A_116, %mul3A_115 : i32
      %mul3A_118 = arith.constant 16 : i32
      %mul3A_119 = arith.muli %add3A_117, %mul3A_118 : i32
      %get3A_120 = arith.index_cast %add3A_63 : i32 to index
      %get3A_121 = arith.index_cast %mul3A_119 : i32 to index
      %get3A_122 = tpu.vector_load %arg7[%get3A_120, %get3A_121] {strides = array<i32>} : memref<80x128xi32, #tpu.memory_space<vmem>>, vector<16xi32>,
      tpu.vector_store_idx %arg6[%get3A_122], %broadcast_in_dim3A_3 {add = true} : memref<10240xf32, #tpu.memory_space<vmem>>[vector<16xi32>], vector<16xf32>,
      %scan3A_123 = arith.constant 6 : i32
      %mul3A_124 = arith.constant 1 : i32
      %mul3A_125 = arith.muli %scan3A_123, %mul3A_124 : i32
      %add3A_126 = arith.constant 0 : i32
      %add3A_127 = arith.addi %add3A_126, %mul3A_125 : i32
      %mul3A_128 = arith.constant 16 : i32
      %mul3A_129 = arith.muli %add3A_127, %mul3A_128 : i32
      %get3A_130 = arith.index_cast %add3A_63 : i32 to index
      %get3A_131 = arith.index_cast %mul3A_129 : i32 to index
      %get3A_132 = tpu.vector_load %arg7[%get3A_130, %get3A_131] {strides = array<i32>} : memref<80x128xi32, #tpu.memory_space<vmem>>, vector<16xi32>,
      tpu.vector_store_idx %arg6[%get3A_132], %broadcast_in_dim3A_3 {add = true} : memref<10240xf32, #tpu.memory_space<vmem>>[vector<16xi32>], vector<16xf32>,
      %scan3A_133 = arith.constant 7 : i32
      %mul3A_134 = arith.constant 1 : i32
      %mul3A_135 = arith.muli %scan3A_133, %mul3A_134 : i32
      %add3A_136 = arith.constant 0 : i32
      %add3A_137 = arith.addi %add3A_136, %mul3A_135 : i32
      %mul3A_138 = arith.constant 16 : i32
      %mul3A_139 = arith.muli %add3A_137, %mul3A_138 : i32
      %get3A_140 = arith.index_cast %add3A_63 : i32 to index
      %get3A_141 = arith.index_cast %mul3A_139 : i32 to index
      %get3A_142 = tpu.vector_load %arg7[%get3A_140, %get3A_141] {strides = array<i32>} : memref<80x128xi32, #tpu.memory_space<vmem>>, vector<16xi32>,
      tpu.vector_store_idx %arg6[%get3A_142], %broadcast_in_dim3A_3 {add = true} : memref<10240xf32, #tpu.memory_space<vmem>>[vector<16xi32>], vector<16xf32>,
      %scan3A_143 = arith.constant 8 : i32
    }
    "tpu.region"() ({
      %run_scoped3A_61 = tpu.sem_alloc : memref<!tpu.dma_semaphore, #tpu.memory_space<semaphore_mem>>
      %dma_start3A = arith.constant 0 : i32
      %dma_start3A_62 = tpu.memref_slice %arg3[%add3A, %dma_start3A] : memref<32x10240xf32, #tpu.memory_space<hbm>> -> memref<1x10240xf32, #tpu.memory_space<hbm>>
      %dma_start3A_63 = tpu.memref_squeeze %dma_start3A_62 : memref<1x10240xf32, #tpu.memory_space<hbm>> -> memref<10240xf32, #tpu.memory_space<hbm>>
      %dma_start3A_64 = arith.constant 0 : i32
      %dma_start3A_65 = tpu.memref_slice %arg3[%add3A, %dma_start3A_64] : memref<32x10240xf32, #tpu.memory_space<hbm>> -> memref<1x10240xf32, #tpu.memory_space<hbm>>
      %dma_start3A_66 = tpu.memref_squeeze %dma_start3A_65 : memref<1x10240xf32, #tpu.memory_space<hbm>> -> memref<10240xf32, #tpu.memory_space<hbm>>
      tpu.enqueue_dma source(%arg5 : memref<10240xf32, #tpu.memory_space<vmem>>) target(%dma_start3A_66 : memref<10240xf32, #tpu.memory_space<hbm>>) target_semaphore(%run_scoped3A_61 : memref<!tpu.dma_semaphore, #tpu.memory_space<semaphore_mem>>)
      %dma_wait3A = arith.constant 0 : i32
      %dma_wait3A_67 = tpu.memref_slice %arg3[%add3A, %dma_wait3A] : memref<32x10240xf32, #tpu.memory_space<hbm>> -> memref<1x10240xf32, #tpu.memory_space<hbm>>
      %dma_wait3A_68 = tpu.memref_squeeze %dma_wait3A_67 : memref<1x10240xf32, #tpu.memory_space<hbm>> -> memref<10240xf32, #tpu.memory_space<hbm>>
      %dma_wait3A_69 = arith.constant 0 : i32
      %dma_wait3A_70 = tpu.memref_slice %arg3[%add3A, %dma_wait3A_69] : memref<32x10240xf32, #tpu.memory_space<hbm>> -> memref<1x10240xf32, #tpu.memory_space<hbm>>
      %dma_wait3A_71 = tpu.memref_squeeze %dma_wait3A_70 : memref<1x10240xf32, #tpu.memory_space<hbm>> -> memref<10240xf32, #tpu.memory_space<hbm>>
      tpu.wait_dma2 semaphore(%run_scoped3A_61 : memref<!tpu.dma_semaphore, #tpu.memory_space<semaphore_mem>>) src(%arg5 : memref<10240xf32, #tpu.memory_space<vmem>>) dst(%dma_wait3A_71 : memref<10240xf32, #tpu.memory_space<hbm>>)
      tpu.yield
    }) : () -> ()
    "tpu.region"() ({
      %run_scoped3A_61 = tpu.sem_alloc : memref<!tpu.dma_semaphore, #tpu.memory_space<semaphore_mem>>
      %dma_start3A = arith.constant 0 : i32
      %dma_start3A_62 = tpu.memref_slice %arg4[%add3A, %dma_start3A] : memref<32x10240xf32, #tpu.memory_space<hbm>> -> memref<1x10240xf32, #tpu.memory_space<hbm>>
      %dma_start3A_63 = tpu.memref_squeeze %dma_start3A_62 : memref<1x10240xf32, #tpu.memory_space<hbm>> -> memref<10240xf32, #tpu.memory_space<hbm>>
      %dma_start3A_64 = arith.constant 0 : i32
      %dma_start3A_65 = tpu.memref_slice %arg4[%add3A, %dma_start3A_64] : memref<32x10240xf32, #tpu.memory_space<hbm>> -> memref<1x10240xf32, #tpu.memory_space<hbm>>
      %dma_start3A_66 = tpu.memref_squeeze %dma_start3A_65 : memref<1x10240xf32, #tpu.memory_space<hbm>> -> memref<10240xf32, #tpu.memory_space<hbm>>
      tpu.enqueue_dma source(%arg6 : memref<10240xf32, #tpu.memory_space<vmem>>) target(%dma_start3A_66 : memref<10240xf32, #tpu.memory_space<hbm>>) target_semaphore(%run_scoped3A_61 : memref<!tpu.dma_semaphore, #tpu.memory_space<semaphore_mem>>)
      %dma_wait3A = arith.constant 0 : i32
      %dma_wait3A_67 = tpu.memref_slice %arg4[%add3A, %dma_wait3A] : memref<32x10240xf32, #tpu.memory_space<hbm>> -> memref<1x10240xf32, #tpu.memory_space<hbm>>
      %dma_wait3A_68 = tpu.memref_squeeze %dma_wait3A_67 : memref<1x10240xf32, #tpu.memory_space<hbm>> -> memref<10240xf32, #tpu.memory_space<hbm>>
      %dma_wait3A_69 = arith.constant 0 : i32
      %dma_wait3A_70 = tpu.memref_slice %arg4[%add3A, %dma_wait3A_69] : memref<32x10240xf32, #tpu.memory_space<hbm>> -> memref<1x10240xf32, #tpu.memory_space<hbm>>
      %dma_wait3A_71 = tpu.memref_squeeze %dma_wait3A_70 : memref<1x10240xf32, #tpu.memory_space<hbm>> -> memref<10240xf32, #tpu.memory_space<hbm>>
      tpu.wait_dma2 semaphore(%run_scoped3A_61 : memref<!tpu.dma_semaphore, #tpu.memory_space<semaphore_mem>>) src(%arg6 : memref<10240xf32, #tpu.memory_space<vmem>>) dst(%dma_wait3A_71 : memref<10240xf32, #tpu.memory_space<hbm>>)
      tpu.yield
    }) : () -> ()
    return
  }
}

#map = affine_map<(d0, d1) -> (0, 0)>
#map1 = affine_map<(d0, d1) -> (0, 0, 0)>
module attributes {stable_mosaic.version = 14 : i64} {
  func.func @_sc_aggregate(%arg0: i32, %arg1: i32, %arg2: memref<10240x64xf32, #tpu.memory_space<hbm>>, %arg3: memref<2x2500x128xi32, #tpu.memory_space<hbm>>, %arg4: memref<2x10240x64xf32, #tpu.memory_space<hbm>>, %arg5: memref<128x64xf32, #tpu.memory_space<vmem>>, %arg6: memref<128x64xf32, #tpu.memory_space<vmem>>, %arg7: memref<128x64xf32, #tpu.memory_space<vmem>>, %arg8: memref<128x64xf32, #tpu.memory_space<vmem>>, %arg9: memref<128x64xf32, #tpu.memory_space<vmem>>, %arg10: memref<128x64xf32, #tpu.memory_space<vmem>>, %arg11: memref<80x128xi32, #tpu.memory_space<vmem>>, %arg12: memref<80x128xi32, #tpu.memory_space<vmem>>, %arg13: memref<10240x64xf32, #tpu.memory_space<vmem_shared>>, %arg14: memref<!tpu.dma_semaphore, #tpu.memory_space<semaphore_mem>>, %arg15: memref<!tpu.dma_semaphore, #tpu.memory_space<semaphore_mem>>, %arg16: memref<!tpu.dma_semaphore, #tpu.memory_space<semaphore_mem>>, %arg17: memref<!tpu.dma_semaphore, #tpu.memory_space<semaphore_mem>>, %arg18: memref<!tpu.dma_semaphore, #tpu.memory_space<semaphore_mem>>, %arg19: memref<!tpu.dma_semaphore, #tpu.memory_space<semaphore_mem>>) attributes {dimension_semantics = [#tpu.dimension_semantics<core_parallel>, #tpu.dimension_semantics<subcore_parallel>], iteration_bounds = array<i64: 2, 16>, scalar_prefetch = 0 : i64, scratch_operands = 15 : i64, tpu.core_type = #tpu.core_type<sc_vector_subcore>, window_params = [{transform_indices = #map}, {transform_indices = #map1}, {transform_indices = #map1}]} {
    %mul3A = arith.constant 16 : i32
    %mul3A_0 = arith.muli %arg0, %mul3A : i32
    %add3A = arith.addi %mul3A_0, %arg1 : i32
    %broadcast_in_dim3A = arith.constant 0.000000e+00 : f32
    %broadcast_in_dim3A_1 = vector.broadcast %broadcast_in_dim3A : f32 to vector<16xf32>
    %mul3A_2 = arith.constant 78 : i32
    %mul3A_3 = arith.muli %mul3A_2, %add3A : i32
    %min3A = arith.constant 2 : i32
    %min3A_4 = arith.minsi %add3A, %min3A : i32
    %mul3A_5 = arith.constant 2 : i32
    %mul3A_6 = arith.muli %mul3A_5, %min3A_4 : i32
    %add3A_7 = arith.addi %mul3A_3, %mul3A_6 : i32
    %lt3A = arith.constant 2 : i32
    %lt3A_8 = arith.cmpi slt, %add3A, %lt3A : i32
    %run_scoped3A = arith.constant 0 : i32
    "tpu.region"() ({
      %run_scoped3A_70 = tpu.sem_alloc : memref<!tpu.dma_semaphore, #tpu.memory_space<semaphore_mem>>
      %dma_start3A_71 = arith.constant 0 : i32
      %dma_start3A_72 = arith.constant 0 : i32
      %dma_start3A_73 = tpu.memref_slice %arg11[%dma_start3A_71, %dma_start3A_72] : memref<80x128xi32, #tpu.memory_space<vmem>> -> memref<78x128xi32, #tpu.memory_space<vmem>>
      %dma_start3A_74 = arith.constant 0 : i32
      %dma_start3A_75 = tpu.memref_slice %arg3[%run_scoped3A, %add3A_7, %dma_start3A_74] : memref<2x2500x128xi32, #tpu.memory_space<hbm>> -> memref<1x78x128xi32, #tpu.memory_space<hbm>>
      %dma_start3A_76 = tpu.memref_squeeze %dma_start3A_75 : memref<1x78x128xi32, #tpu.memory_space<hbm>> -> memref<78x128xi32, #tpu.memory_space<hbm>>
      %dma_start3A_77 = arith.constant 0 : i32
      %dma_start3A_78 = arith.constant 0 : i32
      %dma_start3A_79 = tpu.memref_slice %arg11[%dma_start3A_77, %dma_start3A_78] : memref<80x128xi32, #tpu.memory_space<vmem>> -> memref<78x128xi32, #tpu.memory_space<vmem>>
      %dma_start3A_80 = arith.constant 0 : i32
      %dma_start3A_81 = tpu.memref_slice %arg3[%run_scoped3A, %add3A_7, %dma_start3A_80] : memref<2x2500x128xi32, #tpu.memory_space<hbm>> -> memref<1x78x128xi32, #tpu.memory_space<hbm>>
      %dma_start3A_82 = tpu.memref_squeeze %dma_start3A_81 : memref<1x78x128xi32, #tpu.memory_space<hbm>> -> memref<78x128xi32, #tpu.memory_space<hbm>>
      tpu.enqueue_dma source(%dma_start3A_82 : memref<78x128xi32, #tpu.memory_space<hbm>>) target(%dma_start3A_79 : memref<78x128xi32, #tpu.memory_space<vmem>>) target_semaphore(%run_scoped3A_70 : memref<!tpu.dma_semaphore, #tpu.memory_space<semaphore_mem>>)
      %dma_wait3A = arith.constant 0 : i32
      %dma_wait3A_83 = arith.constant 0 : i32
      %dma_wait3A_84 = tpu.memref_slice %arg11[%dma_wait3A, %dma_wait3A_83] : memref<80x128xi32, #tpu.memory_space<vmem>> -> memref<78x128xi32, #tpu.memory_space<vmem>>
      %dma_wait3A_85 = arith.constant 0 : i32
      %dma_wait3A_86 = tpu.memref_slice %arg3[%run_scoped3A, %add3A_7, %dma_wait3A_85] : memref<2x2500x128xi32, #tpu.memory_space<hbm>> -> memref<1x78x128xi32, #tpu.memory_space<hbm>>
      %dma_wait3A_87 = tpu.memref_squeeze %dma_wait3A_86 : memref<1x78x128xi32, #tpu.memory_space<hbm>> -> memref<78x128xi32, #tpu.memory_space<hbm>>
      %dma_wait3A_88 = arith.constant 0 : i32
      %dma_wait3A_89 = arith.constant 0 : i32
      %dma_wait3A_90 = tpu.memref_slice %arg11[%dma_wait3A_88, %dma_wait3A_89] : memref<80x128xi32, #tpu.memory_space<vmem>> -> memref<78x128xi32, #tpu.memory_space<vmem>>
      %dma_wait3A_91 = arith.constant 0 : i32
      %dma_wait3A_92 = tpu.memref_slice %arg3[%run_scoped3A, %add3A_7, %dma_wait3A_91] : memref<2x2500x128xi32, #tpu.memory_space<hbm>> -> memref<1x78x128xi32, #tpu.memory_space<hbm>>
      %dma_wait3A_93 = tpu.memref_squeeze %dma_wait3A_92 : memref<1x78x128xi32, #tpu.memory_space<hbm>> -> memref<78x128xi32, #tpu.memory_space<hbm>>
      tpu.wait_dma2 semaphore(%run_scoped3A_70 : memref<!tpu.dma_semaphore, #tpu.memory_space<semaphore_mem>>) src(%dma_wait3A_93 : memref<78x128xi32, #tpu.memory_space<hbm>>) dst(%dma_wait3A_90 : memref<78x128xi32, #tpu.memory_space<vmem>>)
      tpu.yield
    }) : () -> ()
    %run_scoped3A_9 = arith.constant 1 : i32
    "tpu.region"() ({
      %run_scoped3A_70 = tpu.sem_alloc : memref<!tpu.dma_semaphore, #tpu.memory_space<semaphore_mem>>
      %dma_start3A_71 = arith.constant 0 : i32
      %dma_start3A_72 = arith.constant 0 : i32
      %dma_start3A_73 = tpu.memref_slice %arg12[%dma_start3A_71, %dma_start3A_72] : memref<80x128xi32, #tpu.memory_space<vmem>> -> memref<78x128xi32, #tpu.memory_space<vmem>>
      %dma_start3A_74 = arith.constant 0 : i32
      %dma_start3A_75 = tpu.memref_slice %arg3[%run_scoped3A_9, %add3A_7, %dma_start3A_74] : memref<2x2500x128xi32, #tpu.memory_space<hbm>> -> memref<1x78x128xi32, #tpu.memory_space<hbm>>
      %dma_start3A_76 = tpu.memref_squeeze %dma_start3A_75 : memref<1x78x128xi32, #tpu.memory_space<hbm>> -> memref<78x128xi32, #tpu.memory_space<hbm>>
      %dma_start3A_77 = arith.constant 0 : i32
      %dma_start3A_78 = arith.constant 0 : i32
      %dma_start3A_79 = tpu.memref_slice %arg12[%dma_start3A_77, %dma_start3A_78] : memref<80x128xi32, #tpu.memory_space<vmem>> -> memref<78x128xi32, #tpu.memory_space<vmem>>
      %dma_start3A_80 = arith.constant 0 : i32
      %dma_start3A_81 = tpu.memref_slice %arg3[%run_scoped3A_9, %add3A_7, %dma_start3A_80] : memref<2x2500x128xi32, #tpu.memory_space<hbm>> -> memref<1x78x128xi32, #tpu.memory_space<hbm>>
      %dma_start3A_82 = tpu.memref_squeeze %dma_start3A_81 : memref<1x78x128xi32, #tpu.memory_space<hbm>> -> memref<78x128xi32, #tpu.memory_space<hbm>>
      tpu.enqueue_dma source(%dma_start3A_82 : memref<78x128xi32, #tpu.memory_space<hbm>>) target(%dma_start3A_79 : memref<78x128xi32, #tpu.memory_space<vmem>>) target_semaphore(%run_scoped3A_70 : memref<!tpu.dma_semaphore, #tpu.memory_space<semaphore_mem>>)
      %dma_wait3A = arith.constant 0 : i32
      %dma_wait3A_83 = arith.constant 0 : i32
      %dma_wait3A_84 = tpu.memref_slice %arg12[%dma_wait3A, %dma_wait3A_83] : memref<80x128xi32, #tpu.memory_space<vmem>> -> memref<78x128xi32, #tpu.memory_space<vmem>>
      %dma_wait3A_85 = arith.constant 0 : i32
      %dma_wait3A_86 = tpu.memref_slice %arg3[%run_scoped3A_9, %add3A_7, %dma_wait3A_85] : memref<2x2500x128xi32, #tpu.memory_space<hbm>> -> memref<1x78x128xi32, #tpu.memory_space<hbm>>
      %dma_wait3A_87 = tpu.memref_squeeze %dma_wait3A_86 : memref<1x78x128xi32, #tpu.memory_space<hbm>> -> memref<78x128xi32, #tpu.memory_space<hbm>>
      %dma_wait3A_88 = arith.constant 0 : i32
      %dma_wait3A_89 = arith.constant 0 : i32
      %dma_wait3A_90 = tpu.memref_slice %arg12[%dma_wait3A_88, %dma_wait3A_89] : memref<80x128xi32, #tpu.memory_space<vmem>> -> memref<78x128xi32, #tpu.memory_space<vmem>>
      %dma_wait3A_91 = arith.constant 0 : i32
      %dma_wait3A_92 = tpu.memref_slice %arg3[%run_scoped3A_9, %add3A_7, %dma_wait3A_91] : memref<2x2500x128xi32, #tpu.memory_space<hbm>> -> memref<1x78x128xi32, #tpu.memory_space<hbm>>
      %dma_wait3A_93 = tpu.memref_squeeze %dma_wait3A_92 : memref<1x78x128xi32, #tpu.memory_space<hbm>> -> memref<78x128xi32, #tpu.memory_space<hbm>>
      tpu.wait_dma2 semaphore(%run_scoped3A_70 : memref<!tpu.dma_semaphore, #tpu.memory_space<semaphore_mem>>) src(%dma_wait3A_93 : memref<78x128xi32, #tpu.memory_space<hbm>>) dst(%dma_wait3A_90 : memref<78x128xi32, #tpu.memory_space<vmem>>)
      tpu.yield
    }) : () -> ()
    %convert_element_type3A = arith.extui %lt3A_8 : i1 to i32
    %cond3A = arith.constant 0 : i32
    %cond3A_10 = arith.cmpi ne, %convert_element_type3A, %cond3A : i32
    scf.if %cond3A_10 {
      %add3A_70 = arith.constant 78 : i32
      %add3A_71 = arith.addi %add3A_7, %add3A_70 : i32
      %run_scoped3A_72 = arith.constant 0 : i32
      "tpu.region"() ({
        %run_scoped3A_76 = tpu.sem_alloc : memref<!tpu.dma_semaphore, #tpu.memory_space<semaphore_mem>>
        %dma_start3A_77 = arith.constant 78 : i32
        %dma_start3A_78 = arith.constant 0 : i32
        %dma_start3A_79 = tpu.memref_slice %arg11[%dma_start3A_77, %dma_start3A_78] : memref<80x128xi32, #tpu.memory_space<vmem>> -> memref<2x128xi32, #tpu.memory_space<vmem>>
        %dma_start3A_80 = arith.constant 0 : i32
        %dma_start3A_81 = tpu.memref_slice %arg3[%run_scoped3A_72, %add3A_71, %dma_start3A_80] : memref<2x2500x128xi32, #tpu.memory_space<hbm>> -> memref<1x2x128xi32, #tpu.memory_space<hbm>>
        %dma_start3A_82 = tpu.memref_squeeze %dma_start3A_81 : memref<1x2x128xi32, #tpu.memory_space<hbm>> -> memref<2x128xi32, #tpu.memory_space<hbm>>
        %dma_start3A_83 = arith.constant 78 : i32
        %dma_start3A_84 = arith.constant 0 : i32
        %dma_start3A_85 = tpu.memref_slice %arg11[%dma_start3A_83, %dma_start3A_84] : memref<80x128xi32, #tpu.memory_space<vmem>> -> memref<2x128xi32, #tpu.memory_space<vmem>>
        %dma_start3A_86 = arith.constant 0 : i32
        %dma_start3A_87 = tpu.memref_slice %arg3[%run_scoped3A_72, %add3A_71, %dma_start3A_86] : memref<2x2500x128xi32, #tpu.memory_space<hbm>> -> memref<1x2x128xi32, #tpu.memory_space<hbm>>
        %dma_start3A_88 = tpu.memref_squeeze %dma_start3A_87 : memref<1x2x128xi32, #tpu.memory_space<hbm>> -> memref<2x128xi32, #tpu.memory_space<hbm>>
        tpu.enqueue_dma source(%dma_start3A_88 : memref<2x128xi32, #tpu.memory_space<hbm>>) target(%dma_start3A_85 : memref<2x128xi32, #tpu.memory_space<vmem>>) target_semaphore(%run_scoped3A_76 : memref<!tpu.dma_semaphore, #tpu.memory_space<semaphore_mem>>)
        %dma_wait3A = arith.constant 78 : i32
        %dma_wait3A_89 = arith.constant 0 : i32
        %dma_wait3A_90 = tpu.memref_slice %arg11[%dma_wait3A, %dma_wait3A_89] : memref<80x128xi32, #tpu.memory_space<vmem>> -> memref<2x128xi32, #tpu.memory_space<vmem>>
        %dma_wait3A_91 = arith.constant 0 : i32
        %dma_wait3A_92 = tpu.memref_slice %arg3[%run_scoped3A_72, %add3A_71, %dma_wait3A_91] : memref<2x2500x128xi32, #tpu.memory_space<hbm>> -> memref<1x2x128xi32, #tpu.memory_space<hbm>>
        %dma_wait3A_93 = tpu.memref_squeeze %dma_wait3A_92 : memref<1x2x128xi32, #tpu.memory_space<hbm>> -> memref<2x128xi32, #tpu.memory_space<hbm>>
        %dma_wait3A_94 = arith.constant 78 : i32
        %dma_wait3A_95 = arith.constant 0 : i32
        %dma_wait3A_96 = tpu.memref_slice %arg11[%dma_wait3A_94, %dma_wait3A_95] : memref<80x128xi32, #tpu.memory_space<vmem>> -> memref<2x128xi32, #tpu.memory_space<vmem>>
        %dma_wait3A_97 = arith.constant 0 : i32
        %dma_wait3A_98 = tpu.memref_slice %arg3[%run_scoped3A_72, %add3A_71, %dma_wait3A_97] : memref<2x2500x128xi32, #tpu.memory_space<hbm>> -> memref<1x2x128xi32, #tpu.memory_space<hbm>>
        %dma_wait3A_99 = tpu.memref_squeeze %dma_wait3A_98 : memref<1x2x128xi32, #tpu.memory_space<hbm>> -> memref<2x128xi32, #tpu.memory_space<hbm>>
        tpu.wait_dma2 semaphore(%run_scoped3A_76 : memref<!tpu.dma_semaphore, #tpu.memory_space<semaphore_mem>>) src(%dma_wait3A_99 : memref<2x128xi32, #tpu.memory_space<hbm>>) dst(%dma_wait3A_96 : memref<2x128xi32, #tpu.memory_space<vmem>>)
        tpu.yield
      }) : () -> ()
      %add3A_73 = arith.constant 78 : i32
      %add3A_74 = arith.addi %add3A_7, %add3A_73 : i32
      %run_scoped3A_75 = arith.constant 1 : i32
      "tpu.region"() ({
        %run_scoped3A_76 = tpu.sem_alloc : memref<!tpu.dma_semaphore, #tpu.memory_space<semaphore_mem>>
        %dma_start3A_77 = arith.constant 78 : i32
        %dma_start3A_78 = arith.constant 0 : i32
        %dma_start3A_79 = tpu.memref_slice %arg12[%dma_start3A_77, %dma_start3A_78] : memref<80x128xi32, #tpu.memory_space<vmem>> -> memref<2x128xi32, #tpu.memory_space<vmem>>
        %dma_start3A_80 = arith.constant 0 : i32
        %dma_start3A_81 = tpu.memref_slice %arg3[%run_scoped3A_75, %add3A_74, %dma_start3A_80] : memref<2x2500x128xi32, #tpu.memory_space<hbm>> -> memref<1x2x128xi32, #tpu.memory_space<hbm>>
        %dma_start3A_82 = tpu.memref_squeeze %dma_start3A_81 : memref<1x2x128xi32, #tpu.memory_space<hbm>> -> memref<2x128xi32, #tpu.memory_space<hbm>>
        %dma_start3A_83 = arith.constant 78 : i32
        %dma_start3A_84 = arith.constant 0 : i32
        %dma_start3A_85 = tpu.memref_slice %arg12[%dma_start3A_83, %dma_start3A_84] : memref<80x128xi32, #tpu.memory_space<vmem>> -> memref<2x128xi32, #tpu.memory_space<vmem>>
        %dma_start3A_86 = arith.constant 0 : i32
        %dma_start3A_87 = tpu.memref_slice %arg3[%run_scoped3A_75, %add3A_74, %dma_start3A_86] : memref<2x2500x128xi32, #tpu.memory_space<hbm>> -> memref<1x2x128xi32, #tpu.memory_space<hbm>>
        %dma_start3A_88 = tpu.memref_squeeze %dma_start3A_87 : memref<1x2x128xi32, #tpu.memory_space<hbm>> -> memref<2x128xi32, #tpu.memory_space<hbm>>
        tpu.enqueue_dma source(%dma_start3A_88 : memref<2x128xi32, #tpu.memory_space<hbm>>) target(%dma_start3A_85 : memref<2x128xi32, #tpu.memory_space<vmem>>) target_semaphore(%run_scoped3A_76 : memref<!tpu.dma_semaphore, #tpu.memory_space<semaphore_mem>>)
        %dma_wait3A = arith.constant 78 : i32
        %dma_wait3A_89 = arith.constant 0 : i32
        %dma_wait3A_90 = tpu.memref_slice %arg12[%dma_wait3A, %dma_wait3A_89] : memref<80x128xi32, #tpu.memory_space<vmem>> -> memref<2x128xi32, #tpu.memory_space<vmem>>
        %dma_wait3A_91 = arith.constant 0 : i32
        %dma_wait3A_92 = tpu.memref_slice %arg3[%run_scoped3A_75, %add3A_74, %dma_wait3A_91] : memref<2x2500x128xi32, #tpu.memory_space<hbm>> -> memref<1x2x128xi32, #tpu.memory_space<hbm>>
        %dma_wait3A_93 = tpu.memref_squeeze %dma_wait3A_92 : memref<1x2x128xi32, #tpu.memory_space<hbm>> -> memref<2x128xi32, #tpu.memory_space<hbm>>
        %dma_wait3A_94 = arith.constant 78 : i32
        %dma_wait3A_95 = arith.constant 0 : i32
        %dma_wait3A_96 = tpu.memref_slice %arg12[%dma_wait3A_94, %dma_wait3A_95] : memref<80x128xi32, #tpu.memory_space<vmem>> -> memref<2x128xi32, #tpu.memory_space<vmem>>
        %dma_wait3A_97 = arith.constant 0 : i32
        %dma_wait3A_98 = tpu.memref_slice %arg3[%run_scoped3A_75, %add3A_74, %dma_wait3A_97] : memref<2x2500x128xi32, #tpu.memory_space<hbm>> -> memref<1x2x128xi32, #tpu.memory_space<hbm>>
        %dma_wait3A_99 = tpu.memref_squeeze %dma_wait3A_98 : memref<1x2x128xi32, #tpu.memory_space<hbm>> -> memref<2x128xi32, #tpu.memory_space<hbm>>
        tpu.wait_dma2 semaphore(%run_scoped3A_76 : memref<!tpu.dma_semaphore, #tpu.memory_space<semaphore_mem>>) src(%dma_wait3A_99 : memref<2x128xi32, #tpu.memory_space<hbm>>) dst(%dma_wait3A_96 : memref<2x128xi32, #tpu.memory_space<vmem>>)
        tpu.yield
      }) : () -> ()
    } else {
    }
    %scan3A = arith.constant 0 : i32
    %scan3A_11 = arith.constant 128 : i32
    %scan3A_12 = arith.addi %scan3A, %scan3A_11 : i32
    %scan3A_13 = arith.constant 1 : i32
    scf.for %scan3A_70 = %scan3A to %scan3A_12 step %scan3A_13  : i32 {
      %mul3A_71 = arith.constant 1 : i32
      %mul3A_72 = arith.muli %scan3A_70, %mul3A_71 : i32
      %add3A_73 = arith.constant 0 : i32
      %add3A_74 = arith.addi %add3A_73, %mul3A_72 : i32
      %scan3A_75 = arith.constant 0 : i32
      %scan3A_76 = arith.constant 4 : i32
      %scan3A_77 = arith.addi %scan3A_75, %scan3A_76 : i32
      %scan3A_78 = arith.constant 1 : i32
      scf.for %scan3A_80 = %scan3A_75 to %scan3A_77 step %scan3A_78  : i32 {
        %mul3A_81 = arith.constant 1 : i32
        %mul3A_82 = arith.muli %scan3A_80, %mul3A_81 : i32
        %add3A_83 = arith.constant 0 : i32
        %add3A_84 = arith.addi %add3A_83, %mul3A_82 : i32
        %mul3A_85 = arith.constant 16 : i32
        %mul3A_86 = arith.muli %add3A_84, %mul3A_85 : i32
        %swap3A = arith.index_cast %add3A_74 : i32 to index
        %swap3A_87 = arith.index_cast %mul3A_86 : i32 to index
        %swap3A_88 = tpu.vector_load %arg5[%swap3A, %swap3A_87] {strides = array<i32>} : memref<128x64xf32, #tpu.memory_space<vmem>>, vector<16xf32>,
        tpu.vector_store %arg5[%swap3A, %swap3A_87], %broadcast_in_dim3A_1 {strides = array<i32>} : memref<128x64xf32, #tpu.memory_space<vmem>>, vector<16xf32>,
      }
      %scan3A_79 = arith.constant 4 : i32
    }
    %scan3A_14 = arith.constant 128 : i32
    %mul3A_15 = arith.constant 640 : i32
    %mul3A_16 = arith.muli %arg1, %mul3A_15 : i32
    %add3A_17 = arith.constant 0 : i32
    %add3A_18 = arith.addi %mul3A_16, %add3A_17 : i32
    "tpu.region"() ({
      %run_scoped3A_70 = tpu.sem_alloc : memref<!tpu.dma_semaphore, #tpu.memory_space<semaphore_mem>>
      %dma_start3A_71 = arith.constant 0 : i32
      %dma_start3A_72 = tpu.memref_slice %arg13[%add3A_18, %dma_start3A_71] : memref<10240x64xf32, #tpu.memory_space<vmem_shared>> -> memref<128x64xf32, #tpu.memory_space<vmem_shared>>
      %dma_start3A_73 = arith.constant 0 : i32
      %dma_start3A_74 = tpu.memref_slice %arg13[%add3A_18, %dma_start3A_73] : memref<10240x64xf32, #tpu.memory_space<vmem_shared>> -> memref<128x64xf32, #tpu.memory_space<vmem_shared>>
      tpu.enqueue_dma source(%arg5 : memref<128x64xf32, #tpu.memory_space<vmem>>) target(%dma_start3A_74 : memref<128x64xf32, #tpu.memory_space<vmem_shared>>) target_semaphore(%run_scoped3A_70 : memref<!tpu.dma_semaphore, #tpu.memory_space<semaphore_mem>>)
      %dma_wait3A = arith.constant 0 : i32
      %dma_wait3A_75 = tpu.memref_slice %arg13[%add3A_18, %dma_wait3A] : memref<10240x64xf32, #tpu.memory_space<vmem_shared>> -> memref<128x64xf32, #tpu.memory_space<vmem_shared>>
      %dma_wait3A_76 = arith.constant 0 : i32
      %dma_wait3A_77 = tpu.memref_slice %arg13[%add3A_18, %dma_wait3A_76] : memref<10240x64xf32, #tpu.memory_space<vmem_shared>> -> memref<128x64xf32, #tpu.memory_space<vmem_shared>>
      tpu.wait_dma2 semaphore(%run_scoped3A_70 : memref<!tpu.dma_semaphore, #tpu.memory_space<semaphore_mem>>) src(%arg5 : memref<128x64xf32, #tpu.memory_space<vmem>>) dst(%dma_wait3A_77 : memref<128x64xf32, #tpu.memory_space<vmem_shared>>)
      tpu.yield
    }) : () -> ()
    %add3A_19 = arith.constant 128 : i32
    %add3A_20 = arith.addi %mul3A_16, %add3A_19 : i32
    "tpu.region"() ({
      %run_scoped3A_70 = tpu.sem_alloc : memref<!tpu.dma_semaphore, #tpu.memory_space<semaphore_mem>>
      %dma_start3A_71 = arith.constant 0 : i32
      %dma_start3A_72 = tpu.memref_slice %arg13[%add3A_20, %dma_start3A_71] : memref<10240x64xf32, #tpu.memory_space<vmem_shared>> -> memref<128x64xf32, #tpu.memory_space<vmem_shared>>
      %dma_start3A_73 = arith.constant 0 : i32
      %dma_start3A_74 = tpu.memref_slice %arg13[%add3A_20, %dma_start3A_73] : memref<10240x64xf32, #tpu.memory_space<vmem_shared>> -> memref<128x64xf32, #tpu.memory_space<vmem_shared>>
      tpu.enqueue_dma source(%arg5 : memref<128x64xf32, #tpu.memory_space<vmem>>) target(%dma_start3A_74 : memref<128x64xf32, #tpu.memory_space<vmem_shared>>) target_semaphore(%run_scoped3A_70 : memref<!tpu.dma_semaphore, #tpu.memory_space<semaphore_mem>>)
      %dma_wait3A = arith.constant 0 : i32
      %dma_wait3A_75 = tpu.memref_slice %arg13[%add3A_20, %dma_wait3A] : memref<10240x64xf32, #tpu.memory_space<vmem_shared>> -> memref<128x64xf32, #tpu.memory_space<vmem_shared>>
      %dma_wait3A_76 = arith.constant 0 : i32
      %dma_wait3A_77 = tpu.memref_slice %arg13[%add3A_20, %dma_wait3A_76] : memref<10240x64xf32, #tpu.memory_space<vmem_shared>> -> memref<128x64xf32, #tpu.memory_space<vmem_shared>>
      tpu.wait_dma2 semaphore(%run_scoped3A_70 : memref<!tpu.dma_semaphore, #tpu.memory_space<semaphore_mem>>) src(%arg5 : memref<128x64xf32, #tpu.memory_space<vmem>>) dst(%dma_wait3A_77 : memref<128x64xf32, #tpu.memory_space<vmem_shared>>)
      tpu.yield
    }) : () -> ()
    %add3A_21 = arith.constant 256 : i32
    %add3A_22 = arith.addi %mul3A_16, %add3A_21 : i32
    "tpu.region"() ({
      %run_scoped3A_70 = tpu.sem_alloc : memref<!tpu.dma_semaphore, #tpu.memory_space<semaphore_mem>>
      %dma_start3A_71 = arith.constant 0 : i32
      %dma_start3A_72 = tpu.memref_slice %arg13[%add3A_22, %dma_start3A_71] : memref<10240x64xf32, #tpu.memory_space<vmem_shared>> -> memref<128x64xf32, #tpu.memory_space<vmem_shared>>
      %dma_start3A_73 = arith.constant 0 : i32
      %dma_start3A_74 = tpu.memref_slice %arg13[%add3A_22, %dma_start3A_73] : memref<10240x64xf32, #tpu.memory_space<vmem_shared>> -> memref<128x64xf32, #tpu.memory_space<vmem_shared>>
      tpu.enqueue_dma source(%arg5 : memref<128x64xf32, #tpu.memory_space<vmem>>) target(%dma_start3A_74 : memref<128x64xf32, #tpu.memory_space<vmem_shared>>) target_semaphore(%run_scoped3A_70 : memref<!tpu.dma_semaphore, #tpu.memory_space<semaphore_mem>>)
      %dma_wait3A = arith.constant 0 : i32
      %dma_wait3A_75 = tpu.memref_slice %arg13[%add3A_22, %dma_wait3A] : memref<10240x64xf32, #tpu.memory_space<vmem_shared>> -> memref<128x64xf32, #tpu.memory_space<vmem_shared>>
      %dma_wait3A_76 = arith.constant 0 : i32
      %dma_wait3A_77 = tpu.memref_slice %arg13[%add3A_22, %dma_wait3A_76] : memref<10240x64xf32, #tpu.memory_space<vmem_shared>> -> memref<128x64xf32, #tpu.memory_space<vmem_shared>>
      tpu.wait_dma2 semaphore(%run_scoped3A_70 : memref<!tpu.dma_semaphore, #tpu.memory_space<semaphore_mem>>) src(%arg5 : memref<128x64xf32, #tpu.memory_space<vmem>>) dst(%dma_wait3A_77 : memref<128x64xf32, #tpu.memory_space<vmem_shared>>)
      tpu.yield
    }) : () -> ()
    %add3A_23 = arith.constant 384 : i32
    %add3A_24 = arith.addi %mul3A_16, %add3A_23 : i32
    "tpu.region"() ({
      %run_scoped3A_70 = tpu.sem_alloc : memref<!tpu.dma_semaphore, #tpu.memory_space<semaphore_mem>>
      %dma_start3A_71 = arith.constant 0 : i32
      %dma_start3A_72 = tpu.memref_slice %arg13[%add3A_24, %dma_start3A_71] : memref<10240x64xf32, #tpu.memory_space<vmem_shared>> -> memref<128x64xf32, #tpu.memory_space<vmem_shared>>
      %dma_start3A_73 = arith.constant 0 : i32
      %dma_start3A_74 = tpu.memref_slice %arg13[%add3A_24, %dma_start3A_73] : memref<10240x64xf32, #tpu.memory_space<vmem_shared>> -> memref<128x64xf32, #tpu.memory_space<vmem_shared>>
      tpu.enqueue_dma source(%arg5 : memref<128x64xf32, #tpu.memory_space<vmem>>) target(%dma_start3A_74 : memref<128x64xf32, #tpu.memory_space<vmem_shared>>) target_semaphore(%run_scoped3A_70 : memref<!tpu.dma_semaphore, #tpu.memory_space<semaphore_mem>>)
      %dma_wait3A = arith.constant 0 : i32
      %dma_wait3A_75 = tpu.memref_slice %arg13[%add3A_24, %dma_wait3A] : memref<10240x64xf32, #tpu.memory_space<vmem_shared>> -> memref<128x64xf32, #tpu.memory_space<vmem_shared>>
      %dma_wait3A_76 = arith.constant 0 : i32
      %dma_wait3A_77 = tpu.memref_slice %arg13[%add3A_24, %dma_wait3A_76] : memref<10240x64xf32, #tpu.memory_space<vmem_shared>> -> memref<128x64xf32, #tpu.memory_space<vmem_shared>>
      tpu.wait_dma2 semaphore(%run_scoped3A_70 : memref<!tpu.dma_semaphore, #tpu.memory_space<semaphore_mem>>) src(%arg5 : memref<128x64xf32, #tpu.memory_space<vmem>>) dst(%dma_wait3A_77 : memref<128x64xf32, #tpu.memory_space<vmem_shared>>)
      tpu.yield
    }) : () -> ()
    %add3A_25 = arith.constant 512 : i32
    %add3A_26 = arith.addi %mul3A_16, %add3A_25 : i32
    "tpu.region"() ({
      %run_scoped3A_70 = tpu.sem_alloc : memref<!tpu.dma_semaphore, #tpu.memory_space<semaphore_mem>>
      %dma_start3A_71 = arith.constant 0 : i32
      %dma_start3A_72 = tpu.memref_slice %arg13[%add3A_26, %dma_start3A_71] : memref<10240x64xf32, #tpu.memory_space<vmem_shared>> -> memref<128x64xf32, #tpu.memory_space<vmem_shared>>
      %dma_start3A_73 = arith.constant 0 : i32
      %dma_start3A_74 = tpu.memref_slice %arg13[%add3A_26, %dma_start3A_73] : memref<10240x64xf32, #tpu.memory_space<vmem_shared>> -> memref<128x64xf32, #tpu.memory_space<vmem_shared>>
      tpu.enqueue_dma source(%arg5 : memref<128x64xf32, #tpu.memory_space<vmem>>) target(%dma_start3A_74 : memref<128x64xf32, #tpu.memory_space<vmem_shared>>) target_semaphore(%run_scoped3A_70 : memref<!tpu.dma_semaphore, #tpu.memory_space<semaphore_mem>>)
      %dma_wait3A = arith.constant 0 : i32
      %dma_wait3A_75 = tpu.memref_slice %arg13[%add3A_26, %dma_wait3A] : memref<10240x64xf32, #tpu.memory_space<vmem_shared>> -> memref<128x64xf32, #tpu.memory_space<vmem_shared>>
      %dma_wait3A_76 = arith.constant 0 : i32
      %dma_wait3A_77 = tpu.memref_slice %arg13[%add3A_26, %dma_wait3A_76] : memref<10240x64xf32, #tpu.memory_space<vmem_shared>> -> memref<128x64xf32, #tpu.memory_space<vmem_shared>>
      tpu.wait_dma2 semaphore(%run_scoped3A_70 : memref<!tpu.dma_semaphore, #tpu.memory_space<semaphore_mem>>) src(%arg5 : memref<128x64xf32, #tpu.memory_space<vmem>>) dst(%dma_wait3A_77 : memref<128x64xf32, #tpu.memory_space<vmem_shared>>)
      tpu.yield
    }) : () -> ()
    %barrier3A = arith.constant 0 : index
    tpu.barrier barrier_id(%barrier3A)
    %dma_start3A = arith.constant 0 : i32
    %dma_start3A_27 = arith.constant 0 : i32
    %dma_start3A_28 = tpu.memref_slice %arg11[%dma_start3A, %dma_start3A_27] : memref<80x128xi32, #tpu.memory_space<vmem>> -> memref<1x128xi32, #tpu.memory_space<vmem>>
    %dma_start3A_29 = tpu.memref_squeeze %dma_start3A_28 : memref<1x128xi32, #tpu.memory_space<vmem>> -> memref<128xi32, #tpu.memory_space<vmem>>
    %dma_start3A_30 = arith.constant 0 : i32
    %dma_start3A_31 = arith.constant 0 : i32
    %dma_start3A_32 = tpu.memref_slice %arg2[%dma_start3A_30, %dma_start3A_31] : memref<10240x64xf32, #tpu.memory_space<hbm>> -> memref<10240x64xf32, #tpu.memory_space<hbm>>
    tpu.enqueue_indirect_dma source(%dma_start3A_32 : memref<10240x64xf32, #tpu.memory_space<hbm>>) target(%arg5 : memref<128x64xf32, #tpu.memory_space<vmem>>) offsets(%dma_start3A_29 : memref<128xi32, #tpu.memory_space<vmem>>) semaphore(%arg14 : memref<!tpu.dma_semaphore, #tpu.memory_space<semaphore_mem>>)
    %dma_start3A_33 = arith.constant 1 : i32
    %dma_start3A_34 = arith.constant 0 : i32
    %dma_start3A_35 = tpu.memref_slice %arg11[%dma_start3A_33, %dma_start3A_34] : memref<80x128xi32, #tpu.memory_space<vmem>> -> memref<1x128xi32, #tpu.memory_space<vmem>>
    %dma_start3A_36 = tpu.memref_squeeze %dma_start3A_35 : memref<1x128xi32, #tpu.memory_space<vmem>> -> memref<128xi32, #tpu.memory_space<vmem>>
    %dma_start3A_37 = arith.constant 0 : i32
    %dma_start3A_38 = arith.constant 0 : i32
    %dma_start3A_39 = tpu.memref_slice %arg2[%dma_start3A_37, %dma_start3A_38] : memref<10240x64xf32, #tpu.memory_space<hbm>> -> memref<10240x64xf32, #tpu.memory_space<hbm>>
    tpu.enqueue_indirect_dma source(%dma_start3A_39 : memref<10240x64xf32, #tpu.memory_space<hbm>>) target(%arg6 : memref<128x64xf32, #tpu.memory_space<vmem>>) offsets(%dma_start3A_36 : memref<128xi32, #tpu.memory_space<vmem>>) semaphore(%arg15 : memref<!tpu.dma_semaphore, #tpu.memory_space<semaphore_mem>>)
    %dma_start3A_40 = arith.constant 2 : i32
    %dma_start3A_41 = arith.constant 0 : i32
    %dma_start3A_42 = tpu.memref_slice %arg11[%dma_start3A_40, %dma_start3A_41] : memref<80x128xi32, #tpu.memory_space<vmem>> -> memref<1x128xi32, #tpu.memory_space<vmem>>
    %dma_start3A_43 = tpu.memref_squeeze %dma_start3A_42 : memref<1x128xi32, #tpu.memory_space<vmem>> -> memref<128xi32, #tpu.memory_space<vmem>>
    %dma_start3A_44 = arith.constant 0 : i32
    %dma_start3A_45 = arith.constant 0 : i32
    %dma_start3A_46 = tpu.memref_slice %arg2[%dma_start3A_44, %dma_start3A_45] : memref<10240x64xf32, #tpu.memory_space<hbm>> -> memref<10240x64xf32, #tpu.memory_space<hbm>>
    tpu.enqueue_indirect_dma source(%dma_start3A_46 : memref<10240x64xf32, #tpu.memory_space<hbm>>) target(%arg7 : memref<128x64xf32, #tpu.memory_space<vmem>>) offsets(%dma_start3A_43 : memref<128xi32, #tpu.memory_space<vmem>>) semaphore(%arg16 : memref<!tpu.dma_semaphore, #tpu.memory_space<semaphore_mem>>)
    %dma_start3A_47 = arith.constant 3 : i32
    %dma_start3A_48 = arith.constant 0 : i32
    %dma_start3A_49 = tpu.memref_slice %arg11[%dma_start3A_47, %dma_start3A_48] : memref<80x128xi32, #tpu.memory_space<vmem>> -> memref<1x128xi32, #tpu.memory_space<vmem>>
    %dma_start3A_50 = tpu.memref_squeeze %dma_start3A_49 : memref<1x128xi32, #tpu.memory_space<vmem>> -> memref<128xi32, #tpu.memory_space<vmem>>
    %dma_start3A_51 = arith.constant 0 : i32
    %dma_start3A_52 = arith.constant 0 : i32
    %dma_start3A_53 = tpu.memref_slice %arg2[%dma_start3A_51, %dma_start3A_52] : memref<10240x64xf32, #tpu.memory_space<hbm>> -> memref<10240x64xf32, #tpu.memory_space<hbm>>
    tpu.enqueue_indirect_dma source(%dma_start3A_53 : memref<10240x64xf32, #tpu.memory_space<hbm>>) target(%arg8 : memref<128x64xf32, #tpu.memory_space<vmem>>) offsets(%dma_start3A_50 : memref<128xi32, #tpu.memory_space<vmem>>) semaphore(%arg17 : memref<!tpu.dma_semaphore, #tpu.memory_space<semaphore_mem>>)
    %dma_start3A_54 = arith.constant 4 : i32
    %dma_start3A_55 = arith.constant 0 : i32
    %dma_start3A_56 = tpu.memref_slice %arg11[%dma_start3A_54, %dma_start3A_55] : memref<80x128xi32, #tpu.memory_space<vmem>> -> memref<1x128xi32, #tpu.memory_space<vmem>>
    %dma_start3A_57 = tpu.memref_squeeze %dma_start3A_56 : memref<1x128xi32, #tpu.memory_space<vmem>> -> memref<128xi32, #tpu.memory_space<vmem>>
    %dma_start3A_58 = arith.constant 0 : i32
    %dma_start3A_59 = arith.constant 0 : i32
    %dma_start3A_60 = tpu.memref_slice %arg2[%dma_start3A_58, %dma_start3A_59] : memref<10240x64xf32, #tpu.memory_space<hbm>> -> memref<10240x64xf32, #tpu.memory_space<hbm>>
    tpu.enqueue_indirect_dma source(%dma_start3A_60 : memref<10240x64xf32, #tpu.memory_space<hbm>>) target(%arg9 : memref<128x64xf32, #tpu.memory_space<vmem>>) offsets(%dma_start3A_57 : memref<128xi32, #tpu.memory_space<vmem>>) semaphore(%arg18 : memref<!tpu.dma_semaphore, #tpu.memory_space<semaphore_mem>>)
    %scan3A_61 = arith.constant 0 : i32
    %scan3A_62 = arith.constant 13 : i32
    %scan3A_63 = arith.addi %scan3A_61, %scan3A_62 : i32
    %scan3A_64 = arith.constant 1 : i32
    scf.for %scan3A_70 = %scan3A_61 to %scan3A_63 step %scan3A_64  : i32 {
      %mul3A_71 = arith.constant 1 : i32
      %mul3A_72 = arith.muli %scan3A_70, %mul3A_71 : i32
      %add3A_73 = arith.constant 0 : i32
      %add3A_74 = arith.addi %add3A_73, %mul3A_72 : i32
      %mul3A_75 = arith.constant 6 : i32
      %mul3A_76 = arith.muli %mul3A_75, %add3A_74 : i32
      %add3A_77 = arith.constant 0 : i32
      %add3A_78 = arith.addi %mul3A_76, %add3A_77 : i32
      %dma_wait3A = arith.constant 0 : i32
      %dma_wait3A_79 = tpu.memref_slice %arg11[%add3A_78, %dma_wait3A] : memref<80x128xi32, #tpu.memory_space<vmem>> -> memref<1x128xi32, #tpu.memory_space<vmem>>
      %dma_wait3A_80 = tpu.memref_squeeze %dma_wait3A_79 : memref<1x128xi32, #tpu.memory_space<vmem>> -> memref<128xi32, #tpu.memory_space<vmem>>
      %dma_wait3A_81 = arith.constant 0 : i32
      %dma_wait3A_82 = arith.constant 0 : i32
      %dma_wait3A_83 = tpu.memref_slice %arg2[%dma_wait3A_81, %dma_wait3A_82] : memref<10240x64xf32, #tpu.memory_space<hbm>> -> memref<10240x64xf32, #tpu.memory_space<hbm>>
      tpu.wait_indirect_dma semaphore(%arg14 : memref<!tpu.dma_semaphore, #tpu.memory_space<semaphore_mem>>) src(%dma_wait3A_83 : memref<10240x64xf32, #tpu.memory_space<hbm>>) dst(%arg5 : memref<128x64xf32, #tpu.memory_space<vmem>>)
      %add3A_84 = arith.constant 0 : i32
      %add3A_85 = arith.addi %mul3A_76, %add3A_84 : i32
      "tpu.region"() ({
        %run_scoped3A_201 = tpu.sem_alloc : memref<!tpu.dma_semaphore, #tpu.memory_space<semaphore_mem>>
        %dma_start3A_202 = arith.constant 0 : i32
        %dma_start3A_203 = tpu.memref_slice %arg12[%add3A_85, %dma_start3A_202] : memref<80x128xi32, #tpu.memory_space<vmem>> -> memref<1x128xi32, #tpu.memory_space<vmem>>
        %dma_start3A_204 = tpu.memref_squeeze %dma_start3A_203 : memref<1x128xi32, #tpu.memory_space<vmem>> -> memref<128xi32, #tpu.memory_space<vmem>>
        %dma_start3A_205 = arith.constant 0 : i32
        %dma_start3A_206 = arith.constant 0 : i32
        %dma_start3A_207 = tpu.memref_slice %arg13[%dma_start3A_205, %dma_start3A_206] : memref<10240x64xf32, #tpu.memory_space<vmem_shared>> -> memref<10240x64xf32, #tpu.memory_space<vmem_shared>>
        tpu.enqueue_indirect_dma source(%arg5 : memref<128x64xf32, #tpu.memory_space<vmem>>) target(%dma_start3A_207 : memref<10240x64xf32, #tpu.memory_space<vmem_shared>>) offsets(%dma_start3A_204 : memref<128xi32, #tpu.memory_space<vmem>>) semaphore(%run_scoped3A_201 : memref<!tpu.dma_semaphore, #tpu.memory_space<semaphore_mem>>) {add = true}
        %dma_wait3A_208 = arith.constant 0 : i32
        %dma_wait3A_209 = tpu.memref_slice %arg12[%add3A_85, %dma_wait3A_208] : memref<80x128xi32, #tpu.memory_space<vmem>> -> memref<1x128xi32, #tpu.memory_space<vmem>>
        %dma_wait3A_210 = tpu.memref_squeeze %dma_wait3A_209 : memref<1x128xi32, #tpu.memory_space<vmem>> -> memref<128xi32, #tpu.memory_space<vmem>>
        %dma_wait3A_211 = arith.constant 0 : i32
        %dma_wait3A_212 = arith.constant 0 : i32
        %dma_wait3A_213 = tpu.memref_slice %arg13[%dma_wait3A_211, %dma_wait3A_212] : memref<10240x64xf32, #tpu.memory_space<vmem_shared>> -> memref<10240x64xf32, #tpu.memory_space<vmem_shared>>
        tpu.wait_indirect_dma semaphore(%run_scoped3A_201 : memref<!tpu.dma_semaphore, #tpu.memory_space<semaphore_mem>>) src(%arg5 : memref<128x64xf32, #tpu.memory_space<vmem>>) dst(%dma_wait3A_213 : memref<10240x64xf32, #tpu.memory_space<vmem_shared>>)
        tpu.yield
      }) : () -> ()
      %add3A_86 = arith.constant 0 : i32
      %add3A_87 = arith.addi %mul3A_76, %add3A_86 : i32
      %add3A_88 = arith.constant 6 : i32
      %add3A_89 = arith.addi %add3A_87, %add3A_88 : i32
      %sub3A = arith.constant 1 : i32
      %sub3A_90 = arith.subi %add3A_89, %sub3A : i32
      %lt3A_91 = arith.constant 78 : i32
      %lt3A_92 = arith.cmpi slt, %sub3A_90, %lt3A_91 : i32
      %convert_element_type3A_93 = arith.extui %lt3A_92 : i1 to i32
      %cond3A_94 = arith.constant 0 : i32
      %cond3A_95 = arith.cmpi ne, %convert_element_type3A_93, %cond3A_94 : i32
      scf.if %cond3A_95 {
        %add3A_201 = arith.constant 0 : i32
        %add3A_202 = arith.addi %mul3A_76, %add3A_201 : i32
        %add3A_203 = arith.constant 6 : i32
        %add3A_204 = arith.addi %add3A_202, %add3A_203 : i32
        %sub3A_205 = arith.constant 1 : i32
        %sub3A_206 = arith.subi %add3A_204, %sub3A_205 : i32
        %dma_start3A_207 = arith.constant 0 : i32
        %dma_start3A_208 = tpu.memref_slice %arg11[%sub3A_206, %dma_start3A_207] : memref<80x128xi32, #tpu.memory_space<vmem>> -> memref<1x128xi32, #tpu.memory_space<vmem>>
        %dma_start3A_209 = tpu.memref_squeeze %dma_start3A_208 : memref<1x128xi32, #tpu.memory_space<vmem>> -> memref<128xi32, #tpu.memory_space<vmem>>
        %dma_start3A_210 = arith.constant 0 : i32
        %dma_start3A_211 = arith.constant 0 : i32
        %dma_start3A_212 = tpu.memref_slice %arg2[%dma_start3A_210, %dma_start3A_211] : memref<10240x64xf32, #tpu.memory_space<hbm>> -> memref<10240x64xf32, #tpu.memory_space<hbm>>
        tpu.enqueue_indirect_dma source(%dma_start3A_212 : memref<10240x64xf32, #tpu.memory_space<hbm>>) target(%arg10 : memref<128x64xf32, #tpu.memory_space<vmem>>) offsets(%dma_start3A_209 : memref<128xi32, #tpu.memory_space<vmem>>) semaphore(%arg19 : memref<!tpu.dma_semaphore, #tpu.memory_space<semaphore_mem>>)
      } else {
      }
      %add3A_96 = arith.constant 1 : i32
      %add3A_97 = arith.addi %mul3A_76, %add3A_96 : i32
      %dma_wait3A_98 = arith.constant 0 : i32
      %dma_wait3A_99 = tpu.memref_slice %arg11[%add3A_97, %dma_wait3A_98] : memref<80x128xi32, #tpu.memory_space<vmem>> -> memref<1x128xi32, #tpu.memory_space<vmem>>
      %dma_wait3A_100 = tpu.memref_squeeze %dma_wait3A_99 : memref<1x128xi32, #tpu.memory_space<vmem>> -> memref<128xi32, #tpu.memory_space<vmem>>
      %dma_wait3A_101 = arith.constant 0 : i32
      %dma_wait3A_102 = arith.constant 0 : i32
      %dma_wait3A_103 = tpu.memref_slice %arg2[%dma_wait3A_101, %dma_wait3A_102] : memref<10240x64xf32, #tpu.memory_space<hbm>> -> memref<10240x64xf32, #tpu.memory_space<hbm>>
      tpu.wait_indirect_dma semaphore(%arg15 : memref<!tpu.dma_semaphore, #tpu.memory_space<semaphore_mem>>) src(%dma_wait3A_103 : memref<10240x64xf32, #tpu.memory_space<hbm>>) dst(%arg6 : memref<128x64xf32, #tpu.memory_space<vmem>>)
      %add3A_104 = arith.constant 1 : i32
      %add3A_105 = arith.addi %mul3A_76, %add3A_104 : i32
      "tpu.region"() ({
        %run_scoped3A_201 = tpu.sem_alloc : memref<!tpu.dma_semaphore, #tpu.memory_space<semaphore_mem>>
        %dma_start3A_202 = arith.constant 0 : i32
        %dma_start3A_203 = tpu.memref_slice %arg12[%add3A_105, %dma_start3A_202] : memref<80x128xi32, #tpu.memory_space<vmem>> -> memref<1x128xi32, #tpu.memory_space<vmem>>
        %dma_start3A_204 = tpu.memref_squeeze %dma_start3A_203 : memref<1x128xi32, #tpu.memory_space<vmem>> -> memref<128xi32, #tpu.memory_space<vmem>>
        %dma_start3A_205 = arith.constant 0 : i32
        %dma_start3A_206 = arith.constant 0 : i32
        %dma_start3A_207 = tpu.memref_slice %arg13[%dma_start3A_205, %dma_start3A_206] : memref<10240x64xf32, #tpu.memory_space<vmem_shared>> -> memref<10240x64xf32, #tpu.memory_space<vmem_shared>>
        tpu.enqueue_indirect_dma source(%arg6 : memref<128x64xf32, #tpu.memory_space<vmem>>) target(%dma_start3A_207 : memref<10240x64xf32, #tpu.memory_space<vmem_shared>>) offsets(%dma_start3A_204 : memref<128xi32, #tpu.memory_space<vmem>>) semaphore(%run_scoped3A_201 : memref<!tpu.dma_semaphore, #tpu.memory_space<semaphore_mem>>) {add = true}
        %dma_wait3A_208 = arith.constant 0 : i32
        %dma_wait3A_209 = tpu.memref_slice %arg12[%add3A_105, %dma_wait3A_208] : memref<80x128xi32, #tpu.memory_space<vmem>> -> memref<1x128xi32, #tpu.memory_space<vmem>>
        %dma_wait3A_210 = tpu.memref_squeeze %dma_wait3A_209 : memref<1x128xi32, #tpu.memory_space<vmem>> -> memref<128xi32, #tpu.memory_space<vmem>>
        %dma_wait3A_211 = arith.constant 0 : i32
        %dma_wait3A_212 = arith.constant 0 : i32
        %dma_wait3A_213 = tpu.memref_slice %arg13[%dma_wait3A_211, %dma_wait3A_212] : memref<10240x64xf32, #tpu.memory_space<vmem_shared>> -> memref<10240x64xf32, #tpu.memory_space<vmem_shared>>
        tpu.wait_indirect_dma semaphore(%run_scoped3A_201 : memref<!tpu.dma_semaphore, #tpu.memory_space<semaphore_mem>>) src(%arg6 : memref<128x64xf32, #tpu.memory_space<vmem>>) dst(%dma_wait3A_213 : memref<10240x64xf32, #tpu.memory_space<vmem_shared>>)
        tpu.yield
      }) : () -> ()
      %add3A_106 = arith.constant 1 : i32
      %add3A_107 = arith.addi %mul3A_76, %add3A_106 : i32
      %add3A_108 = arith.constant 6 : i32
      %add3A_109 = arith.addi %add3A_107, %add3A_108 : i32
      %sub3A_110 = arith.constant 1 : i32
      %sub3A_111 = arith.subi %add3A_109, %sub3A_110 : i32
      %lt3A_112 = arith.constant 78 : i32
      %lt3A_113 = arith.cmpi slt, %sub3A_111, %lt3A_112 : i32
      %convert_element_type3A_114 = arith.extui %lt3A_113 : i1 to i32
      %cond3A_115 = arith.constant 0 : i32
      %cond3A_116 = arith.cmpi ne, %convert_element_type3A_114, %cond3A_115 : i32
      scf.if %cond3A_116 {
        %add3A_201 = arith.constant 1 : i32
        %add3A_202 = arith.addi %mul3A_76, %add3A_201 : i32
        %add3A_203 = arith.constant 6 : i32
        %add3A_204 = arith.addi %add3A_202, %add3A_203 : i32
        %sub3A_205 = arith.constant 1 : i32
        %sub3A_206 = arith.subi %add3A_204, %sub3A_205 : i32
        %dma_start3A_207 = arith.constant 0 : i32
        %dma_start3A_208 = tpu.memref_slice %arg11[%sub3A_206, %dma_start3A_207] : memref<80x128xi32, #tpu.memory_space<vmem>> -> memref<1x128xi32, #tpu.memory_space<vmem>>
        %dma_start3A_209 = tpu.memref_squeeze %dma_start3A_208 : memref<1x128xi32, #tpu.memory_space<vmem>> -> memref<128xi32, #tpu.memory_space<vmem>>
        %dma_start3A_210 = arith.constant 0 : i32
        %dma_start3A_211 = arith.constant 0 : i32
        %dma_start3A_212 = tpu.memref_slice %arg2[%dma_start3A_210, %dma_start3A_211] : memref<10240x64xf32, #tpu.memory_space<hbm>> -> memref<10240x64xf32, #tpu.memory_space<hbm>>
        tpu.enqueue_indirect_dma source(%dma_start3A_212 : memref<10240x64xf32, #tpu.memory_space<hbm>>) target(%arg5 : memref<128x64xf32, #tpu.memory_space<vmem>>) offsets(%dma_start3A_209 : memref<128xi32, #tpu.memory_space<vmem>>) semaphore(%arg14 : memref<!tpu.dma_semaphore, #tpu.memory_space<semaphore_mem>>)
      } else {
      }
      %add3A_117 = arith.constant 2 : i32
      %add3A_118 = arith.addi %mul3A_76, %add3A_117 : i32
      %dma_wait3A_119 = arith.constant 0 : i32
      %dma_wait3A_120 = tpu.memref_slice %arg11[%add3A_118, %dma_wait3A_119] : memref<80x128xi32, #tpu.memory_space<vmem>> -> memref<1x128xi32, #tpu.memory_space<vmem>>
      %dma_wait3A_121 = tpu.memref_squeeze %dma_wait3A_120 : memref<1x128xi32, #tpu.memory_space<vmem>> -> memref<128xi32, #tpu.memory_space<vmem>>
      %dma_wait3A_122 = arith.constant 0 : i32
      %dma_wait3A_123 = arith.constant 0 : i32
      %dma_wait3A_124 = tpu.memref_slice %arg2[%dma_wait3A_122, %dma_wait3A_123] : memref<10240x64xf32, #tpu.memory_space<hbm>> -> memref<10240x64xf32, #tpu.memory_space<hbm>>
      tpu.wait_indirect_dma semaphore(%arg16 : memref<!tpu.dma_semaphore, #tpu.memory_space<semaphore_mem>>) src(%dma_wait3A_124 : memref<10240x64xf32, #tpu.memory_space<hbm>>) dst(%arg7 : memref<128x64xf32, #tpu.memory_space<vmem>>)
      %add3A_125 = arith.constant 2 : i32
      %add3A_126 = arith.addi %mul3A_76, %add3A_125 : i32
      "tpu.region"() ({
        %run_scoped3A_201 = tpu.sem_alloc : memref<!tpu.dma_semaphore, #tpu.memory_space<semaphore_mem>>
        %dma_start3A_202 = arith.constant 0 : i32
        %dma_start3A_203 = tpu.memref_slice %arg12[%add3A_126, %dma_start3A_202] : memref<80x128xi32, #tpu.memory_space<vmem>> -> memref<1x128xi32, #tpu.memory_space<vmem>>
        %dma_start3A_204 = tpu.memref_squeeze %dma_start3A_203 : memref<1x128xi32, #tpu.memory_space<vmem>> -> memref<128xi32, #tpu.memory_space<vmem>>
        %dma_start3A_205 = arith.constant 0 : i32
        %dma_start3A_206 = arith.constant 0 : i32
        %dma_start3A_207 = tpu.memref_slice %arg13[%dma_start3A_205, %dma_start3A_206] : memref<10240x64xf32, #tpu.memory_space<vmem_shared>> -> memref<10240x64xf32, #tpu.memory_space<vmem_shared>>
        tpu.enqueue_indirect_dma source(%arg7 : memref<128x64xf32, #tpu.memory_space<vmem>>) target(%dma_start3A_207 : memref<10240x64xf32, #tpu.memory_space<vmem_shared>>) offsets(%dma_start3A_204 : memref<128xi32, #tpu.memory_space<vmem>>) semaphore(%run_scoped3A_201 : memref<!tpu.dma_semaphore, #tpu.memory_space<semaphore_mem>>) {add = true}
        %dma_wait3A_208 = arith.constant 0 : i32
        %dma_wait3A_209 = tpu.memref_slice %arg12[%add3A_126, %dma_wait3A_208] : memref<80x128xi32, #tpu.memory_space<vmem>> -> memref<1x128xi32, #tpu.memory_space<vmem>>
        %dma_wait3A_210 = tpu.memref_squeeze %dma_wait3A_209 : memref<1x128xi32, #tpu.memory_space<vmem>> -> memref<128xi32, #tpu.memory_space<vmem>>
        %dma_wait3A_211 = arith.constant 0 : i32
        %dma_wait3A_212 = arith.constant 0 : i32
        %dma_wait3A_213 = tpu.memref_slice %arg13[%dma_wait3A_211, %dma_wait3A_212] : memref<10240x64xf32, #tpu.memory_space<vmem_shared>> -> memref<10240x64xf32, #tpu.memory_space<vmem_shared>>
        tpu.wait_indirect_dma semaphore(%run_scoped3A_201 : memref<!tpu.dma_semaphore, #tpu.memory_space<semaphore_mem>>) src(%arg7 : memref<128x64xf32, #tpu.memory_space<vmem>>) dst(%dma_wait3A_213 : memref<10240x64xf32, #tpu.memory_space<vmem_shared>>)
        tpu.yield
      }) : () -> ()
      %add3A_127 = arith.constant 2 : i32
      %add3A_128 = arith.addi %mul3A_76, %add3A_127 : i32
      %add3A_129 = arith.constant 6 : i32
      %add3A_130 = arith.addi %add3A_128, %add3A_129 : i32
      %sub3A_131 = arith.constant 1 : i32
      %sub3A_132 = arith.subi %add3A_130, %sub3A_131 : i32
      %lt3A_133 = arith.constant 78 : i32
      %lt3A_134 = arith.cmpi slt, %sub3A_132, %lt3A_133 : i32
      %convert_element_type3A_135 = arith.extui %lt3A_134 : i1 to i32
      %cond3A_136 = arith.constant 0 : i32
      %cond3A_137 = arith.cmpi ne, %convert_element_type3A_135, %cond3A_136 : i32
      scf.if %cond3A_137 {
        %add3A_201 = arith.constant 2 : i32
        %add3A_202 = arith.addi %mul3A_76, %add3A_201 : i32
        %add3A_203 = arith.constant 6 : i32
        %add3A_204 = arith.addi %add3A_202, %add3A_203 : i32
        %sub3A_205 = arith.constant 1 : i32
        %sub3A_206 = arith.subi %add3A_204, %sub3A_205 : i32
        %dma_start3A_207 = arith.constant 0 : i32
        %dma_start3A_208 = tpu.memref_slice %arg11[%sub3A_206, %dma_start3A_207] : memref<80x128xi32, #tpu.memory_space<vmem>> -> memref<1x128xi32, #tpu.memory_space<vmem>>
        %dma_start3A_209 = tpu.memref_squeeze %dma_start3A_208 : memref<1x128xi32, #tpu.memory_space<vmem>> -> memref<128xi32, #tpu.memory_space<vmem>>
        %dma_start3A_210 = arith.constant 0 : i32
        %dma_start3A_211 = arith.constant 0 : i32
        %dma_start3A_212 = tpu.memref_slice %arg2[%dma_start3A_210, %dma_start3A_211] : memref<10240x64xf32, #tpu.memory_space<hbm>> -> memref<10240x64xf32, #tpu.memory_space<hbm>>
        tpu.enqueue_indirect_dma source(%dma_start3A_212 : memref<10240x64xf32, #tpu.memory_space<hbm>>) target(%arg6 : memref<128x64xf32, #tpu.memory_space<vmem>>) offsets(%dma_start3A_209 : memref<128xi32, #tpu.memory_space<vmem>>) semaphore(%arg15 : memref<!tpu.dma_semaphore, #tpu.memory_space<semaphore_mem>>)
      } else {
      }
      %add3A_138 = arith.constant 3 : i32
      %add3A_139 = arith.addi %mul3A_76, %add3A_138 : i32
      %dma_wait3A_140 = arith.constant 0 : i32
      %dma_wait3A_141 = tpu.memref_slice %arg11[%add3A_139, %dma_wait3A_140] : memref<80x128xi32, #tpu.memory_space<vmem>> -> memref<1x128xi32, #tpu.memory_space<vmem>>
      %dma_wait3A_142 = tpu.memref_squeeze %dma_wait3A_141 : memref<1x128xi32, #tpu.memory_space<vmem>> -> memref<128xi32, #tpu.memory_space<vmem>>
      %dma_wait3A_143 = arith.constant 0 : i32
      %dma_wait3A_144 = arith.constant 0 : i32
      %dma_wait3A_145 = tpu.memref_slice %arg2[%dma_wait3A_143, %dma_wait3A_144] : memref<10240x64xf32, #tpu.memory_space<hbm>> -> memref<10240x64xf32, #tpu.memory_space<hbm>>
      tpu.wait_indirect_dma semaphore(%arg17 : memref<!tpu.dma_semaphore, #tpu.memory_space<semaphore_mem>>) src(%dma_wait3A_145 : memref<10240x64xf32, #tpu.memory_space<hbm>>) dst(%arg8 : memref<128x64xf32, #tpu.memory_space<vmem>>)
      %add3A_146 = arith.constant 3 : i32
      %add3A_147 = arith.addi %mul3A_76, %add3A_146 : i32
      "tpu.region"() ({
        %run_scoped3A_201 = tpu.sem_alloc : memref<!tpu.dma_semaphore, #tpu.memory_space<semaphore_mem>>
        %dma_start3A_202 = arith.constant 0 : i32
        %dma_start3A_203 = tpu.memref_slice %arg12[%add3A_147, %dma_start3A_202] : memref<80x128xi32, #tpu.memory_space<vmem>> -> memref<1x128xi32, #tpu.memory_space<vmem>>
        %dma_start3A_204 = tpu.memref_squeeze %dma_start3A_203 : memref<1x128xi32, #tpu.memory_space<vmem>> -> memref<128xi32, #tpu.memory_space<vmem>>
        %dma_start3A_205 = arith.constant 0 : i32
        %dma_start3A_206 = arith.constant 0 : i32
        %dma_start3A_207 = tpu.memref_slice %arg13[%dma_start3A_205, %dma_start3A_206] : memref<10240x64xf32, #tpu.memory_space<vmem_shared>> -> memref<10240x64xf32, #tpu.memory_space<vmem_shared>>
        tpu.enqueue_indirect_dma source(%arg8 : memref<128x64xf32, #tpu.memory_space<vmem>>) target(%dma_start3A_207 : memref<10240x64xf32, #tpu.memory_space<vmem_shared>>) offsets(%dma_start3A_204 : memref<128xi32, #tpu.memory_space<vmem>>) semaphore(%run_scoped3A_201 : memref<!tpu.dma_semaphore, #tpu.memory_space<semaphore_mem>>) {add = true}
        %dma_wait3A_208 = arith.constant 0 : i32
        %dma_wait3A_209 = tpu.memref_slice %arg12[%add3A_147, %dma_wait3A_208] : memref<80x128xi32, #tpu.memory_space<vmem>> -> memref<1x128xi32, #tpu.memory_space<vmem>>
        %dma_wait3A_210 = tpu.memref_squeeze %dma_wait3A_209 : memref<1x128xi32, #tpu.memory_space<vmem>> -> memref<128xi32, #tpu.memory_space<vmem>>
        %dma_wait3A_211 = arith.constant 0 : i32
        %dma_wait3A_212 = arith.constant 0 : i32
        %dma_wait3A_213 = tpu.memref_slice %arg13[%dma_wait3A_211, %dma_wait3A_212] : memref<10240x64xf32, #tpu.memory_space<vmem_shared>> -> memref<10240x64xf32, #tpu.memory_space<vmem_shared>>
        tpu.wait_indirect_dma semaphore(%run_scoped3A_201 : memref<!tpu.dma_semaphore, #tpu.memory_space<semaphore_mem>>) src(%arg8 : memref<128x64xf32, #tpu.memory_space<vmem>>) dst(%dma_wait3A_213 : memref<10240x64xf32, #tpu.memory_space<vmem_shared>>)
        tpu.yield
      }) : () -> ()
      %add3A_148 = arith.constant 3 : i32
      %add3A_149 = arith.addi %mul3A_76, %add3A_148 : i32
      %add3A_150 = arith.constant 6 : i32
      %add3A_151 = arith.addi %add3A_149, %add3A_150 : i32
      %sub3A_152 = arith.constant 1 : i32
      %sub3A_153 = arith.subi %add3A_151, %sub3A_152 : i32
      %lt3A_154 = arith.constant 78 : i32
      %lt3A_155 = arith.cmpi slt, %sub3A_153, %lt3A_154 : i32
      %convert_element_type3A_156 = arith.extui %lt3A_155 : i1 to i32
      %cond3A_157 = arith.constant 0 : i32
      %cond3A_158 = arith.cmpi ne, %convert_element_type3A_156, %cond3A_157 : i32
      scf.if %cond3A_158 {
        %add3A_201 = arith.constant 3 : i32
        %add3A_202 = arith.addi %mul3A_76, %add3A_201 : i32
        %add3A_203 = arith.constant 6 : i32
        %add3A_204 = arith.addi %add3A_202, %add3A_203 : i32
        %sub3A_205 = arith.constant 1 : i32
        %sub3A_206 = arith.subi %add3A_204, %sub3A_205 : i32
        %dma_start3A_207 = arith.constant 0 : i32
        %dma_start3A_208 = tpu.memref_slice %arg11[%sub3A_206, %dma_start3A_207] : memref<80x128xi32, #tpu.memory_space<vmem>> -> memref<1x128xi32, #tpu.memory_space<vmem>>
        %dma_start3A_209 = tpu.memref_squeeze %dma_start3A_208 : memref<1x128xi32, #tpu.memory_space<vmem>> -> memref<128xi32, #tpu.memory_space<vmem>>
        %dma_start3A_210 = arith.constant 0 : i32
        %dma_start3A_211 = arith.constant 0 : i32
        %dma_start3A_212 = tpu.memref_slice %arg2[%dma_start3A_210, %dma_start3A_211] : memref<10240x64xf32, #tpu.memory_space<hbm>> -> memref<10240x64xf32, #tpu.memory_space<hbm>>
        tpu.enqueue_indirect_dma source(%dma_start3A_212 : memref<10240x64xf32, #tpu.memory_space<hbm>>) target(%arg7 : memref<128x64xf32, #tpu.memory_space<vmem>>) offsets(%dma_start3A_209 : memref<128xi32, #tpu.memory_space<vmem>>) semaphore(%arg16 : memref<!tpu.dma_semaphore, #tpu.memory_space<semaphore_mem>>)
      } else {
      }
      %add3A_159 = arith.constant 4 : i32
      %add3A_160 = arith.addi %mul3A_76, %add3A_159 : i32
      %dma_wait3A_161 = arith.constant 0 : i32
      %dma_wait3A_162 = tpu.memref_slice %arg11[%add3A_160, %dma_wait3A_161] : memref<80x128xi32, #tpu.memory_space<vmem>> -> memref<1x128xi32, #tpu.memory_space<vmem>>
      %dma_wait3A_163 = tpu.memref_squeeze %dma_wait3A_162 : memref<1x128xi32, #tpu.memory_space<vmem>> -> memref<128xi32, #tpu.memory_space<vmem>>
      %dma_wait3A_164 = arith.constant 0 : i32
      %dma_wait3A_165 = arith.constant 0 : i32
      %dma_wait3A_166 = tpu.memref_slice %arg2[%dma_wait3A_164, %dma_wait3A_165] : memref<10240x64xf32, #tpu.memory_space<hbm>> -> memref<10240x64xf32, #tpu.memory_space<hbm>>
      tpu.wait_indirect_dma semaphore(%arg18 : memref<!tpu.dma_semaphore, #tpu.memory_space<semaphore_mem>>) src(%dma_wait3A_166 : memref<10240x64xf32, #tpu.memory_space<hbm>>) dst(%arg9 : memref<128x64xf32, #tpu.memory_space<vmem>>)
      %add3A_167 = arith.constant 4 : i32
      %add3A_168 = arith.addi %mul3A_76, %add3A_167 : i32
      "tpu.region"() ({
        %run_scoped3A_201 = tpu.sem_alloc : memref<!tpu.dma_semaphore, #tpu.memory_space<semaphore_mem>>
        %dma_start3A_202 = arith.constant 0 : i32
        %dma_start3A_203 = tpu.memref_slice %arg12[%add3A_168, %dma_start3A_202] : memref<80x128xi32, #tpu.memory_space<vmem>> -> memref<1x128xi32, #tpu.memory_space<vmem>>
        %dma_start3A_204 = tpu.memref_squeeze %dma_start3A_203 : memref<1x128xi32, #tpu.memory_space<vmem>> -> memref<128xi32, #tpu.memory_space<vmem>>
        %dma_start3A_205 = arith.constant 0 : i32
        %dma_start3A_206 = arith.constant 0 : i32
        %dma_start3A_207 = tpu.memref_slice %arg13[%dma_start3A_205, %dma_start3A_206] : memref<10240x64xf32, #tpu.memory_space<vmem_shared>> -> memref<10240x64xf32, #tpu.memory_space<vmem_shared>>
        tpu.enqueue_indirect_dma source(%arg9 : memref<128x64xf32, #tpu.memory_space<vmem>>) target(%dma_start3A_207 : memref<10240x64xf32, #tpu.memory_space<vmem_shared>>) offsets(%dma_start3A_204 : memref<128xi32, #tpu.memory_space<vmem>>) semaphore(%run_scoped3A_201 : memref<!tpu.dma_semaphore, #tpu.memory_space<semaphore_mem>>) {add = true}
        %dma_wait3A_208 = arith.constant 0 : i32
        %dma_wait3A_209 = tpu.memref_slice %arg12[%add3A_168, %dma_wait3A_208] : memref<80x128xi32, #tpu.memory_space<vmem>> -> memref<1x128xi32, #tpu.memory_space<vmem>>
        %dma_wait3A_210 = tpu.memref_squeeze %dma_wait3A_209 : memref<1x128xi32, #tpu.memory_space<vmem>> -> memref<128xi32, #tpu.memory_space<vmem>>
        %dma_wait3A_211 = arith.constant 0 : i32
        %dma_wait3A_212 = arith.constant 0 : i32
        %dma_wait3A_213 = tpu.memref_slice %arg13[%dma_wait3A_211, %dma_wait3A_212] : memref<10240x64xf32, #tpu.memory_space<vmem_shared>> -> memref<10240x64xf32, #tpu.memory_space<vmem_shared>>
        tpu.wait_indirect_dma semaphore(%run_scoped3A_201 : memref<!tpu.dma_semaphore, #tpu.memory_space<semaphore_mem>>) src(%arg9 : memref<128x64xf32, #tpu.memory_space<vmem>>) dst(%dma_wait3A_213 : memref<10240x64xf32, #tpu.memory_space<vmem_shared>>)
        tpu.yield
      }) : () -> ()
      %add3A_169 = arith.constant 4 : i32
      %add3A_170 = arith.addi %mul3A_76, %add3A_169 : i32
      %add3A_171 = arith.constant 6 : i32
      %add3A_172 = arith.addi %add3A_170, %add3A_171 : i32
      %sub3A_173 = arith.constant 1 : i32
      %sub3A_174 = arith.subi %add3A_172, %sub3A_173 : i32
      %lt3A_175 = arith.constant 78 : i32
      %lt3A_176 = arith.cmpi slt, %sub3A_174, %lt3A_175 : i32
      %convert_element_type3A_177 = arith.extui %lt3A_176 : i1 to i32
      %cond3A_178 = arith.constant 0 : i32
      %cond3A_179 = arith.cmpi ne, %convert_element_type3A_177, %cond3A_178 : i32
      scf.if %cond3A_179 {
        %add3A_201 = arith.constant 4 : i32
        %add3A_202 = arith.addi %mul3A_76, %add3A_201 : i32
        %add3A_203 = arith.constant 6 : i32
        %add3A_204 = arith.addi %add3A_202, %add3A_203 : i32
        %sub3A_205 = arith.constant 1 : i32
        %sub3A_206 = arith.subi %add3A_204, %sub3A_205 : i32
        %dma_start3A_207 = arith.constant 0 : i32
        %dma_start3A_208 = tpu.memref_slice %arg11[%sub3A_206, %dma_start3A_207] : memref<80x128xi32, #tpu.memory_space<vmem>> -> memref<1x128xi32, #tpu.memory_space<vmem>>
        %dma_start3A_209 = tpu.memref_squeeze %dma_start3A_208 : memref<1x128xi32, #tpu.memory_space<vmem>> -> memref<128xi32, #tpu.memory_space<vmem>>
        %dma_start3A_210 = arith.constant 0 : i32
        %dma_start3A_211 = arith.constant 0 : i32
        %dma_start3A_212 = tpu.memref_slice %arg2[%dma_start3A_210, %dma_start3A_211] : memref<10240x64xf32, #tpu.memory_space<hbm>> -> memref<10240x64xf32, #tpu.memory_space<hbm>>
        tpu.enqueue_indirect_dma source(%dma_start3A_212 : memref<10240x64xf32, #tpu.memory_space<hbm>>) target(%arg8 : memref<128x64xf32, #tpu.memory_space<vmem>>) offsets(%dma_start3A_209 : memref<128xi32, #tpu.memory_space<vmem>>) semaphore(%arg17 : memref<!tpu.dma_semaphore, #tpu.memory_space<semaphore_mem>>)
      } else {
      }
      %add3A_180 = arith.constant 5 : i32
      %add3A_181 = arith.addi %mul3A_76, %add3A_180 : i32
      %dma_wait3A_182 = arith.constant 0 : i32
      %dma_wait3A_183 = tpu.memref_slice %arg11[%add3A_181, %dma_wait3A_182] : memref<80x128xi32, #tpu.memory_space<vmem>> -> memref<1x128xi32, #tpu.memory_space<vmem>>
      %dma_wait3A_184 = tpu.memref_squeeze %dma_wait3A_183 : memref<1x128xi32, #tpu.memory_space<vmem>> -> memref<128xi32, #tpu.memory_space<vmem>>
      %dma_wait3A_185 = arith.constant 0 : i32
      %dma_wait3A_186 = arith.constant 0 : i32
      %dma_wait3A_187 = tpu.memref_slice %arg2[%dma_wait3A_185, %dma_wait3A_186] : memref<10240x64xf32, #tpu.memory_space<hbm>> -> memref<10240x64xf32, #tpu.memory_space<hbm>>
      tpu.wait_indirect_dma semaphore(%arg19 : memref<!tpu.dma_semaphore, #tpu.memory_space<semaphore_mem>>) src(%dma_wait3A_187 : memref<10240x64xf32, #tpu.memory_space<hbm>>) dst(%arg10 : memref<128x64xf32, #tpu.memory_space<vmem>>)
      %add3A_188 = arith.constant 5 : i32
      %add3A_189 = arith.addi %mul3A_76, %add3A_188 : i32
      "tpu.region"() ({
        %run_scoped3A_201 = tpu.sem_alloc : memref<!tpu.dma_semaphore, #tpu.memory_space<semaphore_mem>>
        %dma_start3A_202 = arith.constant 0 : i32
        %dma_start3A_203 = tpu.memref_slice %arg12[%add3A_189, %dma_start3A_202] : memref<80x128xi32, #tpu.memory_space<vmem>> -> memref<1x128xi32, #tpu.memory_space<vmem>>
        %dma_start3A_204 = tpu.memref_squeeze %dma_start3A_203 : memref<1x128xi32, #tpu.memory_space<vmem>> -> memref<128xi32, #tpu.memory_space<vmem>>
        %dma_start3A_205 = arith.constant 0 : i32
        %dma_start3A_206 = arith.constant 0 : i32
        %dma_start3A_207 = tpu.memref_slice %arg13[%dma_start3A_205, %dma_start3A_206] : memref<10240x64xf32, #tpu.memory_space<vmem_shared>> -> memref<10240x64xf32, #tpu.memory_space<vmem_shared>>
        tpu.enqueue_indirect_dma source(%arg10 : memref<128x64xf32, #tpu.memory_space<vmem>>) target(%dma_start3A_207 : memref<10240x64xf32, #tpu.memory_space<vmem_shared>>) offsets(%dma_start3A_204 : memref<128xi32, #tpu.memory_space<vmem>>) semaphore(%run_scoped3A_201 : memref<!tpu.dma_semaphore, #tpu.memory_space<semaphore_mem>>) {add = true}
        %dma_wait3A_208 = arith.constant 0 : i32
        %dma_wait3A_209 = tpu.memref_slice %arg12[%add3A_189, %dma_wait3A_208] : memref<80x128xi32, #tpu.memory_space<vmem>> -> memref<1x128xi32, #tpu.memory_space<vmem>>
        %dma_wait3A_210 = tpu.memref_squeeze %dma_wait3A_209 : memref<1x128xi32, #tpu.memory_space<vmem>> -> memref<128xi32, #tpu.memory_space<vmem>>
        %dma_wait3A_211 = arith.constant 0 : i32
        %dma_wait3A_212 = arith.constant 0 : i32
        %dma_wait3A_213 = tpu.memref_slice %arg13[%dma_wait3A_211, %dma_wait3A_212] : memref<10240x64xf32, #tpu.memory_space<vmem_shared>> -> memref<10240x64xf32, #tpu.memory_space<vmem_shared>>
        tpu.wait_indirect_dma semaphore(%run_scoped3A_201 : memref<!tpu.dma_semaphore, #tpu.memory_space<semaphore_mem>>) src(%arg10 : memref<128x64xf32, #tpu.memory_space<vmem>>) dst(%dma_wait3A_213 : memref<10240x64xf32, #tpu.memory_space<vmem_shared>>)
        tpu.yield
      }) : () -> ()
      %add3A_190 = arith.constant 5 : i32
      %add3A_191 = arith.addi %mul3A_76, %add3A_190 : i32
      %add3A_192 = arith.constant 6 : i32
      %add3A_193 = arith.addi %add3A_191, %add3A_192 : i32
      %sub3A_194 = arith.constant 1 : i32
      %sub3A_195 = arith.subi %add3A_193, %sub3A_194 : i32
      %lt3A_196 = arith.constant 78 : i32
      %lt3A_197 = arith.cmpi slt, %sub3A_195, %lt3A_196 : i32
      %convert_element_type3A_198 = arith.extui %lt3A_197 : i1 to i32
      %cond3A_199 = arith.constant 0 : i32
      %cond3A_200 = arith.cmpi ne, %convert_element_type3A_198, %cond3A_199 : i32
      scf.if %cond3A_200 {
        %add3A_201 = arith.constant 5 : i32
        %add3A_202 = arith.addi %mul3A_76, %add3A_201 : i32
        %add3A_203 = arith.constant 6 : i32
        %add3A_204 = arith.addi %add3A_202, %add3A_203 : i32
        %sub3A_205 = arith.constant 1 : i32
        %sub3A_206 = arith.subi %add3A_204, %sub3A_205 : i32
        %dma_start3A_207 = arith.constant 0 : i32
        %dma_start3A_208 = tpu.memref_slice %arg11[%sub3A_206, %dma_start3A_207] : memref<80x128xi32, #tpu.memory_space<vmem>> -> memref<1x128xi32, #tpu.memory_space<vmem>>
        %dma_start3A_209 = tpu.memref_squeeze %dma_start3A_208 : memref<1x128xi32, #tpu.memory_space<vmem>> -> memref<128xi32, #tpu.memory_space<vmem>>
        %dma_start3A_210 = arith.constant 0 : i32
        %dma_start3A_211 = arith.constant 0 : i32
        %dma_start3A_212 = tpu.memref_slice %arg2[%dma_start3A_210, %dma_start3A_211] : memref<10240x64xf32, #tpu.memory_space<hbm>> -> memref<10240x64xf32, #tpu.memory_space<hbm>>
        tpu.enqueue_indirect_dma source(%dma_start3A_212 : memref<10240x64xf32, #tpu.memory_space<hbm>>) target(%arg9 : memref<128x64xf32, #tpu.memory_space<vmem>>) offsets(%dma_start3A_209 : memref<128xi32, #tpu.memory_space<vmem>>) semaphore(%arg18 : memref<!tpu.dma_semaphore, #tpu.memory_space<semaphore_mem>>)
      } else {
      }
    }
    %scan3A_65 = arith.constant 13 : i32
    %convert_element_type3A_66 = arith.extui %lt3A_8 : i1 to i32
    %cond3A_67 = arith.constant 0 : i32
    %cond3A_68 = arith.cmpi ne, %convert_element_type3A_66, %cond3A_67 : i32
    scf.if %cond3A_68 {
      %dma_start3A_70 = arith.constant 78 : i32
      %dma_start3A_71 = arith.constant 0 : i32
      %dma_start3A_72 = tpu.memref_slice %arg11[%dma_start3A_70, %dma_start3A_71] : memref<80x128xi32, #tpu.memory_space<vmem>> -> memref<1x128xi32, #tpu.memory_space<vmem>>
      %dma_start3A_73 = tpu.memref_squeeze %dma_start3A_72 : memref<1x128xi32, #tpu.memory_space<vmem>> -> memref<128xi32, #tpu.memory_space<vmem>>
      %dma_start3A_74 = arith.constant 0 : i32
      %dma_start3A_75 = arith.constant 0 : i32
      %dma_start3A_76 = tpu.memref_slice %arg2[%dma_start3A_74, %dma_start3A_75] : memref<10240x64xf32, #tpu.memory_space<hbm>> -> memref<10240x64xf32, #tpu.memory_space<hbm>>
      tpu.enqueue_indirect_dma source(%dma_start3A_76 : memref<10240x64xf32, #tpu.memory_space<hbm>>) target(%arg5 : memref<128x64xf32, #tpu.memory_space<vmem>>) offsets(%dma_start3A_73 : memref<128xi32, #tpu.memory_space<vmem>>) semaphore(%arg14 : memref<!tpu.dma_semaphore, #tpu.memory_space<semaphore_mem>>)
      %dma_start3A_77 = arith.constant 79 : i32
      %dma_start3A_78 = arith.constant 0 : i32
      %dma_start3A_79 = tpu.memref_slice %arg11[%dma_start3A_77, %dma_start3A_78] : memref<80x128xi32, #tpu.memory_space<vmem>> -> memref<1x128xi32, #tpu.memory_space<vmem>>
      %dma_start3A_80 = tpu.memref_squeeze %dma_start3A_79 : memref<1x128xi32, #tpu.memory_space<vmem>> -> memref<128xi32, #tpu.memory_space<vmem>>
      %dma_start3A_81 = arith.constant 0 : i32
      %dma_start3A_82 = arith.constant 0 : i32
      %dma_start3A_83 = tpu.memref_slice %arg2[%dma_start3A_81, %dma_start3A_82] : memref<10240x64xf32, #tpu.memory_space<hbm>> -> memref<10240x64xf32, #tpu.memory_space<hbm>>
      tpu.enqueue_indirect_dma source(%dma_start3A_83 : memref<10240x64xf32, #tpu.memory_space<hbm>>) target(%arg6 : memref<128x64xf32, #tpu.memory_space<vmem>>) offsets(%dma_start3A_80 : memref<128xi32, #tpu.memory_space<vmem>>) semaphore(%arg15 : memref<!tpu.dma_semaphore, #tpu.memory_space<semaphore_mem>>)
      %dma_wait3A = arith.constant 78 : i32
      %dma_wait3A_84 = arith.constant 0 : i32
      %dma_wait3A_85 = tpu.memref_slice %arg11[%dma_wait3A, %dma_wait3A_84] : memref<80x128xi32, #tpu.memory_space<vmem>> -> memref<1x128xi32, #tpu.memory_space<vmem>>
      %dma_wait3A_86 = tpu.memref_squeeze %dma_wait3A_85 : memref<1x128xi32, #tpu.memory_space<vmem>> -> memref<128xi32, #tpu.memory_space<vmem>>
      %dma_wait3A_87 = arith.constant 0 : i32
      %dma_wait3A_88 = arith.constant 0 : i32
      %dma_wait3A_89 = tpu.memref_slice %arg2[%dma_wait3A_87, %dma_wait3A_88] : memref<10240x64xf32, #tpu.memory_space<hbm>> -> memref<10240x64xf32, #tpu.memory_space<hbm>>
      tpu.wait_indirect_dma semaphore(%arg14 : memref<!tpu.dma_semaphore, #tpu.memory_space<semaphore_mem>>) src(%dma_wait3A_89 : memref<10240x64xf32, #tpu.memory_space<hbm>>) dst(%arg5 : memref<128x64xf32, #tpu.memory_space<vmem>>)
      %run_scoped3A_90 = arith.constant 78 : i32
      "tpu.region"() ({
        %run_scoped3A_99 = tpu.sem_alloc : memref<!tpu.dma_semaphore, #tpu.memory_space<semaphore_mem>>
        %dma_start3A_100 = arith.constant 0 : i32
        %dma_start3A_101 = tpu.memref_slice %arg12[%run_scoped3A_90, %dma_start3A_100] : memref<80x128xi32, #tpu.memory_space<vmem>> -> memref<1x128xi32, #tpu.memory_space<vmem>>
        %dma_start3A_102 = tpu.memref_squeeze %dma_start3A_101 : memref<1x128xi32, #tpu.memory_space<vmem>> -> memref<128xi32, #tpu.memory_space<vmem>>
        %dma_start3A_103 = arith.constant 0 : i32
        %dma_start3A_104 = arith.constant 0 : i32
        %dma_start3A_105 = tpu.memref_slice %arg13[%dma_start3A_103, %dma_start3A_104] : memref<10240x64xf32, #tpu.memory_space<vmem_shared>> -> memref<10240x64xf32, #tpu.memory_space<vmem_shared>>
        tpu.enqueue_indirect_dma source(%arg5 : memref<128x64xf32, #tpu.memory_space<vmem>>) target(%dma_start3A_105 : memref<10240x64xf32, #tpu.memory_space<vmem_shared>>) offsets(%dma_start3A_102 : memref<128xi32, #tpu.memory_space<vmem>>) semaphore(%run_scoped3A_99 : memref<!tpu.dma_semaphore, #tpu.memory_space<semaphore_mem>>) {add = true}
        %dma_wait3A_106 = arith.constant 0 : i32
        %dma_wait3A_107 = tpu.memref_slice %arg12[%run_scoped3A_90, %dma_wait3A_106] : memref<80x128xi32, #tpu.memory_space<vmem>> -> memref<1x128xi32, #tpu.memory_space<vmem>>
        %dma_wait3A_108 = tpu.memref_squeeze %dma_wait3A_107 : memref<1x128xi32, #tpu.memory_space<vmem>> -> memref<128xi32, #tpu.memory_space<vmem>>
        %dma_wait3A_109 = arith.constant 0 : i32
        %dma_wait3A_110 = arith.constant 0 : i32
        %dma_wait3A_111 = tpu.memref_slice %arg13[%dma_wait3A_109, %dma_wait3A_110] : memref<10240x64xf32, #tpu.memory_space<vmem_shared>> -> memref<10240x64xf32, #tpu.memory_space<vmem_shared>>
        tpu.wait_indirect_dma semaphore(%run_scoped3A_99 : memref<!tpu.dma_semaphore, #tpu.memory_space<semaphore_mem>>) src(%arg5 : memref<128x64xf32, #tpu.memory_space<vmem>>) dst(%dma_wait3A_111 : memref<10240x64xf32, #tpu.memory_space<vmem_shared>>)
        tpu.yield
      }) : () -> ()
      %dma_wait3A_91 = arith.constant 79 : i32
      %dma_wait3A_92 = arith.constant 0 : i32
      %dma_wait3A_93 = tpu.memref_slice %arg11[%dma_wait3A_91, %dma_wait3A_92] : memref<80x128xi32, #tpu.memory_space<vmem>> -> memref<1x128xi32, #tpu.memory_space<vmem>>
      %dma_wait3A_94 = tpu.memref_squeeze %dma_wait3A_93 : memref<1x128xi32, #tpu.memory_space<vmem>> -> memref<128xi32, #tpu.memory_space<vmem>>
      %dma_wait3A_95 = arith.constant 0 : i32
      %dma_wait3A_96 = arith.constant 0 : i32
      %dma_wait3A_97 = tpu.memref_slice %arg2[%dma_wait3A_95, %dma_wait3A_96] : memref<10240x64xf32, #tpu.memory_space<hbm>> -> memref<10240x64xf32, #tpu.memory_space<hbm>>
      tpu.wait_indirect_dma semaphore(%arg15 : memref<!tpu.dma_semaphore, #tpu.memory_space<semaphore_mem>>) src(%dma_wait3A_97 : memref<10240x64xf32, #tpu.memory_space<hbm>>) dst(%arg6 : memref<128x64xf32, #tpu.memory_space<vmem>>)
      %run_scoped3A_98 = arith.constant 79 : i32
      "tpu.region"() ({
        %run_scoped3A_99 = tpu.sem_alloc : memref<!tpu.dma_semaphore, #tpu.memory_space<semaphore_mem>>
        %dma_start3A_100 = arith.constant 0 : i32
        %dma_start3A_101 = tpu.memref_slice %arg12[%run_scoped3A_98, %dma_start3A_100] : memref<80x128xi32, #tpu.memory_space<vmem>> -> memref<1x128xi32, #tpu.memory_space<vmem>>
        %dma_start3A_102 = tpu.memref_squeeze %dma_start3A_101 : memref<1x128xi32, #tpu.memory_space<vmem>> -> memref<128xi32, #tpu.memory_space<vmem>>
        %dma_start3A_103 = arith.constant 0 : i32
        %dma_start3A_104 = arith.constant 0 : i32
        %dma_start3A_105 = tpu.memref_slice %arg13[%dma_start3A_103, %dma_start3A_104] : memref<10240x64xf32, #tpu.memory_space<vmem_shared>> -> memref<10240x64xf32, #tpu.memory_space<vmem_shared>>
        tpu.enqueue_indirect_dma source(%arg6 : memref<128x64xf32, #tpu.memory_space<vmem>>) target(%dma_start3A_105 : memref<10240x64xf32, #tpu.memory_space<vmem_shared>>) offsets(%dma_start3A_102 : memref<128xi32, #tpu.memory_space<vmem>>) semaphore(%run_scoped3A_99 : memref<!tpu.dma_semaphore, #tpu.memory_space<semaphore_mem>>) {add = true}
        %dma_wait3A_106 = arith.constant 0 : i32
        %dma_wait3A_107 = tpu.memref_slice %arg12[%run_scoped3A_98, %dma_wait3A_106] : memref<80x128xi32, #tpu.memory_space<vmem>> -> memref<1x128xi32, #tpu.memory_space<vmem>>
        %dma_wait3A_108 = tpu.memref_squeeze %dma_wait3A_107 : memref<1x128xi32, #tpu.memory_space<vmem>> -> memref<128xi32, #tpu.memory_space<vmem>>
        %dma_wait3A_109 = arith.constant 0 : i32
        %dma_wait3A_110 = arith.constant 0 : i32
        %dma_wait3A_111 = tpu.memref_slice %arg13[%dma_wait3A_109, %dma_wait3A_110] : memref<10240x64xf32, #tpu.memory_space<vmem_shared>> -> memref<10240x64xf32, #tpu.memory_space<vmem_shared>>
        tpu.wait_indirect_dma semaphore(%run_scoped3A_99 : memref<!tpu.dma_semaphore, #tpu.memory_space<semaphore_mem>>) src(%arg6 : memref<128x64xf32, #tpu.memory_space<vmem>>) dst(%dma_wait3A_111 : memref<10240x64xf32, #tpu.memory_space<vmem_shared>>)
        tpu.yield
      }) : () -> ()
    } else {
    }
    %barrier3A_69 = arith.constant 0 : index
    tpu.barrier barrier_id(%barrier3A_69)
    "tpu.region"() ({
      %run_scoped3A_70 = tpu.sem_alloc : memref<!tpu.dma_semaphore, #tpu.memory_space<semaphore_mem>>
      %dma_start3A_71 = arith.constant 0 : i32
      %dma_start3A_72 = tpu.memref_slice %arg4[%arg0, %mul3A_16, %dma_start3A_71] : memref<2x10240x64xf32, #tpu.memory_space<hbm>> -> memref<1x640x64xf32, #tpu.memory_space<hbm>>
      %dma_start3A_73 = tpu.memref_squeeze %dma_start3A_72 : memref<1x640x64xf32, #tpu.memory_space<hbm>> -> memref<640x64xf32, #tpu.memory_space<hbm>>
      %dma_start3A_74 = arith.constant 0 : i32
      %dma_start3A_75 = tpu.memref_slice %arg13[%mul3A_16, %dma_start3A_74] : memref<10240x64xf32, #tpu.memory_space<vmem_shared>> -> memref<640x64xf32, #tpu.memory_space<vmem_shared>>
      tpu.enqueue_dma source(%dma_start3A_75 : memref<640x64xf32, #tpu.memory_space<vmem_shared>>) target(%dma_start3A_73 : memref<640x64xf32, #tpu.memory_space<hbm>>) target_semaphore(%run_scoped3A_70 : memref<!tpu.dma_semaphore, #tpu.memory_space<semaphore_mem>>)
      %dma_wait3A = arith.constant 0 : i32
      %dma_wait3A_76 = tpu.memref_slice %arg4[%arg0, %mul3A_16, %dma_wait3A] : memref<2x10240x64xf32, #tpu.memory_space<hbm>> -> memref<1x640x64xf32, #tpu.memory_space<hbm>>
      %dma_wait3A_77 = tpu.memref_squeeze %dma_wait3A_76 : memref<1x640x64xf32, #tpu.memory_space<hbm>> -> memref<640x64xf32, #tpu.memory_space<hbm>>
      %dma_wait3A_78 = arith.constant 0 : i32
      %dma_wait3A_79 = tpu.memref_slice %arg13[%mul3A_16, %dma_wait3A_78] : memref<10240x64xf32, #tpu.memory_space<vmem_shared>> -> memref<640x64xf32, #tpu.memory_space<vmem_shared>>
      tpu.wait_dma2 semaphore(%run_scoped3A_70 : memref<!tpu.dma_semaphore, #tpu.memory_space<semaphore_mem>>) src(%dma_wait3A_79 : memref<640x64xf32, #tpu.memory_space<vmem_shared>>) dst(%dma_wait3A_77 : memref<640x64xf32, #tpu.memory_space<hbm>>)
      tpu.yield
    }) : () -> ()
    return
  }
}

#map = affine_map<(d0, d1) -> (0, 0)>
#map1 = affine_map<(d0, d1) -> (0, 0, 0)>
module attributes {stable_mosaic.version = 14 : i64} {
  func.func @_sc_aggregate(%arg0: i32, %arg1: i32, %arg2: memref<20000x64xf32, #tpu.memory_space<hbm>>, %arg3: memref<2x2500x128xi32, #tpu.memory_space<hbm>>, %arg4: memref<2x10240x64xf32, #tpu.memory_space<hbm>>, %arg5: memref<128x64xf32, #tpu.memory_space<vmem>>, %arg6: memref<128x64xf32, #tpu.memory_space<vmem>>, %arg7: memref<128x64xf32, #tpu.memory_space<vmem>>, %arg8: memref<128x64xf32, #tpu.memory_space<vmem>>, %arg9: memref<128x64xf32, #tpu.memory_space<vmem>>, %arg10: memref<128x64xf32, #tpu.memory_space<vmem>>, %arg11: memref<158x128xi32, #tpu.memory_space<vmem>>, %arg12: memref<158x128xi32, #tpu.memory_space<vmem>>, %arg13: memref<10240x64xf32, #tpu.memory_space<vmem_shared>>, %arg14: memref<!tpu.dma_semaphore, #tpu.memory_space<semaphore_mem>>, %arg15: memref<!tpu.dma_semaphore, #tpu.memory_space<semaphore_mem>>, %arg16: memref<!tpu.dma_semaphore, #tpu.memory_space<semaphore_mem>>, %arg17: memref<!tpu.dma_semaphore, #tpu.memory_space<semaphore_mem>>, %arg18: memref<!tpu.dma_semaphore, #tpu.memory_space<semaphore_mem>>, %arg19: memref<!tpu.dma_semaphore, #tpu.memory_space<semaphore_mem>>) attributes {dimension_semantics = [#tpu.dimension_semantics<core_parallel>, #tpu.dimension_semantics<subcore_parallel>], iteration_bounds = array<i64: 2, 16>, scalar_prefetch = 0 : i64, scratch_operands = 15 : i64, tpu.core_type = #tpu.core_type<sc_vector_subcore>, window_params = [{transform_indices = #map}, {transform_indices = #map1}, {transform_indices = #map1}]} {
    %broadcast_in_dim3A = arith.constant 0.000000e+00 : f32
    %broadcast_in_dim3A_0 = vector.broadcast %broadcast_in_dim3A : f32 to vector<16xf32>
    %mul3A = arith.constant 156 : i32
    %mul3A_1 = arith.muli %mul3A, %arg1 : i32
    %min3A = arith.constant 2 : i32
    %min3A_2 = arith.minsi %arg1, %min3A : i32
    %mul3A_3 = arith.constant 2 : i32
    %mul3A_4 = arith.muli %mul3A_3, %min3A_2 : i32
    %add3A = arith.addi %mul3A_1, %mul3A_4 : i32
    %lt3A = arith.constant 2 : i32
    %lt3A_5 = arith.cmpi slt, %arg1, %lt3A : i32
    %run_scoped3A = arith.constant 0 : i32
    "tpu.region"() ({
      %run_scoped3A_76 = tpu.sem_alloc : memref<!tpu.dma_semaphore, #tpu.memory_space<semaphore_mem>>
      %dma_start3A_77 = arith.constant 0 : i32
      %dma_start3A_78 = arith.constant 0 : i32
      %dma_start3A_79 = tpu.memref_slice %arg11[%dma_start3A_77, %dma_start3A_78] : memref<158x128xi32, #tpu.memory_space<vmem>> -> memref<156x128xi32, #tpu.memory_space<vmem>>
      %dma_start3A_80 = arith.constant 0 : i32
      %dma_start3A_81 = tpu.memref_slice %arg3[%run_scoped3A, %add3A, %dma_start3A_80] : memref<2x2500x128xi32, #tpu.memory_space<hbm>> -> memref<1x156x128xi32, #tpu.memory_space<hbm>>
      %dma_start3A_82 = tpu.memref_squeeze %dma_start3A_81 : memref<1x156x128xi32, #tpu.memory_space<hbm>> -> memref<156x128xi32, #tpu.memory_space<hbm>>
      %dma_start3A_83 = arith.constant 0 : i32
      %dma_start3A_84 = arith.constant 0 : i32
      %dma_start3A_85 = tpu.memref_slice %arg11[%dma_start3A_83, %dma_start3A_84] : memref<158x128xi32, #tpu.memory_space<vmem>> -> memref<156x128xi32, #tpu.memory_space<vmem>>
      %dma_start3A_86 = arith.constant 0 : i32
      %dma_start3A_87 = tpu.memref_slice %arg3[%run_scoped3A, %add3A, %dma_start3A_86] : memref<2x2500x128xi32, #tpu.memory_space<hbm>> -> memref<1x156x128xi32, #tpu.memory_space<hbm>>
      %dma_start3A_88 = tpu.memref_squeeze %dma_start3A_87 : memref<1x156x128xi32, #tpu.memory_space<hbm>> -> memref<156x128xi32, #tpu.memory_space<hbm>>
      tpu.enqueue_dma source(%dma_start3A_88 : memref<156x128xi32, #tpu.memory_space<hbm>>) target(%dma_start3A_85 : memref<156x128xi32, #tpu.memory_space<vmem>>) target_semaphore(%run_scoped3A_76 : memref<!tpu.dma_semaphore, #tpu.memory_space<semaphore_mem>>)
      %dma_wait3A = arith.constant 0 : i32
      %dma_wait3A_89 = arith.constant 0 : i32
      %dma_wait3A_90 = tpu.memref_slice %arg11[%dma_wait3A, %dma_wait3A_89] : memref<158x128xi32, #tpu.memory_space<vmem>> -> memref<156x128xi32, #tpu.memory_space<vmem>>
      %dma_wait3A_91 = arith.constant 0 : i32
      %dma_wait3A_92 = tpu.memref_slice %arg3[%run_scoped3A, %add3A, %dma_wait3A_91] : memref<2x2500x128xi32, #tpu.memory_space<hbm>> -> memref<1x156x128xi32, #tpu.memory_space<hbm>>
      %dma_wait3A_93 = tpu.memref_squeeze %dma_wait3A_92 : memref<1x156x128xi32, #tpu.memory_space<hbm>> -> memref<156x128xi32, #tpu.memory_space<hbm>>
      %dma_wait3A_94 = arith.constant 0 : i32
      %dma_wait3A_95 = arith.constant 0 : i32
      %dma_wait3A_96 = tpu.memref_slice %arg11[%dma_wait3A_94, %dma_wait3A_95] : memref<158x128xi32, #tpu.memory_space<vmem>> -> memref<156x128xi32, #tpu.memory_space<vmem>>
      %dma_wait3A_97 = arith.constant 0 : i32
      %dma_wait3A_98 = tpu.memref_slice %arg3[%run_scoped3A, %add3A, %dma_wait3A_97] : memref<2x2500x128xi32, #tpu.memory_space<hbm>> -> memref<1x156x128xi32, #tpu.memory_space<hbm>>
      %dma_wait3A_99 = tpu.memref_squeeze %dma_wait3A_98 : memref<1x156x128xi32, #tpu.memory_space<hbm>> -> memref<156x128xi32, #tpu.memory_space<hbm>>
      tpu.wait_dma2 semaphore(%run_scoped3A_76 : memref<!tpu.dma_semaphore, #tpu.memory_space<semaphore_mem>>) src(%dma_wait3A_99 : memref<156x128xi32, #tpu.memory_space<hbm>>) dst(%dma_wait3A_96 : memref<156x128xi32, #tpu.memory_space<vmem>>)
      tpu.yield
    }) : () -> ()
    %run_scoped3A_6 = arith.constant 1 : i32
    "tpu.region"() ({
      %run_scoped3A_76 = tpu.sem_alloc : memref<!tpu.dma_semaphore, #tpu.memory_space<semaphore_mem>>
      %dma_start3A_77 = arith.constant 0 : i32
      %dma_start3A_78 = arith.constant 0 : i32
      %dma_start3A_79 = tpu.memref_slice %arg12[%dma_start3A_77, %dma_start3A_78] : memref<158x128xi32, #tpu.memory_space<vmem>> -> memref<156x128xi32, #tpu.memory_space<vmem>>
      %dma_start3A_80 = arith.constant 0 : i32
      %dma_start3A_81 = tpu.memref_slice %arg3[%run_scoped3A_6, %add3A, %dma_start3A_80] : memref<2x2500x128xi32, #tpu.memory_space<hbm>> -> memref<1x156x128xi32, #tpu.memory_space<hbm>>
      %dma_start3A_82 = tpu.memref_squeeze %dma_start3A_81 : memref<1x156x128xi32, #tpu.memory_space<hbm>> -> memref<156x128xi32, #tpu.memory_space<hbm>>
      %dma_start3A_83 = arith.constant 0 : i32
      %dma_start3A_84 = arith.constant 0 : i32
      %dma_start3A_85 = tpu.memref_slice %arg12[%dma_start3A_83, %dma_start3A_84] : memref<158x128xi32, #tpu.memory_space<vmem>> -> memref<156x128xi32, #tpu.memory_space<vmem>>
      %dma_start3A_86 = arith.constant 0 : i32
      %dma_start3A_87 = tpu.memref_slice %arg3[%run_scoped3A_6, %add3A, %dma_start3A_86] : memref<2x2500x128xi32, #tpu.memory_space<hbm>> -> memref<1x156x128xi32, #tpu.memory_space<hbm>>
      %dma_start3A_88 = tpu.memref_squeeze %dma_start3A_87 : memref<1x156x128xi32, #tpu.memory_space<hbm>> -> memref<156x128xi32, #tpu.memory_space<hbm>>
      tpu.enqueue_dma source(%dma_start3A_88 : memref<156x128xi32, #tpu.memory_space<hbm>>) target(%dma_start3A_85 : memref<156x128xi32, #tpu.memory_space<vmem>>) target_semaphore(%run_scoped3A_76 : memref<!tpu.dma_semaphore, #tpu.memory_space<semaphore_mem>>)
      %dma_wait3A = arith.constant 0 : i32
      %dma_wait3A_89 = arith.constant 0 : i32
      %dma_wait3A_90 = tpu.memref_slice %arg12[%dma_wait3A, %dma_wait3A_89] : memref<158x128xi32, #tpu.memory_space<vmem>> -> memref<156x128xi32, #tpu.memory_space<vmem>>
      %dma_wait3A_91 = arith.constant 0 : i32
      %dma_wait3A_92 = tpu.memref_slice %arg3[%run_scoped3A_6, %add3A, %dma_wait3A_91] : memref<2x2500x128xi32, #tpu.memory_space<hbm>> -> memref<1x156x128xi32, #tpu.memory_space<hbm>>
      %dma_wait3A_93 = tpu.memref_squeeze %dma_wait3A_92 : memref<1x156x128xi32, #tpu.memory_space<hbm>> -> memref<156x128xi32, #tpu.memory_space<hbm>>
      %dma_wait3A_94 = arith.constant 0 : i32
      %dma_wait3A_95 = arith.constant 0 : i32
      %dma_wait3A_96 = tpu.memref_slice %arg12[%dma_wait3A_94, %dma_wait3A_95] : memref<158x128xi32, #tpu.memory_space<vmem>> -> memref<156x128xi32, #tpu.memory_space<vmem>>
      %dma_wait3A_97 = arith.constant 0 : i32
      %dma_wait3A_98 = tpu.memref_slice %arg3[%run_scoped3A_6, %add3A, %dma_wait3A_97] : memref<2x2500x128xi32, #tpu.memory_space<hbm>> -> memref<1x156x128xi32, #tpu.memory_space<hbm>>
      %dma_wait3A_99 = tpu.memref_squeeze %dma_wait3A_98 : memref<1x156x128xi32, #tpu.memory_space<hbm>> -> memref<156x128xi32, #tpu.memory_space<hbm>>
      tpu.wait_dma2 semaphore(%run_scoped3A_76 : memref<!tpu.dma_semaphore, #tpu.memory_space<semaphore_mem>>) src(%dma_wait3A_99 : memref<156x128xi32, #tpu.memory_space<hbm>>) dst(%dma_wait3A_96 : memref<156x128xi32, #tpu.memory_space<vmem>>)
      tpu.yield
    }) : () -> ()
    %convert_element_type3A = arith.extui %lt3A_5 : i1 to i32
    %cond3A = arith.constant 0 : i32
    %cond3A_7 = arith.cmpi ne, %convert_element_type3A, %cond3A : i32
    scf.if %cond3A_7 {
      %add3A_76 = arith.constant 156 : i32
      %add3A_77 = arith.addi %add3A, %add3A_76 : i32
      %run_scoped3A_78 = arith.constant 0 : i32
      "tpu.region"() ({
        %run_scoped3A_82 = tpu.sem_alloc : memref<!tpu.dma_semaphore, #tpu.memory_space<semaphore_mem>>
        %dma_start3A_83 = arith.constant 156 : i32
        %dma_start3A_84 = arith.constant 0 : i32
        %dma_start3A_85 = tpu.memref_slice %arg11[%dma_start3A_83, %dma_start3A_84] : memref<158x128xi32, #tpu.memory_space<vmem>> -> memref<2x128xi32, #tpu.memory_space<vmem>>
        %dma_start3A_86 = arith.constant 0 : i32
        %dma_start3A_87 = tpu.memref_slice %arg3[%run_scoped3A_78, %add3A_77, %dma_start3A_86] : memref<2x2500x128xi32, #tpu.memory_space<hbm>> -> memref<1x2x128xi32, #tpu.memory_space<hbm>>
        %dma_start3A_88 = tpu.memref_squeeze %dma_start3A_87 : memref<1x2x128xi32, #tpu.memory_space<hbm>> -> memref<2x128xi32, #tpu.memory_space<hbm>>
        %dma_start3A_89 = arith.constant 156 : i32
        %dma_start3A_90 = arith.constant 0 : i32
        %dma_start3A_91 = tpu.memref_slice %arg11[%dma_start3A_89, %dma_start3A_90] : memref<158x128xi32, #tpu.memory_space<vmem>> -> memref<2x128xi32, #tpu.memory_space<vmem>>
        %dma_start3A_92 = arith.constant 0 : i32
        %dma_start3A_93 = tpu.memref_slice %arg3[%run_scoped3A_78, %add3A_77, %dma_start3A_92] : memref<2x2500x128xi32, #tpu.memory_space<hbm>> -> memref<1x2x128xi32, #tpu.memory_space<hbm>>
        %dma_start3A_94 = tpu.memref_squeeze %dma_start3A_93 : memref<1x2x128xi32, #tpu.memory_space<hbm>> -> memref<2x128xi32, #tpu.memory_space<hbm>>
        tpu.enqueue_dma source(%dma_start3A_94 : memref<2x128xi32, #tpu.memory_space<hbm>>) target(%dma_start3A_91 : memref<2x128xi32, #tpu.memory_space<vmem>>) target_semaphore(%run_scoped3A_82 : memref<!tpu.dma_semaphore, #tpu.memory_space<semaphore_mem>>)
        %dma_wait3A = arith.constant 156 : i32
        %dma_wait3A_95 = arith.constant 0 : i32
        %dma_wait3A_96 = tpu.memref_slice %arg11[%dma_wait3A, %dma_wait3A_95] : memref<158x128xi32, #tpu.memory_space<vmem>> -> memref<2x128xi32, #tpu.memory_space<vmem>>
        %dma_wait3A_97 = arith.constant 0 : i32
        %dma_wait3A_98 = tpu.memref_slice %arg3[%run_scoped3A_78, %add3A_77, %dma_wait3A_97] : memref<2x2500x128xi32, #tpu.memory_space<hbm>> -> memref<1x2x128xi32, #tpu.memory_space<hbm>>
        %dma_wait3A_99 = tpu.memref_squeeze %dma_wait3A_98 : memref<1x2x128xi32, #tpu.memory_space<hbm>> -> memref<2x128xi32, #tpu.memory_space<hbm>>
        %dma_wait3A_100 = arith.constant 156 : i32
        %dma_wait3A_101 = arith.constant 0 : i32
        %dma_wait3A_102 = tpu.memref_slice %arg11[%dma_wait3A_100, %dma_wait3A_101] : memref<158x128xi32, #tpu.memory_space<vmem>> -> memref<2x128xi32, #tpu.memory_space<vmem>>
        %dma_wait3A_103 = arith.constant 0 : i32
        %dma_wait3A_104 = tpu.memref_slice %arg3[%run_scoped3A_78, %add3A_77, %dma_wait3A_103] : memref<2x2500x128xi32, #tpu.memory_space<hbm>> -> memref<1x2x128xi32, #tpu.memory_space<hbm>>
        %dma_wait3A_105 = tpu.memref_squeeze %dma_wait3A_104 : memref<1x2x128xi32, #tpu.memory_space<hbm>> -> memref<2x128xi32, #tpu.memory_space<hbm>>
        tpu.wait_dma2 semaphore(%run_scoped3A_82 : memref<!tpu.dma_semaphore, #tpu.memory_space<semaphore_mem>>) src(%dma_wait3A_105 : memref<2x128xi32, #tpu.memory_space<hbm>>) dst(%dma_wait3A_102 : memref<2x128xi32, #tpu.memory_space<vmem>>)
        tpu.yield
      }) : () -> ()
      %add3A_79 = arith.constant 156 : i32
      %add3A_80 = arith.addi %add3A, %add3A_79 : i32
      %run_scoped3A_81 = arith.constant 1 : i32
      "tpu.region"() ({
        %run_scoped3A_82 = tpu.sem_alloc : memref<!tpu.dma_semaphore, #tpu.memory_space<semaphore_mem>>
        %dma_start3A_83 = arith.constant 156 : i32
        %dma_start3A_84 = arith.constant 0 : i32
        %dma_start3A_85 = tpu.memref_slice %arg12[%dma_start3A_83, %dma_start3A_84] : memref<158x128xi32, #tpu.memory_space<vmem>> -> memref<2x128xi32, #tpu.memory_space<vmem>>
        %dma_start3A_86 = arith.constant 0 : i32
        %dma_start3A_87 = tpu.memref_slice %arg3[%run_scoped3A_81, %add3A_80, %dma_start3A_86] : memref<2x2500x128xi32, #tpu.memory_space<hbm>> -> memref<1x2x128xi32, #tpu.memory_space<hbm>>
        %dma_start3A_88 = tpu.memref_squeeze %dma_start3A_87 : memref<1x2x128xi32, #tpu.memory_space<hbm>> -> memref<2x128xi32, #tpu.memory_space<hbm>>
        %dma_start3A_89 = arith.constant 156 : i32
        %dma_start3A_90 = arith.constant 0 : i32
        %dma_start3A_91 = tpu.memref_slice %arg12[%dma_start3A_89, %dma_start3A_90] : memref<158x128xi32, #tpu.memory_space<vmem>> -> memref<2x128xi32, #tpu.memory_space<vmem>>
        %dma_start3A_92 = arith.constant 0 : i32
        %dma_start3A_93 = tpu.memref_slice %arg3[%run_scoped3A_81, %add3A_80, %dma_start3A_92] : memref<2x2500x128xi32, #tpu.memory_space<hbm>> -> memref<1x2x128xi32, #tpu.memory_space<hbm>>
        %dma_start3A_94 = tpu.memref_squeeze %dma_start3A_93 : memref<1x2x128xi32, #tpu.memory_space<hbm>> -> memref<2x128xi32, #tpu.memory_space<hbm>>
        tpu.enqueue_dma source(%dma_start3A_94 : memref<2x128xi32, #tpu.memory_space<hbm>>) target(%dma_start3A_91 : memref<2x128xi32, #tpu.memory_space<vmem>>) target_semaphore(%run_scoped3A_82 : memref<!tpu.dma_semaphore, #tpu.memory_space<semaphore_mem>>)
        %dma_wait3A = arith.constant 156 : i32
        %dma_wait3A_95 = arith.constant 0 : i32
        %dma_wait3A_96 = tpu.memref_slice %arg12[%dma_wait3A, %dma_wait3A_95] : memref<158x128xi32, #tpu.memory_space<vmem>> -> memref<2x128xi32, #tpu.memory_space<vmem>>
        %dma_wait3A_97 = arith.constant 0 : i32
        %dma_wait3A_98 = tpu.memref_slice %arg3[%run_scoped3A_81, %add3A_80, %dma_wait3A_97] : memref<2x2500x128xi32, #tpu.memory_space<hbm>> -> memref<1x2x128xi32, #tpu.memory_space<hbm>>
        %dma_wait3A_99 = tpu.memref_squeeze %dma_wait3A_98 : memref<1x2x128xi32, #tpu.memory_space<hbm>> -> memref<2x128xi32, #tpu.memory_space<hbm>>
        %dma_wait3A_100 = arith.constant 156 : i32
        %dma_wait3A_101 = arith.constant 0 : i32
        %dma_wait3A_102 = tpu.memref_slice %arg12[%dma_wait3A_100, %dma_wait3A_101] : memref<158x128xi32, #tpu.memory_space<vmem>> -> memref<2x128xi32, #tpu.memory_space<vmem>>
        %dma_wait3A_103 = arith.constant 0 : i32
        %dma_wait3A_104 = tpu.memref_slice %arg3[%run_scoped3A_81, %add3A_80, %dma_wait3A_103] : memref<2x2500x128xi32, #tpu.memory_space<hbm>> -> memref<1x2x128xi32, #tpu.memory_space<hbm>>
        %dma_wait3A_105 = tpu.memref_squeeze %dma_wait3A_104 : memref<1x2x128xi32, #tpu.memory_space<hbm>> -> memref<2x128xi32, #tpu.memory_space<hbm>>
        tpu.wait_dma2 semaphore(%run_scoped3A_82 : memref<!tpu.dma_semaphore, #tpu.memory_space<semaphore_mem>>) src(%dma_wait3A_105 : memref<2x128xi32, #tpu.memory_space<hbm>>) dst(%dma_wait3A_102 : memref<2x128xi32, #tpu.memory_space<vmem>>)
        tpu.yield
      }) : () -> ()
    } else {
    }
    %broadcast_in_dim3A_8 = arith.constant 1 : i32
    %broadcast_in_dim3A_9 = vector.broadcast %broadcast_in_dim3A_8 : i32 to vector<16xi32>
    %mul3A_10 = vector.broadcast %arg0 : i32 to vector<16xi32>
    %mul3A_11 = arith.muli %broadcast_in_dim3A_9, %mul3A_10 : vector<16xi32>
    %scan3A = arith.constant 0 : i32
    %scan3A_12 = arith.constant 158 : i32
    %scan3A_13 = arith.addi %scan3A, %scan3A_12 : i32
    %scan3A_14 = arith.constant 1 : i32
    scf.for %scan3A_76 = %scan3A to %scan3A_13 step %scan3A_14  : i32 {
      %mul3A_77 = arith.constant 1 : i32
      %mul3A_78 = arith.muli %scan3A_76, %mul3A_77 : i32
      %add3A_79 = arith.constant 0 : i32
      %add3A_80 = arith.addi %add3A_79, %mul3A_78 : i32
      %scan3A_81 = arith.constant 0 : i32
      %mul3A_82 = arith.constant 1 : i32
      %mul3A_83 = arith.muli %scan3A_81, %mul3A_82 : i32
      %add3A_84 = arith.constant 0 : i32
      %add3A_85 = arith.addi %add3A_84, %mul3A_83 : i32
      %mul3A_86 = arith.constant 16 : i32
      %mul3A_87 = arith.muli %add3A_85, %mul3A_86 : i32
      %get3A = arith.index_cast %add3A_80 : i32 to index
      %get3A_88 = arith.index_cast %mul3A_87 : i32 to index
      %get3A_89 = tpu.vector_load %arg11[%get3A, %get3A_88] {strides = array<i32>} : memref<158x128xi32, #tpu.memory_space<vmem>>, vector<16xi32>,
      %get3A_90 = arith.index_cast %add3A_80 : i32 to index
      %get3A_91 = arith.index_cast %mul3A_87 : i32 to index
      %get3A_92 = tpu.vector_load %arg11[%get3A_90, %get3A_91] {strides = array<i32>} : memref<158x128xi32, #tpu.memory_space<vmem>>, vector<16xi32>,
      %add3A_93 = arith.addi %get3A_89, %get3A_92 : vector<16xi32>
      %add3A_94 = arith.addi %add3A_93, %mul3A_11 : vector<16xi32>
      %swap3A = arith.index_cast %add3A_80 : i32 to index
      %swap3A_95 = arith.index_cast %mul3A_87 : i32 to index
      %swap3A_96 = tpu.vector_load %arg11[%swap3A, %swap3A_95] {strides = array<i32>} : memref<158x128xi32, #tpu.memory_space<vmem>>, vector<16xi32>,
      tpu.vector_store %arg11[%swap3A, %swap3A_95], %add3A_94 {strides = array<i32>} : memref<158x128xi32, #tpu.memory_space<vmem>>, vector<16xi32>,
      %scan3A_97 = arith.constant 1 : i32
      %mul3A_98 = arith.constant 1 : i32
      %mul3A_99 = arith.muli %scan3A_97, %mul3A_98 : i32
      %add3A_100 = arith.constant 0 : i32
      %add3A_101 = arith.addi %add3A_100, %mul3A_99 : i32
      %mul3A_102 = arith.constant 16 : i32
      %mul3A_103 = arith.muli %add3A_101, %mul3A_102 : i32
      %get3A_104 = arith.index_cast %add3A_80 : i32 to index
      %get3A_105 = arith.index_cast %mul3A_103 : i32 to index
      %get3A_106 = tpu.vector_load %arg11[%get3A_104, %get3A_105] {strides = array<i32>} : memref<158x128xi32, #tpu.memory_space<vmem>>, vector<16xi32>,
      %get3A_107 = arith.index_cast %add3A_80 : i32 to index
      %get3A_108 = arith.index_cast %mul3A_103 : i32 to index
      %get3A_109 = tpu.vector_load %arg11[%get3A_107, %get3A_108] {strides = array<i32>} : memref<158x128xi32, #tpu.memory_space<vmem>>, vector<16xi32>,
      %add3A_110 = arith.addi %get3A_106, %get3A_109 : vector<16xi32>
      %add3A_111 = arith.addi %add3A_110, %mul3A_11 : vector<16xi32>
      %swap3A_112 = arith.index_cast %add3A_80 : i32 to index
      %swap3A_113 = arith.index_cast %mul3A_103 : i32 to index
      %swap3A_114 = tpu.vector_load %arg11[%swap3A_112, %swap3A_113] {strides = array<i32>} : memref<158x128xi32, #tpu.memory_space<vmem>>, vector<16xi32>,
      tpu.vector_store %arg11[%swap3A_112, %swap3A_113], %add3A_111 {strides = array<i32>} : memref<158x128xi32, #tpu.memory_space<vmem>>, vector<16xi32>,
      %scan3A_115 = arith.constant 2 : i32
      %mul3A_116 = arith.constant 1 : i32
      %mul3A_117 = arith.muli %scan3A_115, %mul3A_116 : i32
      %add3A_118 = arith.constant 0 : i32
      %add3A_119 = arith.addi %add3A_118, %mul3A_117 : i32
      %mul3A_120 = arith.constant 16 : i32
      %mul3A_121 = arith.muli %add3A_119, %mul3A_120 : i32
      %get3A_122 = arith.index_cast %add3A_80 : i32 to index
      %get3A_123 = arith.index_cast %mul3A_121 : i32 to index
      %get3A_124 = tpu.vector_load %arg11[%get3A_122, %get3A_123] {strides = array<i32>} : memref<158x128xi32, #tpu.memory_space<vmem>>, vector<16xi32>,
      %get3A_125 = arith.index_cast %add3A_80 : i32 to index
      %get3A_126 = arith.index_cast %mul3A_121 : i32 to index
      %get3A_127 = tpu.vector_load %arg11[%get3A_125, %get3A_126] {strides = array<i32>} : memref<158x128xi32, #tpu.memory_space<vmem>>, vector<16xi32>,
      %add3A_128 = arith.addi %get3A_124, %get3A_127 : vector<16xi32>
      %add3A_129 = arith.addi %add3A_128, %mul3A_11 : vector<16xi32>
      %swap3A_130 = arith.index_cast %add3A_80 : i32 to index
      %swap3A_131 = arith.index_cast %mul3A_121 : i32 to index
      %swap3A_132 = tpu.vector_load %arg11[%swap3A_130, %swap3A_131] {strides = array<i32>} : memref<158x128xi32, #tpu.memory_space<vmem>>, vector<16xi32>,
      tpu.vector_store %arg11[%swap3A_130, %swap3A_131], %add3A_129 {strides = array<i32>} : memref<158x128xi32, #tpu.memory_space<vmem>>, vector<16xi32>,
      %scan3A_133 = arith.constant 3 : i32
      %mul3A_134 = arith.constant 1 : i32
      %mul3A_135 = arith.muli %scan3A_133, %mul3A_134 : i32
      %add3A_136 = arith.constant 0 : i32
      %add3A_137 = arith.addi %add3A_136, %mul3A_135 : i32
      %mul3A_138 = arith.constant 16 : i32
      %mul3A_139 = arith.muli %add3A_137, %mul3A_138 : i32
      %get3A_140 = arith.index_cast %add3A_80 : i32 to index
      %get3A_141 = arith.index_cast %mul3A_139 : i32 to index
      %get3A_142 = tpu.vector_load %arg11[%get3A_140, %get3A_141] {strides = array<i32>} : memref<158x128xi32, #tpu.memory_space<vmem>>, vector<16xi32>,
      %get3A_143 = arith.index_cast %add3A_80 : i32 to index
      %get3A_144 = arith.index_cast %mul3A_139 : i32 to index
      %get3A_145 = tpu.vector_load %arg11[%get3A_143, %get3A_144] {strides = array<i32>} : memref<158x128xi32, #tpu.memory_space<vmem>>, vector<16xi32>,
      %add3A_146 = arith.addi %get3A_142, %get3A_145 : vector<16xi32>
      %add3A_147 = arith.addi %add3A_146, %mul3A_11 : vector<16xi32>
      %swap3A_148 = arith.index_cast %add3A_80 : i32 to index
      %swap3A_149 = arith.index_cast %mul3A_139 : i32 to index
      %swap3A_150 = tpu.vector_load %arg11[%swap3A_148, %swap3A_149] {strides = array<i32>} : memref<158x128xi32, #tpu.memory_space<vmem>>, vector<16xi32>,
      tpu.vector_store %arg11[%swap3A_148, %swap3A_149], %add3A_147 {strides = array<i32>} : memref<158x128xi32, #tpu.memory_space<vmem>>, vector<16xi32>,
      %scan3A_151 = arith.constant 4 : i32
      %mul3A_152 = arith.constant 1 : i32
      %mul3A_153 = arith.muli %scan3A_151, %mul3A_152 : i32
      %add3A_154 = arith.constant 0 : i32
      %add3A_155 = arith.addi %add3A_154, %mul3A_153 : i32
      %mul3A_156 = arith.constant 16 : i32
      %mul3A_157 = arith.muli %add3A_155, %mul3A_156 : i32
      %get3A_158 = arith.index_cast %add3A_80 : i32 to index
      %get3A_159 = arith.index_cast %mul3A_157 : i32 to index
      %get3A_160 = tpu.vector_load %arg11[%get3A_158, %get3A_159] {strides = array<i32>} : memref<158x128xi32, #tpu.memory_space<vmem>>, vector<16xi32>,
      %get3A_161 = arith.index_cast %add3A_80 : i32 to index
      %get3A_162 = arith.index_cast %mul3A_157 : i32 to index
      %get3A_163 = tpu.vector_load %arg11[%get3A_161, %get3A_162] {strides = array<i32>} : memref<158x128xi32, #tpu.memory_space<vmem>>, vector<16xi32>,
      %add3A_164 = arith.addi %get3A_160, %get3A_163 : vector<16xi32>
      %add3A_165 = arith.addi %add3A_164, %mul3A_11 : vector<16xi32>
      %swap3A_166 = arith.index_cast %add3A_80 : i32 to index
      %swap3A_167 = arith.index_cast %mul3A_157 : i32 to index
      %swap3A_168 = tpu.vector_load %arg11[%swap3A_166, %swap3A_167] {strides = array<i32>} : memref<158x128xi32, #tpu.memory_space<vmem>>, vector<16xi32>,
      tpu.vector_store %arg11[%swap3A_166, %swap3A_167], %add3A_165 {strides = array<i32>} : memref<158x128xi32, #tpu.memory_space<vmem>>, vector<16xi32>,
      %scan3A_169 = arith.constant 5 : i32
      %mul3A_170 = arith.constant 1 : i32
      %mul3A_171 = arith.muli %scan3A_169, %mul3A_170 : i32
      %add3A_172 = arith.constant 0 : i32
      %add3A_173 = arith.addi %add3A_172, %mul3A_171 : i32
      %mul3A_174 = arith.constant 16 : i32
      %mul3A_175 = arith.muli %add3A_173, %mul3A_174 : i32
      %get3A_176 = arith.index_cast %add3A_80 : i32 to index
      %get3A_177 = arith.index_cast %mul3A_175 : i32 to index
      %get3A_178 = tpu.vector_load %arg11[%get3A_176, %get3A_177] {strides = array<i32>} : memref<158x128xi32, #tpu.memory_space<vmem>>, vector<16xi32>,
      %get3A_179 = arith.index_cast %add3A_80 : i32 to index
      %get3A_180 = arith.index_cast %mul3A_175 : i32 to index
      %get3A_181 = tpu.vector_load %arg11[%get3A_179, %get3A_180] {strides = array<i32>} : memref<158x128xi32, #tpu.memory_space<vmem>>, vector<16xi32>,
      %add3A_182 = arith.addi %get3A_178, %get3A_181 : vector<16xi32>
      %add3A_183 = arith.addi %add3A_182, %mul3A_11 : vector<16xi32>
      %swap3A_184 = arith.index_cast %add3A_80 : i32 to index
      %swap3A_185 = arith.index_cast %mul3A_175 : i32 to index
      %swap3A_186 = tpu.vector_load %arg11[%swap3A_184, %swap3A_185] {strides = array<i32>} : memref<158x128xi32, #tpu.memory_space<vmem>>, vector<16xi32>,
      tpu.vector_store %arg11[%swap3A_184, %swap3A_185], %add3A_183 {strides = array<i32>} : memref<158x128xi32, #tpu.memory_space<vmem>>, vector<16xi32>,
      %scan3A_187 = arith.constant 6 : i32
      %mul3A_188 = arith.constant 1 : i32
      %mul3A_189 = arith.muli %scan3A_187, %mul3A_188 : i32
      %add3A_190 = arith.constant 0 : i32
      %add3A_191 = arith.addi %add3A_190, %mul3A_189 : i32
      %mul3A_192 = arith.constant 16 : i32
      %mul3A_193 = arith.muli %add3A_191, %mul3A_192 : i32
      %get3A_194 = arith.index_cast %add3A_80 : i32 to index
      %get3A_195 = arith.index_cast %mul3A_193 : i32 to index
      %get3A_196 = tpu.vector_load %arg11[%get3A_194, %get3A_195] {strides = array<i32>} : memref<158x128xi32, #tpu.memory_space<vmem>>, vector<16xi32>,
      %get3A_197 = arith.index_cast %add3A_80 : i32 to index
      %get3A_198 = arith.index_cast %mul3A_193 : i32 to index
      %get3A_199 = tpu.vector_load %arg11[%get3A_197, %get3A_198] {strides = array<i32>} : memref<158x128xi32, #tpu.memory_space<vmem>>, vector<16xi32>,
      %add3A_200 = arith.addi %get3A_196, %get3A_199 : vector<16xi32>
      %add3A_201 = arith.addi %add3A_200, %mul3A_11 : vector<16xi32>
      %swap3A_202 = arith.index_cast %add3A_80 : i32 to index
      %swap3A_203 = arith.index_cast %mul3A_193 : i32 to index
      %swap3A_204 = tpu.vector_load %arg11[%swap3A_202, %swap3A_203] {strides = array<i32>} : memref<158x128xi32, #tpu.memory_space<vmem>>, vector<16xi32>,
      tpu.vector_store %arg11[%swap3A_202, %swap3A_203], %add3A_201 {strides = array<i32>} : memref<158x128xi32, #tpu.memory_space<vmem>>, vector<16xi32>,
      %scan3A_205 = arith.constant 7 : i32
      %mul3A_206 = arith.constant 1 : i32
      %mul3A_207 = arith.muli %scan3A_205, %mul3A_206 : i32
      %add3A_208 = arith.constant 0 : i32
      %add3A_209 = arith.addi %add3A_208, %mul3A_207 : i32
      %mul3A_210 = arith.constant 16 : i32
      %mul3A_211 = arith.muli %add3A_209, %mul3A_210 : i32
      %get3A_212 = arith.index_cast %add3A_80 : i32 to index
      %get3A_213 = arith.index_cast %mul3A_211 : i32 to index
      %get3A_214 = tpu.vector_load %arg11[%get3A_212, %get3A_213] {strides = array<i32>} : memref<158x128xi32, #tpu.memory_space<vmem>>, vector<16xi32>,
      %get3A_215 = arith.index_cast %add3A_80 : i32 to index
      %get3A_216 = arith.index_cast %mul3A_211 : i32 to index
      %get3A_217 = tpu.vector_load %arg11[%get3A_215, %get3A_216] {strides = array<i32>} : memref<158x128xi32, #tpu.memory_space<vmem>>, vector<16xi32>,
      %add3A_218 = arith.addi %get3A_214, %get3A_217 : vector<16xi32>
      %add3A_219 = arith.addi %add3A_218, %mul3A_11 : vector<16xi32>
      %swap3A_220 = arith.index_cast %add3A_80 : i32 to index
      %swap3A_221 = arith.index_cast %mul3A_211 : i32 to index
      %swap3A_222 = tpu.vector_load %arg11[%swap3A_220, %swap3A_221] {strides = array<i32>} : memref<158x128xi32, #tpu.memory_space<vmem>>, vector<16xi32>,
      tpu.vector_store %arg11[%swap3A_220, %swap3A_221], %add3A_219 {strides = array<i32>} : memref<158x128xi32, #tpu.memory_space<vmem>>, vector<16xi32>,
      %scan3A_223 = arith.constant 8 : i32
    }
    %scan3A_15 = arith.constant 158 : i32
    %scan3A_16 = arith.constant 0 : i32
    %scan3A_17 = arith.constant 128 : i32
    %scan3A_18 = arith.addi %scan3A_16, %scan3A_17 : i32
    %scan3A_19 = arith.constant 1 : i32
    scf.for %scan3A_76 = %scan3A_16 to %scan3A_18 step %scan3A_19  : i32 {
      %mul3A_77 = arith.constant 1 : i32
      %mul3A_78 = arith.muli %scan3A_76, %mul3A_77 : i32
      %add3A_79 = arith.constant 0 : i32
      %add3A_80 = arith.addi %add3A_79, %mul3A_78 : i32
      %scan3A_81 = arith.constant 0 : i32
      %scan3A_82 = arith.constant 4 : i32
      %scan3A_83 = arith.addi %scan3A_81, %scan3A_82 : i32
      %scan3A_84 = arith.constant 1 : i32
      scf.for %scan3A_86 = %scan3A_81 to %scan3A_83 step %scan3A_84  : i32 {
        %mul3A_87 = arith.constant 1 : i32
        %mul3A_88 = arith.muli %scan3A_86, %mul3A_87 : i32
        %add3A_89 = arith.constant 0 : i32
        %add3A_90 = arith.addi %add3A_89, %mul3A_88 : i32
        %mul3A_91 = arith.constant 16 : i32
        %mul3A_92 = arith.muli %add3A_90, %mul3A_91 : i32
        %swap3A = arith.index_cast %add3A_80 : i32 to index
        %swap3A_93 = arith.index_cast %mul3A_92 : i32 to index
        %swap3A_94 = tpu.vector_load %arg5[%swap3A, %swap3A_93] {strides = array<i32>} : memref<128x64xf32, #tpu.memory_space<vmem>>, vector<16xf32>,
        tpu.vector_store %arg5[%swap3A, %swap3A_93], %broadcast_in_dim3A_0 {strides = array<i32>} : memref<128x64xf32, #tpu.memory_space<vmem>>, vector<16xf32>,
      }
      %scan3A_85 = arith.constant 4 : i32
    }
    %scan3A_20 = arith.constant 128 : i32
    %mul3A_21 = arith.constant 640 : i32
    %mul3A_22 = arith.muli %arg1, %mul3A_21 : i32
    %add3A_23 = arith.constant 0 : i32
    %add3A_24 = arith.addi %mul3A_22, %add3A_23 : i32
    "tpu.region"() ({
      %run_scoped3A_76 = tpu.sem_alloc : memref<!tpu.dma_semaphore, #tpu.memory_space<semaphore_mem>>
      %dma_start3A_77 = arith.constant 0 : i32
      %dma_start3A_78 = tpu.memref_slice %arg13[%add3A_24, %dma_start3A_77] : memref<10240x64xf32, #tpu.memory_space<vmem_shared>> -> memref<128x64xf32, #tpu.memory_space<vmem_shared>>
      %dma_start3A_79 = arith.constant 0 : i32
      %dma_start3A_80 = tpu.memref_slice %arg13[%add3A_24, %dma_start3A_79] : memref<10240x64xf32, #tpu.memory_space<vmem_shared>> -> memref<128x64xf32, #tpu.memory_space<vmem_shared>>
      tpu.enqueue_dma source(%arg5 : memref<128x64xf32, #tpu.memory_space<vmem>>) target(%dma_start3A_80 : memref<128x64xf32, #tpu.memory_space<vmem_shared>>) target_semaphore(%run_scoped3A_76 : memref<!tpu.dma_semaphore, #tpu.memory_space<semaphore_mem>>)
      %dma_wait3A = arith.constant 0 : i32
      %dma_wait3A_81 = tpu.memref_slice %arg13[%add3A_24, %dma_wait3A] : memref<10240x64xf32, #tpu.memory_space<vmem_shared>> -> memref<128x64xf32, #tpu.memory_space<vmem_shared>>
      %dma_wait3A_82 = arith.constant 0 : i32
      %dma_wait3A_83 = tpu.memref_slice %arg13[%add3A_24, %dma_wait3A_82] : memref<10240x64xf32, #tpu.memory_space<vmem_shared>> -> memref<128x64xf32, #tpu.memory_space<vmem_shared>>
      tpu.wait_dma2 semaphore(%run_scoped3A_76 : memref<!tpu.dma_semaphore, #tpu.memory_space<semaphore_mem>>) src(%arg5 : memref<128x64xf32, #tpu.memory_space<vmem>>) dst(%dma_wait3A_83 : memref<128x64xf32, #tpu.memory_space<vmem_shared>>)
      tpu.yield
    }) : () -> ()
    %add3A_25 = arith.constant 128 : i32
    %add3A_26 = arith.addi %mul3A_22, %add3A_25 : i32
    "tpu.region"() ({
      %run_scoped3A_76 = tpu.sem_alloc : memref<!tpu.dma_semaphore, #tpu.memory_space<semaphore_mem>>
      %dma_start3A_77 = arith.constant 0 : i32
      %dma_start3A_78 = tpu.memref_slice %arg13[%add3A_26, %dma_start3A_77] : memref<10240x64xf32, #tpu.memory_space<vmem_shared>> -> memref<128x64xf32, #tpu.memory_space<vmem_shared>>
      %dma_start3A_79 = arith.constant 0 : i32
      %dma_start3A_80 = tpu.memref_slice %arg13[%add3A_26, %dma_start3A_79] : memref<10240x64xf32, #tpu.memory_space<vmem_shared>> -> memref<128x64xf32, #tpu.memory_space<vmem_shared>>
      tpu.enqueue_dma source(%arg5 : memref<128x64xf32, #tpu.memory_space<vmem>>) target(%dma_start3A_80 : memref<128x64xf32, #tpu.memory_space<vmem_shared>>) target_semaphore(%run_scoped3A_76 : memref<!tpu.dma_semaphore, #tpu.memory_space<semaphore_mem>>)
      %dma_wait3A = arith.constant 0 : i32
      %dma_wait3A_81 = tpu.memref_slice %arg13[%add3A_26, %dma_wait3A] : memref<10240x64xf32, #tpu.memory_space<vmem_shared>> -> memref<128x64xf32, #tpu.memory_space<vmem_shared>>
      %dma_wait3A_82 = arith.constant 0 : i32
      %dma_wait3A_83 = tpu.memref_slice %arg13[%add3A_26, %dma_wait3A_82] : memref<10240x64xf32, #tpu.memory_space<vmem_shared>> -> memref<128x64xf32, #tpu.memory_space<vmem_shared>>
      tpu.wait_dma2 semaphore(%run_scoped3A_76 : memref<!tpu.dma_semaphore, #tpu.memory_space<semaphore_mem>>) src(%arg5 : memref<128x64xf32, #tpu.memory_space<vmem>>) dst(%dma_wait3A_83 : memref<128x64xf32, #tpu.memory_space<vmem_shared>>)
      tpu.yield
    }) : () -> ()
    %add3A_27 = arith.constant 256 : i32
    %add3A_28 = arith.addi %mul3A_22, %add3A_27 : i32
    "tpu.region"() ({
      %run_scoped3A_76 = tpu.sem_alloc : memref<!tpu.dma_semaphore, #tpu.memory_space<semaphore_mem>>
      %dma_start3A_77 = arith.constant 0 : i32
      %dma_start3A_78 = tpu.memref_slice %arg13[%add3A_28, %dma_start3A_77] : memref<10240x64xf32, #tpu.memory_space<vmem_shared>> -> memref<128x64xf32, #tpu.memory_space<vmem_shared>>
      %dma_start3A_79 = arith.constant 0 : i32
      %dma_start3A_80 = tpu.memref_slice %arg13[%add3A_28, %dma_start3A_79] : memref<10240x64xf32, #tpu.memory_space<vmem_shared>> -> memref<128x64xf32, #tpu.memory_space<vmem_shared>>
      tpu.enqueue_dma source(%arg5 : memref<128x64xf32, #tpu.memory_space<vmem>>) target(%dma_start3A_80 : memref<128x64xf32, #tpu.memory_space<vmem_shared>>) target_semaphore(%run_scoped3A_76 : memref<!tpu.dma_semaphore, #tpu.memory_space<semaphore_mem>>)
      %dma_wait3A = arith.constant 0 : i32
      %dma_wait3A_81 = tpu.memref_slice %arg13[%add3A_28, %dma_wait3A] : memref<10240x64xf32, #tpu.memory_space<vmem_shared>> -> memref<128x64xf32, #tpu.memory_space<vmem_shared>>
      %dma_wait3A_82 = arith.constant 0 : i32
      %dma_wait3A_83 = tpu.memref_slice %arg13[%add3A_28, %dma_wait3A_82] : memref<10240x64xf32, #tpu.memory_space<vmem_shared>> -> memref<128x64xf32, #tpu.memory_space<vmem_shared>>
      tpu.wait_dma2 semaphore(%run_scoped3A_76 : memref<!tpu.dma_semaphore, #tpu.memory_space<semaphore_mem>>) src(%arg5 : memref<128x64xf32, #tpu.memory_space<vmem>>) dst(%dma_wait3A_83 : memref<128x64xf32, #tpu.memory_space<vmem_shared>>)
      tpu.yield
    }) : () -> ()
    %add3A_29 = arith.constant 384 : i32
    %add3A_30 = arith.addi %mul3A_22, %add3A_29 : i32
    "tpu.region"() ({
      %run_scoped3A_76 = tpu.sem_alloc : memref<!tpu.dma_semaphore, #tpu.memory_space<semaphore_mem>>
      %dma_start3A_77 = arith.constant 0 : i32
      %dma_start3A_78 = tpu.memref_slice %arg13[%add3A_30, %dma_start3A_77] : memref<10240x64xf32, #tpu.memory_space<vmem_shared>> -> memref<128x64xf32, #tpu.memory_space<vmem_shared>>
      %dma_start3A_79 = arith.constant 0 : i32
      %dma_start3A_80 = tpu.memref_slice %arg13[%add3A_30, %dma_start3A_79] : memref<10240x64xf32, #tpu.memory_space<vmem_shared>> -> memref<128x64xf32, #tpu.memory_space<vmem_shared>>
      tpu.enqueue_dma source(%arg5 : memref<128x64xf32, #tpu.memory_space<vmem>>) target(%dma_start3A_80 : memref<128x64xf32, #tpu.memory_space<vmem_shared>>) target_semaphore(%run_scoped3A_76 : memref<!tpu.dma_semaphore, #tpu.memory_space<semaphore_mem>>)
      %dma_wait3A = arith.constant 0 : i32
      %dma_wait3A_81 = tpu.memref_slice %arg13[%add3A_30, %dma_wait3A] : memref<10240x64xf32, #tpu.memory_space<vmem_shared>> -> memref<128x64xf32, #tpu.memory_space<vmem_shared>>
      %dma_wait3A_82 = arith.constant 0 : i32
      %dma_wait3A_83 = tpu.memref_slice %arg13[%add3A_30, %dma_wait3A_82] : memref<10240x64xf32, #tpu.memory_space<vmem_shared>> -> memref<128x64xf32, #tpu.memory_space<vmem_shared>>
      tpu.wait_dma2 semaphore(%run_scoped3A_76 : memref<!tpu.dma_semaphore, #tpu.memory_space<semaphore_mem>>) src(%arg5 : memref<128x64xf32, #tpu.memory_space<vmem>>) dst(%dma_wait3A_83 : memref<128x64xf32, #tpu.memory_space<vmem_shared>>)
      tpu.yield
    }) : () -> ()
    %add3A_31 = arith.constant 512 : i32
    %add3A_32 = arith.addi %mul3A_22, %add3A_31 : i32
    "tpu.region"() ({
      %run_scoped3A_76 = tpu.sem_alloc : memref<!tpu.dma_semaphore, #tpu.memory_space<semaphore_mem>>
      %dma_start3A_77 = arith.constant 0 : i32
      %dma_start3A_78 = tpu.memref_slice %arg13[%add3A_32, %dma_start3A_77] : memref<10240x64xf32, #tpu.memory_space<vmem_shared>> -> memref<128x64xf32, #tpu.memory_space<vmem_shared>>
      %dma_start3A_79 = arith.constant 0 : i32
      %dma_start3A_80 = tpu.memref_slice %arg13[%add3A_32, %dma_start3A_79] : memref<10240x64xf32, #tpu.memory_space<vmem_shared>> -> memref<128x64xf32, #tpu.memory_space<vmem_shared>>
      tpu.enqueue_dma source(%arg5 : memref<128x64xf32, #tpu.memory_space<vmem>>) target(%dma_start3A_80 : memref<128x64xf32, #tpu.memory_space<vmem_shared>>) target_semaphore(%run_scoped3A_76 : memref<!tpu.dma_semaphore, #tpu.memory_space<semaphore_mem>>)
      %dma_wait3A = arith.constant 0 : i32
      %dma_wait3A_81 = tpu.memref_slice %arg13[%add3A_32, %dma_wait3A] : memref<10240x64xf32, #tpu.memory_space<vmem_shared>> -> memref<128x64xf32, #tpu.memory_space<vmem_shared>>
      %dma_wait3A_82 = arith.constant 0 : i32
      %dma_wait3A_83 = tpu.memref_slice %arg13[%add3A_32, %dma_wait3A_82] : memref<10240x64xf32, #tpu.memory_space<vmem_shared>> -> memref<128x64xf32, #tpu.memory_space<vmem_shared>>
      tpu.wait_dma2 semaphore(%run_scoped3A_76 : memref<!tpu.dma_semaphore, #tpu.memory_space<semaphore_mem>>) src(%arg5 : memref<128x64xf32, #tpu.memory_space<vmem>>) dst(%dma_wait3A_83 : memref<128x64xf32, #tpu.memory_space<vmem_shared>>)
      tpu.yield
    }) : () -> ()
    %barrier3A = arith.constant 0 : index
    tpu.barrier barrier_id(%barrier3A)
    %dma_start3A = arith.constant 0 : i32
    %dma_start3A_33 = arith.constant 0 : i32
    %dma_start3A_34 = tpu.memref_slice %arg11[%dma_start3A, %dma_start3A_33] : memref<158x128xi32, #tpu.memory_space<vmem>> -> memref<1x128xi32, #tpu.memory_space<vmem>>
    %dma_start3A_35 = tpu.memref_squeeze %dma_start3A_34 : memref<1x128xi32, #tpu.memory_space<vmem>> -> memref<128xi32, #tpu.memory_space<vmem>>
    %dma_start3A_36 = arith.constant 0 : i32
    %dma_start3A_37 = arith.constant 0 : i32
    %dma_start3A_38 = tpu.memref_slice %arg2[%dma_start3A_36, %dma_start3A_37] : memref<20000x64xf32, #tpu.memory_space<hbm>> -> memref<20000x64xf32, #tpu.memory_space<hbm>>
    tpu.enqueue_indirect_dma source(%dma_start3A_38 : memref<20000x64xf32, #tpu.memory_space<hbm>>) target(%arg5 : memref<128x64xf32, #tpu.memory_space<vmem>>) offsets(%dma_start3A_35 : memref<128xi32, #tpu.memory_space<vmem>>) semaphore(%arg14 : memref<!tpu.dma_semaphore, #tpu.memory_space<semaphore_mem>>)
    %dma_start3A_39 = arith.constant 1 : i32
    %dma_start3A_40 = arith.constant 0 : i32
    %dma_start3A_41 = tpu.memref_slice %arg11[%dma_start3A_39, %dma_start3A_40] : memref<158x128xi32, #tpu.memory_space<vmem>> -> memref<1x128xi32, #tpu.memory_space<vmem>>
    %dma_start3A_42 = tpu.memref_squeeze %dma_start3A_41 : memref<1x128xi32, #tpu.memory_space<vmem>> -> memref<128xi32, #tpu.memory_space<vmem>>
    %dma_start3A_43 = arith.constant 0 : i32
    %dma_start3A_44 = arith.constant 0 : i32
    %dma_start3A_45 = tpu.memref_slice %arg2[%dma_start3A_43, %dma_start3A_44] : memref<20000x64xf32, #tpu.memory_space<hbm>> -> memref<20000x64xf32, #tpu.memory_space<hbm>>
    tpu.enqueue_indirect_dma source(%dma_start3A_45 : memref<20000x64xf32, #tpu.memory_space<hbm>>) target(%arg6 : memref<128x64xf32, #tpu.memory_space<vmem>>) offsets(%dma_start3A_42 : memref<128xi32, #tpu.memory_space<vmem>>) semaphore(%arg15 : memref<!tpu.dma_semaphore, #tpu.memory_space<semaphore_mem>>)
    %dma_start3A_46 = arith.constant 2 : i32
    %dma_start3A_47 = arith.constant 0 : i32
    %dma_start3A_48 = tpu.memref_slice %arg11[%dma_start3A_46, %dma_start3A_47] : memref<158x128xi32, #tpu.memory_space<vmem>> -> memref<1x128xi32, #tpu.memory_space<vmem>>
    %dma_start3A_49 = tpu.memref_squeeze %dma_start3A_48 : memref<1x128xi32, #tpu.memory_space<vmem>> -> memref<128xi32, #tpu.memory_space<vmem>>
    %dma_start3A_50 = arith.constant 0 : i32
    %dma_start3A_51 = arith.constant 0 : i32
    %dma_start3A_52 = tpu.memref_slice %arg2[%dma_start3A_50, %dma_start3A_51] : memref<20000x64xf32, #tpu.memory_space<hbm>> -> memref<20000x64xf32, #tpu.memory_space<hbm>>
    tpu.enqueue_indirect_dma source(%dma_start3A_52 : memref<20000x64xf32, #tpu.memory_space<hbm>>) target(%arg7 : memref<128x64xf32, #tpu.memory_space<vmem>>) offsets(%dma_start3A_49 : memref<128xi32, #tpu.memory_space<vmem>>) semaphore(%arg16 : memref<!tpu.dma_semaphore, #tpu.memory_space<semaphore_mem>>)
    %dma_start3A_53 = arith.constant 3 : i32
    %dma_start3A_54 = arith.constant 0 : i32
    %dma_start3A_55 = tpu.memref_slice %arg11[%dma_start3A_53, %dma_start3A_54] : memref<158x128xi32, #tpu.memory_space<vmem>> -> memref<1x128xi32, #tpu.memory_space<vmem>>
    %dma_start3A_56 = tpu.memref_squeeze %dma_start3A_55 : memref<1x128xi32, #tpu.memory_space<vmem>> -> memref<128xi32, #tpu.memory_space<vmem>>
    %dma_start3A_57 = arith.constant 0 : i32
    %dma_start3A_58 = arith.constant 0 : i32
    %dma_start3A_59 = tpu.memref_slice %arg2[%dma_start3A_57, %dma_start3A_58] : memref<20000x64xf32, #tpu.memory_space<hbm>> -> memref<20000x64xf32, #tpu.memory_space<hbm>>
    tpu.enqueue_indirect_dma source(%dma_start3A_59 : memref<20000x64xf32, #tpu.memory_space<hbm>>) target(%arg8 : memref<128x64xf32, #tpu.memory_space<vmem>>) offsets(%dma_start3A_56 : memref<128xi32, #tpu.memory_space<vmem>>) semaphore(%arg17 : memref<!tpu.dma_semaphore, #tpu.memory_space<semaphore_mem>>)
    %dma_start3A_60 = arith.constant 4 : i32
    %dma_start3A_61 = arith.constant 0 : i32
    %dma_start3A_62 = tpu.memref_slice %arg11[%dma_start3A_60, %dma_start3A_61] : memref<158x128xi32, #tpu.memory_space<vmem>> -> memref<1x128xi32, #tpu.memory_space<vmem>>
    %dma_start3A_63 = tpu.memref_squeeze %dma_start3A_62 : memref<1x128xi32, #tpu.memory_space<vmem>> -> memref<128xi32, #tpu.memory_space<vmem>>
    %dma_start3A_64 = arith.constant 0 : i32
    %dma_start3A_65 = arith.constant 0 : i32
    %dma_start3A_66 = tpu.memref_slice %arg2[%dma_start3A_64, %dma_start3A_65] : memref<20000x64xf32, #tpu.memory_space<hbm>> -> memref<20000x64xf32, #tpu.memory_space<hbm>>
    tpu.enqueue_indirect_dma source(%dma_start3A_66 : memref<20000x64xf32, #tpu.memory_space<hbm>>) target(%arg9 : memref<128x64xf32, #tpu.memory_space<vmem>>) offsets(%dma_start3A_63 : memref<128xi32, #tpu.memory_space<vmem>>) semaphore(%arg18 : memref<!tpu.dma_semaphore, #tpu.memory_space<semaphore_mem>>)
    %scan3A_67 = arith.constant 0 : i32
    %scan3A_68 = arith.constant 26 : i32
    %scan3A_69 = arith.addi %scan3A_67, %scan3A_68 : i32
    %scan3A_70 = arith.constant 1 : i32
    scf.for %scan3A_76 = %scan3A_67 to %scan3A_69 step %scan3A_70  : i32 {
      %mul3A_77 = arith.constant 1 : i32
      %mul3A_78 = arith.muli %scan3A_76, %mul3A_77 : i32
      %add3A_79 = arith.constant 0 : i32
      %add3A_80 = arith.addi %add3A_79, %mul3A_78 : i32
      %mul3A_81 = arith.constant 6 : i32
      %mul3A_82 = arith.muli %mul3A_81, %add3A_80 : i32
      %add3A_83 = arith.constant 0 : i32
      %add3A_84 = arith.addi %mul3A_82, %add3A_83 : i32
      %dma_wait3A = arith.constant 0 : i32
      %dma_wait3A_85 = tpu.memref_slice %arg11[%add3A_84, %dma_wait3A] : memref<158x128xi32, #tpu.memory_space<vmem>> -> memref<1x128xi32, #tpu.memory_space<vmem>>
      %dma_wait3A_86 = tpu.memref_squeeze %dma_wait3A_85 : memref<1x128xi32, #tpu.memory_space<vmem>> -> memref<128xi32, #tpu.memory_space<vmem>>
      %dma_wait3A_87 = arith.constant 0 : i32
      %dma_wait3A_88 = arith.constant 0 : i32
      %dma_wait3A_89 = tpu.memref_slice %arg2[%dma_wait3A_87, %dma_wait3A_88] : memref<20000x64xf32, #tpu.memory_space<hbm>> -> memref<20000x64xf32, #tpu.memory_space<hbm>>
      tpu.wait_indirect_dma semaphore(%arg14 : memref<!tpu.dma_semaphore, #tpu.memory_space<semaphore_mem>>) src(%dma_wait3A_89 : memref<20000x64xf32, #tpu.memory_space<hbm>>) dst(%arg5 : memref<128x64xf32, #tpu.memory_space<vmem>>)
      %add3A_90 = arith.constant 0 : i32
      %add3A_91 = arith.addi %mul3A_82, %add3A_90 : i32
      "tpu.region"() ({
        %run_scoped3A_207 = tpu.sem_alloc : memref<!tpu.dma_semaphore, #tpu.memory_space<semaphore_mem>>
        %dma_start3A_208 = arith.constant 0 : i32
        %dma_start3A_209 = tpu.memref_slice %arg12[%add3A_91, %dma_start3A_208] : memref<158x128xi32, #tpu.memory_space<vmem>> -> memref<1x128xi32, #tpu.memory_space<vmem>>
        %dma_start3A_210 = tpu.memref_squeeze %dma_start3A_209 : memref<1x128xi32, #tpu.memory_space<vmem>> -> memref<128xi32, #tpu.memory_space<vmem>>
        %dma_start3A_211 = arith.constant 0 : i32
        %dma_start3A_212 = arith.constant 0 : i32
        %dma_start3A_213 = tpu.memref_slice %arg13[%dma_start3A_211, %dma_start3A_212] : memref<10240x64xf32, #tpu.memory_space<vmem_shared>> -> memref<10240x64xf32, #tpu.memory_space<vmem_shared>>
        tpu.enqueue_indirect_dma source(%arg5 : memref<128x64xf32, #tpu.memory_space<vmem>>) target(%dma_start3A_213 : memref<10240x64xf32, #tpu.memory_space<vmem_shared>>) offsets(%dma_start3A_210 : memref<128xi32, #tpu.memory_space<vmem>>) semaphore(%run_scoped3A_207 : memref<!tpu.dma_semaphore, #tpu.memory_space<semaphore_mem>>) {add = true}
        %dma_wait3A_214 = arith.constant 0 : i32
        %dma_wait3A_215 = tpu.memref_slice %arg12[%add3A_91, %dma_wait3A_214] : memref<158x128xi32, #tpu.memory_space<vmem>> -> memref<1x128xi32, #tpu.memory_space<vmem>>
        %dma_wait3A_216 = tpu.memref_squeeze %dma_wait3A_215 : memref<1x128xi32, #tpu.memory_space<vmem>> -> memref<128xi32, #tpu.memory_space<vmem>>
        %dma_wait3A_217 = arith.constant 0 : i32
        %dma_wait3A_218 = arith.constant 0 : i32
        %dma_wait3A_219 = tpu.memref_slice %arg13[%dma_wait3A_217, %dma_wait3A_218] : memref<10240x64xf32, #tpu.memory_space<vmem_shared>> -> memref<10240x64xf32, #tpu.memory_space<vmem_shared>>
        tpu.wait_indirect_dma semaphore(%run_scoped3A_207 : memref<!tpu.dma_semaphore, #tpu.memory_space<semaphore_mem>>) src(%arg5 : memref<128x64xf32, #tpu.memory_space<vmem>>) dst(%dma_wait3A_219 : memref<10240x64xf32, #tpu.memory_space<vmem_shared>>)
        tpu.yield
      }) : () -> ()
      %add3A_92 = arith.constant 0 : i32
      %add3A_93 = arith.addi %mul3A_82, %add3A_92 : i32
      %add3A_94 = arith.constant 6 : i32
      %add3A_95 = arith.addi %add3A_93, %add3A_94 : i32
      %sub3A = arith.constant 1 : i32
      %sub3A_96 = arith.subi %add3A_95, %sub3A : i32
      %lt3A_97 = arith.constant 156 : i32
      %lt3A_98 = arith.cmpi slt, %sub3A_96, %lt3A_97 : i32
      %convert_element_type3A_99 = arith.extui %lt3A_98 : i1 to i32
      %cond3A_100 = arith.constant 0 : i32
      %cond3A_101 = arith.cmpi ne, %convert_element_type3A_99, %cond3A_100 : i32
      scf.if %cond3A_101 {
        %add3A_207 = arith.constant 0 : i32
        %add3A_208 = arith.addi %mul3A_82, %add3A_207 : i32
        %add3A_209 = arith.constant 6 : i32
        %add3A_210 = arith.addi %add3A_208, %add3A_209 : i32
        %sub3A_211 = arith.constant 1 : i32
        %sub3A_212 = arith.subi %add3A_210, %sub3A_211 : i32
        %dma_start3A_213 = arith.constant 0 : i32
        %dma_start3A_214 = tpu.memref_slice %arg11[%sub3A_212, %dma_start3A_213] : memref<158x128xi32, #tpu.memory_space<vmem>> -> memref<1x128xi32, #tpu.memory_space<vmem>>
        %dma_start3A_215 = tpu.memref_squeeze %dma_start3A_214 : memref<1x128xi32, #tpu.memory_space<vmem>> -> memref<128xi32, #tpu.memory_space<vmem>>
        %dma_start3A_216 = arith.constant 0 : i32
        %dma_start3A_217 = arith.constant 0 : i32
        %dma_start3A_218 = tpu.memref_slice %arg2[%dma_start3A_216, %dma_start3A_217] : memref<20000x64xf32, #tpu.memory_space<hbm>> -> memref<20000x64xf32, #tpu.memory_space<hbm>>
        tpu.enqueue_indirect_dma source(%dma_start3A_218 : memref<20000x64xf32, #tpu.memory_space<hbm>>) target(%arg10 : memref<128x64xf32, #tpu.memory_space<vmem>>) offsets(%dma_start3A_215 : memref<128xi32, #tpu.memory_space<vmem>>) semaphore(%arg19 : memref<!tpu.dma_semaphore, #tpu.memory_space<semaphore_mem>>)
      } else {
      }
      %add3A_102 = arith.constant 1 : i32
      %add3A_103 = arith.addi %mul3A_82, %add3A_102 : i32
      %dma_wait3A_104 = arith.constant 0 : i32
      %dma_wait3A_105 = tpu.memref_slice %arg11[%add3A_103, %dma_wait3A_104] : memref<158x128xi32, #tpu.memory_space<vmem>> -> memref<1x128xi32, #tpu.memory_space<vmem>>
      %dma_wait3A_106 = tpu.memref_squeeze %dma_wait3A_105 : memref<1x128xi32, #tpu.memory_space<vmem>> -> memref<128xi32, #tpu.memory_space<vmem>>
      %dma_wait3A_107 = arith.constant 0 : i32
      %dma_wait3A_108 = arith.constant 0 : i32
      %dma_wait3A_109 = tpu.memref_slice %arg2[%dma_wait3A_107, %dma_wait3A_108] : memref<20000x64xf32, #tpu.memory_space<hbm>> -> memref<20000x64xf32, #tpu.memory_space<hbm>>
      tpu.wait_indirect_dma semaphore(%arg15 : memref<!tpu.dma_semaphore, #tpu.memory_space<semaphore_mem>>) src(%dma_wait3A_109 : memref<20000x64xf32, #tpu.memory_space<hbm>>) dst(%arg6 : memref<128x64xf32, #tpu.memory_space<vmem>>)
      %add3A_110 = arith.constant 1 : i32
      %add3A_111 = arith.addi %mul3A_82, %add3A_110 : i32
      "tpu.region"() ({
        %run_scoped3A_207 = tpu.sem_alloc : memref<!tpu.dma_semaphore, #tpu.memory_space<semaphore_mem>>
        %dma_start3A_208 = arith.constant 0 : i32
        %dma_start3A_209 = tpu.memref_slice %arg12[%add3A_111, %dma_start3A_208] : memref<158x128xi32, #tpu.memory_space<vmem>> -> memref<1x128xi32, #tpu.memory_space<vmem>>
        %dma_start3A_210 = tpu.memref_squeeze %dma_start3A_209 : memref<1x128xi32, #tpu.memory_space<vmem>> -> memref<128xi32, #tpu.memory_space<vmem>>
        %dma_start3A_211 = arith.constant 0 : i32
        %dma_start3A_212 = arith.constant 0 : i32
        %dma_start3A_213 = tpu.memref_slice %arg13[%dma_start3A_211, %dma_start3A_212] : memref<10240x64xf32, #tpu.memory_space<vmem_shared>> -> memref<10240x64xf32, #tpu.memory_space<vmem_shared>>
        tpu.enqueue_indirect_dma source(%arg6 : memref<128x64xf32, #tpu.memory_space<vmem>>) target(%dma_start3A_213 : memref<10240x64xf32, #tpu.memory_space<vmem_shared>>) offsets(%dma_start3A_210 : memref<128xi32, #tpu.memory_space<vmem>>) semaphore(%run_scoped3A_207 : memref<!tpu.dma_semaphore, #tpu.memory_space<semaphore_mem>>) {add = true}
        %dma_wait3A_214 = arith.constant 0 : i32
        %dma_wait3A_215 = tpu.memref_slice %arg12[%add3A_111, %dma_wait3A_214] : memref<158x128xi32, #tpu.memory_space<vmem>> -> memref<1x128xi32, #tpu.memory_space<vmem>>
        %dma_wait3A_216 = tpu.memref_squeeze %dma_wait3A_215 : memref<1x128xi32, #tpu.memory_space<vmem>> -> memref<128xi32, #tpu.memory_space<vmem>>
        %dma_wait3A_217 = arith.constant 0 : i32
        %dma_wait3A_218 = arith.constant 0 : i32
        %dma_wait3A_219 = tpu.memref_slice %arg13[%dma_wait3A_217, %dma_wait3A_218] : memref<10240x64xf32, #tpu.memory_space<vmem_shared>> -> memref<10240x64xf32, #tpu.memory_space<vmem_shared>>
        tpu.wait_indirect_dma semaphore(%run_scoped3A_207 : memref<!tpu.dma_semaphore, #tpu.memory_space<semaphore_mem>>) src(%arg6 : memref<128x64xf32, #tpu.memory_space<vmem>>) dst(%dma_wait3A_219 : memref<10240x64xf32, #tpu.memory_space<vmem_shared>>)
        tpu.yield
      }) : () -> ()
      %add3A_112 = arith.constant 1 : i32
      %add3A_113 = arith.addi %mul3A_82, %add3A_112 : i32
      %add3A_114 = arith.constant 6 : i32
      %add3A_115 = arith.addi %add3A_113, %add3A_114 : i32
      %sub3A_116 = arith.constant 1 : i32
      %sub3A_117 = arith.subi %add3A_115, %sub3A_116 : i32
      %lt3A_118 = arith.constant 156 : i32
      %lt3A_119 = arith.cmpi slt, %sub3A_117, %lt3A_118 : i32
      %convert_element_type3A_120 = arith.extui %lt3A_119 : i1 to i32
      %cond3A_121 = arith.constant 0 : i32
      %cond3A_122 = arith.cmpi ne, %convert_element_type3A_120, %cond3A_121 : i32
      scf.if %cond3A_122 {
        %add3A_207 = arith.constant 1 : i32
        %add3A_208 = arith.addi %mul3A_82, %add3A_207 : i32
        %add3A_209 = arith.constant 6 : i32
        %add3A_210 = arith.addi %add3A_208, %add3A_209 : i32
        %sub3A_211 = arith.constant 1 : i32
        %sub3A_212 = arith.subi %add3A_210, %sub3A_211 : i32
        %dma_start3A_213 = arith.constant 0 : i32
        %dma_start3A_214 = tpu.memref_slice %arg11[%sub3A_212, %dma_start3A_213] : memref<158x128xi32, #tpu.memory_space<vmem>> -> memref<1x128xi32, #tpu.memory_space<vmem>>
        %dma_start3A_215 = tpu.memref_squeeze %dma_start3A_214 : memref<1x128xi32, #tpu.memory_space<vmem>> -> memref<128xi32, #tpu.memory_space<vmem>>
        %dma_start3A_216 = arith.constant 0 : i32
        %dma_start3A_217 = arith.constant 0 : i32
        %dma_start3A_218 = tpu.memref_slice %arg2[%dma_start3A_216, %dma_start3A_217] : memref<20000x64xf32, #tpu.memory_space<hbm>> -> memref<20000x64xf32, #tpu.memory_space<hbm>>
        tpu.enqueue_indirect_dma source(%dma_start3A_218 : memref<20000x64xf32, #tpu.memory_space<hbm>>) target(%arg5 : memref<128x64xf32, #tpu.memory_space<vmem>>) offsets(%dma_start3A_215 : memref<128xi32, #tpu.memory_space<vmem>>) semaphore(%arg14 : memref<!tpu.dma_semaphore, #tpu.memory_space<semaphore_mem>>)
      } else {
      }
      %add3A_123 = arith.constant 2 : i32
      %add3A_124 = arith.addi %mul3A_82, %add3A_123 : i32
      %dma_wait3A_125 = arith.constant 0 : i32
      %dma_wait3A_126 = tpu.memref_slice %arg11[%add3A_124, %dma_wait3A_125] : memref<158x128xi32, #tpu.memory_space<vmem>> -> memref<1x128xi32, #tpu.memory_space<vmem>>
      %dma_wait3A_127 = tpu.memref_squeeze %dma_wait3A_126 : memref<1x128xi32, #tpu.memory_space<vmem>> -> memref<128xi32, #tpu.memory_space<vmem>>
      %dma_wait3A_128 = arith.constant 0 : i32
      %dma_wait3A_129 = arith.constant 0 : i32
      %dma_wait3A_130 = tpu.memref_slice %arg2[%dma_wait3A_128, %dma_wait3A_129] : memref<20000x64xf32, #tpu.memory_space<hbm>> -> memref<20000x64xf32, #tpu.memory_space<hbm>>
      tpu.wait_indirect_dma semaphore(%arg16 : memref<!tpu.dma_semaphore, #tpu.memory_space<semaphore_mem>>) src(%dma_wait3A_130 : memref<20000x64xf32, #tpu.memory_space<hbm>>) dst(%arg7 : memref<128x64xf32, #tpu.memory_space<vmem>>)
      %add3A_131 = arith.constant 2 : i32
      %add3A_132 = arith.addi %mul3A_82, %add3A_131 : i32
      "tpu.region"() ({
        %run_scoped3A_207 = tpu.sem_alloc : memref<!tpu.dma_semaphore, #tpu.memory_space<semaphore_mem>>
        %dma_start3A_208 = arith.constant 0 : i32
        %dma_start3A_209 = tpu.memref_slice %arg12[%add3A_132, %dma_start3A_208] : memref<158x128xi32, #tpu.memory_space<vmem>> -> memref<1x128xi32, #tpu.memory_space<vmem>>
        %dma_start3A_210 = tpu.memref_squeeze %dma_start3A_209 : memref<1x128xi32, #tpu.memory_space<vmem>> -> memref<128xi32, #tpu.memory_space<vmem>>
        %dma_start3A_211 = arith.constant 0 : i32
        %dma_start3A_212 = arith.constant 0 : i32
        %dma_start3A_213 = tpu.memref_slice %arg13[%dma_start3A_211, %dma_start3A_212] : memref<10240x64xf32, #tpu.memory_space<vmem_shared>> -> memref<10240x64xf32, #tpu.memory_space<vmem_shared>>
        tpu.enqueue_indirect_dma source(%arg7 : memref<128x64xf32, #tpu.memory_space<vmem>>) target(%dma_start3A_213 : memref<10240x64xf32, #tpu.memory_space<vmem_shared>>) offsets(%dma_start3A_210 : memref<128xi32, #tpu.memory_space<vmem>>) semaphore(%run_scoped3A_207 : memref<!tpu.dma_semaphore, #tpu.memory_space<semaphore_mem>>) {add = true}
        %dma_wait3A_214 = arith.constant 0 : i32
        %dma_wait3A_215 = tpu.memref_slice %arg12[%add3A_132, %dma_wait3A_214] : memref<158x128xi32, #tpu.memory_space<vmem>> -> memref<1x128xi32, #tpu.memory_space<vmem>>
        %dma_wait3A_216 = tpu.memref_squeeze %dma_wait3A_215 : memref<1x128xi32, #tpu.memory_space<vmem>> -> memref<128xi32, #tpu.memory_space<vmem>>
        %dma_wait3A_217 = arith.constant 0 : i32
        %dma_wait3A_218 = arith.constant 0 : i32
        %dma_wait3A_219 = tpu.memref_slice %arg13[%dma_wait3A_217, %dma_wait3A_218] : memref<10240x64xf32, #tpu.memory_space<vmem_shared>> -> memref<10240x64xf32, #tpu.memory_space<vmem_shared>>
        tpu.wait_indirect_dma semaphore(%run_scoped3A_207 : memref<!tpu.dma_semaphore, #tpu.memory_space<semaphore_mem>>) src(%arg7 : memref<128x64xf32, #tpu.memory_space<vmem>>) dst(%dma_wait3A_219 : memref<10240x64xf32, #tpu.memory_space<vmem_shared>>)
        tpu.yield
      }) : () -> ()
      %add3A_133 = arith.constant 2 : i32
      %add3A_134 = arith.addi %mul3A_82, %add3A_133 : i32
      %add3A_135 = arith.constant 6 : i32
      %add3A_136 = arith.addi %add3A_134, %add3A_135 : i32
      %sub3A_137 = arith.constant 1 : i32
      %sub3A_138 = arith.subi %add3A_136, %sub3A_137 : i32
      %lt3A_139 = arith.constant 156 : i32
      %lt3A_140 = arith.cmpi slt, %sub3A_138, %lt3A_139 : i32
      %convert_element_type3A_141 = arith.extui %lt3A_140 : i1 to i32
      %cond3A_142 = arith.constant 0 : i32
      %cond3A_143 = arith.cmpi ne, %convert_element_type3A_141, %cond3A_142 : i32
      scf.if %cond3A_143 {
        %add3A_207 = arith.constant 2 : i32
        %add3A_208 = arith.addi %mul3A_82, %add3A_207 : i32
        %add3A_209 = arith.constant 6 : i32
        %add3A_210 = arith.addi %add3A_208, %add3A_209 : i32
        %sub3A_211 = arith.constant 1 : i32
        %sub3A_212 = arith.subi %add3A_210, %sub3A_211 : i32
        %dma_start3A_213 = arith.constant 0 : i32
        %dma_start3A_214 = tpu.memref_slice %arg11[%sub3A_212, %dma_start3A_213] : memref<158x128xi32, #tpu.memory_space<vmem>> -> memref<1x128xi32, #tpu.memory_space<vmem>>
        %dma_start3A_215 = tpu.memref_squeeze %dma_start3A_214 : memref<1x128xi32, #tpu.memory_space<vmem>> -> memref<128xi32, #tpu.memory_space<vmem>>
        %dma_start3A_216 = arith.constant 0 : i32
        %dma_start3A_217 = arith.constant 0 : i32
        %dma_start3A_218 = tpu.memref_slice %arg2[%dma_start3A_216, %dma_start3A_217] : memref<20000x64xf32, #tpu.memory_space<hbm>> -> memref<20000x64xf32, #tpu.memory_space<hbm>>
        tpu.enqueue_indirect_dma source(%dma_start3A_218 : memref<20000x64xf32, #tpu.memory_space<hbm>>) target(%arg6 : memref<128x64xf32, #tpu.memory_space<vmem>>) offsets(%dma_start3A_215 : memref<128xi32, #tpu.memory_space<vmem>>) semaphore(%arg15 : memref<!tpu.dma_semaphore, #tpu.memory_space<semaphore_mem>>)
      } else {
      }
      %add3A_144 = arith.constant 3 : i32
      %add3A_145 = arith.addi %mul3A_82, %add3A_144 : i32
      %dma_wait3A_146 = arith.constant 0 : i32
      %dma_wait3A_147 = tpu.memref_slice %arg11[%add3A_145, %dma_wait3A_146] : memref<158x128xi32, #tpu.memory_space<vmem>> -> memref<1x128xi32, #tpu.memory_space<vmem>>
      %dma_wait3A_148 = tpu.memref_squeeze %dma_wait3A_147 : memref<1x128xi32, #tpu.memory_space<vmem>> -> memref<128xi32, #tpu.memory_space<vmem>>
      %dma_wait3A_149 = arith.constant 0 : i32
      %dma_wait3A_150 = arith.constant 0 : i32
      %dma_wait3A_151 = tpu.memref_slice %arg2[%dma_wait3A_149, %dma_wait3A_150] : memref<20000x64xf32, #tpu.memory_space<hbm>> -> memref<20000x64xf32, #tpu.memory_space<hbm>>
      tpu.wait_indirect_dma semaphore(%arg17 : memref<!tpu.dma_semaphore, #tpu.memory_space<semaphore_mem>>) src(%dma_wait3A_151 : memref<20000x64xf32, #tpu.memory_space<hbm>>) dst(%arg8 : memref<128x64xf32, #tpu.memory_space<vmem>>)
      %add3A_152 = arith.constant 3 : i32
      %add3A_153 = arith.addi %mul3A_82, %add3A_152 : i32
      "tpu.region"() ({
        %run_scoped3A_207 = tpu.sem_alloc : memref<!tpu.dma_semaphore, #tpu.memory_space<semaphore_mem>>
        %dma_start3A_208 = arith.constant 0 : i32
        %dma_start3A_209 = tpu.memref_slice %arg12[%add3A_153, %dma_start3A_208] : memref<158x128xi32, #tpu.memory_space<vmem>> -> memref<1x128xi32, #tpu.memory_space<vmem>>
        %dma_start3A_210 = tpu.memref_squeeze %dma_start3A_209 : memref<1x128xi32, #tpu.memory_space<vmem>> -> memref<128xi32, #tpu.memory_space<vmem>>
        %dma_start3A_211 = arith.constant 0 : i32
        %dma_start3A_212 = arith.constant 0 : i32
        %dma_start3A_213 = tpu.memref_slice %arg13[%dma_start3A_211, %dma_start3A_212] : memref<10240x64xf32, #tpu.memory_space<vmem_shared>> -> memref<10240x64xf32, #tpu.memory_space<vmem_shared>>
        tpu.enqueue_indirect_dma source(%arg8 : memref<128x64xf32, #tpu.memory_space<vmem>>) target(%dma_start3A_213 : memref<10240x64xf32, #tpu.memory_space<vmem_shared>>) offsets(%dma_start3A_210 : memref<128xi32, #tpu.memory_space<vmem>>) semaphore(%run_scoped3A_207 : memref<!tpu.dma_semaphore, #tpu.memory_space<semaphore_mem>>) {add = true}
        %dma_wait3A_214 = arith.constant 0 : i32
        %dma_wait3A_215 = tpu.memref_slice %arg12[%add3A_153, %dma_wait3A_214] : memref<158x128xi32, #tpu.memory_space<vmem>> -> memref<1x128xi32, #tpu.memory_space<vmem>>
        %dma_wait3A_216 = tpu.memref_squeeze %dma_wait3A_215 : memref<1x128xi32, #tpu.memory_space<vmem>> -> memref<128xi32, #tpu.memory_space<vmem>>
        %dma_wait3A_217 = arith.constant 0 : i32
        %dma_wait3A_218 = arith.constant 0 : i32
        %dma_wait3A_219 = tpu.memref_slice %arg13[%dma_wait3A_217, %dma_wait3A_218] : memref<10240x64xf32, #tpu.memory_space<vmem_shared>> -> memref<10240x64xf32, #tpu.memory_space<vmem_shared>>
        tpu.wait_indirect_dma semaphore(%run_scoped3A_207 : memref<!tpu.dma_semaphore, #tpu.memory_space<semaphore_mem>>) src(%arg8 : memref<128x64xf32, #tpu.memory_space<vmem>>) dst(%dma_wait3A_219 : memref<10240x64xf32, #tpu.memory_space<vmem_shared>>)
        tpu.yield
      }) : () -> ()
      %add3A_154 = arith.constant 3 : i32
      %add3A_155 = arith.addi %mul3A_82, %add3A_154 : i32
      %add3A_156 = arith.constant 6 : i32
      %add3A_157 = arith.addi %add3A_155, %add3A_156 : i32
      %sub3A_158 = arith.constant 1 : i32
      %sub3A_159 = arith.subi %add3A_157, %sub3A_158 : i32
      %lt3A_160 = arith.constant 156 : i32
      %lt3A_161 = arith.cmpi slt, %sub3A_159, %lt3A_160 : i32
      %convert_element_type3A_162 = arith.extui %lt3A_161 : i1 to i32
      %cond3A_163 = arith.constant 0 : i32
      %cond3A_164 = arith.cmpi ne, %convert_element_type3A_162, %cond3A_163 : i32
      scf.if %cond3A_164 {
        %add3A_207 = arith.constant 3 : i32
        %add3A_208 = arith.addi %mul3A_82, %add3A_207 : i32
        %add3A_209 = arith.constant 6 : i32
        %add3A_210 = arith.addi %add3A_208, %add3A_209 : i32
        %sub3A_211 = arith.constant 1 : i32
        %sub3A_212 = arith.subi %add3A_210, %sub3A_211 : i32
        %dma_start3A_213 = arith.constant 0 : i32
        %dma_start3A_214 = tpu.memref_slice %arg11[%sub3A_212, %dma_start3A_213] : memref<158x128xi32, #tpu.memory_space<vmem>> -> memref<1x128xi32, #tpu.memory_space<vmem>>
        %dma_start3A_215 = tpu.memref_squeeze %dma_start3A_214 : memref<1x128xi32, #tpu.memory_space<vmem>> -> memref<128xi32, #tpu.memory_space<vmem>>
        %dma_start3A_216 = arith.constant 0 : i32
        %dma_start3A_217 = arith.constant 0 : i32
        %dma_start3A_218 = tpu.memref_slice %arg2[%dma_start3A_216, %dma_start3A_217] : memref<20000x64xf32, #tpu.memory_space<hbm>> -> memref<20000x64xf32, #tpu.memory_space<hbm>>
        tpu.enqueue_indirect_dma source(%dma_start3A_218 : memref<20000x64xf32, #tpu.memory_space<hbm>>) target(%arg7 : memref<128x64xf32, #tpu.memory_space<vmem>>) offsets(%dma_start3A_215 : memref<128xi32, #tpu.memory_space<vmem>>) semaphore(%arg16 : memref<!tpu.dma_semaphore, #tpu.memory_space<semaphore_mem>>)
      } else {
      }
      %add3A_165 = arith.constant 4 : i32
      %add3A_166 = arith.addi %mul3A_82, %add3A_165 : i32
      %dma_wait3A_167 = arith.constant 0 : i32
      %dma_wait3A_168 = tpu.memref_slice %arg11[%add3A_166, %dma_wait3A_167] : memref<158x128xi32, #tpu.memory_space<vmem>> -> memref<1x128xi32, #tpu.memory_space<vmem>>
      %dma_wait3A_169 = tpu.memref_squeeze %dma_wait3A_168 : memref<1x128xi32, #tpu.memory_space<vmem>> -> memref<128xi32, #tpu.memory_space<vmem>>
      %dma_wait3A_170 = arith.constant 0 : i32
      %dma_wait3A_171 = arith.constant 0 : i32
      %dma_wait3A_172 = tpu.memref_slice %arg2[%dma_wait3A_170, %dma_wait3A_171] : memref<20000x64xf32, #tpu.memory_space<hbm>> -> memref<20000x64xf32, #tpu.memory_space<hbm>>
      tpu.wait_indirect_dma semaphore(%arg18 : memref<!tpu.dma_semaphore, #tpu.memory_space<semaphore_mem>>) src(%dma_wait3A_172 : memref<20000x64xf32, #tpu.memory_space<hbm>>) dst(%arg9 : memref<128x64xf32, #tpu.memory_space<vmem>>)
      %add3A_173 = arith.constant 4 : i32
      %add3A_174 = arith.addi %mul3A_82, %add3A_173 : i32
      "tpu.region"() ({
        %run_scoped3A_207 = tpu.sem_alloc : memref<!tpu.dma_semaphore, #tpu.memory_space<semaphore_mem>>
        %dma_start3A_208 = arith.constant 0 : i32
        %dma_start3A_209 = tpu.memref_slice %arg12[%add3A_174, %dma_start3A_208] : memref<158x128xi32, #tpu.memory_space<vmem>> -> memref<1x128xi32, #tpu.memory_space<vmem>>
        %dma_start3A_210 = tpu.memref_squeeze %dma_start3A_209 : memref<1x128xi32, #tpu.memory_space<vmem>> -> memref<128xi32, #tpu.memory_space<vmem>>
        %dma_start3A_211 = arith.constant 0 : i32
        %dma_start3A_212 = arith.constant 0 : i32
        %dma_start3A_213 = tpu.memref_slice %arg13[%dma_start3A_211, %dma_start3A_212] : memref<10240x64xf32, #tpu.memory_space<vmem_shared>> -> memref<10240x64xf32, #tpu.memory_space<vmem_shared>>
        tpu.enqueue_indirect_dma source(%arg9 : memref<128x64xf32, #tpu.memory_space<vmem>>) target(%dma_start3A_213 : memref<10240x64xf32, #tpu.memory_space<vmem_shared>>) offsets(%dma_start3A_210 : memref<128xi32, #tpu.memory_space<vmem>>) semaphore(%run_scoped3A_207 : memref<!tpu.dma_semaphore, #tpu.memory_space<semaphore_mem>>) {add = true}
        %dma_wait3A_214 = arith.constant 0 : i32
        %dma_wait3A_215 = tpu.memref_slice %arg12[%add3A_174, %dma_wait3A_214] : memref<158x128xi32, #tpu.memory_space<vmem>> -> memref<1x128xi32, #tpu.memory_space<vmem>>
        %dma_wait3A_216 = tpu.memref_squeeze %dma_wait3A_215 : memref<1x128xi32, #tpu.memory_space<vmem>> -> memref<128xi32, #tpu.memory_space<vmem>>
        %dma_wait3A_217 = arith.constant 0 : i32
        %dma_wait3A_218 = arith.constant 0 : i32
        %dma_wait3A_219 = tpu.memref_slice %arg13[%dma_wait3A_217, %dma_wait3A_218] : memref<10240x64xf32, #tpu.memory_space<vmem_shared>> -> memref<10240x64xf32, #tpu.memory_space<vmem_shared>>
        tpu.wait_indirect_dma semaphore(%run_scoped3A_207 : memref<!tpu.dma_semaphore, #tpu.memory_space<semaphore_mem>>) src(%arg9 : memref<128x64xf32, #tpu.memory_space<vmem>>) dst(%dma_wait3A_219 : memref<10240x64xf32, #tpu.memory_space<vmem_shared>>)
        tpu.yield
      }) : () -> ()
      %add3A_175 = arith.constant 4 : i32
      %add3A_176 = arith.addi %mul3A_82, %add3A_175 : i32
      %add3A_177 = arith.constant 6 : i32
      %add3A_178 = arith.addi %add3A_176, %add3A_177 : i32
      %sub3A_179 = arith.constant 1 : i32
      %sub3A_180 = arith.subi %add3A_178, %sub3A_179 : i32
      %lt3A_181 = arith.constant 156 : i32
      %lt3A_182 = arith.cmpi slt, %sub3A_180, %lt3A_181 : i32
      %convert_element_type3A_183 = arith.extui %lt3A_182 : i1 to i32
      %cond3A_184 = arith.constant 0 : i32
      %cond3A_185 = arith.cmpi ne, %convert_element_type3A_183, %cond3A_184 : i32
      scf.if %cond3A_185 {
        %add3A_207 = arith.constant 4 : i32
        %add3A_208 = arith.addi %mul3A_82, %add3A_207 : i32
        %add3A_209 = arith.constant 6 : i32
        %add3A_210 = arith.addi %add3A_208, %add3A_209 : i32
        %sub3A_211 = arith.constant 1 : i32
        %sub3A_212 = arith.subi %add3A_210, %sub3A_211 : i32
        %dma_start3A_213 = arith.constant 0 : i32
        %dma_start3A_214 = tpu.memref_slice %arg11[%sub3A_212, %dma_start3A_213] : memref<158x128xi32, #tpu.memory_space<vmem>> -> memref<1x128xi32, #tpu.memory_space<vmem>>
        %dma_start3A_215 = tpu.memref_squeeze %dma_start3A_214 : memref<1x128xi32, #tpu.memory_space<vmem>> -> memref<128xi32, #tpu.memory_space<vmem>>
        %dma_start3A_216 = arith.constant 0 : i32
        %dma_start3A_217 = arith.constant 0 : i32
        %dma_start3A_218 = tpu.memref_slice %arg2[%dma_start3A_216, %dma_start3A_217] : memref<20000x64xf32, #tpu.memory_space<hbm>> -> memref<20000x64xf32, #tpu.memory_space<hbm>>
        tpu.enqueue_indirect_dma source(%dma_start3A_218 : memref<20000x64xf32, #tpu.memory_space<hbm>>) target(%arg8 : memref<128x64xf32, #tpu.memory_space<vmem>>) offsets(%dma_start3A_215 : memref<128xi32, #tpu.memory_space<vmem>>) semaphore(%arg17 : memref<!tpu.dma_semaphore, #tpu.memory_space<semaphore_mem>>)
      } else {
      }
      %add3A_186 = arith.constant 5 : i32
      %add3A_187 = arith.addi %mul3A_82, %add3A_186 : i32
      %dma_wait3A_188 = arith.constant 0 : i32
      %dma_wait3A_189 = tpu.memref_slice %arg11[%add3A_187, %dma_wait3A_188] : memref<158x128xi32, #tpu.memory_space<vmem>> -> memref<1x128xi32, #tpu.memory_space<vmem>>
      %dma_wait3A_190 = tpu.memref_squeeze %dma_wait3A_189 : memref<1x128xi32, #tpu.memory_space<vmem>> -> memref<128xi32, #tpu.memory_space<vmem>>
      %dma_wait3A_191 = arith.constant 0 : i32
      %dma_wait3A_192 = arith.constant 0 : i32
      %dma_wait3A_193 = tpu.memref_slice %arg2[%dma_wait3A_191, %dma_wait3A_192] : memref<20000x64xf32, #tpu.memory_space<hbm>> -> memref<20000x64xf32, #tpu.memory_space<hbm>>
      tpu.wait_indirect_dma semaphore(%arg19 : memref<!tpu.dma_semaphore, #tpu.memory_space<semaphore_mem>>) src(%dma_wait3A_193 : memref<20000x64xf32, #tpu.memory_space<hbm>>) dst(%arg10 : memref<128x64xf32, #tpu.memory_space<vmem>>)
      %add3A_194 = arith.constant 5 : i32
      %add3A_195 = arith.addi %mul3A_82, %add3A_194 : i32
      "tpu.region"() ({
        %run_scoped3A_207 = tpu.sem_alloc : memref<!tpu.dma_semaphore, #tpu.memory_space<semaphore_mem>>
        %dma_start3A_208 = arith.constant 0 : i32
        %dma_start3A_209 = tpu.memref_slice %arg12[%add3A_195, %dma_start3A_208] : memref<158x128xi32, #tpu.memory_space<vmem>> -> memref<1x128xi32, #tpu.memory_space<vmem>>
        %dma_start3A_210 = tpu.memref_squeeze %dma_start3A_209 : memref<1x128xi32, #tpu.memory_space<vmem>> -> memref<128xi32, #tpu.memory_space<vmem>>
        %dma_start3A_211 = arith.constant 0 : i32
        %dma_start3A_212 = arith.constant 0 : i32
        %dma_start3A_213 = tpu.memref_slice %arg13[%dma_start3A_211, %dma_start3A_212] : memref<10240x64xf32, #tpu.memory_space<vmem_shared>> -> memref<10240x64xf32, #tpu.memory_space<vmem_shared>>
        tpu.enqueue_indirect_dma source(%arg10 : memref<128x64xf32, #tpu.memory_space<vmem>>) target(%dma_start3A_213 : memref<10240x64xf32, #tpu.memory_space<vmem_shared>>) offsets(%dma_start3A_210 : memref<128xi32, #tpu.memory_space<vmem>>) semaphore(%run_scoped3A_207 : memref<!tpu.dma_semaphore, #tpu.memory_space<semaphore_mem>>) {add = true}
        %dma_wait3A_214 = arith.constant 0 : i32
        %dma_wait3A_215 = tpu.memref_slice %arg12[%add3A_195, %dma_wait3A_214] : memref<158x128xi32, #tpu.memory_space<vmem>> -> memref<1x128xi32, #tpu.memory_space<vmem>>
        %dma_wait3A_216 = tpu.memref_squeeze %dma_wait3A_215 : memref<1x128xi32, #tpu.memory_space<vmem>> -> memref<128xi32, #tpu.memory_space<vmem>>
        %dma_wait3A_217 = arith.constant 0 : i32
        %dma_wait3A_218 = arith.constant 0 : i32
        %dma_wait3A_219 = tpu.memref_slice %arg13[%dma_wait3A_217, %dma_wait3A_218] : memref<10240x64xf32, #tpu.memory_space<vmem_shared>> -> memref<10240x64xf32, #tpu.memory_space<vmem_shared>>
        tpu.wait_indirect_dma semaphore(%run_scoped3A_207 : memref<!tpu.dma_semaphore, #tpu.memory_space<semaphore_mem>>) src(%arg10 : memref<128x64xf32, #tpu.memory_space<vmem>>) dst(%dma_wait3A_219 : memref<10240x64xf32, #tpu.memory_space<vmem_shared>>)
        tpu.yield
      }) : () -> ()
      %add3A_196 = arith.constant 5 : i32
      %add3A_197 = arith.addi %mul3A_82, %add3A_196 : i32
      %add3A_198 = arith.constant 6 : i32
      %add3A_199 = arith.addi %add3A_197, %add3A_198 : i32
      %sub3A_200 = arith.constant 1 : i32
      %sub3A_201 = arith.subi %add3A_199, %sub3A_200 : i32
      %lt3A_202 = arith.constant 156 : i32
      %lt3A_203 = arith.cmpi slt, %sub3A_201, %lt3A_202 : i32
      %convert_element_type3A_204 = arith.extui %lt3A_203 : i1 to i32
      %cond3A_205 = arith.constant 0 : i32
      %cond3A_206 = arith.cmpi ne, %convert_element_type3A_204, %cond3A_205 : i32
      scf.if %cond3A_206 {
        %add3A_207 = arith.constant 5 : i32
        %add3A_208 = arith.addi %mul3A_82, %add3A_207 : i32
        %add3A_209 = arith.constant 6 : i32
        %add3A_210 = arith.addi %add3A_208, %add3A_209 : i32
        %sub3A_211 = arith.constant 1 : i32
        %sub3A_212 = arith.subi %add3A_210, %sub3A_211 : i32
        %dma_start3A_213 = arith.constant 0 : i32
        %dma_start3A_214 = tpu.memref_slice %arg11[%sub3A_212, %dma_start3A_213] : memref<158x128xi32, #tpu.memory_space<vmem>> -> memref<1x128xi32, #tpu.memory_space<vmem>>
        %dma_start3A_215 = tpu.memref_squeeze %dma_start3A_214 : memref<1x128xi32, #tpu.memory_space<vmem>> -> memref<128xi32, #tpu.memory_space<vmem>>
        %dma_start3A_216 = arith.constant 0 : i32
        %dma_start3A_217 = arith.constant 0 : i32
        %dma_start3A_218 = tpu.memref_slice %arg2[%dma_start3A_216, %dma_start3A_217] : memref<20000x64xf32, #tpu.memory_space<hbm>> -> memref<20000x64xf32, #tpu.memory_space<hbm>>
        tpu.enqueue_indirect_dma source(%dma_start3A_218 : memref<20000x64xf32, #tpu.memory_space<hbm>>) target(%arg9 : memref<128x64xf32, #tpu.memory_space<vmem>>) offsets(%dma_start3A_215 : memref<128xi32, #tpu.memory_space<vmem>>) semaphore(%arg18 : memref<!tpu.dma_semaphore, #tpu.memory_space<semaphore_mem>>)
      } else {
      }
    }
    %scan3A_71 = arith.constant 26 : i32
    %convert_element_type3A_72 = arith.extui %lt3A_5 : i1 to i32
    %cond3A_73 = arith.constant 0 : i32
    %cond3A_74 = arith.cmpi ne, %convert_element_type3A_72, %cond3A_73 : i32
    scf.if %cond3A_74 {
      %dma_start3A_76 = arith.constant 156 : i32
      %dma_start3A_77 = arith.constant 0 : i32
      %dma_start3A_78 = tpu.memref_slice %arg11[%dma_start3A_76, %dma_start3A_77] : memref<158x128xi32, #tpu.memory_space<vmem>> -> memref<1x128xi32, #tpu.memory_space<vmem>>
      %dma_start3A_79 = tpu.memref_squeeze %dma_start3A_78 : memref<1x128xi32, #tpu.memory_space<vmem>> -> memref<128xi32, #tpu.memory_space<vmem>>
      %dma_start3A_80 = arith.constant 0 : i32
      %dma_start3A_81 = arith.constant 0 : i32
      %dma_start3A_82 = tpu.memref_slice %arg2[%dma_start3A_80, %dma_start3A_81] : memref<20000x64xf32, #tpu.memory_space<hbm>> -> memref<20000x64xf32, #tpu.memory_space<hbm>>
      tpu.enqueue_indirect_dma source(%dma_start3A_82 : memref<20000x64xf32, #tpu.memory_space<hbm>>) target(%arg5 : memref<128x64xf32, #tpu.memory_space<vmem>>) offsets(%dma_start3A_79 : memref<128xi32, #tpu.memory_space<vmem>>) semaphore(%arg14 : memref<!tpu.dma_semaphore, #tpu.memory_space<semaphore_mem>>)
      %dma_start3A_83 = arith.constant 157 : i32
      %dma_start3A_84 = arith.constant 0 : i32
      %dma_start3A_85 = tpu.memref_slice %arg11[%dma_start3A_83, %dma_start3A_84] : memref<158x128xi32, #tpu.memory_space<vmem>> -> memref<1x128xi32, #tpu.memory_space<vmem>>
      %dma_start3A_86 = tpu.memref_squeeze %dma_start3A_85 : memref<1x128xi32, #tpu.memory_space<vmem>> -> memref<128xi32, #tpu.memory_space<vmem>>
      %dma_start3A_87 = arith.constant 0 : i32
      %dma_start3A_88 = arith.constant 0 : i32
      %dma_start3A_89 = tpu.memref_slice %arg2[%dma_start3A_87, %dma_start3A_88] : memref<20000x64xf32, #tpu.memory_space<hbm>> -> memref<20000x64xf32, #tpu.memory_space<hbm>>
      tpu.enqueue_indirect_dma source(%dma_start3A_89 : memref<20000x64xf32, #tpu.memory_space<hbm>>) target(%arg6 : memref<128x64xf32, #tpu.memory_space<vmem>>) offsets(%dma_start3A_86 : memref<128xi32, #tpu.memory_space<vmem>>) semaphore(%arg15 : memref<!tpu.dma_semaphore, #tpu.memory_space<semaphore_mem>>)
      %dma_wait3A = arith.constant 156 : i32
      %dma_wait3A_90 = arith.constant 0 : i32
      %dma_wait3A_91 = tpu.memref_slice %arg11[%dma_wait3A, %dma_wait3A_90] : memref<158x128xi32, #tpu.memory_space<vmem>> -> memref<1x128xi32, #tpu.memory_space<vmem>>
      %dma_wait3A_92 = tpu.memref_squeeze %dma_wait3A_91 : memref<1x128xi32, #tpu.memory_space<vmem>> -> memref<128xi32, #tpu.memory_space<vmem>>
      %dma_wait3A_93 = arith.constant 0 : i32
      %dma_wait3A_94 = arith.constant 0 : i32
      %dma_wait3A_95 = tpu.memref_slice %arg2[%dma_wait3A_93, %dma_wait3A_94] : memref<20000x64xf32, #tpu.memory_space<hbm>> -> memref<20000x64xf32, #tpu.memory_space<hbm>>
      tpu.wait_indirect_dma semaphore(%arg14 : memref<!tpu.dma_semaphore, #tpu.memory_space<semaphore_mem>>) src(%dma_wait3A_95 : memref<20000x64xf32, #tpu.memory_space<hbm>>) dst(%arg5 : memref<128x64xf32, #tpu.memory_space<vmem>>)
      %run_scoped3A_96 = arith.constant 156 : i32
      "tpu.region"() ({
        %run_scoped3A_105 = tpu.sem_alloc : memref<!tpu.dma_semaphore, #tpu.memory_space<semaphore_mem>>
        %dma_start3A_106 = arith.constant 0 : i32
        %dma_start3A_107 = tpu.memref_slice %arg12[%run_scoped3A_96, %dma_start3A_106] : memref<158x128xi32, #tpu.memory_space<vmem>> -> memref<1x128xi32, #tpu.memory_space<vmem>>
        %dma_start3A_108 = tpu.memref_squeeze %dma_start3A_107 : memref<1x128xi32, #tpu.memory_space<vmem>> -> memref<128xi32, #tpu.memory_space<vmem>>
        %dma_start3A_109 = arith.constant 0 : i32
        %dma_start3A_110 = arith.constant 0 : i32
        %dma_start3A_111 = tpu.memref_slice %arg13[%dma_start3A_109, %dma_start3A_110] : memref<10240x64xf32, #tpu.memory_space<vmem_shared>> -> memref<10240x64xf32, #tpu.memory_space<vmem_shared>>
        tpu.enqueue_indirect_dma source(%arg5 : memref<128x64xf32, #tpu.memory_space<vmem>>) target(%dma_start3A_111 : memref<10240x64xf32, #tpu.memory_space<vmem_shared>>) offsets(%dma_start3A_108 : memref<128xi32, #tpu.memory_space<vmem>>) semaphore(%run_scoped3A_105 : memref<!tpu.dma_semaphore, #tpu.memory_space<semaphore_mem>>) {add = true}
        %dma_wait3A_112 = arith.constant 0 : i32
        %dma_wait3A_113 = tpu.memref_slice %arg12[%run_scoped3A_96, %dma_wait3A_112] : memref<158x128xi32, #tpu.memory_space<vmem>> -> memref<1x128xi32, #tpu.memory_space<vmem>>
        %dma_wait3A_114 = tpu.memref_squeeze %dma_wait3A_113 : memref<1x128xi32, #tpu.memory_space<vmem>> -> memref<128xi32, #tpu.memory_space<vmem>>
        %dma_wait3A_115 = arith.constant 0 : i32
        %dma_wait3A_116 = arith.constant 0 : i32
        %dma_wait3A_117 = tpu.memref_slice %arg13[%dma_wait3A_115, %dma_wait3A_116] : memref<10240x64xf32, #tpu.memory_space<vmem_shared>> -> memref<10240x64xf32, #tpu.memory_space<vmem_shared>>
        tpu.wait_indirect_dma semaphore(%run_scoped3A_105 : memref<!tpu.dma_semaphore, #tpu.memory_space<semaphore_mem>>) src(%arg5 : memref<128x64xf32, #tpu.memory_space<vmem>>) dst(%dma_wait3A_117 : memref<10240x64xf32, #tpu.memory_space<vmem_shared>>)
        tpu.yield
      }) : () -> ()
      %dma_wait3A_97 = arith.constant 157 : i32
      %dma_wait3A_98 = arith.constant 0 : i32
      %dma_wait3A_99 = tpu.memref_slice %arg11[%dma_wait3A_97, %dma_wait3A_98] : memref<158x128xi32, #tpu.memory_space<vmem>> -> memref<1x128xi32, #tpu.memory_space<vmem>>
      %dma_wait3A_100 = tpu.memref_squeeze %dma_wait3A_99 : memref<1x128xi32, #tpu.memory_space<vmem>> -> memref<128xi32, #tpu.memory_space<vmem>>
      %dma_wait3A_101 = arith.constant 0 : i32
      %dma_wait3A_102 = arith.constant 0 : i32
      %dma_wait3A_103 = tpu.memref_slice %arg2[%dma_wait3A_101, %dma_wait3A_102] : memref<20000x64xf32, #tpu.memory_space<hbm>> -> memref<20000x64xf32, #tpu.memory_space<hbm>>
      tpu.wait_indirect_dma semaphore(%arg15 : memref<!tpu.dma_semaphore, #tpu.memory_space<semaphore_mem>>) src(%dma_wait3A_103 : memref<20000x64xf32, #tpu.memory_space<hbm>>) dst(%arg6 : memref<128x64xf32, #tpu.memory_space<vmem>>)
      %run_scoped3A_104 = arith.constant 157 : i32
      "tpu.region"() ({
        %run_scoped3A_105 = tpu.sem_alloc : memref<!tpu.dma_semaphore, #tpu.memory_space<semaphore_mem>>
        %dma_start3A_106 = arith.constant 0 : i32
        %dma_start3A_107 = tpu.memref_slice %arg12[%run_scoped3A_104, %dma_start3A_106] : memref<158x128xi32, #tpu.memory_space<vmem>> -> memref<1x128xi32, #tpu.memory_space<vmem>>
        %dma_start3A_108 = tpu.memref_squeeze %dma_start3A_107 : memref<1x128xi32, #tpu.memory_space<vmem>> -> memref<128xi32, #tpu.memory_space<vmem>>
        %dma_start3A_109 = arith.constant 0 : i32
        %dma_start3A_110 = arith.constant 0 : i32
        %dma_start3A_111 = tpu.memref_slice %arg13[%dma_start3A_109, %dma_start3A_110] : memref<10240x64xf32, #tpu.memory_space<vmem_shared>> -> memref<10240x64xf32, #tpu.memory_space<vmem_shared>>
        tpu.enqueue_indirect_dma source(%arg6 : memref<128x64xf32, #tpu.memory_space<vmem>>) target(%dma_start3A_111 : memref<10240x64xf32, #tpu.memory_space<vmem_shared>>) offsets(%dma_start3A_108 : memref<128xi32, #tpu.memory_space<vmem>>) semaphore(%run_scoped3A_105 : memref<!tpu.dma_semaphore, #tpu.memory_space<semaphore_mem>>) {add = true}
        %dma_wait3A_112 = arith.constant 0 : i32
        %dma_wait3A_113 = tpu.memref_slice %arg12[%run_scoped3A_104, %dma_wait3A_112] : memref<158x128xi32, #tpu.memory_space<vmem>> -> memref<1x128xi32, #tpu.memory_space<vmem>>
        %dma_wait3A_114 = tpu.memref_squeeze %dma_wait3A_113 : memref<1x128xi32, #tpu.memory_space<vmem>> -> memref<128xi32, #tpu.memory_space<vmem>>
        %dma_wait3A_115 = arith.constant 0 : i32
        %dma_wait3A_116 = arith.constant 0 : i32
        %dma_wait3A_117 = tpu.memref_slice %arg13[%dma_wait3A_115, %dma_wait3A_116] : memref<10240x64xf32, #tpu.memory_space<vmem_shared>> -> memref<10240x64xf32, #tpu.memory_space<vmem_shared>>
        tpu.wait_indirect_dma semaphore(%run_scoped3A_105 : memref<!tpu.dma_semaphore, #tpu.memory_space<semaphore_mem>>) src(%arg6 : memref<128x64xf32, #tpu.memory_space<vmem>>) dst(%dma_wait3A_117 : memref<10240x64xf32, #tpu.memory_space<vmem_shared>>)
        tpu.yield
      }) : () -> ()
    } else {
    }
    %barrier3A_75 = arith.constant 0 : index
    tpu.barrier barrier_id(%barrier3A_75)
    "tpu.region"() ({
      %run_scoped3A_76 = tpu.sem_alloc : memref<!tpu.dma_semaphore, #tpu.memory_space<semaphore_mem>>
      %dma_start3A_77 = arith.constant 0 : i32
      %dma_start3A_78 = tpu.memref_slice %arg4[%arg0, %mul3A_22, %dma_start3A_77] : memref<2x10240x64xf32, #tpu.memory_space<hbm>> -> memref<1x640x64xf32, #tpu.memory_space<hbm>>
      %dma_start3A_79 = tpu.memref_squeeze %dma_start3A_78 : memref<1x640x64xf32, #tpu.memory_space<hbm>> -> memref<640x64xf32, #tpu.memory_space<hbm>>
      %dma_start3A_80 = arith.constant 0 : i32
      %dma_start3A_81 = tpu.memref_slice %arg13[%mul3A_22, %dma_start3A_80] : memref<10240x64xf32, #tpu.memory_space<vmem_shared>> -> memref<640x64xf32, #tpu.memory_space<vmem_shared>>
      tpu.enqueue_dma source(%dma_start3A_81 : memref<640x64xf32, #tpu.memory_space<vmem_shared>>) target(%dma_start3A_79 : memref<640x64xf32, #tpu.memory_space<hbm>>) target_semaphore(%run_scoped3A_76 : memref<!tpu.dma_semaphore, #tpu.memory_space<semaphore_mem>>)
      %dma_wait3A = arith.constant 0 : i32
      %dma_wait3A_82 = tpu.memref_slice %arg4[%arg0, %mul3A_22, %dma_wait3A] : memref<2x10240x64xf32, #tpu.memory_space<hbm>> -> memref<1x640x64xf32, #tpu.memory_space<hbm>>
      %dma_wait3A_83 = tpu.memref_squeeze %dma_wait3A_82 : memref<1x640x64xf32, #tpu.memory_space<hbm>> -> memref<640x64xf32, #tpu.memory_space<hbm>>
      %dma_wait3A_84 = arith.constant 0 : i32
      %dma_wait3A_85 = tpu.memref_slice %arg13[%mul3A_22, %dma_wait3A_84] : memref<10240x64xf32, #tpu.memory_space<vmem_shared>> -> memref<640x64xf32, #tpu.memory_space<vmem_shared>>
      tpu.wait_dma2 semaphore(%run_scoped3A_76 : memref<!tpu.dma_semaphore, #tpu.memory_space<semaphore_mem>>) src(%dma_wait3A_85 : memref<640x64xf32, #tpu.memory_space<vmem_shared>>) dst(%dma_wait3A_83 : memref<640x64xf32, #tpu.memory_space<hbm>>)
      tpu.yield
    }) : () -> ()
    return
  }
}

module attributes {stable_mosaic.version = 14 : i64} {
  func.func @body(%arg0: i32, %arg1: memref<1000x128xf32, #tpu.memory_space<vmem>>, %arg2: memref<128x128xf32, #tpu.memory_space<vmem>>, %arg3: memref<1000x128xf32, #tpu.memory_space<vmem>>) attributes {dimension_semantics = [#tpu.dimension_semantics<arbitrary>], iteration_bounds = array<i64: 10>, scalar_prefetch = 0 : i64, scratch_operands = 0 : i64, tpu.core_type = #tpu.core_type<tc>, window_params = [{transform_indices = @transform_0, window_bounds = array<i64: 1000, 128>}, {pipeline_mode = #tpu.pipeline_mode<synchronous>, transform_indices = @transform_1, window_bounds = array<i64: 128, 128>}, {transform_indices = @transform_2, window_bounds = array<i64: 1000, 128>}]} {
    %get3A = arith.constant 0 : index
    %get3A_0 = arith.constant 0 : index
    %get3A_1 = vector.load %arg1[%get3A, %get3A_0] : memref<1000x128xf32, #tpu.memory_space<vmem>>, vector<1000x128xf32>
    %get3A_2 = arith.constant 0 : index
    %get3A_3 = arith.constant 0 : index
    %get3A_4 = vector.load %arg2[%get3A_2, %get3A_3] : memref<128x128xf32, #tpu.memory_space<vmem>>, vector<128x128xf32>
    %dot_general3A = arith.constant dense<0.000000e+00> : vector<1000x128xf32>
    %dot_general3A_5 = tpu.matmul %get3A_1, %get3A_4, %dot_general3A {dimension_numbers = #tpu.dot_dimension_numbers<[1], [0], [0], [1], [0, 0, 1, 1], [], []>, precision = #tpu.contract_precision<fp32>, transpose_lhs_hint = false} : vector<1000x128xf32>, vector<128x128xf32>, vector<1000x128xf32> -> vector<1000x128xf32>
    %swap3A = arith.constant 0 : index
    %swap3A_6 = arith.constant 0 : index
    %swap3A_7 = vector.load %arg3[%swap3A, %swap3A_6] : memref<1000x128xf32, #tpu.memory_space<vmem>>, vector<1000x128xf32>
    tpu.vector_store %arg3[%swap3A, %swap3A_6], %dot_general3A_5 {strides = array<i32>} : memref<1000x128xf32, #tpu.memory_space<vmem>>, vector<1000x128xf32>,
    return
  }
  func.func @transform_0(%arg0: i32) -> (i32, i32) {
    %c0_i32 = arith.constant 0 : i32
    %c0_i32_0 = arith.constant 0 : i32
    return %arg0, %c0_i32 : i32, i32
  }
  func.func @transform_1(%arg0: i32) -> (i32, i32) {
    %c0_i32 = arith.constant 0 : i32
    %c0_i32_0 = arith.constant 0 : i32
    %c0_i32_1 = arith.constant 0 : i32
    return %c0_i32, %c0_i32_0 : i32, i32
  }
  func.func @transform_2(%arg0: i32) -> (i32, i32) {
    %c0_i32 = arith.constant 0 : i32
    %c0_i32_0 = arith.constant 0 : i32
    return %arg0, %c0_i32 : i32, i32
  }
}

module attributes {stable_mosaic.version = 14 : i64} {
  func.func @body(%arg0: i32, %arg1: memref<32x2048xf32, #tpu.memory_space<vmem>>, %arg2: memref<32x2048xf32, #tpu.memory_space<vmem>>, %arg3: memref<2048x1xf32, #tpu.memory_space<vmem>>, %arg4: memref<2048x1xf32, #tpu.memory_space<vmem>>) attributes {dimension_semantics = [#tpu.dimension_semantics<arbitrary>], iteration_bounds = array<i64: 5>, scalar_prefetch = 0 : i64, scratch_operands = 0 : i64, tpu.core_type = #tpu.core_type<tc>, window_params = [{transform_indices = @transform_0, window_bounds = array<i64: 32, 2048>}, {transform_indices = @transform_1, window_bounds = array<i64: 32, 2048>}, {transform_indices = @transform_2, window_bounds = array<i64: 2048, 1>}, {transform_indices = @transform_3, window_bounds = array<i64: 2048, 1>}]} {
    %get3A = arith.constant 0 : index
    %get3A_0 = arith.constant 0 : index
    %get3A_1 = vector.load %arg1[%get3A, %get3A_0] : memref<32x2048xf32, #tpu.memory_space<vmem>>, vector<32x2048xf32>
    %reduce_sum3A = arith.constant dense<0.000000e+00> : vector<2048xf32>
    %reduce_sum3A_2 = vector.multi_reduction <add>, %get3A_1, %reduce_sum3A [0] : vector<32x2048xf32> to vector<2048xf32>
    %broadcast_in_dim3A = vector.shape_cast %reduce_sum3A_2 : vector<2048xf32> to vector<1x2048xf32>
    %max3A = arith.constant 1.000000e+00 : f32
    %max3A_3 = vector.broadcast %max3A : f32 to vector<1x2048xf32>
    %max3A_4 = arith.maximumf %broadcast_in_dim3A, %max3A_3 : vector<1x2048xf32>
    %rsqrt3A = math.rsqrt %max3A_4 : vector<1x2048xf32>
    %transpose3A = tpu.transpose %rsqrt3A, [1, 0] : vector<1x2048xf32> -> vector<2048x1xf32>
    %swap3A = arith.constant 0 : index
    %swap3A_5 = arith.constant 0 : index
    %swap3A_6 = vector.load %arg3[%swap3A, %swap3A_5] : memref<2048x1xf32, #tpu.memory_space<vmem>>, vector<2048x1xf32>
    tpu.vector_store %arg3[%swap3A, %swap3A_5], %transpose3A {strides = array<i32>} : memref<2048x1xf32, #tpu.memory_space<vmem>>, vector<2048x1xf32>,
    %get3A_7 = arith.constant 0 : index
    %get3A_8 = arith.constant 0 : index
    %get3A_9 = vector.load %arg2[%get3A_7, %get3A_8] : memref<32x2048xf32, #tpu.memory_space<vmem>>, vector<32x2048xf32>
    %reduce_sum3A_10 = arith.constant dense<0.000000e+00> : vector<2048xf32>
    %reduce_sum3A_11 = vector.multi_reduction <add>, %get3A_9, %reduce_sum3A_10 [0] : vector<32x2048xf32> to vector<2048xf32>
    %broadcast_in_dim3A_12 = vector.shape_cast %reduce_sum3A_11 : vector<2048xf32> to vector<1x2048xf32>
    %max3A_13 = arith.constant 1.000000e+00 : f32
    %max3A_14 = vector.broadcast %max3A_13 : f32 to vector<1x2048xf32>
    %max3A_15 = arith.maximumf %broadcast_in_dim3A_12, %max3A_14 : vector<1x2048xf32>
    %rsqrt3A_16 = math.rsqrt %max3A_15 : vector<1x2048xf32>
    %transpose3A_17 = tpu.transpose %rsqrt3A_16, [1, 0] : vector<1x2048xf32> -> vector<2048x1xf32>
    %swap3A_18 = arith.constant 0 : index
    %swap3A_19 = arith.constant 0 : index
    %swap3A_20 = vector.load %arg4[%swap3A_18, %swap3A_19] : memref<2048x1xf32, #tpu.memory_space<vmem>>, vector<2048x1xf32>
    tpu.vector_store %arg4[%swap3A_18, %swap3A_19], %transpose3A_17 {strides = array<i32>} : memref<2048x1xf32, #tpu.memory_space<vmem>>, vector<2048x1xf32>,
    return
  }
  func.func @transform_0(%arg0: i32) -> (i32, i32) {
    %c0_i32 = arith.constant 0 : i32
    %c0_i32_0 = arith.constant 0 : i32
    return %c0_i32, %arg0 : i32, i32
  }
  func.func @transform_1(%arg0: i32) -> (i32, i32) {
    %c0_i32 = arith.constant 0 : i32
    %c0_i32_0 = arith.constant 0 : i32
    return %c0_i32, %arg0 : i32, i32
  }
  func.func @transform_2(%arg0: i32) -> (i32, i32) {
    %c0_i32 = arith.constant 0 : i32
    %c0_i32_0 = arith.constant 0 : i32
    return %arg0, %c0_i32 : i32, i32
  }
  func.func @transform_3(%arg0: i32) -> (i32, i32) {
    %c0_i32 = arith.constant 0 : i32
    %c0_i32_0 = arith.constant 0 : i32
    return %arg0, %c0_i32 : i32, i32
  }
}

module attributes {stable_mosaic.version = 14 : i64} {
  func.func @body(%arg0: i32, %arg1: memref<2000x128xf32, #tpu.memory_space<vmem>>, %arg2: memref<2000x1xf32, #tpu.memory_space<vmem>>, %arg3: memref<2000x128xf32, #tpu.memory_space<vmem>>) attributes {dimension_semantics = [#tpu.dimension_semantics<arbitrary>], iteration_bounds = array<i64: 5>, scalar_prefetch = 0 : i64, scratch_operands = 0 : i64, tpu.core_type = #tpu.core_type<tc>, window_params = [{transform_indices = @transform_0, window_bounds = array<i64: 2000, 128>}, {transform_indices = @transform_1, window_bounds = array<i64: 2000, 1>}, {transform_indices = @transform_2, window_bounds = array<i64: 2000, 128>}]} {
    %get3A = arith.constant 0 : index
    %get3A_0 = arith.constant 0 : index
    %get3A_1 = vector.load %arg1[%get3A, %get3A_0] : memref<2000x128xf32, #tpu.memory_space<vmem>>, vector<2000x128xf32>
    %get3A_2 = arith.constant 0 : index
    %get3A_3 = arith.constant 0 : index
    %get3A_4 = vector.load %arg2[%get3A_2, %get3A_3] : memref<2000x1xf32, #tpu.memory_space<vmem>>, vector<2000x1xf32>
    %mul3A = vector.broadcast %get3A_4 : vector<2000x1xf32> to vector<2000x128xf32>
    %mul3A_5 = arith.mulf %get3A_1, %mul3A : vector<2000x128xf32>
    %swap3A = arith.constant 0 : index
    %swap3A_6 = arith.constant 0 : index
    %swap3A_7 = vector.load %arg3[%swap3A, %swap3A_6] : memref<2000x128xf32, #tpu.memory_space<vmem>>, vector<2000x128xf32>
    tpu.vector_store %arg3[%swap3A, %swap3A_6], %mul3A_5 {strides = array<i32>} : memref<2000x128xf32, #tpu.memory_space<vmem>>, vector<2000x128xf32>,
    return
  }
  func.func @transform_0(%arg0: i32) -> (i32, i32) {
    %c0_i32 = arith.constant 0 : i32
    %c0_i32_0 = arith.constant 0 : i32
    return %arg0, %c0_i32 : i32, i32
  }
  func.func @transform_1(%arg0: i32) -> (i32, i32) {
    %c0_i32 = arith.constant 0 : i32
    %c0_i32_0 = arith.constant 0 : i32
    return %arg0, %c0_i32 : i32, i32
  }
  func.func @transform_2(%arg0: i32) -> (i32, i32) {
    %c0_i32 = arith.constant 0 : i32
    %c0_i32_0 = arith.constant 0 : i32
    return %arg0, %c0_i32 : i32, i32
  }
}

module attributes {stable_mosaic.version = 14 : i64} {
  func.func @body(%arg0: i32, %arg1: memref<2x1024x128xf32, #tpu.memory_space<vmem>>, %arg2: memref<1024x128xf32, #tpu.memory_space<vmem>>, %arg3: memref<1024x128xf32, #tpu.memory_space<vmem>>, %arg4: memref<1x128xf32, #tpu.memory_space<vmem>>, %arg5: memref<1x128xf32, #tpu.memory_space<vmem>>, %arg6: memref<128x128xf32, #tpu.memory_space<vmem>>, %arg7: memref<128x128xf32, #tpu.memory_space<vmem>>, %arg8: memref<1024x128xf32, #tpu.memory_space<vmem>>) attributes {dimension_semantics = [#tpu.dimension_semantics<arbitrary>], iteration_bounds = array<i64: 5>, scalar_prefetch = 0 : i64, scratch_operands = 0 : i64, tpu.core_type = #tpu.core_type<tc>, window_params = [{transform_indices = @transform_0, window_bounds = array<i64: 2, 1024, 128>}, {transform_indices = @transform_1, window_bounds = array<i64: 1024, 128>}, {transform_indices = @transform_2, window_bounds = array<i64: 1024, 128>}, {pipeline_mode = #tpu.pipeline_mode<synchronous>, transform_indices = @transform_3, window_bounds = array<i64: 1, 128>}, {pipeline_mode = #tpu.pipeline_mode<synchronous>, transform_indices = @transform_4, window_bounds = array<i64: 1, 128>}, {pipeline_mode = #tpu.pipeline_mode<synchronous>, transform_indices = @transform_5, window_bounds = array<i64: 128, 128>}, {pipeline_mode = #tpu.pipeline_mode<synchronous>, transform_indices = @transform_6, window_bounds = array<i64: 128, 128>}, {transform_indices = @transform_7, window_bounds = array<i64: 1024, 128>}]} {
    %get3A = arith.constant 0 : index
    %get3A_0 = arith.constant 0 : index
    %get3A_1 = vector.load %arg3[%get3A, %get3A_0] : memref<1024x128xf32, #tpu.memory_space<vmem>>, vector<1024x128xf32>
    %get3A_2 = arith.constant 0 : index
    %get3A_3 = arith.constant 0 : index
    %get3A_4 = vector.load %arg2[%get3A_2, %get3A_3] : memref<1024x128xf32, #tpu.memory_space<vmem>>, vector<1024x128xf32>
    %get3A_5 = arith.constant 0 : index
    %get3A_6 = arith.constant 0 : index
    %get3A_7 = arith.constant 0 : index
    %get3A_8 = vector.load %arg1[%get3A_5, %get3A_6, %get3A_7] : memref<2x1024x128xf32, #tpu.memory_space<vmem>>, vector<1x1024x128xf32>
    %get3A_9 = vector.shape_cast %get3A_8 : vector<1x1024x128xf32> to vector<1024x128xf32>
    %mul3A = arith.mulf %get3A_9, %get3A_1 : vector<1024x128xf32>
    %get3A_10 = arith.constant 0 : index
    %get3A_11 = arith.constant 0 : index
    %get3A_12 = vector.load %arg4[%get3A_10, %get3A_11] : memref<1x128xf32, #tpu.memory_space<vmem>>, vector<1x128xf32>
    %add3A = vector.broadcast %get3A_12 : vector<1x128xf32> to vector<1024x128xf32>
    %add3A_13 = arith.addf %mul3A, %add3A : vector<1024x128xf32>
    %max3A = arith.constant 0.000000e+00 : f32
    %max3A_14 = vector.broadcast %max3A : f32 to vector<1024x128xf32>
    %max3A_15 = arith.maximumf %add3A_13, %max3A_14 : vector<1024x128xf32>
    %mul3A_16 = arith.mulf %max3A_15, %get3A_4 : vector<1024x128xf32>
    %get3A_17 = arith.constant 1 : index
    %get3A_18 = arith.constant 0 : index
    %get3A_19 = arith.constant 0 : index
    %get3A_20 = vector.load %arg1[%get3A_17, %get3A_18, %get3A_19] : memref<2x1024x128xf32, #tpu.memory_space<vmem>>, vector<1x1024x128xf32>
    %get3A_21 = vector.shape_cast %get3A_20 : vector<1x1024x128xf32> to vector<1024x128xf32>
    %mul3A_22 = arith.mulf %get3A_21, %get3A_1 : vector<1024x128xf32>
    %get3A_23 = arith.constant 0 : index
    %get3A_24 = arith.constant 0 : index
    %get3A_25 = vector.load %arg5[%get3A_23, %get3A_24] : memref<1x128xf32, #tpu.memory_space<vmem>>, vector<1x128xf32>
    %add3A_26 = vector.broadcast %get3A_25 : vector<1x128xf32> to vector<1024x128xf32>
    %add3A_27 = arith.addf %mul3A_22, %add3A_26 : vector<1024x128xf32>
    %max3A_28 = arith.constant 0.000000e+00 : f32
    %max3A_29 = vector.broadcast %max3A_28 : f32 to vector<1024x128xf32>
    %max3A_30 = arith.maximumf %add3A_27, %max3A_29 : vector<1024x128xf32>
    %mul3A_31 = arith.mulf %max3A_30, %get3A_4 : vector<1024x128xf32>
    %get3A_32 = arith.constant 0 : index
    %get3A_33 = arith.constant 0 : index
    %get3A_34 = vector.load %arg6[%get3A_32, %get3A_33] : memref<128x128xf32, #tpu.memory_space<vmem>>, vector<128x128xf32>
    %dot_general3A = arith.constant dense<0.000000e+00> : vector<1024x128xf32>
    %dot_general3A_35 = tpu.matmul %mul3A_16, %get3A_34, %dot_general3A {dimension_numbers = #tpu.dot_dimension_numbers<[1], [0], [0], [1], [0, 0, 1, 1], [], []>, precision = #tpu.contract_precision<fp32>, transpose_lhs_hint = false} : vector<1024x128xf32>, vector<128x128xf32>, vector<1024x128xf32> -> vector<1024x128xf32>
    %get3A_36 = arith.constant 0 : index
    %get3A_37 = arith.constant 0 : index
    %get3A_38 = vector.load %arg7[%get3A_36, %get3A_37] : memref<128x128xf32, #tpu.memory_space<vmem>>, vector<128x128xf32>
    %dot_general3A_39 = arith.constant dense<0.000000e+00> : vector<1024x128xf32>
    %dot_general3A_40 = tpu.matmul %mul3A_31, %get3A_38, %dot_general3A_39 {dimension_numbers = #tpu.dot_dimension_numbers<[1], [0], [0], [1], [0, 0, 1, 1], [], []>, precision = #tpu.contract_precision<fp32>, transpose_lhs_hint = false} : vector<1024x128xf32>, vector<128x128xf32>, vector<1024x128xf32> -> vector<1024x128xf32>
    %add3A_41 = arith.addf %dot_general3A_35, %dot_general3A_40 : vector<1024x128xf32>
    %swap3A = arith.constant 0 : index
    %swap3A_42 = arith.constant 0 : index
    %swap3A_43 = vector.load %arg8[%swap3A, %swap3A_42] : memref<1024x128xf32, #tpu.memory_space<vmem>>, vector<1024x128xf32>
    tpu.vector_store %arg8[%swap3A, %swap3A_42], %add3A_41 {strides = array<i32>} : memref<1024x128xf32, #tpu.memory_space<vmem>>, vector<1024x128xf32>,
    return
  }
  func.func @transform_0(%arg0: i32) -> (i32, i32, i32) {
    %c0_i32 = arith.constant 0 : i32
    %c0_i32_0 = arith.constant 0 : i32
    %c0_i32_1 = arith.constant 0 : i32
    return %c0_i32, %arg0, %c0_i32_0 : i32, i32, i32
  }
  func.func @transform_1(%arg0: i32) -> (i32, i32) {
    %c0_i32 = arith.constant 0 : i32
    %c0_i32_0 = arith.constant 0 : i32
    return %arg0, %c0_i32 : i32, i32
  }
  func.func @transform_2(%arg0: i32) -> (i32, i32) {
    %c0_i32 = arith.constant 0 : i32
    %c0_i32_0 = arith.constant 0 : i32
    return %arg0, %c0_i32 : i32, i32
  }
  func.func @transform_3(%arg0: i32) -> (i32, i32) {
    %c0_i32 = arith.constant 0 : i32
    %c0_i32_0 = arith.constant 0 : i32
    %c0_i32_1 = arith.constant 0 : i32
    return %c0_i32, %c0_i32_0 : i32, i32
  }
  func.func @transform_4(%arg0: i32) -> (i32, i32) {
    %c0_i32 = arith.constant 0 : i32
    %c0_i32_0 = arith.constant 0 : i32
    %c0_i32_1 = arith.constant 0 : i32
    return %c0_i32, %c0_i32_0 : i32, i32
  }
  func.func @transform_5(%arg0: i32) -> (i32, i32) {
    %c0_i32 = arith.constant 0 : i32
    %c0_i32_0 = arith.constant 0 : i32
    %c0_i32_1 = arith.constant 0 : i32
    return %c0_i32, %c0_i32_0 : i32, i32
  }
  func.func @transform_6(%arg0: i32) -> (i32, i32) {
    %c0_i32 = arith.constant 0 : i32
    %c0_i32_0 = arith.constant 0 : i32
    %c0_i32_1 = arith.constant 0 : i32
    return %c0_i32, %c0_i32_0 : i32, i32
  }
  func.func @transform_7(%arg0: i32) -> (i32, i32) {
    %c0_i32 = arith.constant 0 : i32
    %c0_i32_0 = arith.constant 0 : i32
    return %arg0, %c0_i32 : i32, i32
  }
}

module attributes {stable_mosaic.version = 14 : i64} {
  func.func @body(%arg0: i32, %arg1: memref<2x1024x128xf32, #tpu.memory_space<vmem>>, %arg2: memref<1024x128xf32, #tpu.memory_space<vmem>>, %arg3: memref<1x128xf32, #tpu.memory_space<vmem>>, %arg4: memref<1024x128xf32, #tpu.memory_space<vmem>>) attributes {dimension_semantics = [#tpu.dimension_semantics<arbitrary>], iteration_bounds = array<i64: 5>, scalar_prefetch = 0 : i64, scratch_operands = 0 : i64, tpu.core_type = #tpu.core_type<tc>, window_params = [{transform_indices = @transform_0, window_bounds = array<i64: 2, 1024, 128>}, {transform_indices = @transform_1, window_bounds = array<i64: 1024, 128>}, {pipeline_mode = #tpu.pipeline_mode<synchronous>, transform_indices = @transform_2, window_bounds = array<i64: 1, 128>}, {transform_indices = @transform_3, window_bounds = array<i64: 1024, 128>}]} {
    %get3A = arith.constant 0 : index
    %get3A_0 = arith.constant 0 : index
    %get3A_1 = arith.constant 0 : index
    %get3A_2 = vector.load %arg1[%get3A, %get3A_0, %get3A_1] : memref<2x1024x128xf32, #tpu.memory_space<vmem>>, vector<1x1024x128xf32>
    %get3A_3 = vector.shape_cast %get3A_2 : vector<1x1024x128xf32> to vector<1024x128xf32>
    %get3A_4 = arith.constant 1 : index
    %get3A_5 = arith.constant 0 : index
    %get3A_6 = arith.constant 0 : index
    %get3A_7 = vector.load %arg1[%get3A_4, %get3A_5, %get3A_6] : memref<2x1024x128xf32, #tpu.memory_space<vmem>>, vector<1x1024x128xf32>
    %get3A_8 = vector.shape_cast %get3A_7 : vector<1x1024x128xf32> to vector<1024x128xf32>
    %add3A = arith.addf %get3A_3, %get3A_8 : vector<1024x128xf32>
    %get3A_9 = arith.constant 0 : index
    %get3A_10 = arith.constant 0 : index
    %get3A_11 = vector.load %arg2[%get3A_9, %get3A_10] : memref<1024x128xf32, #tpu.memory_space<vmem>>, vector<1024x128xf32>
    %mul3A = arith.mulf %add3A, %get3A_11 : vector<1024x128xf32>
    %get3A_12 = arith.constant 0 : index
    %get3A_13 = arith.constant 0 : index
    %get3A_14 = vector.load %arg3[%get3A_12, %get3A_13] : memref<1x128xf32, #tpu.memory_space<vmem>>, vector<1x128xf32>
    %add3A_15 = vector.broadcast %get3A_14 : vector<1x128xf32> to vector<1024x128xf32>
    %add3A_16 = arith.addf %mul3A, %add3A_15 : vector<1024x128xf32>
    %swap3A = arith.constant 0 : index
    %swap3A_17 = arith.constant 0 : index
    %swap3A_18 = vector.load %arg4[%swap3A, %swap3A_17] : memref<1024x128xf32, #tpu.memory_space<vmem>>, vector<1024x128xf32>
    tpu.vector_store %arg4[%swap3A, %swap3A_17], %add3A_16 {strides = array<i32>} : memref<1024x128xf32, #tpu.memory_space<vmem>>, vector<1024x128xf32>,
    return
  }
  func.func @transform_0(%arg0: i32) -> (i32, i32, i32) {
    %c0_i32 = arith.constant 0 : i32
    %c0_i32_0 = arith.constant 0 : i32
    %c0_i32_1 = arith.constant 0 : i32
    return %c0_i32, %arg0, %c0_i32_0 : i32, i32, i32
  }
  func.func @transform_1(%arg0: i32) -> (i32, i32) {
    %c0_i32 = arith.constant 0 : i32
    %c0_i32_0 = arith.constant 0 : i32
    return %arg0, %c0_i32 : i32, i32
  }
  func.func @transform_2(%arg0: i32) -> (i32, i32) {
    %c0_i32 = arith.constant 0 : i32
    %c0_i32_0 = arith.constant 0 : i32
    %c0_i32_1 = arith.constant 0 : i32
    return %c0_i32, %c0_i32_0 : i32, i32
  }
  func.func @transform_3(%arg0: i32) -> (i32, i32) {
    %c0_i32 = arith.constant 0 : i32
    %c0_i32_0 = arith.constant 0 : i32
    return %arg0, %c0_i32 : i32, i32
  }
}

</mosaic_0001>

<sc_bundles>
// kernel: kernel.10.cloned.1.call-start
scs
__scs_entry_jumppad:
0x0: {  	(pc) =	sbr.rel $0x88, $3  }
0x1: {  	(tag) =	ssettag $0x0;
	lr =	simm.s32 $0x1  }
0x2: {  	[smem:$0x3F9B] =	sst lr;
	_ =	strace $0xD0000000  }
0x3: {  	_ = 	snop  }
0x4: {  	_ = 	snop  }
0x5: {  	_ = 	snop  }
0x6: {  	_ = 	snop  }
0x7: {  	_ = 	snop  }
__scs_overlays_trampoline_lowered:
0x8: {  	[smem:$0x3FAA] =	sst s0  }
0x9: {  	[smem:$0x3FAB] =	sst s1  }
0xa: {  	[smem:$0x3FAC] =	sst s2  }
0xb: {  	[smem:$0x3FAD] =	sst s3  }
0xc: {  	[smem:$0x3FAE] =	sst s4  }
0xd: {  	[smem:$0x3FAF] =	sst s5  }
0xe: {  	[smem:$0x3FB0] =	sst s6  }
0xf: {  	[smem:$0x3FB1] =	sst s7  }
0x10: {  	[smem:$0x3FB2] =	sst s8  }
0x11: {  	[smem:$0x3FB3] =	sst s9;
	s0 =	simm.s32 @!p0 $0x0  }
0x12: {  	s1 =	sld [smem:$0x3F99];
	s0 =	simm.s32 @p0 $0x1  }
0x13: {  	[smem:$0x3FB4] =	sst s0;
	s0 =	simm.s32 @!p1 $0x0  }
0x14: {  	s2 =	sld [smem:$0x3F98];
	s0 =	simm.s32 @p1 $0x1  }
0x15: {  	[smem:$0x3FB5] =	sst s0;
	s0 =	simm.s32 @!p2 $0x0  }
0x16: {  	s3 =	sld [smem:$0x3FDB];
	s0 =	simm.s32 @p2 $0x1  }
0x17: {  	s4 =	simm.s32 $0x1BF5;
	[smem:$0x3FB7] =	sst s0  }
0x18: {  	s0 =	sld [smem:$0x3F9A];
	_ =	swait.ge [sflag:s4], $0x0  }
0x19: {  	s7 =	sld [smem:$0x3F9B]  }
0x1a: {  	s8 =	sadd.s32 $0xFFFFE003, lr  }
0x1b: {  	s9 =	sadd.s32 $0xFFFFFEF7, lr;
	s5 =	simm.s32 $0xFFFFFFFF;
	p2 =	slt.u32 s8, $0xFFFFF086  }
0x1c: {  	p1 =	slt.u32 s9, $0xF7A;
	s5 =	simm.s32 @!p2 $0x0  }
0x1d: {  	s5 =	simm.s32 @p1 $0x1;
	p0 =	seq.s32 s7, s2  }
0x1e: {  	s7 =	smul.u32 @!p0 $0xF7A, s2;
	p2 =	seq.s32 @!p0 s5, $0x0  }
0x1f: {  	s9 =	smul.u32 $0xF7A, s1;
	s8 =	simm.s32 @!p0 $0x1BF5;
	p2 =	por !p2, p0  }
0x20: {  	[sflag:s8] =	ssyncset.s32 @!p0 $0xFFFFF086;
	s6 =	sadd.s32 @!p0 s3, s7;
	s7 =	simm.s32 @!p0 $0x108  }
0x21: {  	s3 =	sadd.s32 s3, s9;
	s6 =	sadd.s32 @!p0 $0x88, s6;
	s7 =	simm.s32 @p2 $0x1082  }
0x22: {  	[simem:s7], [sflag:s8] =	dma.local @!p0 [hbm:s6], $0xF7A  }
0x23: {  	s9 =	sor.u32 $0xD0000000, s2;
	s6 =	simm.s32 $0x108;
	_ =	swait.ge @!p0 [sflag:s8], $0x0  }
0x24: {  	s3 =	sadd.s32 $0x88, s3;
	s6 =	simm.s32 @!p1 $0x1082;
	[sflag:s4] =	ssyncset.s32 $0xFFFFF086  }
0x25: {  	[simem:s6], [sflag:s4] =	dma.local [hbm:s3], $0xF7A  }
0x26: {  	[smem:$0x3F9B] =	sst s1;
	(tag) =	ssettag s2;
	_ =	strace s9  }
0x27: {  	s1 =	sld [smem:$0x3FAB]  }
0x28: {  	s2 =	sld [smem:$0x3FAC]  }
0x29: {  	s4 =	sld [smem:$0x3FAE]  }
0x2a: {  	p0 =	seq.s32 s5, $0x0;
	s5 =	sld [smem:$0x3FAF]  }
0x2b: {  	s6 =	sld [smem:$0x3FB0]  }
0x2c: {  	s7 =	sld [smem:$0x3FB1]  }
0x2d: {  	s3 =	simm.s32 $0x108;
	s8 =	sld [smem:$0x3FB2]  }
0x2e: {  	s3 =	simm.s32 @!p0 $0x1082;
	s9 =	sld [smem:$0x3FB3]  }
0x2f: {  	lr =	sadd.s32 s0, s3;
	s0 =	sld [smem:$0x3FAA]  }
0x30: {  	s3 =	sld [smem:$0x3FAD]  }
0x31: {  	[smem:$0x3FB6] =	sst s10  }
0x32: {  	s10 =	sld [smem:$0x3FB4];
	_ =	sdelay $0x3  }
0x33: {  	p0 =	seq.s32 s10, $0x1;
	s10 =	sld [smem:$0x3FB6];
	_ =	sdelay $0x3  }
0x34: {  	[smem:$0x3FB6] =	sst s10  }
0x35: {  	s10 =	sld [smem:$0x3FB5];
	_ =	sdelay $0x3  }
0x36: {  	p1 =	seq.s32 s10, $0x1;
	s10 =	sld [smem:$0x3FB6];
	_ =	sdelay $0x3  }
0x37: {  	[smem:$0x3FB6] =	sst s10  }
0x38: {  	s10 =	sld [smem:$0x3FB7]  }
0x39: {  	_ = 	snop;
	(pc) =	sbr.ind lr, $3  }
0x3a: {  	_ = 	snop  }
0x3b: {  	_ = 	snop  }
0x3c: {  	p2 =	seq.s32 s10, $0x1;
	s10 =	sld [smem:$0x3FB6]  }
0x3d: {  	_ =	shalt  }
0x3e: {  	_ =	shalt  }
0x3f: {  	_ =	shalt  }
0x40: {  	_ =	shalt  }
0x41: {  	_ =	shalt  }
0x42: {  	_ =	shalt  }
0x43: {  	_ =	shalt  }
0x44: {  	_ =	shalt  }
0x45: {  	_ =	shalt  }
0x46: {  	_ =	shalt  }
0x47: {  	_ =	shalt  }
0x48: {  	_ =	shalt  }
0x49: {  	_ =	shalt  }
0x4a: {  	_ =	shalt  }
0x4b: {  	_ =	shalt  }
0x4c: {  	_ =	shalt  }
0x4d: {  	_ =	shalt  }
0x4e: {  	_ =	shalt  }
0x4f: {  	_ =	shalt  }
0x50: {  	_ =	shalt  }
0x51: {  	_ =	shalt  }
0x52: {  	_ =	shalt  }
0x53: {  	_ =	shalt  }
0x54: {  	_ =	shalt  }
0x55: {  	_ =	shalt  }
0x56: {  	_ =	shalt  }
0x57: {  	_ =	shalt  }
0x58: {  	_ =	shalt  }
0x59: {  	_ =	shalt  }
0x5a: {  	_ =	shalt  }
0x5b: {  	_ =	shalt  }
0x5c: {  	_ =	shalt  }
0x5d: {  	_ =	shalt  }
0x5e: {  	_ =	shalt  }
0x5f: {  	_ =	shalt  }
0x60: {  	_ =	shalt  }
0x61: {  	_ =	shalt  }
0x62: {  	_ =	shalt  }
0x63: {  	_ =	shalt  }
0x64: {  	_ =	shalt  }
0x65: {  	_ =	shalt  }
0x66: {  	_ =	shalt  }
0x67: {  	_ =	shalt  }
0x68: {  	_ =	shalt  }
0x69: {  	_ =	shalt  }
0x6a: {  	_ =	shalt  }
0x6b: {  	_ =	shalt  }
0x6c: {  	_ =	shalt  }
0x6d: {  	_ =	shalt  }
0x6e: {  	_ =	shalt  }
0x6f: {  	_ =	shalt  }
0x70: {  	_ =	shalt  }
0x71: {  	_ =	shalt  }
0x72: {  	_ =	shalt  }
0x73: {  	_ =	shalt  }
0x74: {  	_ =	shalt  }
0x75: {  	_ =	shalt  }
0x76: {  	_ =	shalt  }
0x77: {  	_ =	shalt  }
0x78: {  	_ =	shalt  }
0x79: {  	_ =	shalt  }
0x7a: {  	_ =	shalt  }
0x7b: {  	_ =	shalt  }
0x7c: {  	_ =	shalt  }
0x7d: {  	_ =	shalt  }
0x7e: {  	_ =	shalt  }
0x7f: {  	_ =	shalt  }
0x80: {  	_ =	shalt  }
0x81: {  	_ =	shalt  }
0x82: {  	_ =	shalt  }
0x83: {  	_ =	shalt  }
0x84: {  	_ =	shalt  }
0x85: {  	_ =	shalt  }
0x86: {  	_ =	shalt  }
0x87: {  	_ =	shalt  }
.Lfunc_end0:
.L_simem_size_0:
called_computation_lowered:
.L_overlay_start_0:
0x88: {  	s2 =	sld [smem:$0x3FD9]  }
0x89: {  	s3 =	sld [smem:$0x3FFE];
	_ =	sdelay $0x1  }
0x8a: {  	s1 =	srdreg.scid  }
0x8b: {  	s0 =	sand.u32 $0x1, s1  }
0x8c: {  	s17 =	sshll.u32 s0, $0xA;
	s2 =	sadd.s32 s3, s2  }
0x8d: {  	s2 =	sadd.s32 s2, s17  }
0x8e: {  	[smem:$0x3FC2] =	sst s2  }
0x8f: {  	_ = 	snop  }
0x90: {  	s2 =	sld [smem:$0x3FD0];
	(tm) =	ssettm $0x1  }
0x91: {  	s18 =	sld [smem:$0x3FFB];
	_ =	sdelay $0x3  }
0x92: {  	_ =	strace s18  }
0x93: {  	s3 =	sld [smem:$0x3FFC];
	_ =	sdelay $0x3  }
0x94: {  	_ =	strace s3  }
0x95: {  	s3 =	sld [smem:$0x3FFD];
	_ =	sdelay $0x3  }
0x96: {  	_ =	strace s3  }
0x97: {  	_ =	strace $0x8FFFFFFF  }
0x98: {  	s19 =	sld [smem:$0x3FDB];
	_ =	sdelay $0x1  }
0x99: {  	s4 =	simm.s32 $_scs_section_size  }
0x9a: {  	s5 =	simm.s32 $_size__tile_overlayer_lowered;
	s6 =	simm.s32 $_tile_overlayer_lowered  }
0x9b: {  	s22 =	simm.s32 $0x1BFF;
	s21 =	sshll.u32 s6, $0x1;
	s3 =	sadd.s32 s4, s19  }
0x9c: {  	s7 =	simm.s32 $0x0;
	s20 =	sshll.u32 s5, $0x1;
	s5 =	sadd.s32 s21, s3  }
0x9d: {  	[timem:s7], [sflag:s22] =	dma.local [hbm:s5], s20  }
0x9e: {  	_ =	swait.ge [sflag:s22], s20  }
0x9f: {  	s4 =	ssub.s32 $0x0, s20;
	[sflag:s22] =	ssyncset.done $0x0  }
0xa0: {  	[sflag:s22] =	ssyncadd.s32 s4;
	_ =	sdelay $0x1  }
0xa1: {  	s23 =	simm.s32 $0x1B8B  }
0xa2: {  	_ =	swait.ge [sflag:s23], $0x1  }
0xa3: {  	[sflag:s23] =	ssyncset.done $0x0  }
0xa4: {  	s25 =	simm.s32 $0x1B8E;
	s24 =	sld [smem:$0x3FFE];
	[sflag:s23] =	ssyncadd.s32 $0xFFFFFFFF  }
0xa5: {  	s26 =	simm.s32 $execute0_lowered;
	[smem:$0x3FD2] =	sst s25  }
0xa6: {  	s5 =	sshll.u32 s26, $0x1;
	_ =	strace $0x80000046;
	[dreg:$0x1] =	wrdreg $0xFFFFFFFF  }
0xa7: {  	s28 =	simm.s32 $_size_execute0_lowered;
	s3 =	sadd.s32 s3, s5;
	[dreg:$0x0] =	wrdreg $0x0  }
0xa8: {  	s5 =	sshll.u32 s28, $0x1;
	[dreg:$0x2] =	wrdreg s3  }
0xa9: {  	[dreg:$0x3] =	wrdreg s5  }
0xaa: {  	[dreg:$0x4] =	wrdreg $0xC0  }
0xab: {  	_ =	task [dreg:s7], $0x5FFFF  }
0xac: {  	[dreg:$0x1] =	wrdreg $0xFFFFFFFF  }
0xad: {  	[dreg:$0x0] =	wrdreg $0x60  }
0xae: {  	[dreg:$0x2] =	wrdreg s2  }
0xaf: {  	[dreg:$0x3] =	wrdreg s24  }
0xb0: {  	[dreg:$0x4] =	wrdreg $0x9  }
0xb1: {  	_ =	task.clear_ibuf [dreg:s7], $0x5FFFF;
	_ =	strace $0x90000046  }
0xb2: {  	s29 =	simm.s32 $0x9;
	_ =	strace $0x80000048  }
0xb3: {  	_ =	swait.ge [sflag:s29], $0x1  }
0xb4: {  	[sflag:s29] =	ssyncadd.s32 $0xFFFFFFFF  }
0xb5: {  	_ =	strace $0x90000048  }
0xb6: {  	_ =	sfence  }
0xb7: {  	s30 =	sld [smem:$0x0];
	_ =	sdelay $0x2  }
0xb8: {  	s31 =	sshll.u32 s1, $0xD;
	s1 =	sshrl.u32 s1, $0x2  }
0xb9: {  	s3 =	sand.u32 $0x4000, s31;
	s1 =	sadd.s32 s1, s30  }
0xba: {  	s0 =	sor.u32 s3, s0;
	s1 =	sshll.u32 s1, $0x11  }
0xbb: {  	s0 =	sor.u32 s1, s0  }
0xbc: {  	s0 =	sadd.s32 $0x8F2B, s0  }
0xbd: {  	[sflag:s0] =	ssyncadd.remote.s32 $0x1  }
0xbe: {  	_ =	sfence.sel $0xFFFF  }
0xbf: {  	[dreg:$0x0] =	wrdreg $0xFFFFFFFF;
	(pc) =	sbr.abs _section_cstart, $3  }
0xc0: {  	[dreg:$0x1] =	wrdreg $0xFFFFFFFF  }
0xc1: {  	_ =	task.clear_ibuf [dreg:s7], $0x2FFFF;
	_ =	strace $0x9FFFFFFF  }
0xc2: {  	(tm) =	ssettm $0x7FFFFFFF  }
0xc3: {  	_ =	shalt  }
tec
execute0_lowered:
.L_overlay_start_1:
0x0: {  	(tag) =	ssettag $0x1  }
0x1: {  	s4 =	rddreg [dreg:$0x0]  }
0x2: {  	s0 =	srdreg.scid;
	s5 =	rddreg [dreg:$0x1]  }
0x3: {  	s1 =	stileid.u32;
	s2 =	simm.s32 $0x0;
	s3 =	sand.u32 $0x1, s0  }
0x4: {  	s13 =	simm.s32 $0x2800;
	s0 =	rddreg [dreg:$0x2];
	s6 =	sshll.u32 s3, $0x4  }
0x5: {  	s14 =	simm.s32 $0x0;
	[smem:$0x7FF] =	sst s2;
	s11 =	sor.u32 s1, s6  }
0x6: {  	s3 =	ssub.s32 $0x2, s3;
	_ =	strace $0x80000047;
	s6 =	smul.u32 $0x4E, s11  }
0x7: {  	s9 =	sshrl.u32 s3, $0x1;
	s7 =	smin.u32 s11, $0x2;
	s8 =	smul.u32 $0x500, s11  }
0x8: {  	s12 =	ssub.s32 s3, s9;
	p0 =	slt.u32 s11, $0x2;
	s3 =	simm.s32 $0x50  }
0x9: {  	s7 =	sshll.u32 s7, $0x1;
	s3 =	simm.s32 @!p0 $0x4E;
	p0 =	sgt.u32 s11, $0x1  }
0xa: {  	s11 =	simm.s32 $0x5000;
	s6 =	sadd.s32 s6, s7;
	s10 =	sadd.s32 s8, s5  }
0xb: {  	s31 =	sshll.u32 s6, $0x4;
	s8 =	sadd.s32 $0xB800, s10;
	s9 =	sadd.s32 $0x1800, s10  }
0xc: {  	s10 =	smax.u32 s12, $0x1;
	s12 =	simm.s32 $0x1;
	s4 =	sadd.s32 s4, s31  }
0xd: {  	v0 =	vimm.f32 $0.0e+00;
	v1 =	vimm.f32 $1.000000000e+00;
	s5 =	sadd.s32 $0x4E0, s4;
	s6 =	sadd.s32 $0x9C40, s4;
	s7 =	sadd.s32 $0xA120, s4  }
.LBB2_1:
0xe: {  	s16 =	simm.s32 $0x40  }
0xf: {  	s15 =	simm.s32 $0x2840;
	[tilespmem:s16+$0xFFFFFFC0] =	vst v0  }
0x10: {  	[tilespmem:s15+$0xFFFFFFC0] =	vst v0  }
0x11: {  	[tilespmem:s16+$0xFFFFFFD0] =	vst v0  }
0x12: {  	[tilespmem:s15+$0xFFFFFFD0] =	vst v0  }
0x13: {  	[tilespmem:s16+$0xFFFFFFE0] =	vst v0  }
0x14: {  	[tilespmem:s15+$0xFFFFFFE0] =	vst v0  }
0x15: {  	[tilespmem:s16+$0xFFFFFFF0] =	vst v0  }
0x16: {  	[tilespmem:s15+$0xFFFFFFF0] =	vst v0  }
0x17: {  	[tilespmem:s16+$0x0] =	vst v0  }
0x18: {  	[tilespmem:s15+$0x0] =	vst v0  }
0x19: {  	[tilespmem:s16+$0x10] =	vst v0  }
0x1a: {  	[tilespmem:s15+$0x10] =	vst v0  }
0x1b: {  	[tilespmem:s16+$0x20] =	vst v0  }
0x1c: {  	[tilespmem:s15+$0x20] =	vst v0  }
0x1d: {  	[tilespmem:s16+$0x30] =	vst v0  }
0x1e: {  	s17 =	simm.s32 $0xC0;
	s16 =	simm.s32 $0x0;
	[tilespmem:s15+$0x30] =	vst v0  }
.LBB2_2:
0x1f: {  	[tilespmem:s17+$0xFFFFFFC0] =	vst v0;
	s15 =	sadd.s32 $0x80, s15  }
0x20: {  	[tilespmem:s15+$0xFFFFFFC0] =	vst v0  }
0x21: {  	[tilespmem:s17+$0xFFFFFFD0] =	vst v0  }
0x22: {  	[tilespmem:s15+$0xFFFFFFD0] =	vst v0  }
0x23: {  	[tilespmem:s17+$0xFFFFFFE0] =	vst v0  }
0x24: {  	[tilespmem:s15+$0xFFFFFFE0] =	vst v0  }
0x25: {  	[tilespmem:s17+$0xFFFFFFF0] =	vst v0  }
0x26: {  	[tilespmem:s15+$0xFFFFFFF0] =	vst v0  }
0x27: {  	[tilespmem:s17+$0x0] =	vst v0  }
0x28: {  	s16 =	sadd.s32 $0x8, s16;
	[tilespmem:s15+$0x0] =	vst v0  }
0x29: {  	p1 =	slt.u32 s16, $0x278;
	[tilespmem:s17+$0x10] =	vst v0  }
.Ltmp0:
0x2a: {  	[tilespmem:s15+$0x10] =	vst v0;
	(pc) =	sbr.rel @p1 .LBB2_2-.Ltmp0, $4  }
0x2b: {  	[tilespmem:s17+$0x20] =	vst v0  }
0x2c: {  	[tilespmem:s15+$0x20] =	vst v0  }
0x2d: {  	[tilespmem:s17+$0x30] =	vst v0  }
0x2e: {  	s17 =	sadd.s32 $0x80, s17;
	[tilespmem:s15+$0x30] =	vst v0  }
0x2f: {  	[tilespmem:s11], [sflag:$0x1] =	stream.linear.gather [hbm4b:s4+s2], $0x2700, $0x38;
	[tilespmem:$0x7800] =	vst v63  }
0x30: {  	_ =	swait.ge [sflag:s12], $0x2700  }
0x31: {  	[sflag:s12] =	ssyncset.done $0x0  }
0x32: {  	s15 =	simm.s32 @!p0 $0x0;
	s16 =	simm.s32 @!p0 $0x7700;
	[sflag:s12] =	ssyncadd.s32 $0xFFFFD900  }
0x33: {  	[tilespmem:s16], [sflag:$0x1] =	stream.linear.gather @!p0 [hbm4b:s5+s15], $0x100, $0x38;
	[tilespmem:$0x7800] =	vst v63  }
0x34: {  	s15 =	simm.s32 @!p0 $0x1  }
0x35: {  	_ =	swait.ge @!p0 [sflag:s15], $0x100  }
0x36: {  	[sflag:s15] =	ssyncset.done @!p0 $0x0  }
0x37: {  	s16 =	smov.u32 s3;
	[sflag:s15] =	ssyncadd.s32 @!p0 $0xFFFFFF00;
	s15 =	simm.s32 $0x5040  }
.LBB2_4:
0x38: {  	v2 =	vld [tilespmem:s15+$0xFFFFFFC0];
	_ =	sdelay $0x7  }
0x39: {  	[tilespmem:v2+s2+$0x0] =	vst.idx.add.f32.msk $0xffff, v1  }
0x3a: {  	v2 =	vld [tilespmem:s15+$0xFFFFFFD0];
	_ =	sdelay $0x7  }
0x3b: {  	[tilespmem:v2+s2+$0x0] =	vst.idx.add.f32.msk $0xffff, v1  }
0x3c: {  	v2 =	vld [tilespmem:s15+$0xFFFFFFE0];
	_ =	sdelay $0x7  }
0x3d: {  	[tilespmem:v2+s2+$0x0] =	vst.idx.add.f32.msk $0xffff, v1  }
0x3e: {  	v2 =	vld [tilespmem:s15+$0xFFFFFFF0];
	_ =	sdelay $0x7  }
0x3f: {  	[tilespmem:v2+s2+$0x0] =	vst.idx.add.f32.msk $0xffff, v1  }
0x40: {  	v2 =	vld [tilespmem:s15+$0x0];
	_ =	sdelay $0x7  }
0x41: {  	[tilespmem:v2+s2+$0x0] =	vst.idx.add.f32.msk $0xffff, v1  }
0x42: {  	v2 =	vld [tilespmem:s15+$0x10];
	_ =	sdelay $0x7  }
0x43: {  	[tilespmem:v2+s2+$0x0] =	vst.idx.add.f32.msk $0xffff, v1  }
0x44: {  	v2 =	vld [tilespmem:s15+$0x20];
	_ =	sdelay $0x7  }
0x45: {  	[tilespmem:v2+s2+$0x0] =	vst.idx.add.f32.msk $0xffff, v1  }
0x46: {  	v2 =	vld [tilespmem:s15+$0x30];
	_ =	sdelay $0x2  }
0x47: {  	p1 =	sne.s32 s16, $0x1  }
.Ltmp1:
0x48: {  	_ = 	snop;
	(pc) =	sbr.rel @p1 .LBB2_4-.Ltmp1, $2  }
0x49: {  	_ =	sdelay $0x2  }
0x4a: {  	s16 =	sadd.s32 $0xFFFFFFFF, s16;
	s15 =	sadd.s32 $0x80, s15;
	[tilespmem:v2+s2+$0x0] =	vst.idx.add.f32.msk $0xffff, v1  }
0x4b: {  	[tilespmem:s11], [sflag:$0x1] =	stream.linear.gather [hbm4b:s6+s2], $0x2700, $0x38;
	[tilespmem:$0x7800] =	vst v63  }
0x4c: {  	_ =	swait.ge [sflag:s12], $0x2700  }
0x4d: {  	[sflag:s12] =	ssyncset.done $0x0  }
0x4e: {  	s15 =	simm.s32 @!p0 $0x0;
	s16 =	simm.s32 @!p0 $0x7700;
	[sflag:s12] =	ssyncadd.s32 $0xFFFFD900  }
0x4f: {  	[tilespmem:s16], [sflag:$0x1] =	stream.linear.gather @!p0 [hbm4b:s7+s15], $0x100, $0x38;
	[tilespmem:$0x7800] =	vst v63  }
0x50: {  	s15 =	simm.s32 @!p0 $0x1  }
0x51: {  	_ =	swait.ge @!p0 [sflag:s15], $0x100  }
0x52: {  	[sflag:s15] =	ssyncset.done @!p0 $0x0  }
0x53: {  	s16 =	smov.u32 s3;
	[sflag:s15] =	ssyncadd.s32 @!p0 $0xFFFFFF00;
	s15 =	simm.s32 $0x5040  }
.LBB2_6:
0x54: {  	v2 =	vld [tilespmem:s15+$0xFFFFFFC0];
	_ =	sdelay $0x7  }
0x55: {  	[tilespmem:v2+s13+$0x0] =	vst.idx.add.f32.msk $0xffff, v1  }
0x56: {  	v2 =	vld [tilespmem:s15+$0xFFFFFFD0];
	_ =	sdelay $0x7  }
0x57: {  	[tilespmem:v2+s13+$0x0] =	vst.idx.add.f32.msk $0xffff, v1  }
0x58: {  	v2 =	vld [tilespmem:s15+$0xFFFFFFE0];
	_ =	sdelay $0x7  }
0x59: {  	[tilespmem:v2+s13+$0x0] =	vst.idx.add.f32.msk $0xffff, v1  }
0x5a: {  	v2 =	vld [tilespmem:s15+$0xFFFFFFF0];
	_ =	sdelay $0x7  }
0x5b: {  	[tilespmem:v2+s13+$0x0] =	vst.idx.add.f32.msk $0xffff, v1  }
0x5c: {  	v2 =	vld [tilespmem:s15+$0x0];
	_ =	sdelay $0x7  }
0x5d: {  	[tilespmem:v2+s13+$0x0] =	vst.idx.add.f32.msk $0xffff, v1  }
0x5e: {  	v2 =	vld [tilespmem:s15+$0x10];
	_ =	sdelay $0x7  }
0x5f: {  	[tilespmem:v2+s13+$0x0] =	vst.idx.add.f32.msk $0xffff, v1  }
0x60: {  	v2 =	vld [tilespmem:s15+$0x20];
	_ =	sdelay $0x7  }
0x61: {  	[tilespmem:v2+s13+$0x0] =	vst.idx.add.f32.msk $0xffff, v1  }
0x62: {  	v2 =	vld [tilespmem:s15+$0x30];
	_ =	sdelay $0x2  }
0x63: {  	p1 =	sne.s32 s16, $0x1  }
.Ltmp2:
0x64: {  	_ = 	snop;
	(pc) =	sbr.rel @p1 .LBB2_6-.Ltmp2, $2  }
0x65: {  	_ =	sdelay $0x2  }
0x66: {  	s16 =	sadd.s32 $0xFFFFFFFF, s16;
	s15 =	sadd.s32 $0x80, s15;
	[tilespmem:v2+s13+$0x0] =	vst.idx.add.f32.msk $0xffff, v1  }
0x67: {  	[hbm4b:s8+s2] =	stream.linear.scatter [tilespmem:s2], [sflag:$0x1], $0x2800, $0x38;
	[tilespmem:$0x7800] =	vst v63  }
0x68: {  	s14 =	sadd.s32 $0x1, s14;
	_ =	swait.ge [sflag:s12], $0x2800  }
0x69: {  	p1 =	sne.s32 s14, s10;
	[sflag:s12] =	ssyncset.done $0x0  }
.Ltmp3:
0x6a: {  	[sflag:s12] =	ssyncadd.s32 $0xFFFFD800;
	(pc) =	sbr.rel @p1 .LBB2_1-.Ltmp3, $4  }
0x6b: {  	[hbm4b:s9+s2] =	stream.linear.scatter [tilespmem:s13], [sflag:$0x1], $0x2800, $0x38;
	[tilespmem:$0x7800] =	vst v63  }
0x6c: {  	_ =	swait.ge [sflag:s12], $0x2800  }
0x6d: {  	[sflag:s12] =	ssyncset.done $0x0  }
0x6e: {  	[sflag:s12] =	ssyncadd.s32 $0xFFFFD800  }
0x6f: {  	_ =	sfence.sel $0x180000  }
0x70: {  	[bflag:$0x0] =	sbarrier.arrive $0xFFFF  }
0x71: {  	p0 =	sne.s32 s1, $0x0;
	_ =	strace $0x90000047  }
0x72: {  	s0 =	sadd.s32 @!p0 $0x100000, s0;
	[bflag:$0x2] =	sbarrier.arrive $0xFFFF  }
0x73: {  	[sflag:s0] =	ssyncadd.tile.s32 @!p0 $0x1;
	_ =	shalt  }
.Lfunc_end2:
_tile_overlayer_lowered:
.L_overlay_start_2:
0x74: {  	(tag) =	ssettag $0x2  }
0x75: {  	s0 =	rddreg [dreg:$0x0];
	s2 =	stileid.u32  }
0x76: {  	s1 =	rddreg [dreg:$0x1];
	p0 =	sne.s32 s2, $0x0  }
0x77: {  	s3 =	rddreg [dreg:$0x2];
	[bflag:$0x3] =	sbarrier.arrive $0xFFFF;
	s2 =	simm.s32 @!p0 $0x1C01  }
0x78: {  	[timem:s3], [sflag:s2] =	dma.local @!p0 [hbm:s0], s1  }
0x79: {  	s0 =	simm.s32 @!p0 $0x1  }
0x7a: {  	_ =	swait.ge @!p0 [sflag:s0], s1  }
0x7b: {  	s1 =	ssub.s32 @!p0 $0x0, s1;
	[sflag:s0] =	ssyncset.done @!p0 $0x0  }
0x7c: {  	[sflag:s0] =	ssyncadd.s32 @!p0 s1  }
0x7d: {  	[bflag:$0x3] =	sbarrier.arrive $0xFFFF  }
0x7e: {  	_ =	shalt  }

// kernel: kernel.13.cloned.1.call-start
scs
__scs_entry_jumppad:
0x0: {  	(pc) =	sbr.rel $0x88, $3  }
0x1: {  	(tag) =	ssettag $0x0;
	lr =	simm.s32 $0x1  }
0x2: {  	[smem:$0x3F9B] =	sst lr;
	_ =	strace $0xD0000000  }
0x3: {  	_ = 	snop  }
0x4: {  	_ = 	snop  }
0x5: {  	_ = 	snop  }
0x6: {  	_ = 	snop  }
0x7: {  	_ = 	snop  }
__scs_overlays_trampoline_lowered:
0x8: {  	[smem:$0x3FAA] =	sst s0  }
0x9: {  	[smem:$0x3FAB] =	sst s1  }
0xa: {  	[smem:$0x3FAC] =	sst s2  }
0xb: {  	[smem:$0x3FAD] =	sst s3  }
0xc: {  	[smem:$0x3FAE] =	sst s4  }
0xd: {  	[smem:$0x3FAF] =	sst s5  }
0xe: {  	[smem:$0x3FB0] =	sst s6  }
0xf: {  	[smem:$0x3FB1] =	sst s7  }
0x10: {  	[smem:$0x3FB2] =	sst s8  }
0x11: {  	[smem:$0x3FB3] =	sst s9;
	s0 =	simm.s32 @!p0 $0x0  }
0x12: {  	s1 =	sld [smem:$0x3F99];
	s0 =	simm.s32 @p0 $0x1  }
0x13: {  	[smem:$0x3FB4] =	sst s0;
	s0 =	simm.s32 @!p1 $0x0  }
0x14: {  	s2 =	sld [smem:$0x3F98];
	s0 =	simm.s32 @p1 $0x1  }
0x15: {  	[smem:$0x3FB5] =	sst s0;
	s0 =	simm.s32 @!p2 $0x0  }
0x16: {  	s3 =	sld [smem:$0x3FDB];
	s0 =	simm.s32 @p2 $0x1  }
0x17: {  	s4 =	simm.s32 $0x1BF5;
	[smem:$0x3FB7] =	sst s0  }
0x18: {  	s0 =	sld [smem:$0x3F9A];
	_ =	swait.ge [sflag:s4], $0x0  }
0x19: {  	s7 =	sld [smem:$0x3F9B]  }
0x1a: {  	s8 =	sadd.s32 $0xFFFFE003, lr  }
0x1b: {  	s9 =	sadd.s32 $0xFFFFFEF7, lr;
	s5 =	simm.s32 $0xFFFFFFFF;
	p2 =	slt.u32 s8, $0xFFFFF086  }
0x1c: {  	p1 =	slt.u32 s9, $0xF7A;
	s5 =	simm.s32 @!p2 $0x0  }
0x1d: {  	s5 =	simm.s32 @p1 $0x1;
	p0 =	seq.s32 s7, s2  }
0x1e: {  	s7 =	smul.u32 @!p0 $0xF7A, s2;
	p2 =	seq.s32 @!p0 s5, $0x0  }
0x1f: {  	s9 =	smul.u32 $0xF7A, s1;
	s8 =	simm.s32 @!p0 $0x1BF5;
	p2 =	por !p2, p0  }
0x20: {  	[sflag:s8] =	ssyncset.s32 @!p0 $0xFFFFF086;
	s6 =	sadd.s32 @!p0 s3, s7;
	s7 =	simm.s32 @!p0 $0x108  }
0x21: {  	s3 =	sadd.s32 s3, s9;
	s6 =	sadd.s32 @!p0 $0x88, s6;
	s7 =	simm.s32 @p2 $0x1082  }
0x22: {  	[simem:s7], [sflag:s8] =	dma.local @!p0 [hbm:s6], $0xF7A  }
0x23: {  	s9 =	sor.u32 $0xD0000000, s2;
	s6 =	simm.s32 $0x108;
	_ =	swait.ge @!p0 [sflag:s8], $0x0  }
0x24: {  	s3 =	sadd.s32 $0x88, s3;
	s6 =	simm.s32 @!p1 $0x1082;
	[sflag:s4] =	ssyncset.s32 $0xFFFFF086  }
0x25: {  	[simem:s6], [sflag:s4] =	dma.local [hbm:s3], $0xF7A  }
0x26: {  	[smem:$0x3F9B] =	sst s1;
	(tag) =	ssettag s2;
	_ =	strace s9  }
0x27: {  	s1 =	sld [smem:$0x3FAB]  }
0x28: {  	s2 =	sld [smem:$0x3FAC]  }
0x29: {  	s4 =	sld [smem:$0x3FAE]  }
0x2a: {  	p0 =	seq.s32 s5, $0x0;
	s5 =	sld [smem:$0x3FAF]  }
0x2b: {  	s6 =	sld [smem:$0x3FB0]  }
0x2c: {  	s7 =	sld [smem:$0x3FB1]  }
0x2d: {  	s3 =	simm.s32 $0x108;
	s8 =	sld [smem:$0x3FB2]  }
0x2e: {  	s3 =	simm.s32 @!p0 $0x1082;
	s9 =	sld [smem:$0x3FB3]  }
0x2f: {  	lr =	sadd.s32 s0, s3;
	s0 =	sld [smem:$0x3FAA]  }
0x30: {  	s3 =	sld [smem:$0x3FAD]  }
0x31: {  	[smem:$0x3FB6] =	sst s10  }
0x32: {  	s10 =	sld [smem:$0x3FB4];
	_ =	sdelay $0x3  }
0x33: {  	p0 =	seq.s32 s10, $0x1;
	s10 =	sld [smem:$0x3FB6];
	_ =	sdelay $0x3  }
0x34: {  	[smem:$0x3FB6] =	sst s10  }
0x35: {  	s10 =	sld [smem:$0x3FB5];
	_ =	sdelay $0x3  }
0x36: {  	p1 =	seq.s32 s10, $0x1;
	s10 =	sld [smem:$0x3FB6];
	_ =	sdelay $0x3  }
0x37: {  	[smem:$0x3FB6] =	sst s10  }
0x38: {  	s10 =	sld [smem:$0x3FB7]  }
0x39: {  	_ = 	snop;
	(pc) =	sbr.ind lr, $3  }
0x3a: {  	_ = 	snop  }
0x3b: {  	_ = 	snop  }
0x3c: {  	p2 =	seq.s32 s10, $0x1;
	s10 =	sld [smem:$0x3FB6]  }
0x3d: {  	_ =	shalt  }
0x3e: {  	_ =	shalt  }
0x3f: {  	_ =	shalt  }
0x40: {  	_ =	shalt  }
0x41: {  	_ =	shalt  }
0x42: {  	_ =	shalt  }
0x43: {  	_ =	shalt  }
0x44: {  	_ =	shalt  }
0x45: {  	_ =	shalt  }
0x46: {  	_ =	shalt  }
0x47: {  	_ =	shalt  }
0x48: {  	_ =	shalt  }
0x49: {  	_ =	shalt  }
0x4a: {  	_ =	shalt  }
0x4b: {  	_ =	shalt  }
0x4c: {  	_ =	shalt  }
0x4d: {  	_ =	shalt  }
0x4e: {  	_ =	shalt  }
0x4f: {  	_ =	shalt  }
0x50: {  	_ =	shalt  }
0x51: {  	_ =	shalt  }
0x52: {  	_ =	shalt  }
0x53: {  	_ =	shalt  }
0x54: {  	_ =	shalt  }
0x55: {  	_ =	shalt  }
0x56: {  	_ =	shalt  }
0x57: {  	_ =	shalt  }
0x58: {  	_ =	shalt  }
0x59: {  	_ =	shalt  }
0x5a: {  	_ =	shalt  }
0x5b: {  	_ =	shalt  }
0x5c: {  	_ =	shalt  }
0x5d: {  	_ =	shalt  }
0x5e: {  	_ =	shalt  }
0x5f: {  	_ =	shalt  }
0x60: {  	_ =	shalt  }
0x61: {  	_ =	shalt  }
0x62: {  	_ =	shalt  }
0x63: {  	_ =	shalt  }
0x64: {  	_ =	shalt  }
0x65: {  	_ =	shalt  }
0x66: {  	_ =	shalt  }
0x67: {  	_ =	shalt  }
0x68: {  	_ =	shalt  }
0x69: {  	_ =	shalt  }
0x6a: {  	_ =	shalt  }
0x6b: {  	_ =	shalt  }
0x6c: {  	_ =	shalt  }
0x6d: {  	_ =	shalt  }
0x6e: {  	_ =	shalt  }
0x6f: {  	_ =	shalt  }
0x70: {  	_ =	shalt  }
0x71: {  	_ =	shalt  }
0x72: {  	_ =	shalt  }
0x73: {  	_ =	shalt  }
0x74: {  	_ =	shalt  }
0x75: {  	_ =	shalt  }
0x76: {  	_ =	shalt  }
0x77: {  	_ =	shalt  }
0x78: {  	_ =	shalt  }
0x79: {  	_ =	shalt  }
0x7a: {  	_ =	shalt  }
0x7b: {  	_ =	shalt  }
0x7c: {  	_ =	shalt  }
0x7d: {  	_ =	shalt  }
0x7e: {  	_ =	shalt  }
0x7f: {  	_ =	shalt  }
0x80: {  	_ =	shalt  }
0x81: {  	_ =	shalt  }
0x82: {  	_ =	shalt  }
0x83: {  	_ =	shalt  }
0x84: {  	_ =	shalt  }
0x85: {  	_ =	shalt  }
0x86: {  	_ =	shalt  }
0x87: {  	_ =	shalt  }
.Lfunc_end0:
.L_simem_size_0:
called_computation.1_lowered:
.L_overlay_start_0:
0x88: {  	s2 =	sld [smem:$0x3FD9]  }
0x89: {  	s3 =	sld [smem:$0x3FFE];
	_ =	sdelay $0x1  }
0x8a: {  	s1 =	srdreg.scid  }
0x8b: {  	s0 =	sand.u32 $0x1, s1  }
0x8c: {  	s17 =	sshll.u32 s0, $0xA;
	s2 =	sadd.s32 s3, s2  }
0x8d: {  	s2 =	sadd.s32 s2, s17  }
0x8e: {  	[smem:$0x3FC2] =	sst s2  }
0x8f: {  	_ = 	snop  }
0x90: {  	s2 =	sld [smem:$0x3FD0];
	(tm) =	ssettm $0x1  }
0x91: {  	s18 =	sld [smem:$0x3FFB];
	_ =	sdelay $0x3  }
0x92: {  	_ =	strace s18  }
0x93: {  	s3 =	sld [smem:$0x3FFC];
	_ =	sdelay $0x3  }
0x94: {  	_ =	strace s3  }
0x95: {  	s3 =	sld [smem:$0x3FFD];
	_ =	sdelay $0x3  }
0x96: {  	_ =	strace s3  }
0x97: {  	_ =	strace $0x8FFFFFFF  }
0x98: {  	s19 =	sld [smem:$0x3FDB];
	_ =	sdelay $0x1  }
0x99: {  	s4 =	simm.s32 $_scs_section_size  }
0x9a: {  	s5 =	simm.s32 $_size__tile_overlayer_lowered;
	s6 =	simm.s32 $_tile_overlayer_lowered  }
0x9b: {  	s22 =	simm.s32 $0x1BFF;
	s21 =	sshll.u32 s6, $0x1;
	s3 =	sadd.s32 s4, s19  }
0x9c: {  	s7 =	simm.s32 $0x0;
	s20 =	sshll.u32 s5, $0x1;
	s5 =	sadd.s32 s21, s3  }
0x9d: {  	[timem:s7], [sflag:s22] =	dma.local [hbm:s5], s20  }
0x9e: {  	_ =	swait.ge [sflag:s22], s20  }
0x9f: {  	s4 =	ssub.s32 $0x0, s20;
	[sflag:s22] =	ssyncset.done $0x0  }
0xa0: {  	[sflag:s22] =	ssyncadd.s32 s4;
	_ =	sdelay $0x1  }
0xa1: {  	s23 =	simm.s32 $0x1B8B  }
0xa2: {  	_ =	swait.ge [sflag:s23], $0x1  }
0xa3: {  	[sflag:s23] =	ssyncset.done $0x0  }
0xa4: {  	s25 =	simm.s32 $0x1B8E;
	s24 =	sld [smem:$0x3FFE];
	[sflag:s23] =	ssyncadd.s32 $0xFFFFFFFF  }
0xa5: {  	s26 =	simm.s32 $execute0_lowered;
	[smem:$0x3FD2] =	sst s25  }
0xa6: {  	s5 =	sshll.u32 s26, $0x1;
	_ =	strace $0x80000049;
	[dreg:$0x1] =	wrdreg $0xFFFFFFFF  }
0xa7: {  	s28 =	simm.s32 $_size_execute0_lowered;
	s3 =	sadd.s32 s3, s5;
	[dreg:$0x0] =	wrdreg $0x0  }
0xa8: {  	s5 =	sshll.u32 s28, $0x1;
	[dreg:$0x2] =	wrdreg s3  }
0xa9: {  	[dreg:$0x3] =	wrdreg s5  }
0xaa: {  	[dreg:$0x4] =	wrdreg $0xC0  }
0xab: {  	_ =	task [dreg:s7], $0x5FFFF  }
0xac: {  	[dreg:$0x1] =	wrdreg $0xFFFFFFFF  }
0xad: {  	[dreg:$0x0] =	wrdreg $0x60  }
0xae: {  	[dreg:$0x2] =	wrdreg s24  }
0xaf: {  	[dreg:$0x3] =	wrdreg s2  }
0xb0: {  	[dreg:$0x4] =	wrdreg $0x15E000  }
0xb1: {  	[dreg:$0x5] =	wrdreg $0x9  }
0xb2: {  	_ =	task.clear_ibuf [dreg:s7], $0x6FFFF;
	_ =	strace $0x90000049  }
0xb3: {  	s29 =	simm.s32 $0x9;
	_ =	strace $0x8000004B  }
0xb4: {  	_ =	swait.ge [sflag:s29], $0x1  }
0xb5: {  	[sflag:s29] =	ssyncadd.s32 $0xFFFFFFFF  }
0xb6: {  	_ =	strace $0x9000004B  }
0xb7: {  	_ =	sfence  }
0xb8: {  	s30 =	sld [smem:$0x0];
	_ =	sdelay $0x2  }
0xb9: {  	s31 =	sshll.u32 s1, $0xD;
	s1 =	sshrl.u32 s1, $0x2  }
0xba: {  	s3 =	sand.u32 $0x4000, s31;
	s1 =	sadd.s32 s1, s30  }
0xbb: {  	s0 =	sor.u32 s3, s0;
	s1 =	sshll.u32 s1, $0x11  }
0xbc: {  	s0 =	sor.u32 s1, s0  }
0xbd: {  	s0 =	sadd.s32 $0x8F2B, s0  }
0xbe: {  	[sflag:s0] =	ssyncadd.remote.s32 $0x1  }
0xbf: {  	_ =	sfence.sel $0xFFFF  }
0xc0: {  	[dreg:$0x0] =	wrdreg $0xFFFFFFFF;
	(pc) =	sbr.abs _section_cstart, $3  }
0xc1: {  	[dreg:$0x1] =	wrdreg $0xFFFFFFFF  }
0xc2: {  	_ =	task.clear_ibuf [dreg:s7], $0x2FFFF;
	_ =	strace $0x9FFFFFFF  }
0xc3: {  	(tm) =	ssettm $0x7FFFFFFF  }
tec
execute0_lowered:
.L_overlay_start_1:
0x0: {  	(tag) =	ssettag $0x1  }
0x1: {  	s0 =	rddreg [dreg:$0x0]  }
0x2: {  	s5 =	rddreg [dreg:$0x1]  }
0x3: {  	s2 =	rddreg [dreg:$0x2]  }
0x4: {  	s4 =	srdreg.scid;
	s1 =	stileid.u32  }
0x5: {  	s3 =	simm.s32 $0x0;
	s17 =	simm.s32 $0x7;
	s19 =	simm.s32 $0x80  }
0x6: {  	s28 =	simm.s32 $0x8000;
	s29 =	simm.s32 $0x1;
	s9 =	smul.u32 $0xA000, s1  }
0x7: {  	s30 =	simm.s32 $0xA000;
	s31 =	simm.s32 $0x2;
	s7 =	smul.u32 $0x9C, s1  }
0x8: {  	s18 =	sand.u32 $0x1, s4;
	[smem:$0x7FF] =	sst s3;
	s20 =	smul.u32 $0x28000, s1  }
0x9: {  	s8 =	smin.u32 s1, $0x2;
	p0 =	sgt.u32 s1, $0x1;
	s4 =	smul.u32 $0xA0000, s18  }
0xa: {  	_ =	strace $0x8000004A;
	s8 =	sshll.u32 s8, $0x1;
	s10 =	ssub.s32 $0x2, s18  }
0xb: {  	v0 =	vmov s18;
	s18 =	simm.s32 $0x6;
	s7 =	sadd.s32 s7, s8;
	s21 =	sshrl.u32 s10, $0x1  }
0xc: {  	s8 =	sshrl.u32 s20, $0x2;
	s20 =	simm.s32 $0x0;
	s6 =	sadd.s32 s9, s4  }
0xd: {  	s4 =	sadd.s32 $0x1800, s0;
	s7 =	sshll.u32 s7, $0x4;
	s15 =	ssub.s32 s10, s21  }
0xe: {  	s13 =	sadd.s32 s8, s2;
	s9 =	sadd.s32 s9, s2;
	s21 =	simm.s32 $0x2000  }
0xf: {  	s6 =	sshrl.u32 s6, $0x3;
	s5 =	sadd.s32 s5, s7;
	s25 =	sadd.s32 $0x2000, s13  }
0x10: {  	s26 =	sadd.s32 $0x4000, s13;
	s12 =	sadd.s32 $0x6000, s13;
	s13 =	sadd.s32 $0x8000, s13  }
.Ltmp0:
0x11: {  	s15 =	smax.u32 s15, $0x1;
	[dreg:$0x7] =	wrdreg s25;
	(pc) =	sbr.rel .LBB2_1-.Ltmp0, $4  }
0x12: {  	s0 =	sadd.s32 s6, s0;
	s22 =	sadd.s32 $0x9C40, s5;
	[dreg:$0x8] =	wrdreg s26  }
0x13: {  	s23 =	sadd.s32 $0x9C0, s5;
	s24 =	sadd.s32 $0xA600, s5;
	[dreg:$0x4] =	wrdreg s22  }
0x14: {  	s6 =	simm.s32 $0xC000;
	s25 =	simm.s32 $0x6000;
	[dreg:$0x5] =	wrdreg s23  }
0x15: {  	v1 =	vimm.f32 $0.0e+00;
	[dreg:$0x6] =	wrdreg s24;
	s14 =	sadd.s32 $0x28A00, s0;
	s0 =	simm.s32 $0x4  }
.LBB2_8:
0x16: {  	s1 =	simm.s32 @!p0 $0x80;
	s6 =	simm.s32 @!p0 $0x10E00;
	s7 =	simm.s32 @!p0 $0x0  }
0x17: {  	[tilespmem:s7], [sflag:$0x1] =	stream.indirect.gather @!p0 [hbm4b:s4+s1], $0x40, s6, s1, $0xb8;
	[tilespmem:$0x1FE00] =	vst v63  }
0x18: {  	s8 =	simm.s32 @!p0 $0x2000;
	s6 =	simm.s32 @!p0 $0x10E80  }
0x19: {  	[tilespmem:s8], [sflag:$0x2] =	stream.indirect.gather @!p0 [hbm4b:s4+s1], $0x40, s6, s1, $0xb8;
	[tilespmem:$0x1FE00] =	vst v63  }
0x1a: {  	s6 =	simm.s32 @!p0 $0x1  }
0x1b: {  	_ =	swait.ge @!p0 [sflag:s6], $0x2000  }
0x1c: {  	[sflag:s6] =	ssyncset.done @!p0 $0x0  }
0x1d: {  	[sflag:s6] =	ssyncadd.s32 @!p0 $0xFFFFE000;
	s6 =	simm.s32 @!p0 $0x15D00  }
0x1e: {  	[spmem:s2] =	stream.indirect.scatter.add.f32 @!p0 [tilespmem:s7], [sflag:$0x7], $0x40, s6, s1, $0xb8;
	[tilespmem:$0x1FE00] =	vst v63  }
0x1f: {  	s6 =	simm.s32 @!p0 $0x7  }
0x20: {  	_ =	swait.ge @!p0 [sflag:s6], $0x2000  }
0x21: {  	[sflag:s6] =	ssyncset.done @!p0 $0x0  }
0x22: {  	s7 =	simm.s32 @!p0 $0x2;
	[sflag:s6] =	ssyncadd.s32 @!p0 $0xFFFFE000  }
0x23: {  	_ =	swait.ge @!p0 [sflag:s7], $0x2000  }
0x24: {  	[sflag:s7] =	ssyncset.done @!p0 $0x0  }
0x25: {  	[sflag:s7] =	ssyncadd.s32 @!p0 $0xFFFFE000;
	s7 =	simm.s32 @!p0 $0x15D80  }
0x26: {  	[spmem:s2] =	stream.indirect.scatter.add.f32 @!p0 [tilespmem:s8], [sflag:$0x7], $0x40, s7, s1, $0xb8;
	[tilespmem:$0x1FE00] =	vst v63  }
0x27: {  	s24 =	stileid.u32;
	_ =	swait.ge @!p0 [sflag:s6], $0x2000  }
0x28: {  	s26 =	sshrl.u32 s9, $0x3;
	s20 =	sadd.s32 $0x1, s20;
	[sflag:s6] =	ssyncset.done @!p0 $0x0  }
0x29: {  	p1 =	sne.s32 s20, s15;
	s1 =	sshll.u32 s24, $0x6;
	[sflag:s6] =	ssyncadd.s32 @!p0 $0xFFFFE000  }
.Ltmp1:
0x2a: {  	s1 =	sor.u32 $0x1C07, s1;
	[bflag:$0x0] =	sbarrier.arrive $0xFFFF;
	(pc) =	sbr.rel @!p1 .LBB2_9-.Ltmp1, $4  }
0x2b: {  	[hbm:s14], [sflag:s1] =	dma.local [spmem:s26], $0x1400  }
0x2c: {  	_ =	swait.ge [sflag:s17], $0x1400  }
0x2d: {  	[sflag:s17] =	ssyncset.done $0x0  }
0x2e: {  	s6 =	simm.s32 $0xC000;
	[sflag:s17] =	ssyncadd.s32 $0xFFFFEC00  }
.LBB2_1:
0x2f: {  	[tilespmem:s6], [sflag:$0x7] =	stream.linear.gather [hbm4b:s5+s3], $0x4E00, $0x38;
	[tilespmem:$0x1FE00] =	vst v63  }
0x30: {  	_ =	swait.ge [sflag:s17], $0x4E00  }
0x31: {  	[sflag:s17] =	ssyncset.done $0x0  }
0x32: {  	s7 =	simm.s32 $0x10F00;
	s1 =	rddreg [dreg:$0x4];
	[sflag:s17] =	ssyncadd.s32 $0xFFFFB200  }
0x33: {  	[tilespmem:s7], [sflag:$0x7] =	stream.linear.gather [hbm4b:s1+s3], $0x4E00, $0x38;
	[tilespmem:$0x1FE00] =	vst v63  }
0x34: {  	_ =	swait.ge [sflag:s17], $0x4E00  }
0x35: {  	s22 =	simm.s32 @!p0 $0x0;
	[sflag:s17] =	ssyncset.done $0x0  }
0x36: {  	s23 =	simm.s32 @!p0 $0x10E00;
	s1 =	rddreg [dreg:$0x5];
	[sflag:s17] =	ssyncadd.s32 $0xFFFFB200  }
0x37: {  	[tilespmem:s23], [sflag:$0x7] =	stream.linear.gather @!p0 [hbm4b:s1+s22], $0x100, $0x38;
	[tilespmem:$0x1FE00] =	vst v63  }
0x38: {  	s23 =	simm.s32 @!p0 $0x7  }
0x39: {  	_ =	swait.ge @!p0 [sflag:s23], $0x100  }
0x3a: {  	[sflag:s23] =	ssyncset.done @!p0 $0x0  }
0x3b: {  	s24 =	simm.s32 @!p0 $0x15D00;
	s1 =	rddreg [dreg:$0x6];
	[sflag:s23] =	ssyncadd.s32 @!p0 $0xFFFFFF00  }
0x3c: {  	[tilespmem:s24], [sflag:$0x7] =	stream.linear.gather @!p0 [hbm4b:s1+s22], $0x100, $0x38;
	[tilespmem:$0x1FE00] =	vst v63  }
0x3d: {  	_ =	swait.ge @!p0 [sflag:s23], $0x100  }
0x3e: {  	[sflag:s23] =	ssyncset.done @!p0 $0x0  }
0x3f: {  	s22 =	simm.s32 $0x0;
	[sflag:s23] =	ssyncadd.s32 @!p0 $0xFFFFFF00  }
0x40: {  	v3 =	vld [tilespmem:s22+$0xC000]  }
0x41: {  	v4 =	vld [tilespmem:s22+$0xC010]  }
0x42: {  	v6 =	vld [tilespmem:s22+$0xC020]  }
0x43: {  	v5 =	vld [tilespmem:s22+$0xC030]  }
0x44: {  	v2 =	vld [tilespmem:s22+$0xC040]  }
0x45: {  	v7 =	vshll.u32 v3, $0x1;
	v3 =	vld [tilespmem:s22+$0xC050]  }
0x46: {  	s23 =	simm.s32 $0x200;
	v8 =	vshll.u32 v4, $0x1;
	v4 =	vld [tilespmem:s22+$0xC060];
	v7 =	vor.u32 v0, v7  }
.LBB2_2:
0x47: {  	s24 =	sshra.s32 s23, $0x2;
	p1 =	sne.s32 s23, $0x13A00;
	[tilespmem:s22+$0xC000] =	vst v7;
	v7 =	vor.u32 v0, v8;
	v6 =	vshll.u32 v6, $0x1;
	v8 =	vld [tilespmem:s22+$0xC070]  }
0x48: {  	v9 =	vld [tilespmem:s24+$0xC000];
	[tilespmem:s22+$0xC010] =	vst v7;
	v6 =	vor.u32 v0, v6;
	v5 =	vshll.u32 v5, $0x1  }
0x49: {  	v10 =	vld [tilespmem:s24+$0xC010];
	[tilespmem:s22+$0xC020] =	vst v6;
	v5 =	vor.u32 v0, v5;
	v2 =	vshll.u32 v2, $0x1  }
.Ltmp2:
0x4a: {  	v6 =	vld [tilespmem:s24+$0xC020];
	[tilespmem:s22+$0xC030] =	vst v5;
	v2 =	vor.u32 v0, v2;
	v3 =	vshll.u32 v3, $0x1;
	(pc) =	sbr.rel @p1 .LBB2_2-.Ltmp2, $4  }
0x4b: {  	v5 =	vld [tilespmem:s24+$0xC030];
	[tilespmem:s22+$0xC040] =	vst v2;
	v3 =	vor.u32 v0, v3;
	v4 =	vshll.u32 v4, $0x1  }
0x4c: {  	v2 =	vld [tilespmem:s24+$0xC040];
	[tilespmem:s22+$0xC050] =	vst v3;
	v4 =	vor.u32 v0, v4;
	v7 =	vshll.u32 v8, $0x1  }
0x4d: {  	v8 =	vshll.u32 v9, $0x1;
	v3 =	vld [tilespmem:s24+$0xC050];
	[tilespmem:s22+$0xC060] =	vst v4;
	v9 =	vor.u32 v0, v7  }
0x4e: {  	s23 =	sadd.s32 $0x200, s23;
	v7 =	vor.u32 v0, v8;
	v8 =	vshll.u32 v10, $0x1;
	v4 =	vld [tilespmem:s24+$0xC060];
	[tilespmem:s22+$0xC070] =	vst v9;
	s22 =	smov.u32 s24  }
0x4f: {  	[tilespmem:s22+$0xC000] =	vst v7;
	v62 =	vor.u32 v0, v8;
	v6 =	vshll.u32 v6, $0x1;
	v63 =	vld [tilespmem:s22+$0xC070]  }
0x50: {  	[tilespmem:s22+$0xC010] =	vst v62;
	v6 =	vor.u32 v0, v6;
	v5 =	vshll.u32 v5, $0x1  }
0x51: {  	[tilespmem:s22+$0xC020] =	vst v6;
	v5 =	vor.u32 v0, v5;
	v2 =	vshll.u32 v2, $0x1  }
0x52: {  	[tilespmem:s22+$0xC030] =	vst v5;
	v2 =	vor.u32 v0, v2;
	v3 =	vshll.u32 v3, $0x1  }
0x53: {  	[tilespmem:s22+$0xC040] =	vst v2;
	v2 =	vor.u32 v0, v3;
	v3 =	vshll.u32 v4, $0x1  }
0x54: {  	[tilespmem:s22+$0xC050] =	vst v2;
	v2 =	vor.u32 v0, v3;
	v3 =	vshll.u32 v63, $0x1  }
0x55: {  	[tilespmem:s22+$0xC060] =	vst v2;
	v2 =	vor.u32 v0, v3  }
0x56: {  	s23 =	simm.s32 $0x100;
	[tilespmem:s22+$0xC070] =	vst v2;
	s22 =	simm.s32 $0x0  }
.LBB2_4:
0x57: {  	p1 =	sne.s32 s23, $0x7F00;
	[tilespmem:s22+$0x30] =	vst v1;
	s24 =	smov.u32 s23;
	s23 =	sadd.s32 $0x100, s23  }
.Ltmp3:
0x58: {  	[tilespmem:s22+$0x20] =	vst v1;
	(pc) =	sbr.rel @p1 .LBB2_4-.Ltmp3, $3  }
0x59: {  	[tilespmem:s22+$0x0] =	vst v1  }
0x5a: {  	[tilespmem:s22+$0x10] =	vst v1;
	_ =	sdelay $0x1  }
0x5b: {  	s22 =	sshra.s32 s24, $0x2  }
0x5c: {  	[tilespmem:s22+$0x30] =	vst v1  }
0x5d: {  	[tilespmem:s22+$0x20] =	vst v1  }
0x5e: {  	[tilespmem:s22+$0x0] =	vst v1  }
0x5f: {  	[tilespmem:s22+$0x10] =	vst v1;
	s22 =	simm.s32 $0x0  }
0x60: {  	[spmem:s9] =	stream.linear.scatter [tilespmem:s22], [sflag:$0x7], $0x2000, $0x38;
	[tilespmem:$0x1FE00] =	vst v63  }
0x61: {  	_ =	swait.ge [sflag:s17], $0x2000  }
0x62: {  	[sflag:s17] =	ssyncset.done $0x0  }
0x63: {  	s1 =	rddreg [dreg:$0x7];
	[sflag:s17] =	ssyncadd.s32 $0xFFFFE000  }
0x64: {  	[spmem:s1] =	stream.linear.scatter [tilespmem:s22], [sflag:$0x7], $0x2000, $0x38;
	[tilespmem:$0x1FE00] =	vst v63  }
0x65: {  	_ =	swait.ge [sflag:s17], $0x2000  }
0x66: {  	[sflag:s17] =	ssyncset.done $0x0  }
0x67: {  	s10 =	rddreg [dreg:$0x8];
	[sflag:s17] =	ssyncadd.s32 $0xFFFFE000  }
0x68: {  	[spmem:s10] =	stream.linear.scatter [tilespmem:s22], [sflag:$0x7], $0x2000, $0x38;
	[tilespmem:$0x1FE00] =	vst v63  }
0x69: {  	_ =	swait.ge [sflag:s17], $0x2000  }
0x6a: {  	[sflag:s17] =	ssyncset.done $0x0  }
0x6b: {  	[sflag:s17] =	ssyncadd.s32 $0xFFFFE000  }
0x6c: {  	[spmem:s12] =	stream.linear.scatter [tilespmem:s22], [sflag:$0x7], $0x2000, $0x38;
	[tilespmem:$0x1FE00] =	vst v63  }
0x6d: {  	_ =	swait.ge [sflag:s17], $0x2000  }
0x6e: {  	[sflag:s17] =	ssyncset.done $0x0  }
0x6f: {  	[sflag:s17] =	ssyncadd.s32 $0xFFFFE000  }
0x70: {  	[spmem:s13] =	stream.linear.scatter [tilespmem:s22], [sflag:$0x7], $0x2000, $0x38;
	[tilespmem:$0x1FE00] =	vst v63  }
0x71: {  	_ =	swait.ge [sflag:s17], $0x2000  }
0x72: {  	[sflag:s17] =	ssyncset.done $0x0  }
0x73: {  	[sflag:s17] =	ssyncadd.s32 $0xFFFFE000  }
0x74: {  	[bflag:$0x0] =	sbarrier.arrive $0xFFFF  }
0x75: {  	[tilespmem:s22], [sflag:$0x1] =	stream.indirect.gather [hbm4b:s4+s19], $0x40, s6, s19, $0xb8;
	[tilespmem:$0x1FE00] =	vst v63  }
0x76: {  	s11 =	simm.s32 $0xC080  }
0x77: {  	[tilespmem:s21], [sflag:$0x2] =	stream.indirect.gather [hbm4b:s4+s19], $0x40, s11, s19, $0xb8;
	[tilespmem:$0x1FE00] =	vst v63  }
0x78: {  	s16 =	simm.s32 $0xC100;
	s23 =	simm.s32 $0x4000  }
0x79: {  	[tilespmem:s23], [sflag:$0x3] =	stream.indirect.gather [hbm4b:s4+s19], $0x40, s16, s19, $0xb8;
	[tilespmem:$0x1FE00] =	vst v63  }
0x7a: {  	s24 =	simm.s32 $0xC180  }
0x7b: {  	[tilespmem:s25], [sflag:$0x4] =	stream.indirect.gather [hbm4b:s4+s19], $0x40, s24, s19, $0xb8;
	[tilespmem:$0x1FE00] =	vst v63  }
0x7c: {  	s26 =	simm.s32 $0xC200  }
0x7d: {  	[tilespmem:s28], [sflag:$0x5] =	stream.indirect.gather [hbm4b:s4+s19], $0x40, s26, s19, $0xb8;
	[tilespmem:$0x1FE00] =	vst v63  }
.LBB2_6:
0x7e: {  	_ =	swait.ge [sflag:s29], $0x2000  }
0x7f: {  	s23 =	sshra.s32 s22, $0x2;
	[sflag:s29] =	ssyncset.done $0x0  }
0x80: {  	s24 =	sadd.s32 $0x10F00, s23;
	[sflag:s29] =	ssyncadd.s32 $0xFFFFE000  }
0x81: {  	[spmem:s2] =	stream.indirect.scatter.add.f32 [tilespmem:s3], [sflag:$0x7], $0x40, s24, s19, $0xb8;
	[tilespmem:$0x1FE00] =	vst v63  }
0x82: {  	_ =	swait.ge [sflag:s17], $0x2000  }
0x83: {  	[sflag:s17] =	ssyncset.done $0x0  }
0x84: {  	s10 =	sadd.s32 $0xC280, s23;
	[sflag:s17] =	ssyncadd.s32 $0xFFFFE000  }
0x85: {  	[tilespmem:s30], [sflag:$0x6] =	stream.indirect.gather [hbm4b:s4+s19], $0x40, s10, s19, $0xb8;
	[tilespmem:$0x1FE00] =	vst v63  }
0x86: {  	_ =	swait.ge [sflag:s31], $0x2000  }
0x87: {  	[sflag:s31] =	ssyncset.done $0x0  }
0x88: {  	s11 =	sadd.s32 $0x10F80, s23;
	[sflag:s31] =	ssyncadd.s32 $0xFFFFE000  }
0x89: {  	[spmem:s2] =	stream.indirect.scatter.add.f32 [tilespmem:s21], [sflag:$0x7], $0x40, s11, s19, $0xb8;
	[tilespmem:$0x1FE00] =	vst v63  }
0x8a: {  	_ =	swait.ge [sflag:s17], $0x2000  }
0x8b: {  	p1 =	seq.s32 s22, $0x12C00;
	[sflag:s17] =	ssyncset.done $0x0  }
0x8c: {  	s24 =	simm.s32 @p1 $0x3;
	[sflag:s17] =	ssyncadd.s32 $0xFFFFE000  }
0x8d: {  	_ =	swait.ge @p1 [sflag:s24], $0x2000  }
0x8e: {  	[sflag:s24] =	ssyncset.done @p1 $0x0  }
0x8f: {  	[sflag:s24] =	ssyncadd.s32 @p1 $0xFFFFE000;
	s24 =	sshra.s32 @p1 s22, $0x2  }
0x90: {  	s1 =	simm.s32 @p1 $0x80;
	s6 =	simm.s32 @p1 $0x4000;
	s26 =	sadd.s32 @p1 $0x11000, s24  }
0x91: {  	[spmem:s2] =	stream.indirect.scatter.add.f32 @p1 [tilespmem:s6], [sflag:$0x7], $0x40, s26, s1, $0xb8;
	[tilespmem:$0x1FE00] =	vst v63  }
0x92: {  	s6 =	simm.s32 @p1 $0x7  }
0x93: {  	_ =	swait.ge @p1 [sflag:s6], $0x2000  }
0x94: {  	s8 =	simm.s32 @!p1 $0x80;
	s26 =	sshra.s32 @!p1 s22, $0x2;
	[sflag:s6] =	ssyncset.done @p1 $0x0  }
0x95: {  	s10 =	simm.s32 @!p1 $0x0;
	s7 =	sadd.s32 @!p1 $0xC300, s26;
	[sflag:s6] =	ssyncadd.s32 @p1 $0xFFFFE000  }
0x96: {  	[tilespmem:s10], [sflag:$0x1] =	stream.indirect.gather @!p1 [hbm4b:s4+s8], $0x40, s7, s8, $0xb8;
	[tilespmem:$0x1FE00] =	vst v63  }
0x97: {  	s7 =	simm.s32 @!p1 $0x3  }
0x98: {  	_ =	swait.ge @!p1 [sflag:s7], $0x2000  }
0x99: {  	[sflag:s7] =	ssyncset.done @!p1 $0x0  }
0x9a: {  	s10 =	simm.s32 @!p1 $0x4000;
	[sflag:s7] =	ssyncadd.s32 @!p1 $0xFFFFE000;
	s7 =	sadd.s32 @!p1 $0x11000, s26  }
0x9b: {  	[spmem:s2] =	stream.indirect.scatter.add.f32 @!p1 [tilespmem:s10], [sflag:$0x7], $0x40, s7, s8, $0xb8;
	[tilespmem:$0x1FE00] =	vst v63  }
0x9c: {  	s7 =	simm.s32 @!p1 $0x7  }
0x9d: {  	_ =	swait.ge @!p1 [sflag:s7], $0x2000  }
0x9e: {  	[sflag:s7] =	ssyncset.done @!p1 $0x0  }
0x9f: {  	s16 =	simm.s32 @!p1 $0x2000;
	s11 =	sadd.s32 @!p1 $0xC380, s26;
	[sflag:s7] =	ssyncadd.s32 @!p1 $0xFFFFE000  }
0xa0: {  	[tilespmem:s16], [sflag:$0x2] =	stream.indirect.gather @!p1 [hbm4b:s4+s8], $0x40, s11, s8, $0xb8;
	[tilespmem:$0x1FE00] =	vst v63  }
0xa1: {  	_ =	swait.ge [sflag:s0], $0x2000  }
0xa2: {  	[sflag:s0] =	ssyncset.done $0x0  }
0xa3: {  	s16 =	sadd.s32 $0x11080, s23;
	[sflag:s0] =	ssyncadd.s32 $0xFFFFE000  }
0xa4: {  	[spmem:s2] =	stream.indirect.scatter.add.f32 [tilespmem:s25], [sflag:$0x7], $0x40, s16, s19, $0xb8;
	[tilespmem:$0x1FE00] =	vst v63  }
0xa5: {  	_ =	swait.ge [sflag:s17], $0x2000  }
0xa6: {  	[sflag:s17] =	ssyncset.done $0x0  }
0xa7: {  	s11 =	simm.s32 @p1 $0x5;
	[sflag:s17] =	ssyncadd.s32 $0xFFFFE000  }
0xa8: {  	_ =	swait.ge @p1 [sflag:s11], $0x2000  }
0xa9: {  	[sflag:s11] =	ssyncset.done @p1 $0x0  }
0xaa: {  	s16 =	simm.s32 @p1 $0x8000;
	[sflag:s11] =	ssyncadd.s32 @p1 $0xFFFFE000;
	s11 =	sadd.s32 @p1 $0x11100, s24  }
0xab: {  	[spmem:s2] =	stream.indirect.scatter.add.f32 @p1 [tilespmem:s16], [sflag:$0x7], $0x40, s11, s1, $0xb8;
	[tilespmem:$0x1FE00] =	vst v63  }
0xac: {  	_ =	swait.ge @p1 [sflag:s6], $0x2000  }
0xad: {  	[sflag:s6] =	ssyncset.done @p1 $0x0  }
0xae: {  	s1 =	sadd.s32 @!p1 $0xC400, s26;
	[sflag:s6] =	ssyncadd.s32 @p1 $0xFFFFE000  }
0xaf: {  	[tilespmem:s10], [sflag:$0x3] =	stream.indirect.gather @!p1 [hbm4b:s4+s8], $0x40, s1, s8, $0xb8;
	[tilespmem:$0x1FE00] =	vst v63  }
0xb0: {  	s1 =	simm.s32 @!p1 $0x5  }
0xb1: {  	_ =	swait.ge @!p1 [sflag:s1], $0x2000  }
0xb2: {  	[sflag:s1] =	ssyncset.done @!p1 $0x0  }
0xb3: {  	s6 =	simm.s32 @!p1 $0x8000;
	[sflag:s1] =	ssyncadd.s32 @!p1 $0xFFFFE000;
	s1 =	sadd.s32 @!p1 $0x11100, s26  }
0xb4: {  	[spmem:s2] =	stream.indirect.scatter.add.f32 @!p1 [tilespmem:s6], [sflag:$0x7], $0x40, s1, s8, $0xb8;
	[tilespmem:$0x1FE00] =	vst v63  }
0xb5: {  	_ =	swait.ge @!p1 [sflag:s7], $0x2000  }
0xb6: {  	[sflag:s7] =	ssyncset.done @!p1 $0x0  }
0xb7: {  	s1 =	sadd.s32 @!p1 $0xC480, s26;
	s6 =	simm.s32 @!p1 $0x6000;
	[sflag:s7] =	ssyncadd.s32 @!p1 $0xFFFFE000  }
0xb8: {  	[tilespmem:s6], [sflag:$0x4] =	stream.indirect.gather @!p1 [hbm4b:s4+s8], $0x40, s1, s8, $0xb8;
	[tilespmem:$0x1FE00] =	vst v63  }
0xb9: {  	_ =	swait.ge [sflag:s18], $0x2000  }
0xba: {  	[sflag:s18] =	ssyncset.done $0x0  }
.Ltmp4:
0xbb: {  	s26 =	sadd.s32 $0x11180, s23;
	[sflag:s18] =	ssyncadd.s32 $0xFFFFE000;
	(pc) =	sbr.rel @p1 .LBB2_8-.Ltmp4, $4  }
0xbc: {  	[spmem:s2] =	stream.indirect.scatter.add.f32 [tilespmem:s30], [sflag:$0x7], $0x40, s26, s19, $0xb8;
	[tilespmem:$0x1FE00] =	vst v63  }
0xbd: {  	_ =	swait.ge [sflag:s17], $0x2000  }
0xbe: {  	[sflag:s17] =	ssyncset.done $0x0  }
0xbf: {  	[sflag:s17] =	ssyncadd.s32 $0xFFFFE000  }
.Ltmp5:
0xc0: {  	(pc) =	sbr.rel .LBB2_6-.Ltmp5, $3  }
0xc1: {  	_ =	sdelay $0x1  }
0xc2: {  	s1 =	sadd.s32 $0xC500, s23;
	s22 =	sadd.s32 $0xC00, s22  }
0xc3: {  	[tilespmem:s28], [sflag:$0x5] =	stream.indirect.gather [hbm4b:s4+s19], $0x40, s1, s19, $0xb8;
	[tilespmem:$0x1FE00] =	vst v63  }
.LBB2_9:
0xc4: {  	_ =	sfence.sel $0x180000  }
0xc5: {  	[bflag:$0x0] =	sbarrier.arrive $0xFFFF  }
0xc6: {  	_ =	strace $0x9000004A  }
0xc7: {  	s0 =	stileid.u32;
	[bflag:$0x2] =	sbarrier.arrive $0xFFFF  }
0xc8: {  	p0 =	sne.s32 s0, $0x0;
	s0 =	rddreg [dreg:$0x3]  }
0xc9: {  	s0 =	sadd.s32 @!p0 $0x100000, s0  }
0xca: {  	[sflag:s0] =	ssyncadd.tile.s32 @!p0 $0x1;
	_ =	shalt  }
.Lfunc_end2:
_tile_overlayer_lowered:
.L_overlay_start_2:
0xcb: {  	(tag) =	ssettag $0x2  }
0xcc: {  	s0 =	rddreg [dreg:$0x0];
	s2 =	stileid.u32  }
0xcd: {  	s1 =	rddreg [dreg:$0x1];
	p0 =	sne.s32 s2, $0x0  }
0xce: {  	s3 =	rddreg [dreg:$0x2];
	[bflag:$0x3] =	sbarrier.arrive $0xFFFF;
	s2 =	simm.s32 @!p0 $0x1C07  }
0xcf: {  	[timem:s3], [sflag:s2] =	dma.local @!p0 [hbm:s0], s1  }
0xd0: {  	s0 =	simm.s32 @!p0 $0x7  }
0xd1: {  	_ =	swait.ge @!p0 [sflag:s0], s1  }
0xd2: {  	s1 =	ssub.s32 @!p0 $0x0, s1;
	[sflag:s0] =	ssyncset.done @!p0 $0x0  }
0xd3: {  	[sflag:s0] =	ssyncadd.s32 @!p0 s1  }
0xd4: {  	[bflag:$0x3] =	sbarrier.arrive $0xFFFF  }
0xd5: {  	_ =	shalt  }

// kernel: kernel.16.cloned.1.call-start
scs
__scs_entry_jumppad:
0x0: {  	(pc) =	sbr.rel $0x88, $3  }
0x1: {  	(tag) =	ssettag $0x0;
	lr =	simm.s32 $0x1  }
0x2: {  	[smem:$0x3F9B] =	sst lr;
	_ =	strace $0xD0000000  }
0x3: {  	_ = 	snop  }
0x4: {  	_ = 	snop  }
0x5: {  	_ = 	snop  }
0x6: {  	_ = 	snop  }
0x7: {  	_ = 	snop  }
__scs_overlays_trampoline_lowered:
0x8: {  	[smem:$0x3FAA] =	sst s0  }
0x9: {  	[smem:$0x3FAB] =	sst s1  }
0xa: {  	[smem:$0x3FAC] =	sst s2  }
0xb: {  	[smem:$0x3FAD] =	sst s3  }
0xc: {  	[smem:$0x3FAE] =	sst s4  }
0xd: {  	[smem:$0x3FAF] =	sst s5  }
0xe: {  	[smem:$0x3FB0] =	sst s6  }
0xf: {  	[smem:$0x3FB1] =	sst s7  }
0x10: {  	[smem:$0x3FB2] =	sst s8  }
0x11: {  	[smem:$0x3FB3] =	sst s9;
	s0 =	simm.s32 @!p0 $0x0  }
0x12: {  	s1 =	sld [smem:$0x3F99];
	s0 =	simm.s32 @p0 $0x1  }
0x13: {  	[smem:$0x3FB4] =	sst s0;
	s0 =	simm.s32 @!p1 $0x0  }
0x14: {  	s2 =	sld [smem:$0x3F98];
	s0 =	simm.s32 @p1 $0x1  }
0x15: {  	[smem:$0x3FB5] =	sst s0;
	s0 =	simm.s32 @!p2 $0x0  }
0x16: {  	s3 =	sld [smem:$0x3FDB];
	s0 =	simm.s32 @p2 $0x1  }
0x17: {  	s4 =	simm.s32 $0x1BF5;
	[smem:$0x3FB7] =	sst s0  }
0x18: {  	s0 =	sld [smem:$0x3F9A];
	_ =	swait.ge [sflag:s4], $0x0  }
0x19: {  	s7 =	sld [smem:$0x3F9B]  }
0x1a: {  	s8 =	sadd.s32 $0xFFFFE003, lr  }
0x1b: {  	s9 =	sadd.s32 $0xFFFFFEF7, lr;
	s5 =	simm.s32 $0xFFFFFFFF;
	p2 =	slt.u32 s8, $0xFFFFF086  }
0x1c: {  	p1 =	slt.u32 s9, $0xF7A;
	s5 =	simm.s32 @!p2 $0x0  }
0x1d: {  	s5 =	simm.s32 @p1 $0x1;
	p0 =	seq.s32 s7, s2  }
0x1e: {  	s7 =	smul.u32 @!p0 $0xF7A, s2;
	p2 =	seq.s32 @!p0 s5, $0x0  }
0x1f: {  	s9 =	smul.u32 $0xF7A, s1;
	s8 =	simm.s32 @!p0 $0x1BF5;
	p2 =	por !p2, p0  }
0x20: {  	[sflag:s8] =	ssyncset.s32 @!p0 $0xFFFFF086;
	s6 =	sadd.s32 @!p0 s3, s7;
	s7 =	simm.s32 @!p0 $0x108  }
0x21: {  	s3 =	sadd.s32 s3, s9;
	s6 =	sadd.s32 @!p0 $0x88, s6;
	s7 =	simm.s32 @p2 $0x1082  }
0x22: {  	[simem:s7], [sflag:s8] =	dma.local @!p0 [hbm:s6], $0xF7A  }
0x23: {  	s9 =	sor.u32 $0xD0000000, s2;
	s6 =	simm.s32 $0x108;
	_ =	swait.ge @!p0 [sflag:s8], $0x0  }
0x24: {  	s3 =	sadd.s32 $0x88, s3;
	s6 =	simm.s32 @!p1 $0x1082;
	[sflag:s4] =	ssyncset.s32 $0xFFFFF086  }
0x25: {  	[simem:s6], [sflag:s4] =	dma.local [hbm:s3], $0xF7A  }
0x26: {  	[smem:$0x3F9B] =	sst s1;
	(tag) =	ssettag s2;
	_ =	strace s9  }
0x27: {  	s1 =	sld [smem:$0x3FAB]  }
0x28: {  	s2 =	sld [smem:$0x3FAC]  }
0x29: {  	s4 =	sld [smem:$0x3FAE]  }
0x2a: {  	p0 =	seq.s32 s5, $0x0;
	s5 =	sld [smem:$0x3FAF]  }
0x2b: {  	s6 =	sld [smem:$0x3FB0]  }
0x2c: {  	s7 =	sld [smem:$0x3FB1]  }
0x2d: {  	s3 =	simm.s32 $0x108;
	s8 =	sld [smem:$0x3FB2]  }
0x2e: {  	s3 =	simm.s32 @!p0 $0x1082;
	s9 =	sld [smem:$0x3FB3]  }
0x2f: {  	lr =	sadd.s32 s0, s3;
	s0 =	sld [smem:$0x3FAA]  }
0x30: {  	s3 =	sld [smem:$0x3FAD]  }
0x31: {  	[smem:$0x3FB6] =	sst s10  }
0x32: {  	s10 =	sld [smem:$0x3FB4];
	_ =	sdelay $0x3  }
0x33: {  	p0 =	seq.s32 s10, $0x1;
	s10 =	sld [smem:$0x3FB6];
	_ =	sdelay $0x3  }
0x34: {  	[smem:$0x3FB6] =	sst s10  }
0x35: {  	s10 =	sld [smem:$0x3FB5];
	_ =	sdelay $0x3  }
0x36: {  	p1 =	seq.s32 s10, $0x1;
	s10 =	sld [smem:$0x3FB6];
	_ =	sdelay $0x3  }
0x37: {  	[smem:$0x3FB6] =	sst s10  }
0x38: {  	s10 =	sld [smem:$0x3FB7]  }
0x39: {  	_ = 	snop;
	(pc) =	sbr.ind lr, $3  }
0x3a: {  	_ = 	snop  }
0x3b: {  	_ = 	snop  }
0x3c: {  	p2 =	seq.s32 s10, $0x1;
	s10 =	sld [smem:$0x3FB6]  }
0x3d: {  	_ =	shalt  }
0x3e: {  	_ =	shalt  }
0x3f: {  	_ =	shalt  }
0x40: {  	_ =	shalt  }
0x41: {  	_ =	shalt  }
0x42: {  	_ =	shalt  }
0x43: {  	_ =	shalt  }
0x44: {  	_ =	shalt  }
0x45: {  	_ =	shalt  }
0x46: {  	_ =	shalt  }
0x47: {  	_ =	shalt  }
0x48: {  	_ =	shalt  }
0x49: {  	_ =	shalt  }
0x4a: {  	_ =	shalt  }
0x4b: {  	_ =	shalt  }
0x4c: {  	_ =	shalt  }
0x4d: {  	_ =	shalt  }
0x4e: {  	_ =	shalt  }
0x4f: {  	_ =	shalt  }
0x50: {  	_ =	shalt  }
0x51: {  	_ =	shalt  }
0x52: {  	_ =	shalt  }
0x53: {  	_ =	shalt  }
0x54: {  	_ =	shalt  }
0x55: {  	_ =	shalt  }
0x56: {  	_ =	shalt  }
0x57: {  	_ =	shalt  }
0x58: {  	_ =	shalt  }
0x59: {  	_ =	shalt  }
0x5a: {  	_ =	shalt  }
0x5b: {  	_ =	shalt  }
0x5c: {  	_ =	shalt  }
0x5d: {  	_ =	shalt  }
0x5e: {  	_ =	shalt  }
0x5f: {  	_ =	shalt  }
0x60: {  	_ =	shalt  }
0x61: {  	_ =	shalt  }
0x62: {  	_ =	shalt  }
0x63: {  	_ =	shalt  }
0x64: {  	_ =	shalt  }
0x65: {  	_ =	shalt  }
0x66: {  	_ =	shalt  }
0x67: {  	_ =	shalt  }
0x68: {  	_ =	shalt  }
0x69: {  	_ =	shalt  }
0x6a: {  	_ =	shalt  }
0x6b: {  	_ =	shalt  }
0x6c: {  	_ =	shalt  }
0x6d: {  	_ =	shalt  }
0x6e: {  	_ =	shalt  }
0x6f: {  	_ =	shalt  }
0x70: {  	_ =	shalt  }
0x71: {  	_ =	shalt  }
0x72: {  	_ =	shalt  }
0x73: {  	_ =	shalt  }
0x74: {  	_ =	shalt  }
0x75: {  	_ =	shalt  }
0x76: {  	_ =	shalt  }
0x77: {  	_ =	shalt  }
0x78: {  	_ =	shalt  }
0x79: {  	_ =	shalt  }
0x7a: {  	_ =	shalt  }
0x7b: {  	_ =	shalt  }
0x7c: {  	_ =	shalt  }
0x7d: {  	_ =	shalt  }
0x7e: {  	_ =	shalt  }
0x7f: {  	_ =	shalt  }
0x80: {  	_ =	shalt  }
0x81: {  	_ =	shalt  }
0x82: {  	_ =	shalt  }
0x83: {  	_ =	shalt  }
0x84: {  	_ =	shalt  }
0x85: {  	_ =	shalt  }
0x86: {  	_ =	shalt  }
0x87: {  	_ =	shalt  }
.Lfunc_end0:
.L_simem_size_0:
called_computation.2_lowered:
.L_overlay_start_0:
0x88: {  	s2 =	sld [smem:$0x3FD9]  }
0x89: {  	s3 =	sld [smem:$0x3FFE];
	_ =	sdelay $0x1  }
0x8a: {  	s1 =	srdreg.scid  }
0x8b: {  	s0 =	sand.u32 $0x1, s1  }
0x8c: {  	s17 =	sshll.u32 s0, $0xA;
	s2 =	sadd.s32 s3, s2  }
0x8d: {  	s2 =	sadd.s32 s2, s17  }
0x8e: {  	[smem:$0x3FC2] =	sst s2  }
0x8f: {  	_ = 	snop  }
0x90: {  	s2 =	sld [smem:$0x3FD0];
	(tm) =	ssettm $0x1  }
0x91: {  	s18 =	sld [smem:$0x3FFB];
	_ =	sdelay $0x3  }
0x92: {  	_ =	strace s18  }
0x93: {  	s3 =	sld [smem:$0x3FFC];
	_ =	sdelay $0x3  }
0x94: {  	_ =	strace s3  }
0x95: {  	s3 =	sld [smem:$0x3FFD];
	_ =	sdelay $0x3  }
0x96: {  	_ =	strace s3  }
0x97: {  	_ =	strace $0x8FFFFFFF  }
0x98: {  	s19 =	sld [smem:$0x3FDB];
	_ =	sdelay $0x1  }
0x99: {  	s4 =	simm.s32 $_scs_section_size  }
0x9a: {  	s5 =	simm.s32 $_size__tile_overlayer_lowered;
	s6 =	simm.s32 $_tile_overlayer_lowered  }
0x9b: {  	s22 =	simm.s32 $0x1BFF;
	s21 =	sshll.u32 s6, $0x1;
	s3 =	sadd.s32 s4, s19  }
0x9c: {  	s7 =	simm.s32 $0x0;
	s20 =	sshll.u32 s5, $0x1;
	s5 =	sadd.s32 s21, s3  }
0x9d: {  	[timem:s7], [sflag:s22] =	dma.local [hbm:s5], s20  }
0x9e: {  	_ =	swait.ge [sflag:s22], s20  }
0x9f: {  	s4 =	ssub.s32 $0x0, s20;
	[sflag:s22] =	ssyncset.done $0x0  }
0xa0: {  	[sflag:s22] =	ssyncadd.s32 s4;
	_ =	sdelay $0x1  }
0xa1: {  	s23 =	simm.s32 $0x1B8B  }
0xa2: {  	_ =	swait.ge [sflag:s23], $0x1  }
0xa3: {  	[sflag:s23] =	ssyncset.done $0x0  }
0xa4: {  	s25 =	simm.s32 $0x1B8E;
	s24 =	sld [smem:$0x3FFE];
	[sflag:s23] =	ssyncadd.s32 $0xFFFFFFFF  }
0xa5: {  	s26 =	simm.s32 $execute0_lowered;
	[smem:$0x3FD2] =	sst s25  }
0xa6: {  	s5 =	sshll.u32 s26, $0x1;
	_ =	strace $0x8000004C;
	[dreg:$0x1] =	wrdreg $0xFFFFFFFF  }
0xa7: {  	s28 =	simm.s32 $_size_execute0_lowered;
	s3 =	sadd.s32 s3, s5;
	[dreg:$0x0] =	wrdreg $0x0  }
0xa8: {  	s5 =	sshll.u32 s28, $0x1;
	[dreg:$0x2] =	wrdreg s3  }
0xa9: {  	[dreg:$0x3] =	wrdreg s5  }
0xaa: {  	[dreg:$0x4] =	wrdreg $0xC0  }
0xab: {  	_ =	task [dreg:s7], $0x5FFFF  }
0xac: {  	[dreg:$0x1] =	wrdreg $0xFFFFFFFF  }
0xad: {  	[dreg:$0x0] =	wrdreg $0x60  }
0xae: {  	[dreg:$0x2] =	wrdreg s24  }
0xaf: {  	[dreg:$0x3] =	wrdreg s2  }
0xb0: {  	[dreg:$0x4] =	wrdreg $0x110000  }
0xb1: {  	[dreg:$0x5] =	wrdreg $0x9  }
0xb2: {  	_ =	task.clear_ibuf [dreg:s7], $0x6FFFF;
	_ =	strace $0x9000004C  }
0xb3: {  	s29 =	simm.s32 $0x9;
	_ =	strace $0x8000004E  }
0xb4: {  	_ =	swait.ge [sflag:s29], $0x1  }
0xb5: {  	[sflag:s29] =	ssyncadd.s32 $0xFFFFFFFF  }
0xb6: {  	_ =	strace $0x9000004E  }
0xb7: {  	_ =	sfence  }
0xb8: {  	s30 =	sld [smem:$0x0];
	_ =	sdelay $0x2  }
0xb9: {  	s31 =	sshll.u32 s1, $0xD;
	s1 =	sshrl.u32 s1, $0x2  }
0xba: {  	s3 =	sand.u32 $0x4000, s31;
	s1 =	sadd.s32 s1, s30  }
0xbb: {  	s0 =	sor.u32 s3, s0;
	s1 =	sshll.u32 s1, $0x11  }
0xbc: {  	s0 =	sor.u32 s1, s0  }
0xbd: {  	s0 =	sadd.s32 $0x8F2B, s0  }
0xbe: {  	[sflag:s0] =	ssyncadd.remote.s32 $0x1  }
0xbf: {  	_ =	sfence.sel $0xFFFF  }
0xc0: {  	[dreg:$0x0] =	wrdreg $0xFFFFFFFF;
	(pc) =	sbr.abs _section_cstart, $3  }
0xc1: {  	[dreg:$0x1] =	wrdreg $0xFFFFFFFF  }
0xc2: {  	_ =	task.clear_ibuf [dreg:s7], $0x2FFFF;
	_ =	strace $0x9FFFFFFF  }
0xc3: {  	(tm) =	ssettm $0x7FFFFFFF  }
tec
execute0_lowered:
.L_overlay_start_1:
0x0: {  	(tag) =	ssettag $0x1  }
0x1: {  	s0 =	rddreg [dreg:$0x0]  }
0x2: {  	s1 =	rddreg [dreg:$0x1]  }
0x3: {  	s2 =	rddreg [dreg:$0x2]  }
0x4: {  	s4 =	srdreg.scid;
	s10 =	stileid.u32  }
0x5: {  	s3 =	simm.s32 $0x0;
	s28 =	simm.s32 $0x8000;
	s29 =	simm.s32 $0x1  }
0x6: {  	s30 =	simm.s32 $0xA000;
	s31 =	simm.s32 $0x2;
	s9 =	smul.u32 $0xA000, s10  }
0x7: {  	s5 =	sand.u32 $0x1, s4;
	[smem:$0x7FF] =	sst s3;
	s18 =	smul.u32 $0x28000, s10  }
0x8: {  	s4 =	smul.u32 $0xA0000, s5;
	s6 =	sshll.u32 s5, $0x4;
	s5 =	ssub.s32 $0x2, s5  }
0x9: {  	_ =	strace $0x8000004D;
	s16 =	sor.u32 s10, s6;
	s19 =	sshrl.u32 s5, $0x1  }
0xa: {  	s20 =	sshrl.u32 s18, $0x2;
	s18 =	simm.s32 $0x0;
	s17 =	sadd.s32 s9, s4  }
0xb: {  	s7 =	smul.u32 $0x4E, s16;
	s8 =	smin.u32 s16, $0x2;
	s4 =	sadd.s32 $0x1800, s0  }
0xc: {  	s15 =	ssub.s32 s5, s19;
	s9 =	sadd.s32 s9, s2;
	s8 =	sshll.u32 s8, $0x1  }
0xd: {  	p0 =	sgt.u32 s16, $0x1;
	s16 =	simm.s32 $0xC000;
	s7 =	sadd.s32 s7, s8  }
0xe: {  	s19 =	simm.s32 $0x80;
	s6 =	sshrl.u32 s17, $0x3;
	s7 =	sshll.u32 s7, $0x4  }
0xf: {  	s15 =	smax.u32 s15, $0x1;
	s0 =	sadd.s32 s6, s0;
	s5 =	sadd.s32 s1, s7  }
0x10: {  	s17 =	simm.s32 $0x7;
	s14 =	sadd.s32 $0x15800, s0;
	s21 =	sadd.s32 $0x9C40, s5  }
0x11: {  	s1 =	sadd.s32 s20, s2;
	s22 =	sadd.s32 $0x4E0, s5;
	[dreg:$0x4] =	wrdreg s21  }
.Ltmp0:
0x12: {  	s23 =	sadd.s32 $0xA120, s5;
	[dreg:$0x5] =	wrdreg s22;
	(pc) =	sbr.rel .LBB2_1-.Ltmp0, $4  }
0x13: {  	s0 =	simm.s32 $0x4;
	s24 =	sadd.s32 $0x2000, s1;
	[dreg:$0x6] =	wrdreg s23  }
0x14: {  	s25 =	sadd.s32 $0x4000, s1;
	s26 =	sadd.s32 $0x6000, s1;
	[dreg:$0x7] =	wrdreg s24  }
0x15: {  	s13 =	sadd.s32 $0x8000, s1;
	s1 =	simm.s32 $0x6;
	[dreg:$0x8] =	wrdreg s25  }
0x16: {  	v0 =	vimm.f32 $0.0e+00;
	[dreg:$0x9] =	wrdreg s26;
	s21 =	simm.s32 $0x2000;
	s25 =	simm.s32 $0x6000  }
.LBB2_6:
0x17: {  	s6 =	simm.s32 @!p0 $0x80;
	s7 =	simm.s32 @!p0 $0xE700;
	s8 =	simm.s32 @!p0 $0x0  }
0x18: {  	[tilespmem:s8], [sflag:$0x1] =	stream.indirect.gather @!p0 [hbm4b:s4+s6], $0x40, s7, s6, $0xb8;
	[tilespmem:$0x1B000] =	vst v63  }
0x19: {  	s10 =	simm.s32 @!p0 $0x2000;
	s7 =	simm.s32 @!p0 $0xE780  }
0x1a: {  	[tilespmem:s10], [sflag:$0x2] =	stream.indirect.gather @!p0 [hbm4b:s4+s6], $0x40, s7, s6, $0xb8;
	[tilespmem:$0x1B000] =	vst v63  }
0x1b: {  	s7 =	simm.s32 @!p0 $0x1  }
0x1c: {  	_ =	swait.ge @!p0 [sflag:s7], $0x2000  }
0x1d: {  	[sflag:s7] =	ssyncset.done @!p0 $0x0  }
0x1e: {  	[sflag:s7] =	ssyncadd.s32 @!p0 $0xFFFFE000;
	s7 =	simm.s32 @!p0 $0x10F00  }
0x1f: {  	[spmem:s2] =	stream.indirect.scatter.add.f32 @!p0 [tilespmem:s8], [sflag:$0x7], $0x40, s7, s6, $0xb8;
	[tilespmem:$0x1B000] =	vst v63  }
0x20: {  	s7 =	simm.s32 @!p0 $0x7  }
0x21: {  	_ =	swait.ge @!p0 [sflag:s7], $0x2000  }
0x22: {  	[sflag:s7] =	ssyncset.done @!p0 $0x0  }
0x23: {  	s8 =	simm.s32 @!p0 $0x2;
	[sflag:s7] =	ssyncadd.s32 @!p0 $0xFFFFE000  }
0x24: {  	_ =	swait.ge @!p0 [sflag:s8], $0x2000  }
0x25: {  	[sflag:s8] =	ssyncset.done @!p0 $0x0  }
0x26: {  	[sflag:s8] =	ssyncadd.s32 @!p0 $0xFFFFE000;
	s8 =	simm.s32 @!p0 $0x10F80  }
0x27: {  	[spmem:s2] =	stream.indirect.scatter.add.f32 @!p0 [tilespmem:s10], [sflag:$0x7], $0x40, s8, s6, $0xb8;
	[tilespmem:$0x1B000] =	vst v63  }
0x28: {  	s24 =	stileid.u32;
	_ =	swait.ge @!p0 [sflag:s7], $0x2000  }
0x29: {  	s26 =	sshrl.u32 s9, $0x3;
	s18 =	sadd.s32 $0x1, s18;
	[sflag:s7] =	ssyncset.done @!p0 $0x0  }
0x2a: {  	p1 =	sne.s32 s18, s15;
	s6 =	sshll.u32 s24, $0x6;
	[sflag:s7] =	ssyncadd.s32 @!p0 $0xFFFFE000  }
.Ltmp1:
0x2b: {  	s6 =	sor.u32 $0x1C07, s6;
	[bflag:$0x0] =	sbarrier.arrive $0xFFFF;
	(pc) =	sbr.rel @!p1 .LBB2_7-.Ltmp1, $4  }
0x2c: {  	[hbm:s14], [sflag:s6] =	dma.local [spmem:s26], $0x1400  }
0x2d: {  	_ =	swait.ge [sflag:s17], $0x1400  }
0x2e: {  	[sflag:s17] =	ssyncset.done $0x0  }
0x2f: {  	[sflag:s17] =	ssyncadd.s32 $0xFFFFEC00  }
.LBB2_1:
0x30: {  	[tilespmem:s16], [sflag:$0x7] =	stream.linear.gather [hbm4b:s5+s3], $0x2700, $0x38;
	[tilespmem:$0x1B000] =	vst v63  }
0x31: {  	_ =	swait.ge [sflag:s17], $0x2700  }
0x32: {  	[sflag:s17] =	ssyncset.done $0x0  }
0x33: {  	s7 =	simm.s32 $0xE800;
	s6 =	rddreg [dreg:$0x4];
	[sflag:s17] =	ssyncadd.s32 $0xFFFFD900  }
0x34: {  	[tilespmem:s7], [sflag:$0x7] =	stream.linear.gather [hbm4b:s6+s3], $0x2700, $0x38;
	[tilespmem:$0x1B000] =	vst v63  }
0x35: {  	_ =	swait.ge [sflag:s17], $0x2700  }
0x36: {  	s20 =	simm.s32 @!p0 $0x0;
	[sflag:s17] =	ssyncset.done $0x0  }
0x37: {  	s22 =	simm.s32 @!p0 $0xE700;
	s6 =	rddreg [dreg:$0x5];
	[sflag:s17] =	ssyncadd.s32 $0xFFFFD900  }
0x38: {  	[tilespmem:s22], [sflag:$0x7] =	stream.linear.gather @!p0 [hbm4b:s6+s20], $0x100, $0x38;
	[tilespmem:$0x1B000] =	vst v63  }
0x39: {  	s22 =	simm.s32 @!p0 $0x7  }
0x3a: {  	_ =	swait.ge @!p0 [sflag:s22], $0x100  }
0x3b: {  	[sflag:s22] =	ssyncset.done @!p0 $0x0  }
0x3c: {  	s23 =	simm.s32 @!p0 $0x10F00;
	s6 =	rddreg [dreg:$0x6];
	[sflag:s22] =	ssyncadd.s32 @!p0 $0xFFFFFF00  }
0x3d: {  	[tilespmem:s23], [sflag:$0x7] =	stream.linear.gather @!p0 [hbm4b:s6+s20], $0x100, $0x38;
	[tilespmem:$0x1B000] =	vst v63  }
0x3e: {  	_ =	swait.ge @!p0 [sflag:s22], $0x100  }
0x3f: {  	[sflag:s22] =	ssyncset.done @!p0 $0x0  }
0x40: {  	s20 =	simm.s32 $0x0;
	[sflag:s22] =	ssyncadd.s32 @!p0 $0xFFFFFF00;
	s22 =	simm.s32 $0x100  }
.LBB2_2:
0x41: {  	p1 =	sne.s32 s22, $0x7F00;
	[tilespmem:s20+$0x30] =	vst v0;
	s23 =	smov.u32 s22;
	s22 =	sadd.s32 $0x100, s22  }
.Ltmp2:
0x42: {  	[tilespmem:s20+$0x20] =	vst v0;
	(pc) =	sbr.rel @p1 .LBB2_2-.Ltmp2, $3  }
0x43: {  	[tilespmem:s20+$0x0] =	vst v0  }
0x44: {  	[tilespmem:s20+$0x10] =	vst v0;
	_ =	sdelay $0x1  }
0x45: {  	s20 =	sshra.s32 s23, $0x2  }
0x46: {  	[tilespmem:s20+$0x30] =	vst v0  }
0x47: {  	[tilespmem:s20+$0x20] =	vst v0  }
0x48: {  	[tilespmem:s20+$0x0] =	vst v0  }
0x49: {  	[tilespmem:s20+$0x10] =	vst v0;
	s20 =	simm.s32 $0x0  }
0x4a: {  	[spmem:s9] =	stream.linear.scatter [tilespmem:s20], [sflag:$0x7], $0x2000, $0x38;
	[tilespmem:$0x1B000] =	vst v63  }
0x4b: {  	_ =	swait.ge [sflag:s17], $0x2000  }
0x4c: {  	[sflag:s17] =	ssyncset.done $0x0  }
0x4d: {  	s6 =	rddreg [dreg:$0x7];
	[sflag:s17] =	ssyncadd.s32 $0xFFFFE000  }
0x4e: {  	[spmem:s6] =	stream.linear.scatter [tilespmem:s20], [sflag:$0x7], $0x2000, $0x38;
	[tilespmem:$0x1B000] =	vst v63  }
0x4f: {  	_ =	swait.ge [sflag:s17], $0x2000  }
0x50: {  	[sflag:s17] =	ssyncset.done $0x0  }
0x51: {  	s11 =	rddreg [dreg:$0x8];
	[sflag:s17] =	ssyncadd.s32 $0xFFFFE000  }
0x52: {  	[spmem:s11] =	stream.linear.scatter [tilespmem:s20], [sflag:$0x7], $0x2000, $0x38;
	[tilespmem:$0x1B000] =	vst v63  }
0x53: {  	_ =	swait.ge [sflag:s17], $0x2000  }
0x54: {  	[sflag:s17] =	ssyncset.done $0x0  }
0x55: {  	s12 =	rddreg [dreg:$0x9];
	[sflag:s17] =	ssyncadd.s32 $0xFFFFE000  }
0x56: {  	[spmem:s12] =	stream.linear.scatter [tilespmem:s20], [sflag:$0x7], $0x2000, $0x38;
	[tilespmem:$0x1B000] =	vst v63  }
0x57: {  	_ =	swait.ge [sflag:s17], $0x2000  }
0x58: {  	[sflag:s17] =	ssyncset.done $0x0  }
0x59: {  	[sflag:s17] =	ssyncadd.s32 $0xFFFFE000  }
0x5a: {  	[spmem:s13] =	stream.linear.scatter [tilespmem:s20], [sflag:$0x7], $0x2000, $0x38;
	[tilespmem:$0x1B000] =	vst v63  }
0x5b: {  	_ =	swait.ge [sflag:s17], $0x2000  }
0x5c: {  	[sflag:s17] =	ssyncset.done $0x0  }
0x5d: {  	[sflag:s17] =	ssyncadd.s32 $0xFFFFE000  }
0x5e: {  	[bflag:$0x0] =	sbarrier.arrive $0xFFFF  }
0x5f: {  	[tilespmem:s20], [sflag:$0x1] =	stream.indirect.gather [hbm4b:s4+s19], $0x40, s16, s19, $0xb8;
	[tilespmem:$0x1B000] =	vst v63  }
0x60: {  	s22 =	simm.s32 $0xC080  }
0x61: {  	[tilespmem:s21], [sflag:$0x2] =	stream.indirect.gather [hbm4b:s4+s19], $0x40, s22, s19, $0xb8;
	[tilespmem:$0x1B000] =	vst v63  }
0x62: {  	s23 =	simm.s32 $0xC100;
	s7 =	simm.s32 $0x4000  }
0x63: {  	[tilespmem:s7], [sflag:$0x3] =	stream.indirect.gather [hbm4b:s4+s19], $0x40, s23, s19, $0xb8;
	[tilespmem:$0x1B000] =	vst v63  }
0x64: {  	s24 =	simm.s32 $0xC180  }
0x65: {  	[tilespmem:s25], [sflag:$0x4] =	stream.indirect.gather [hbm4b:s4+s19], $0x40, s24, s19, $0xb8;
	[tilespmem:$0x1B000] =	vst v63  }
0x66: {  	s26 =	simm.s32 $0xC200  }
0x67: {  	[tilespmem:s28], [sflag:$0x5] =	stream.indirect.gather [hbm4b:s4+s19], $0x40, s26, s19, $0xb8;
	[tilespmem:$0x1B000] =	vst v63  }
.LBB2_4:
0x68: {  	_ =	swait.ge [sflag:s29], $0x2000  }
0x69: {  	s22 =	sshra.s32 s20, $0x2;
	[sflag:s29] =	ssyncset.done $0x0  }
0x6a: {  	s23 =	sadd.s32 $0xE800, s22;
	[sflag:s29] =	ssyncadd.s32 $0xFFFFE000  }
0x6b: {  	[spmem:s2] =	stream.indirect.scatter.add.f32 [tilespmem:s3], [sflag:$0x7], $0x40, s23, s19, $0xb8;
	[tilespmem:$0x1B000] =	vst v63  }
0x6c: {  	_ =	swait.ge [sflag:s17], $0x2000  }
0x6d: {  	[sflag:s17] =	ssyncset.done $0x0  }
0x6e: {  	s10 =	sadd.s32 $0xC280, s22;
	[sflag:s17] =	ssyncadd.s32 $0xFFFFE000  }
0x6f: {  	[tilespmem:s30], [sflag:$0x6] =	stream.indirect.gather [hbm4b:s4+s19], $0x40, s10, s19, $0xb8;
	[tilespmem:$0x1B000] =	vst v63  }
0x70: {  	_ =	swait.ge [sflag:s31], $0x2000  }
0x71: {  	[sflag:s31] =	ssyncset.done $0x0  }
0x72: {  	s11 =	sadd.s32 $0xE880, s22;
	[sflag:s31] =	ssyncadd.s32 $0xFFFFE000  }
0x73: {  	[spmem:s2] =	stream.indirect.scatter.add.f32 [tilespmem:s21], [sflag:$0x7], $0x40, s11, s19, $0xb8;
	[tilespmem:$0x1B000] =	vst v63  }
0x74: {  	_ =	swait.ge [sflag:s17], $0x2000  }
0x75: {  	p1 =	seq.s32 s20, $0x9000;
	[sflag:s17] =	ssyncset.done $0x0  }
0x76: {  	s23 =	simm.s32 @p1 $0x3;
	[sflag:s17] =	ssyncadd.s32 $0xFFFFE000  }
0x77: {  	_ =	swait.ge @p1 [sflag:s23], $0x2000  }
0x78: {  	[sflag:s23] =	ssyncset.done @p1 $0x0  }
0x79: {  	[sflag:s23] =	ssyncadd.s32 @p1 $0xFFFFE000;
	s23 =	sshra.s32 @p1 s20, $0x2  }
0x7a: {  	s26 =	simm.s32 @p1 $0x80;
	s6 =	simm.s32 @p1 $0x4000;
	s24 =	sadd.s32 @p1 $0xE900, s23  }
0x7b: {  	[spmem:s2] =	stream.indirect.scatter.add.f32 @p1 [tilespmem:s6], [sflag:$0x7], $0x40, s24, s26, $0xb8;
	[tilespmem:$0x1B000] =	vst v63  }
0x7c: {  	s6 =	simm.s32 @p1 $0x7  }
0x7d: {  	_ =	swait.ge @p1 [sflag:s6], $0x2000  }
0x7e: {  	s8 =	simm.s32 @!p1 $0x80;
	s24 =	sshra.s32 @!p1 s20, $0x2;
	[sflag:s6] =	ssyncset.done @p1 $0x0  }
0x7f: {  	s10 =	simm.s32 @!p1 $0x0;
	s7 =	sadd.s32 @!p1 $0xC300, s24;
	[sflag:s6] =	ssyncadd.s32 @p1 $0xFFFFE000  }
0x80: {  	[tilespmem:s10], [sflag:$0x1] =	stream.indirect.gather @!p1 [hbm4b:s4+s8], $0x40, s7, s8, $0xb8;
	[tilespmem:$0x1B000] =	vst v63  }
0x81: {  	s7 =	simm.s32 @!p1 $0x3  }
0x82: {  	_ =	swait.ge @!p1 [sflag:s7], $0x2000  }
0x83: {  	[sflag:s7] =	ssyncset.done @!p1 $0x0  }
0x84: {  	s10 =	simm.s32 @!p1 $0x4000;
	[sflag:s7] =	ssyncadd.s32 @!p1 $0xFFFFE000;
	s7 =	sadd.s32 @!p1 $0xE900, s24  }
0x85: {  	[spmem:s2] =	stream.indirect.scatter.add.f32 @!p1 [tilespmem:s10], [sflag:$0x7], $0x40, s7, s8, $0xb8;
	[tilespmem:$0x1B000] =	vst v63  }
0x86: {  	s7 =	simm.s32 @!p1 $0x7  }
0x87: {  	_ =	swait.ge @!p1 [sflag:s7], $0x2000  }
0x88: {  	[sflag:s7] =	ssyncset.done @!p1 $0x0  }
0x89: {  	s12 =	simm.s32 @!p1 $0x2000;
	s11 =	sadd.s32 @!p1 $0xC380, s24;
	[sflag:s7] =	ssyncadd.s32 @!p1 $0xFFFFE000  }
0x8a: {  	[tilespmem:s12], [sflag:$0x2] =	stream.indirect.gather @!p1 [hbm4b:s4+s8], $0x40, s11, s8, $0xb8;
	[tilespmem:$0x1B000] =	vst v63  }
0x8b: {  	_ =	swait.ge [sflag:s0], $0x2000  }
0x8c: {  	[sflag:s0] =	ssyncset.done $0x0  }
0x8d: {  	s12 =	sadd.s32 $0xE980, s22;
	[sflag:s0] =	ssyncadd.s32 $0xFFFFE000  }
0x8e: {  	[spmem:s2] =	stream.indirect.scatter.add.f32 [tilespmem:s25], [sflag:$0x7], $0x40, s12, s19, $0xb8;
	[tilespmem:$0x1B000] =	vst v63  }
0x8f: {  	_ =	swait.ge [sflag:s17], $0x2000  }
0x90: {  	[sflag:s17] =	ssyncset.done $0x0  }
0x91: {  	s11 =	simm.s32 @p1 $0x5;
	[sflag:s17] =	ssyncadd.s32 $0xFFFFE000  }
0x92: {  	_ =	swait.ge @p1 [sflag:s11], $0x2000  }
0x93: {  	[sflag:s11] =	ssyncset.done @p1 $0x0  }
0x94: {  	s12 =	simm.s32 @p1 $0x8000;
	[sflag:s11] =	ssyncadd.s32 @p1 $0xFFFFE000;
	s11 =	sadd.s32 @p1 $0xEA00, s23  }
0x95: {  	[spmem:s2] =	stream.indirect.scatter.add.f32 @p1 [tilespmem:s12], [sflag:$0x7], $0x40, s11, s26, $0xb8;
	[tilespmem:$0x1B000] =	vst v63  }
0x96: {  	_ =	swait.ge @p1 [sflag:s6], $0x2000  }
0x97: {  	[sflag:s6] =	ssyncset.done @p1 $0x0  }
0x98: {  	[sflag:s6] =	ssyncadd.s32 @p1 $0xFFFFE000;
	s6 =	sadd.s32 @!p1 $0xC400, s24  }
0x99: {  	[tilespmem:s10], [sflag:$0x3] =	stream.indirect.gather @!p1 [hbm4b:s4+s8], $0x40, s6, s8, $0xb8;
	[tilespmem:$0x1B000] =	vst v63  }
0x9a: {  	s6 =	simm.s32 @!p1 $0x5  }
0x9b: {  	_ =	swait.ge @!p1 [sflag:s6], $0x2000  }
0x9c: {  	[sflag:s6] =	ssyncset.done @!p1 $0x0  }
0x9d: {  	s10 =	simm.s32 @!p1 $0x8000;
	[sflag:s6] =	ssyncadd.s32 @!p1 $0xFFFFE000;
	s6 =	sadd.s32 @!p1 $0xEA00, s24  }
0x9e: {  	[spmem:s2] =	stream.indirect.scatter.add.f32 @!p1 [tilespmem:s10], [sflag:$0x7], $0x40, s6, s8, $0xb8;
	[tilespmem:$0x1B000] =	vst v63  }
0x9f: {  	_ =	swait.ge @!p1 [sflag:s7], $0x2000  }
0xa0: {  	[sflag:s7] =	ssyncset.done @!p1 $0x0  }
0xa1: {  	s6 =	sadd.s32 @!p1 $0xC480, s24;
	[sflag:s7] =	ssyncadd.s32 @!p1 $0xFFFFE000;
	s7 =	simm.s32 @!p1 $0x6000  }
0xa2: {  	[tilespmem:s7], [sflag:$0x4] =	stream.indirect.gather @!p1 [hbm4b:s4+s8], $0x40, s6, s8, $0xb8;
	[tilespmem:$0x1B000] =	vst v63  }
0xa3: {  	_ =	swait.ge [sflag:s1], $0x2000  }
0xa4: {  	[sflag:s1] =	ssyncset.done $0x0  }
.Ltmp3:
0xa5: {  	s26 =	sadd.s32 $0xEA80, s22;
	[sflag:s1] =	ssyncadd.s32 $0xFFFFE000;
	(pc) =	sbr.rel @p1 .LBB2_6-.Ltmp3, $4  }
0xa6: {  	[spmem:s2] =	stream.indirect.scatter.add.f32 [tilespmem:s30], [sflag:$0x7], $0x40, s26, s19, $0xb8;
	[tilespmem:$0x1B000] =	vst v63  }
0xa7: {  	_ =	swait.ge [sflag:s17], $0x2000  }
0xa8: {  	[sflag:s17] =	ssyncset.done $0x0  }
0xa9: {  	[sflag:s17] =	ssyncadd.s32 $0xFFFFE000  }
.Ltmp4:
0xaa: {  	(pc) =	sbr.rel .LBB2_4-.Ltmp4, $3  }
0xab: {  	_ =	sdelay $0x1  }
0xac: {  	s6 =	sadd.s32 $0xC500, s22;
	s20 =	sadd.s32 $0xC00, s20  }
0xad: {  	[tilespmem:s28], [sflag:$0x5] =	stream.indirect.gather [hbm4b:s4+s19], $0x40, s6, s19, $0xb8;
	[tilespmem:$0x1B000] =	vst v63  }
.LBB2_7:
0xae: {  	_ =	sfence.sel $0x180000  }
0xaf: {  	[bflag:$0x0] =	sbarrier.arrive $0xFFFF  }
0xb0: {  	_ =	strace $0x9000004D  }
0xb1: {  	s0 =	stileid.u32;
	[bflag:$0x2] =	sbarrier.arrive $0xFFFF  }
0xb2: {  	p0 =	sne.s32 s0, $0x0;
	s0 =	rddreg [dreg:$0x3]  }
0xb3: {  	s0 =	sadd.s32 @!p0 $0x100000, s0  }
0xb4: {  	[sflag:s0] =	ssyncadd.tile.s32 @!p0 $0x1;
	_ =	shalt  }
.Lfunc_end2:
_tile_overlayer_lowered:
.L_overlay_start_2:
0xb5: {  	(tag) =	ssettag $0x2  }
0xb6: {  	s0 =	rddreg [dreg:$0x0];
	s2 =	stileid.u32  }
0xb7: {  	s1 =	rddreg [dreg:$0x1];
	p0 =	sne.s32 s2, $0x0  }
0xb8: {  	s3 =	rddreg [dreg:$0x2];
	[bflag:$0x3] =	sbarrier.arrive $0xFFFF;
	s2 =	simm.s32 @!p0 $0x1C07  }
0xb9: {  	[timem:s3], [sflag:s2] =	dma.local @!p0 [hbm:s0], s1  }
0xba: {  	s0 =	simm.s32 @!p0 $0x7  }
0xbb: {  	_ =	swait.ge @!p0 [sflag:s0], s1  }
0xbc: {  	s1 =	ssub.s32 @!p0 $0x0, s1;
	[sflag:s0] =	ssyncset.done @!p0 $0x0  }
0xbd: {  	[sflag:s0] =	ssyncadd.s32 @!p0 s1  }
0xbe: {  	[bflag:$0x3] =	sbarrier.arrive $0xFFFF  }
0xbf: {  	_ =	shalt  }

</sc_bundles>
